<compile_context>
chip_gen: v7x
topology: tpu7x:2x2x1
jax: 0.10.2.dev20260603
libtpu: 0.0.44.dev20260713+nightly
codegen_flags: <defaults>
</compile_context>

<pallas_src>
import jax
import jax.numpy as jnp
from jax import lax
from jax.experimental import pallas as pl
from jax.experimental.pallas import tpu as pltpu
from jax.experimental.pallas import tpu_sc as plsc

N = 10000
E = 320000
D = 128
H = 128
C = 40

NPAD = 10240
NC, NS = 2, 16
CH = 80
CHUNKS = 250
EPT = CHUNKS * CH
EPAD = EPT * NS
RPT = NPAD // NS
NBUF = 4
LOOK = 1

_F32 = jnp.float32


def _make_seg_kernel(compute_deg):
  out_type = [
      jax.ShapeDtypeStruct((NPAD, D), _F32),
      jax.ShapeDtypeStruct((NPAD, D), _F32),
  ]
  if compute_deg:
    out_type += [
        jax.ShapeDtypeStruct((NPAD,), _F32),
        jax.ShapeDtypeStruct((NPAD,), _F32),
    ]
  mesh = plsc.VectorSubcoreMesh(
      core_axis_name="c", subcore_axis_name="s", num_cores=NC, num_subcores=NS)

  scratch = [
      [pltpu.VMEM((CH,), jnp.int32) for _ in range(NBUF)],
      [pltpu.VMEM((CH,), jnp.int32) for _ in range(NBUF)],
      [pltpu.VMEM((CH, D), _F32) for _ in range(NBUF)],
      pltpu.VMEM((RPT,), _F32),
      pltpu.VMEM((96,), _F32),
      pltpu.VMEM_SHARED((NPAD, D), _F32),
      pltpu.VMEM_SHARED((NPAD,), _F32),
      [pltpu.SemaphoreType.DMA for _ in range(NBUF)],
      [pltpu.SemaphoreType.DMA for _ in range(NBUF)],
      [pltpu.SemaphoreType.DMA for _ in range(NBUF)],
  ]

  def body(x0, x1, src0, dst0, src1, dst1, *rest):
    if compute_deg:
      agg0, agg1, deg0, deg1 = rest[:4]
      scr = rest[4:]
    else:
      agg0, agg1 = rest[:2]
      deg0 = deg1 = None
      scr = rest[2:]
    (src_i, dst_i, rows, degbuf, ones_v, acc_sh, deg_sh, gsem, ssem,
     dsem) = scr
    stage = rows[0]

    wid = lax.axis_index("s")
    cid = lax.axis_index("c")
    r0 = wid * RPT

    def zrow(i, _):
      def zcol(j, _):
        stage[i, pl.ds(j * 16, 16)] = jnp.zeros((16,), _F32)
        return 0
      return lax.fori_loop(0, D // 16, zcol, 0)
    lax.fori_loop(0, CH, zrow, 0)

    if compute_deg:
      def zdeg(j, _):
        degbuf[pl.ds(j * 16, 16)] = jnp.zeros((16,), _F32)
        return 0
      lax.fori_loop(0, RPT // 16, zdeg, 0)

      def fones(j, _):
        ones_v[pl.ds(j * 16, 16)] = jnp.ones((16,), _F32)
        return 0
      lax.fori_loop(0, 96 // 16, fones, 0)
      pltpu.sync_copy(degbuf, deg_sh.at[pl.ds(r0, RPT)])

    ZB = RPT // CH
    for j in range(ZB):
      take = min(CH, RPT - j * CH)
      pltpu.sync_copy(stage.at[pl.ds(0, take)],
                      acc_sh.at[pl.ds(r0 + j * CH, take)])

    plsc.subcore_barrier()

    def run(x_hbm, src_hbm, dst_hbm):
      def load_idx(c, b):
        pltpu.sync_copy(src_hbm.at[wid, c], src_i[b])
        pltpu.sync_copy(dst_hbm.at[wid, c], dst_i[b])

      def gather_start(b):
        pltpu.async_copy(x_hbm.at[src_i[b]], rows[b], gsem[b])

      def gather_wait(b):
        pltpu.make_async_copy(x_hbm.at[src_i[b]], rows[b], gsem[b]).wait()

      def scatter_start(b):
        pltpu.async_copy(rows[b], acc_sh.at[dst_i[b]], ssem[b], add=True)

      def scatter_wait(b):
        pltpu.make_async_copy(rows[b], acc_sh.at[dst_i[b]], ssem[b]).wait()

      for b in range(NBUF):
        load_idx(b, b)
        gather_start(b)

      n_groups = (CHUNKS + LOOK + NBUF - 1) // NBUF

      def group(g, _):
        for b in range(NBUF):
          it = g * NBUF + b
          jb = (b - LOOK) % NBUF

          @pl.when(it < CHUNKS)
          def _():
            gather_wait(b)
            scatter_start(b)
            if compute_deg:
              pltpu.async_copy(ones_v.at[pl.ds(0, CH)], deg_sh.at[dst_i[b]],
                               dsem[b], add=True)

          @pl.when(jnp.logical_and(it >= LOOK, it < CHUNKS + LOOK))
          def _():
            scatter_wait(jb)
            if compute_deg:
              pltpu.make_async_copy(ones_v.at[pl.ds(0, CH)],
                                    deg_sh.at[dst_i[jb]], dsem[jb]).wait()
            nxt = it - LOOK + NBUF

            @pl.when(nxt < CHUNKS)
            def _():
              load_idx(nxt, jb)
              gather_start(jb)
        return 0
      lax.fori_loop(0, n_groups, group, 0)

    @pl.when(cid == 0)
    def _():
      run(x0, src0, dst0)

    @pl.when(cid == 1)
    def _():
      run(x1, src1, dst1)

    plsc.subcore_barrier()

    def copy_out(agg_out, deg_out):
      for j in range(ZB):
        take = min(CH, RPT - j * CH)
        pltpu.async_copy(acc_sh.at[pl.ds(r0 + j * CH, take)],
                         agg_out.at[pl.ds(r0 + j * CH, take)],
                         gsem[j % NBUF])
      for j in range(ZB):
        take = min(CH, RPT - j * CH)
        pltpu.make_async_copy(acc_sh.at[pl.ds(r0 + j * CH, take)],
                              agg_out.at[pl.ds(r0 + j * CH, take)],
                              gsem[j % NBUF]).wait()
      if compute_deg:
        pltpu.sync_copy(deg_sh.at[pl.ds(r0, RPT)], degbuf)
        pltpu.sync_copy(degbuf, deg_out.at[pl.ds(r0, RPT)])

    @pl.when(cid == 0)
    def _():
      copy_out(agg0, deg0)

    @pl.when(cid == 1)
    def _():
      copy_out(agg1, deg1)

  return pl.kernel(body, out_type=out_type, mesh=mesh, scratch_types=scratch)


_seg_with_deg = _make_seg_kernel(True)
_seg_no_deg = _make_seg_kernel(False)



BR = 1024


def _mm(a, b):
  return jnp.dot(a, b, preferred_element_type=_F32)


def _layer0_body(feat, aL, aG, dG, dK, wls, wln, bl, wgs, wgn, bg, hl, hg):
  x = feat[...]
  mL = aL[...] / jnp.maximum(dG[...], 1.0)
  mG = aG[...] / jnp.maximum(dK[...], 1.0)
  hl[...] = jnp.maximum(_mm(x, wls[...]) + _mm(mL, wln[...]) + bl[...], 0.0)
  hg[...] = jnp.maximum(_mm(x, wgs[...]) + _mm(mG, wgn[...]) + bg[...], 0.0)


def _layer1_mlp_body(hl, aL, hg, aG, dG, dK,
                     wls, wln, bl, wgs, wgn, bg,
                     m0a, m0b, m0bias, scale, beta, m1w, m1bias, out):
  mL = aL[...] / jnp.maximum(dG[...], 1.0)
  mG = aG[...] / jnp.maximum(dK[...], 1.0)
  loc = _mm(hl[...], wls[...]) + _mm(mL, wln[...]) + bl[...]
  glo = _mm(hg[...], wgs[...]) + _mm(mG, wgn[...]) + bg[...]
  x = _mm(loc, m0a[...]) + _mm(glo, m0b[...]) + m0bias[...]
  x = jnp.maximum(x * scale[...] + beta[...], 0.0)
  out[...] = _mm(x, m1w[...]) + m1bias[...]


def _row_spec(cols):
  return pl.BlockSpec((BR, cols), lambda i: (i, 0))


def _full_spec(r, c):
  return pl.BlockSpec((r, c), lambda i: (0, 0))


_GRID = (NPAD // BR,)
_TC_PARAMS = pltpu.CompilerParams(dimension_semantics=("parallel",))

_layer0_call = pl.pallas_call(
    _layer0_body,
    grid=_GRID,
    in_specs=[_row_spec(D), _row_spec(D), _row_spec(D),
              _row_spec(1), _row_spec(1),
              _full_spec(D, H), _full_spec(D, H), _full_spec(1, H),
              _full_spec(D, H), _full_spec(D, H), _full_spec(1, H)],
    out_specs=[_row_spec(H), _row_spec(H)],
    out_shape=[jax.ShapeDtypeStruct((NPAD, H), _F32),
               jax.ShapeDtypeStruct((NPAD, H), _F32)],
    compiler_params=_TC_PARAMS,
)

_layer1_call = pl.pallas_call(
    _layer1_mlp_body,
    grid=_GRID,
    in_specs=[_row_spec(H), _row_spec(H), _row_spec(H), _row_spec(H),
              _row_spec(1), _row_spec(1),
              _full_spec(H, H), _full_spec(H, H), _full_spec(1, H),
              _full_spec(H, H), _full_spec(H, H), _full_spec(1, H),
              _full_spec(H, H // 2), _full_spec(H, H // 2),
              _full_spec(1, H // 2), _full_spec(1, H // 2),
              _full_spec(1, H // 2),
              _full_spec(H // 2, C), _full_spec(1, C)],
    out_specs=[_row_spec(C)],
    out_shape=[jax.ShapeDtypeStruct((NPAD, C), _F32)],
    compiler_params=_TC_PARAMS,
)


def kernel(feat, g_edge_index, knn_edge_index,
           l0_Ws, l0_Wn, l0_b, l1_Ws, l1_Wn, l1_b,
           g0_Ws, g0_Wn, g0_b, g1_Ws, g1_Wn, g1_b,
           m0_W, m0_b, bn_gamma, bn_beta, m1_W, m1_b):
  feat_p = jnp.pad(feat, ((0, NPAD - N), (0, 0)))

  def prep_edges(ei):
    return (ei[0].reshape(NS, CHUNKS, CH), ei[1].reshape(NS, CHUNKS, CH))

  gs, gd = prep_edges(g_edge_index)
  ks, kd = prep_edges(knn_edge_index)

  aggL0, aggG0, degG, degK = _seg_with_deg(feat_p, feat_p, gs, gd, ks, kd)
  dG = degG.reshape(NPAD, 1)
  dK = degK.reshape(NPAD, 1)

  hl0, hg0 = _layer0_call(
      feat_p, aggL0, aggG0, dG, dK,
      l0_Ws, l0_Wn, l0_b.reshape(1, H),
      g0_Ws, g0_Wn, g0_b.reshape(1, H))

  aggL1, aggG1 = _seg_no_deg(hl0, hg0, gs, gd, ks, kd)

  scale = (bn_gamma / jnp.sqrt(1.0 + 1e-5)).reshape(1, H // 2)
  (out,) = _layer1_call(
      hl0, aggL1, hg0, aggG1, dG, dK,
      l1_Ws, l1_Wn, l1_b.reshape(1, H),
      g1_Ws, g1_Wn, g1_b.reshape(1, H),
      m0_W[:H], m0_W[H:], m0_b.reshape(1, H // 2),
      scale, bn_beta.reshape(1, H // 2),
      m1_W, m1_b.reshape(1, C))
  return out[:N]

# --- scband reference (transcript-rebuilt; emitter-appended) ---
"""Pipeline reference for scband-local-global-gnn-4672924418435 (READ-ONLY COPY).

The authoritative reference and input builder live on the scoring server;
editing this copy changes nothing except your own understanding.
"""

import jax, jax.numpy as jnp
import numpy as np

N, E, D, H, C = 10000, 320000, 128, 128, 40


def _sage(x, src, dst, Ws, Wn, b):
    # DGL-style SAGEConv with mean aggregator (eval mode):
    # rst = x @ W_self + mean_neigh(x) @ W_neigh + bias
    msgs = x[src]
    agg = jax.ops.segment_sum(msgs, dst, num_segments=N)
    deg = jax.ops.segment_sum(jnp.ones((dst.shape[0],), x.dtype), dst, num_segments=N)
    mean = agg / jnp.maximum(deg, 1.0)[:, None]
    return x @ Ws + mean @ Wn + b


def setup_inputs(seed: int = 0) -> dict:
    key = jax.random.key(seed)
    ks = jax.random.split(key, 24)
    inp = {}
    inp['feat'] = jax.random.normal(ks[0], (N, D), jnp.float32)
    inp['g_edge_index'] = jax.random.randint(ks[1], (2, E), 0, N, dtype=jnp.int32)
    inp['knn_edge_index'] = jax.random.randint(ks[2], (2, E), 0, N, dtype=jnp.int32)
    idx = [3]
    def w(shape):
        a = jax.random.normal(ks[idx[0]], shape, jnp.float32) / np.sqrt(shape[0])
        idx[0] += 1
        return a
    for pre in ['l', 'g']:
        inp[pre + '0_Ws'] = w((D, H)); inp[pre + '0_Wn'] = w((D, H)); inp[pre + '0_b'] = jnp.zeros((H,), jnp.float32)
        inp[pre + '1_Ws'] = w((H, H)); inp[pre + '1_Wn'] = w((H, H)); inp[pre + '1_b'] = jnp.zeros((H,), jnp.float32)
    inp['m0_W'] = w((2 * H, H // 2)); inp['m0_b'] = jnp.zeros((H // 2,), jnp.float32)
    inp['bn_gamma'] = jnp.ones((H // 2,), jnp.float32); inp['bn_beta'] = jnp.zeros((H // 2,), jnp.float32)
    inp['m1_W'] = w((H // 2, C)); inp['m1_b'] = jnp.zeros((C,), jnp.float32)
    return inp


def reference(feat, g_edge_index, knn_edge_index,
              l0_Ws, l0_Wn, l0_b, l1_Ws, l1_Wn, l1_b,
              g0_Ws, g0_Wn, g0_b, g1_Ws, g1_Wn, g1_b,
              m0_W, m0_b, bn_gamma, bn_beta, m1_W, m1_b):
    def gnn(ei, W0s, W0n, b0, W1s, W1n, b1):
        src, dst = ei[0], ei[1]
        h = _sage(feat, src, dst, W0s, W0n, b0)
        h = jax.nn.relu(h)  # activation between layers, dropout is identity in eval
        h = _sage(h, src, dst, W1s, W1n, b1)
        return h
    local_emb = gnn(g_edge_index, l0_Ws, l0_Wn, l0_b, l1_Ws, l1_Wn, l1_b)
    global_emb = gnn(knn_edge_index, g0_Ws, g0_Wn, g0_b, g1_Ws, g1_Wn, g1_b)
    h = jnp.concatenate([local_emb, global_emb], axis=1)
    # MLP (n_layers=2): linear -> batchnorm(eval, running mean=0, var=1) -> relu -> linear
    x = h @ m0_W + m0_b
    x = bn_gamma * x / jnp.sqrt(1.0 + 1e-5) + bn_beta
    x = jax.nn.relu(x)
    x = x @ m1_W + m1_b
    return x

if __name__ == "__main__":
    import jax
    _d = setup_inputs()
    print(jax.jit(kernel)(*tuple(_d.values())))

</pallas_src>

<mosaic_0001>
#map = affine_map<(d0, d1) -> (0, 0)>
#map1 = affine_map<(d0, d1) -> (0, 0, 0)>
module attributes {stable_mosaic.version = 14 : i64} {
  func.func @body(%arg0: i32, %arg1: i32, %arg2: memref<10240x128xf32, #tpu.memory_space<hbm>>, %arg3: memref<10240x128xf32, #tpu.memory_space<hbm>>, %arg4: memref<16x250x80xi32, #tpu.memory_space<hbm>>, %arg5: memref<16x250x80xi32, #tpu.memory_space<hbm>>, %arg6: memref<16x250x80xi32, #tpu.memory_space<hbm>>, %arg7: memref<16x250x80xi32, #tpu.memory_space<hbm>>, %arg8: memref<10240x128xf32, #tpu.memory_space<hbm>>, %arg9: memref<10240x128xf32, #tpu.memory_space<hbm>>, %arg10: memref<80xi32, #tpu.memory_space<vmem>>, %arg11: memref<80xi32, #tpu.memory_space<vmem>>, %arg12: memref<80xi32, #tpu.memory_space<vmem>>, %arg13: memref<80xi32, #tpu.memory_space<vmem>>, %arg14: memref<80xi32, #tpu.memory_space<vmem>>, %arg15: memref<80xi32, #tpu.memory_space<vmem>>, %arg16: memref<80xi32, #tpu.memory_space<vmem>>, %arg17: memref<80xi32, #tpu.memory_space<vmem>>, %arg18: memref<80x128xf32, #tpu.memory_space<vmem>>, %arg19: memref<80x128xf32, #tpu.memory_space<vmem>>, %arg20: memref<80x128xf32, #tpu.memory_space<vmem>>, %arg21: memref<80x128xf32, #tpu.memory_space<vmem>>, %arg22: memref<640xf32, #tpu.memory_space<vmem>>, %arg23: memref<96xf32, #tpu.memory_space<vmem>>, %arg24: memref<10240x128xf32, #tpu.memory_space<vmem_shared>>, %arg25: memref<10240xf32, #tpu.memory_space<vmem_shared>>, %arg26: memref<!tpu.dma_semaphore, #tpu.memory_space<semaphore_mem>>, %arg27: memref<!tpu.dma_semaphore, #tpu.memory_space<semaphore_mem>>, %arg28: memref<!tpu.dma_semaphore, #tpu.memory_space<semaphore_mem>>, %arg29: memref<!tpu.dma_semaphore, #tpu.memory_space<semaphore_mem>>, %arg30: memref<!tpu.dma_semaphore, #tpu.memory_space<semaphore_mem>>, %arg31: memref<!tpu.dma_semaphore, #tpu.memory_space<semaphore_mem>>, %arg32: memref<!tpu.dma_semaphore, #tpu.memory_space<semaphore_mem>>, %arg33: memref<!tpu.dma_semaphore, #tpu.memory_space<semaphore_mem>>, %arg34: memref<!tpu.dma_semaphore, #tpu.memory_space<semaphore_mem>>, %arg35: memref<!tpu.dma_semaphore, #tpu.memory_space<semaphore_mem>>, %arg36: memref<!tpu.dma_semaphore, #tpu.memory_space<semaphore_mem>>, %arg37: memref<!tpu.dma_semaphore, #tpu.memory_space<semaphore_mem>>) attributes {dimension_semantics = [#tpu.dimension_semantics<core_parallel>, #tpu.dimension_semantics<subcore_parallel>], iteration_bounds = array<i64: 2, 16>, scalar_prefetch = 0 : i64, scratch_operands = 28 : i64, tpu.core_type = #tpu.core_type<sc_vector_subcore>, window_params = [{transform_indices = #map}, {transform_indices = #map}, {transform_indices = #map1}, {transform_indices = #map1}, {transform_indices = #map1}, {transform_indices = #map1}, {transform_indices = #map}, {transform_indices = #map}]} {
    %mul3A = arith.constant 640 : i32
    %mul3A_0 = arith.muli %arg1, %mul3A : i32
    %scan3A = arith.constant 0 : i32
    %scan3A_1 = arith.constant 0 : i32
    %scan3A_2 = arith.constant 80 : i32
    %scan3A_3 = arith.addi %scan3A_1, %scan3A_2 : i32
    %scan3A_4 = arith.constant 1 : i32
    %scan3A_5 = scf.for %scan3A_40 = %scan3A_1 to %scan3A_3 step %scan3A_4 iter_args(%scan3A_41 = %scan3A) -> (i32)  : i32 {
      %scan3A_42 = arith.constant 0 : i32
      %scan3A_43 = arith.constant 0 : i32
      %scan3A_44 = arith.constant 8 : i32
      %scan3A_45 = arith.addi %scan3A_43, %scan3A_44 : i32
      %scan3A_46 = arith.constant 1 : i32
      %scan3A_47 = scf.for %scan3A_49 = %scan3A_43 to %scan3A_45 step %scan3A_46 iter_args(%scan3A_50 = %scan3A_42) -> (i32)  : i32 {
        %broadcast_in_dim3A = arith.constant 0.000000e+00 : f32
        %broadcast_in_dim3A_51 = vector.broadcast %broadcast_in_dim3A : f32 to vector<16xf32>
        %mul3A_52 = arith.constant 16 : i32
        %mul3A_53 = arith.muli %scan3A_49, %mul3A_52 : i32
        %swap3A = arith.index_cast %scan3A_40 : i32 to index
        %swap3A_54 = arith.index_cast %mul3A_53 : i32 to index
        %swap3A_55 = tpu.vector_load %arg18[%swap3A, %swap3A_54] {strides = array<i32>} : memref<80x128xf32, #tpu.memory_space<vmem>>, vector<1x16xf32>,
        %swap3A_56 = vector.shape_cast %swap3A_55 : vector<1x16xf32> to vector<16xf32>
        %swap3A_57 = vector.shape_cast %broadcast_in_dim3A_51 : vector<16xf32> to vector<1x16xf32>
        tpu.vector_store %arg18[%swap3A, %swap3A_54], %swap3A_57 {strides = array<i32>} : memref<80x128xf32, #tpu.memory_space<vmem>>, vector<1x16xf32>,
        %scan3A_58 = arith.constant 0 : i32
        scf.yield %scan3A_58 : i32
      }
      %scan3A_48 = arith.constant 8 : i32
      scf.yield %scan3A_47 : i32
    }
    %scan3A_6 = arith.constant 80 : i32
    %add3A = arith.constant 0 : i32
    %add3A_7 = arith.addi %mul3A_0, %add3A : i32
    "tpu.region"() ({
      %run_scoped3A = tpu.sem_alloc : memref<!tpu.dma_semaphore, #tpu.memory_space<semaphore_mem>>
      %dma_start3A = arith.constant 0 : i32
      %dma_start3A_40 = arith.constant 0 : i32
      %dma_start3A_41 = tpu.memref_slice %arg18[%dma_start3A, %dma_start3A_40] : memref<80x128xf32, #tpu.memory_space<vmem>> -> memref<80x128xf32, #tpu.memory_space<vmem>>
      %dma_start3A_42 = arith.constant 0 : i32
      %dma_start3A_43 = tpu.memref_slice %arg24[%add3A_7, %dma_start3A_42] : memref<10240x128xf32, #tpu.memory_space<vmem_shared>> -> memref<80x128xf32, #tpu.memory_space<vmem_shared>>
      %dma_start3A_44 = arith.constant 0 : i32
      %dma_start3A_45 = tpu.memref_slice %arg24[%add3A_7, %dma_start3A_44] : memref<10240x128xf32, #tpu.memory_space<vmem_shared>> -> memref<80x128xf32, #tpu.memory_space<vmem_shared>>
      %dma_start3A_46 = arith.constant 0 : i32
      %dma_start3A_47 = arith.constant 0 : i32
      %dma_start3A_48 = tpu.memref_slice %arg18[%dma_start3A_46, %dma_start3A_47] : memref<80x128xf32, #tpu.memory_space<vmem>> -> memref<80x128xf32, #tpu.memory_space<vmem>>
      tpu.enqueue_dma source(%dma_start3A_48 : memref<80x128xf32, #tpu.memory_space<vmem>>) target(%dma_start3A_45 : memref<80x128xf32, #tpu.memory_space<vmem_shared>>) target_semaphore(%run_scoped3A : memref<!tpu.dma_semaphore, #tpu.memory_space<semaphore_mem>>)
      %dma_wait3A = arith.constant 0 : i32
      %dma_wait3A_49 = arith.constant 0 : i32
      %dma_wait3A_50 = tpu.memref_slice %arg18[%dma_wait3A, %dma_wait3A_49] : memref<80x128xf32, #tpu.memory_space<vmem>> -> memref<80x128xf32, #tpu.memory_space<vmem>>
      %dma_wait3A_51 = arith.constant 0 : i32
      %dma_wait3A_52 = tpu.memref_slice %arg24[%add3A_7, %dma_wait3A_51] : memref<10240x128xf32, #tpu.memory_space<vmem_shared>> -> memref<80x128xf32, #tpu.memory_space<vmem_shared>>
      %dma_wait3A_53 = arith.constant 0 : i32
      %dma_wait3A_54 = tpu.memref_slice %arg24[%add3A_7, %dma_wait3A_53] : memref<10240x128xf32, #tpu.memory_space<vmem_shared>> -> memref<80x128xf32, #tpu.memory_space<vmem_shared>>
      %dma_wait3A_55 = arith.constant 0 : i32
      %dma_wait3A_56 = arith.constant 0 : i32
      %dma_wait3A_57 = tpu.memref_slice %arg18[%dma_wait3A_55, %dma_wait3A_56] : memref<80x128xf32, #tpu.memory_space<vmem>> -> memref<80x128xf32, #tpu.memory_space<vmem>>
      tpu.wait_dma2 semaphore(%run_scoped3A : memref<!tpu.dma_semaphore, #tpu.memory_space<semaphore_mem>>) src(%dma_wait3A_57 : memref<80x128xf32, #tpu.memory_space<vmem>>) dst(%dma_wait3A_54 : memref<80x128xf32, #tpu.memory_space<vmem_shared>>)
      tpu.yield
    }) : () -> ()
    %add3A_8 = arith.constant 80 : i32
    %add3A_9 = arith.addi %mul3A_0, %add3A_8 : i32
    "tpu.region"() ({
      %run_scoped3A = tpu.sem_alloc : memref<!tpu.dma_semaphore, #tpu.memory_space<semaphore_mem>>
      %dma_start3A = arith.constant 0 : i32
      %dma_start3A_40 = arith.constant 0 : i32
      %dma_start3A_41 = tpu.memref_slice %arg18[%dma_start3A, %dma_start3A_40] : memref<80x128xf32, #tpu.memory_space<vmem>> -> memref<80x128xf32, #tpu.memory_space<vmem>>
      %dma_start3A_42 = arith.constant 0 : i32
      %dma_start3A_43 = tpu.memref_slice %arg24[%add3A_9, %dma_start3A_42] : memref<10240x128xf32, #tpu.memory_space<vmem_shared>> -> memref<80x128xf32, #tpu.memory_space<vmem_shared>>
      %dma_start3A_44 = arith.constant 0 : i32
      %dma_start3A_45 = tpu.memref_slice %arg24[%add3A_9, %dma_start3A_44] : memref<10240x128xf32, #tpu.memory_space<vmem_shared>> -> memref<80x128xf32, #tpu.memory_space<vmem_shared>>
      %dma_start3A_46 = arith.constant 0 : i32
      %dma_start3A_47 = arith.constant 0 : i32
      %dma_start3A_48 = tpu.memref_slice %arg18[%dma_start3A_46, %dma_start3A_47] : memref<80x128xf32, #tpu.memory_space<vmem>> -> memref<80x128xf32, #tpu.memory_space<vmem>>
      tpu.enqueue_dma source(%dma_start3A_48 : memref<80x128xf32, #tpu.memory_space<vmem>>) target(%dma_start3A_45 : memref<80x128xf32, #tpu.memory_space<vmem_shared>>) target_semaphore(%run_scoped3A : memref<!tpu.dma_semaphore, #tpu.memory_space<semaphore_mem>>)
      %dma_wait3A = arith.constant 0 : i32
      %dma_wait3A_49 = arith.constant 0 : i32
      %dma_wait3A_50 = tpu.memref_slice %arg18[%dma_wait3A, %dma_wait3A_49] : memref<80x128xf32, #tpu.memory_space<vmem>> -> memref<80x128xf32, #tpu.memory_space<vmem>>
      %dma_wait3A_51 = arith.constant 0 : i32
      %dma_wait3A_52 = tpu.memref_slice %arg24[%add3A_9, %dma_wait3A_51] : memref<10240x128xf32, #tpu.memory_space<vmem_shared>> -> memref<80x128xf32, #tpu.memory_space<vmem_shared>>
      %dma_wait3A_53 = arith.constant 0 : i32
      %dma_wait3A_54 = tpu.memref_slice %arg24[%add3A_9, %dma_wait3A_53] : memref<10240x128xf32, #tpu.memory_space<vmem_shared>> -> memref<80x128xf32, #tpu.memory_space<vmem_shared>>
      %dma_wait3A_55 = arith.constant 0 : i32
      %dma_wait3A_56 = arith.constant 0 : i32
      %dma_wait3A_57 = tpu.memref_slice %arg18[%dma_wait3A_55, %dma_wait3A_56] : memref<80x128xf32, #tpu.memory_space<vmem>> -> memref<80x128xf32, #tpu.memory_space<vmem>>
      tpu.wait_dma2 semaphore(%run_scoped3A : memref<!tpu.dma_semaphore, #tpu.memory_space<semaphore_mem>>) src(%dma_wait3A_57 : memref<80x128xf32, #tpu.memory_space<vmem>>) dst(%dma_wait3A_54 : memref<80x128xf32, #tpu.memory_space<vmem_shared>>)
      tpu.yield
    }) : () -> ()
    %add3A_10 = arith.constant 160 : i32
    %add3A_11 = arith.addi %mul3A_0, %add3A_10 : i32
    "tpu.region"() ({
      %run_scoped3A = tpu.sem_alloc : memref<!tpu.dma_semaphore, #tpu.memory_space<semaphore_mem>>
      %dma_start3A = arith.constant 0 : i32
      %dma_start3A_40 = arith.constant 0 : i32
      %dma_start3A_41 = tpu.memref_slice %arg18[%dma_start3A, %dma_start3A_40] : memref<80x128xf32, #tpu.memory_space<vmem>> -> memref<80x128xf32, #tpu.memory_space<vmem>>
      %dma_start3A_42 = arith.constant 0 : i32
      %dma_start3A_43 = tpu.memref_slice %arg24[%add3A_11, %dma_start3A_42] : memref<10240x128xf32, #tpu.memory_space<vmem_shared>> -> memref<80x128xf32, #tpu.memory_space<vmem_shared>>
      %dma_start3A_44 = arith.constant 0 : i32
      %dma_start3A_45 = tpu.memref_slice %arg24[%add3A_11, %dma_start3A_44] : memref<10240x128xf32, #tpu.memory_space<vmem_shared>> -> memref<80x128xf32, #tpu.memory_space<vmem_shared>>
      %dma_start3A_46 = arith.constant 0 : i32
      %dma_start3A_47 = arith.constant 0 : i32
      %dma_start3A_48 = tpu.memref_slice %arg18[%dma_start3A_46, %dma_start3A_47] : memref<80x128xf32, #tpu.memory_space<vmem>> -> memref<80x128xf32, #tpu.memory_space<vmem>>
      tpu.enqueue_dma source(%dma_start3A_48 : memref<80x128xf32, #tpu.memory_space<vmem>>) target(%dma_start3A_45 : memref<80x128xf32, #tpu.memory_space<vmem_shared>>) target_semaphore(%run_scoped3A : memref<!tpu.dma_semaphore, #tpu.memory_space<semaphore_mem>>)
      %dma_wait3A = arith.constant 0 : i32
      %dma_wait3A_49 = arith.constant 0 : i32
      %dma_wait3A_50 = tpu.memref_slice %arg18[%dma_wait3A, %dma_wait3A_49] : memref<80x128xf32, #tpu.memory_space<vmem>> -> memref<80x128xf32, #tpu.memory_space<vmem>>
      %dma_wait3A_51 = arith.constant 0 : i32
      %dma_wait3A_52 = tpu.memref_slice %arg24[%add3A_11, %dma_wait3A_51] : memref<10240x128xf32, #tpu.memory_space<vmem_shared>> -> memref<80x128xf32, #tpu.memory_space<vmem_shared>>
      %dma_wait3A_53 = arith.constant 0 : i32
      %dma_wait3A_54 = tpu.memref_slice %arg24[%add3A_11, %dma_wait3A_53] : memref<10240x128xf32, #tpu.memory_space<vmem_shared>> -> memref<80x128xf32, #tpu.memory_space<vmem_shared>>
      %dma_wait3A_55 = arith.constant 0 : i32
      %dma_wait3A_56 = arith.constant 0 : i32
      %dma_wait3A_57 = tpu.memref_slice %arg18[%dma_wait3A_55, %dma_wait3A_56] : memref<80x128xf32, #tpu.memory_space<vmem>> -> memref<80x128xf32, #tpu.memory_space<vmem>>
      tpu.wait_dma2 semaphore(%run_scoped3A : memref<!tpu.dma_semaphore, #tpu.memory_space<semaphore_mem>>) src(%dma_wait3A_57 : memref<80x128xf32, #tpu.memory_space<vmem>>) dst(%dma_wait3A_54 : memref<80x128xf32, #tpu.memory_space<vmem_shared>>)
      tpu.yield
    }) : () -> ()
    %add3A_12 = arith.constant 240 : i32
    %add3A_13 = arith.addi %mul3A_0, %add3A_12 : i32
    "tpu.region"() ({
      %run_scoped3A = tpu.sem_alloc : memref<!tpu.dma_semaphore, #tpu.memory_space<semaphore_mem>>
      %dma_start3A = arith.constant 0 : i32
      %dma_start3A_40 = arith.constant 0 : i32
      %dma_start3A_41 = tpu.memref_slice %arg18[%dma_start3A, %dma_start3A_40] : memref<80x128xf32, #tpu.memory_space<vmem>> -> memref<80x128xf32, #tpu.memory_space<vmem>>
      %dma_start3A_42 = arith.constant 0 : i32
      %dma_start3A_43 = tpu.memref_slice %arg24[%add3A_13, %dma_start3A_42] : memref<10240x128xf32, #tpu.memory_space<vmem_shared>> -> memref<80x128xf32, #tpu.memory_space<vmem_shared>>
      %dma_start3A_44 = arith.constant 0 : i32
      %dma_start3A_45 = tpu.memref_slice %arg24[%add3A_13, %dma_start3A_44] : memref<10240x128xf32, #tpu.memory_space<vmem_shared>> -> memref<80x128xf32, #tpu.memory_space<vmem_shared>>
      %dma_start3A_46 = arith.constant 0 : i32
      %dma_start3A_47 = arith.constant 0 : i32
      %dma_start3A_48 = tpu.memref_slice %arg18[%dma_start3A_46, %dma_start3A_47] : memref<80x128xf32, #tpu.memory_space<vmem>> -> memref<80x128xf32, #tpu.memory_space<vmem>>
      tpu.enqueue_dma source(%dma_start3A_48 : memref<80x128xf32, #tpu.memory_space<vmem>>) target(%dma_start3A_45 : memref<80x128xf32, #tpu.memory_space<vmem_shared>>) target_semaphore(%run_scoped3A : memref<!tpu.dma_semaphore, #tpu.memory_space<semaphore_mem>>)
      %dma_wait3A = arith.constant 0 : i32
      %dma_wait3A_49 = arith.constant 0 : i32
      %dma_wait3A_50 = tpu.memref_slice %arg18[%dma_wait3A, %dma_wait3A_49] : memref<80x128xf32, #tpu.memory_space<vmem>> -> memref<80x128xf32, #tpu.memory_space<vmem>>
      %dma_wait3A_51 = arith.constant 0 : i32
      %dma_wait3A_52 = tpu.memref_slice %arg24[%add3A_13, %dma_wait3A_51] : memref<10240x128xf32, #tpu.memory_space<vmem_shared>> -> memref<80x128xf32, #tpu.memory_space<vmem_shared>>
      %dma_wait3A_53 = arith.constant 0 : i32
      %dma_wait3A_54 = tpu.memref_slice %arg24[%add3A_13, %dma_wait3A_53] : memref<10240x128xf32, #tpu.memory_space<vmem_shared>> -> memref<80x128xf32, #tpu.memory_space<vmem_shared>>
      %dma_wait3A_55 = arith.constant 0 : i32
      %dma_wait3A_56 = arith.constant 0 : i32
      %dma_wait3A_57 = tpu.memref_slice %arg18[%dma_wait3A_55, %dma_wait3A_56] : memref<80x128xf32, #tpu.memory_space<vmem>> -> memref<80x128xf32, #tpu.memory_space<vmem>>
      tpu.wait_dma2 semaphore(%run_scoped3A : memref<!tpu.dma_semaphore, #tpu.memory_space<semaphore_mem>>) src(%dma_wait3A_57 : memref<80x128xf32, #tpu.memory_space<vmem>>) dst(%dma_wait3A_54 : memref<80x128xf32, #tpu.memory_space<vmem_shared>>)
      tpu.yield
    }) : () -> ()
    %add3A_14 = arith.constant 320 : i32
    %add3A_15 = arith.addi %mul3A_0, %add3A_14 : i32
    "tpu.region"() ({
      %run_scoped3A = tpu.sem_alloc : memref<!tpu.dma_semaphore, #tpu.memory_space<semaphore_mem>>
      %dma_start3A = arith.constant 0 : i32
      %dma_start3A_40 = arith.constant 0 : i32
      %dma_start3A_41 = tpu.memref_slice %arg18[%dma_start3A, %dma_start3A_40] : memref<80x128xf32, #tpu.memory_space<vmem>> -> memref<80x128xf32, #tpu.memory_space<vmem>>
      %dma_start3A_42 = arith.constant 0 : i32
      %dma_start3A_43 = tpu.memref_slice %arg24[%add3A_15, %dma_start3A_42] : memref<10240x128xf32, #tpu.memory_space<vmem_shared>> -> memref<80x128xf32, #tpu.memory_space<vmem_shared>>
      %dma_start3A_44 = arith.constant 0 : i32
      %dma_start3A_45 = tpu.memref_slice %arg24[%add3A_15, %dma_start3A_44] : memref<10240x128xf32, #tpu.memory_space<vmem_shared>> -> memref<80x128xf32, #tpu.memory_space<vmem_shared>>
      %dma_start3A_46 = arith.constant 0 : i32
      %dma_start3A_47 = arith.constant 0 : i32
      %dma_start3A_48 = tpu.memref_slice %arg18[%dma_start3A_46, %dma_start3A_47] : memref<80x128xf32, #tpu.memory_space<vmem>> -> memref<80x128xf32, #tpu.memory_space<vmem>>
      tpu.enqueue_dma source(%dma_start3A_48 : memref<80x128xf32, #tpu.memory_space<vmem>>) target(%dma_start3A_45 : memref<80x128xf32, #tpu.memory_space<vmem_shared>>) target_semaphore(%run_scoped3A : memref<!tpu.dma_semaphore, #tpu.memory_space<semaphore_mem>>)
      %dma_wait3A = arith.constant 0 : i32
      %dma_wait3A_49 = arith.constant 0 : i32
      %dma_wait3A_50 = tpu.memref_slice %arg18[%dma_wait3A, %dma_wait3A_49] : memref<80x128xf32, #tpu.memory_space<vmem>> -> memref<80x128xf32, #tpu.memory_space<vmem>>
      %dma_wait3A_51 = arith.constant 0 : i32
      %dma_wait3A_52 = tpu.memref_slice %arg24[%add3A_15, %dma_wait3A_51] : memref<10240x128xf32, #tpu.memory_space<vmem_shared>> -> memref<80x128xf32, #tpu.memory_space<vmem_shared>>
      %dma_wait3A_53 = arith.constant 0 : i32
      %dma_wait3A_54 = tpu.memref_slice %arg24[%add3A_15, %dma_wait3A_53] : memref<10240x128xf32, #tpu.memory_space<vmem_shared>> -> memref<80x128xf32, #tpu.memory_space<vmem_shared>>
      %dma_wait3A_55 = arith.constant 0 : i32
      %dma_wait3A_56 = arith.constant 0 : i32
      %dma_wait3A_57 = tpu.memref_slice %arg18[%dma_wait3A_55, %dma_wait3A_56] : memref<80x128xf32, #tpu.memory_space<vmem>> -> memref<80x128xf32, #tpu.memory_space<vmem>>
      tpu.wait_dma2 semaphore(%run_scoped3A : memref<!tpu.dma_semaphore, #tpu.memory_space<semaphore_mem>>) src(%dma_wait3A_57 : memref<80x128xf32, #tpu.memory_space<vmem>>) dst(%dma_wait3A_54 : memref<80x128xf32, #tpu.memory_space<vmem_shared>>)
      tpu.yield
    }) : () -> ()
    %add3A_16 = arith.constant 400 : i32
    %add3A_17 = arith.addi %mul3A_0, %add3A_16 : i32
    "tpu.region"() ({
      %run_scoped3A = tpu.sem_alloc : memref<!tpu.dma_semaphore, #tpu.memory_space<semaphore_mem>>
      %dma_start3A = arith.constant 0 : i32
      %dma_start3A_40 = arith.constant 0 : i32
      %dma_start3A_41 = tpu.memref_slice %arg18[%dma_start3A, %dma_start3A_40] : memref<80x128xf32, #tpu.memory_space<vmem>> -> memref<80x128xf32, #tpu.memory_space<vmem>>
      %dma_start3A_42 = arith.constant 0 : i32
      %dma_start3A_43 = tpu.memref_slice %arg24[%add3A_17, %dma_start3A_42] : memref<10240x128xf32, #tpu.memory_space<vmem_shared>> -> memref<80x128xf32, #tpu.memory_space<vmem_shared>>
      %dma_start3A_44 = arith.constant 0 : i32
      %dma_start3A_45 = tpu.memref_slice %arg24[%add3A_17, %dma_start3A_44] : memref<10240x128xf32, #tpu.memory_space<vmem_shared>> -> memref<80x128xf32, #tpu.memory_space<vmem_shared>>
      %dma_start3A_46 = arith.constant 0 : i32
      %dma_start3A_47 = arith.constant 0 : i32
      %dma_start3A_48 = tpu.memref_slice %arg18[%dma_start3A_46, %dma_start3A_47] : memref<80x128xf32, #tpu.memory_space<vmem>> -> memref<80x128xf32, #tpu.memory_space<vmem>>
      tpu.enqueue_dma source(%dma_start3A_48 : memref<80x128xf32, #tpu.memory_space<vmem>>) target(%dma_start3A_45 : memref<80x128xf32, #tpu.memory_space<vmem_shared>>) target_semaphore(%run_scoped3A : memref<!tpu.dma_semaphore, #tpu.memory_space<semaphore_mem>>)
      %dma_wait3A = arith.constant 0 : i32
      %dma_wait3A_49 = arith.constant 0 : i32
      %dma_wait3A_50 = tpu.memref_slice %arg18[%dma_wait3A, %dma_wait3A_49] : memref<80x128xf32, #tpu.memory_space<vmem>> -> memref<80x128xf32, #tpu.memory_space<vmem>>
      %dma_wait3A_51 = arith.constant 0 : i32
      %dma_wait3A_52 = tpu.memref_slice %arg24[%add3A_17, %dma_wait3A_51] : memref<10240x128xf32, #tpu.memory_space<vmem_shared>> -> memref<80x128xf32, #tpu.memory_space<vmem_shared>>
      %dma_wait3A_53 = arith.constant 0 : i32
      %dma_wait3A_54 = tpu.memref_slice %arg24[%add3A_17, %dma_wait3A_53] : memref<10240x128xf32, #tpu.memory_space<vmem_shared>> -> memref<80x128xf32, #tpu.memory_space<vmem_shared>>
      %dma_wait3A_55 = arith.constant 0 : i32
      %dma_wait3A_56 = arith.constant 0 : i32
      %dma_wait3A_57 = tpu.memref_slice %arg18[%dma_wait3A_55, %dma_wait3A_56] : memref<80x128xf32, #tpu.memory_space<vmem>> -> memref<80x128xf32, #tpu.memory_space<vmem>>
      tpu.wait_dma2 semaphore(%run_scoped3A : memref<!tpu.dma_semaphore, #tpu.memory_space<semaphore_mem>>) src(%dma_wait3A_57 : memref<80x128xf32, #tpu.memory_space<vmem>>) dst(%dma_wait3A_54 : memref<80x128xf32, #tpu.memory_space<vmem_shared>>)
      tpu.yield
    }) : () -> ()
    %add3A_18 = arith.constant 480 : i32
    %add3A_19 = arith.addi %mul3A_0, %add3A_18 : i32
    "tpu.region"() ({
      %run_scoped3A = tpu.sem_alloc : memref<!tpu.dma_semaphore, #tpu.memory_space<semaphore_mem>>
      %dma_start3A = arith.constant 0 : i32
      %dma_start3A_40 = arith.constant 0 : i32
      %dma_start3A_41 = tpu.memref_slice %arg18[%dma_start3A, %dma_start3A_40] : memref<80x128xf32, #tpu.memory_space<vmem>> -> memref<80x128xf32, #tpu.memory_space<vmem>>
      %dma_start3A_42 = arith.constant 0 : i32
      %dma_start3A_43 = tpu.memref_slice %arg24[%add3A_19, %dma_start3A_42] : memref<10240x128xf32, #tpu.memory_space<vmem_shared>> -> memref<80x128xf32, #tpu.memory_space<vmem_shared>>
      %dma_start3A_44 = arith.constant 0 : i32
      %dma_start3A_45 = tpu.memref_slice %arg24[%add3A_19, %dma_start3A_44] : memref<10240x128xf32, #tpu.memory_space<vmem_shared>> -> memref<80x128xf32, #tpu.memory_space<vmem_shared>>
      %dma_start3A_46 = arith.constant 0 : i32
      %dma_start3A_47 = arith.constant 0 : i32
      %dma_start3A_48 = tpu.memref_slice %arg18[%dma_start3A_46, %dma_start3A_47] : memref<80x128xf32, #tpu.memory_space<vmem>> -> memref<80x128xf32, #tpu.memory_space<vmem>>
      tpu.enqueue_dma source(%dma_start3A_48 : memref<80x128xf32, #tpu.memory_space<vmem>>) target(%dma_start3A_45 : memref<80x128xf32, #tpu.memory_space<vmem_shared>>) target_semaphore(%run_scoped3A : memref<!tpu.dma_semaphore, #tpu.memory_space<semaphore_mem>>)
      %dma_wait3A = arith.constant 0 : i32
      %dma_wait3A_49 = arith.constant 0 : i32
      %dma_wait3A_50 = tpu.memref_slice %arg18[%dma_wait3A, %dma_wait3A_49] : memref<80x128xf32, #tpu.memory_space<vmem>> -> memref<80x128xf32, #tpu.memory_space<vmem>>
      %dma_wait3A_51 = arith.constant 0 : i32
      %dma_wait3A_52 = tpu.memref_slice %arg24[%add3A_19, %dma_wait3A_51] : memref<10240x128xf32, #tpu.memory_space<vmem_shared>> -> memref<80x128xf32, #tpu.memory_space<vmem_shared>>
      %dma_wait3A_53 = arith.constant 0 : i32
      %dma_wait3A_54 = tpu.memref_slice %arg24[%add3A_19, %dma_wait3A_53] : memref<10240x128xf32, #tpu.memory_space<vmem_shared>> -> memref<80x128xf32, #tpu.memory_space<vmem_shared>>
      %dma_wait3A_55 = arith.constant 0 : i32
      %dma_wait3A_56 = arith.constant 0 : i32
      %dma_wait3A_57 = tpu.memref_slice %arg18[%dma_wait3A_55, %dma_wait3A_56] : memref<80x128xf32, #tpu.memory_space<vmem>> -> memref<80x128xf32, #tpu.memory_space<vmem>>
      tpu.wait_dma2 semaphore(%run_scoped3A : memref<!tpu.dma_semaphore, #tpu.memory_space<semaphore_mem>>) src(%dma_wait3A_57 : memref<80x128xf32, #tpu.memory_space<vmem>>) dst(%dma_wait3A_54 : memref<80x128xf32, #tpu.memory_space<vmem_shared>>)
      tpu.yield
    }) : () -> ()
    %add3A_20 = arith.constant 560 : i32
    %add3A_21 = arith.addi %mul3A_0, %add3A_20 : i32
    "tpu.region"() ({
      %run_scoped3A = tpu.sem_alloc : memref<!tpu.dma_semaphore, #tpu.memory_space<semaphore_mem>>
      %dma_start3A = arith.constant 0 : i32
      %dma_start3A_40 = arith.constant 0 : i32
      %dma_start3A_41 = tpu.memref_slice %arg18[%dma_start3A, %dma_start3A_40] : memref<80x128xf32, #tpu.memory_space<vmem>> -> memref<80x128xf32, #tpu.memory_space<vmem>>
      %dma_start3A_42 = arith.constant 0 : i32
      %dma_start3A_43 = tpu.memref_slice %arg24[%add3A_21, %dma_start3A_42] : memref<10240x128xf32, #tpu.memory_space<vmem_shared>> -> memref<80x128xf32, #tpu.memory_space<vmem_shared>>
      %dma_start3A_44 = arith.constant 0 : i32
      %dma_start3A_45 = tpu.memref_slice %arg24[%add3A_21, %dma_start3A_44] : memref<10240x128xf32, #tpu.memory_space<vmem_shared>> -> memref<80x128xf32, #tpu.memory_space<vmem_shared>>
      %dma_start3A_46 = arith.constant 0 : i32
      %dma_start3A_47 = arith.constant 0 : i32
      %dma_start3A_48 = tpu.memref_slice %arg18[%dma_start3A_46, %dma_start3A_47] : memref<80x128xf32, #tpu.memory_space<vmem>> -> memref<80x128xf32, #tpu.memory_space<vmem>>
      tpu.enqueue_dma source(%dma_start3A_48 : memref<80x128xf32, #tpu.memory_space<vmem>>) target(%dma_start3A_45 : memref<80x128xf32, #tpu.memory_space<vmem_shared>>) target_semaphore(%run_scoped3A : memref<!tpu.dma_semaphore, #tpu.memory_space<semaphore_mem>>)
      %dma_wait3A = arith.constant 0 : i32
      %dma_wait3A_49 = arith.constant 0 : i32
      %dma_wait3A_50 = tpu.memref_slice %arg18[%dma_wait3A, %dma_wait3A_49] : memref<80x128xf32, #tpu.memory_space<vmem>> -> memref<80x128xf32, #tpu.memory_space<vmem>>
      %dma_wait3A_51 = arith.constant 0 : i32
      %dma_wait3A_52 = tpu.memref_slice %arg24[%add3A_21, %dma_wait3A_51] : memref<10240x128xf32, #tpu.memory_space<vmem_shared>> -> memref<80x128xf32, #tpu.memory_space<vmem_shared>>
      %dma_wait3A_53 = arith.constant 0 : i32
      %dma_wait3A_54 = tpu.memref_slice %arg24[%add3A_21, %dma_wait3A_53] : memref<10240x128xf32, #tpu.memory_space<vmem_shared>> -> memref<80x128xf32, #tpu.memory_space<vmem_shared>>
      %dma_wait3A_55 = arith.constant 0 : i32
      %dma_wait3A_56 = arith.constant 0 : i32
      %dma_wait3A_57 = tpu.memref_slice %arg18[%dma_wait3A_55, %dma_wait3A_56] : memref<80x128xf32, #tpu.memory_space<vmem>> -> memref<80x128xf32, #tpu.memory_space<vmem>>
      tpu.wait_dma2 semaphore(%run_scoped3A : memref<!tpu.dma_semaphore, #tpu.memory_space<semaphore_mem>>) src(%dma_wait3A_57 : memref<80x128xf32, #tpu.memory_space<vmem>>) dst(%dma_wait3A_54 : memref<80x128xf32, #tpu.memory_space<vmem_shared>>)
      tpu.yield
    }) : () -> ()
    %barrier3A = arith.constant 0 : index
    tpu.barrier barrier_id(%barrier3A)
    %eq3A = arith.constant 0 : i32
    %eq3A_22 = arith.cmpi eq, %arg0, %eq3A : i32
    %convert_element_type3A = arith.extui %eq3A_22 : i1 to i32
    %cond3A = arith.constant 0 : i32
    %cond3A_23 = arith.cmpi ne, %convert_element_type3A, %cond3A : i32
    scf.if %cond3A_23 {
      %run_scoped3A = arith.constant 0 : i32
      "tpu.region"() ({
        %run_scoped3A_65 = tpu.sem_alloc : memref<!tpu.dma_semaphore, #tpu.memory_space<semaphore_mem>>
        %dma_start3A_66 = arith.constant 0 : i32
        %dma_start3A_67 = tpu.memref_slice %arg4[%arg1, %run_scoped3A, %dma_start3A_66] : memref<16x250x80xi32, #tpu.memory_space<hbm>> -> memref<1x1x80xi32, #tpu.memory_space<hbm>>
        %dma_start3A_68 = tpu.memref_squeeze %dma_start3A_67 : memref<1x1x80xi32, #tpu.memory_space<hbm>> -> memref<80xi32, #tpu.memory_space<hbm>>
        %dma_start3A_69 = arith.constant 0 : i32
        %dma_start3A_70 = tpu.memref_slice %arg4[%arg1, %run_scoped3A, %dma_start3A_69] : memref<16x250x80xi32, #tpu.memory_space<hbm>> -> memref<1x1x80xi32, #tpu.memory_space<hbm>>
        %dma_start3A_71 = tpu.memref_squeeze %dma_start3A_70 : memref<1x1x80xi32, #tpu.memory_space<hbm>> -> memref<80xi32, #tpu.memory_space<hbm>>
        tpu.enqueue_dma source(%dma_start3A_71 : memref<80xi32, #tpu.memory_space<hbm>>) target(%arg10 : memref<80xi32, #tpu.memory_space<vmem>>) target_semaphore(%run_scoped3A_65 : memref<!tpu.dma_semaphore, #tpu.memory_space<semaphore_mem>>)
        %dma_wait3A = arith.constant 0 : i32
        %dma_wait3A_72 = tpu.memref_slice %arg4[%arg1, %run_scoped3A, %dma_wait3A] : memref<16x250x80xi32, #tpu.memory_space<hbm>> -> memref<1x1x80xi32, #tpu.memory_space<hbm>>
        %dma_wait3A_73 = tpu.memref_squeeze %dma_wait3A_72 : memref<1x1x80xi32, #tpu.memory_space<hbm>> -> memref<80xi32, #tpu.memory_space<hbm>>
        %dma_wait3A_74 = arith.constant 0 : i32
        %dma_wait3A_75 = tpu.memref_slice %arg4[%arg1, %run_scoped3A, %dma_wait3A_74] : memref<16x250x80xi32, #tpu.memory_space<hbm>> -> memref<1x1x80xi32, #tpu.memory_space<hbm>>
        %dma_wait3A_76 = tpu.memref_squeeze %dma_wait3A_75 : memref<1x1x80xi32, #tpu.memory_space<hbm>> -> memref<80xi32, #tpu.memory_space<hbm>>
        tpu.wait_dma2 semaphore(%run_scoped3A_65 : memref<!tpu.dma_semaphore, #tpu.memory_space<semaphore_mem>>) src(%dma_wait3A_76 : memref<80xi32, #tpu.memory_space<hbm>>) dst(%arg10 : memref<80xi32, #tpu.memory_space<vmem>>)
        tpu.yield
      }) : () -> ()
      %run_scoped3A_40 = arith.constant 0 : i32
      "tpu.region"() ({
        %run_scoped3A_65 = tpu.sem_alloc : memref<!tpu.dma_semaphore, #tpu.memory_space<semaphore_mem>>
        %dma_start3A_66 = arith.constant 0 : i32
        %dma_start3A_67 = tpu.memref_slice %arg5[%arg1, %run_scoped3A_40, %dma_start3A_66] : memref<16x250x80xi32, #tpu.memory_space<hbm>> -> memref<1x1x80xi32, #tpu.memory_space<hbm>>
        %dma_start3A_68 = tpu.memref_squeeze %dma_start3A_67 : memref<1x1x80xi32, #tpu.memory_space<hbm>> -> memref<80xi32, #tpu.memory_space<hbm>>
        %dma_start3A_69 = arith.constant 0 : i32
        %dma_start3A_70 = tpu.memref_slice %arg5[%arg1, %run_scoped3A_40, %dma_start3A_69] : memref<16x250x80xi32, #tpu.memory_space<hbm>> -> memref<1x1x80xi32, #tpu.memory_space<hbm>>
        %dma_start3A_71 = tpu.memref_squeeze %dma_start3A_70 : memref<1x1x80xi32, #tpu.memory_space<hbm>> -> memref<80xi32, #tpu.memory_space<hbm>>
        tpu.enqueue_dma source(%dma_start3A_71 : memref<80xi32, #tpu.memory_space<hbm>>) target(%arg14 : memref<80xi32, #tpu.memory_space<vmem>>) target_semaphore(%run_scoped3A_65 : memref<!tpu.dma_semaphore, #tpu.memory_space<semaphore_mem>>)
        %dma_wait3A = arith.constant 0 : i32
        %dma_wait3A_72 = tpu.memref_slice %arg5[%arg1, %run_scoped3A_40, %dma_wait3A] : memref<16x250x80xi32, #tpu.memory_space<hbm>> -> memref<1x1x80xi32, #tpu.memory_space<hbm>>
        %dma_wait3A_73 = tpu.memref_squeeze %dma_wait3A_72 : memref<1x1x80xi32, #tpu.memory_space<hbm>> -> memref<80xi32, #tpu.memory_space<hbm>>
        %dma_wait3A_74 = arith.constant 0 : i32
        %dma_wait3A_75 = tpu.memref_slice %arg5[%arg1, %run_scoped3A_40, %dma_wait3A_74] : memref<16x250x80xi32, #tpu.memory_space<hbm>> -> memref<1x1x80xi32, #tpu.memory_space<hbm>>
        %dma_wait3A_76 = tpu.memref_squeeze %dma_wait3A_75 : memref<1x1x80xi32, #tpu.memory_space<hbm>> -> memref<80xi32, #tpu.memory_space<hbm>>
        tpu.wait_dma2 semaphore(%run_scoped3A_65 : memref<!tpu.dma_semaphore, #tpu.memory_space<semaphore_mem>>) src(%dma_wait3A_76 : memref<80xi32, #tpu.memory_space<hbm>>) dst(%arg14 : memref<80xi32, #tpu.memory_space<vmem>>)
        tpu.yield
      }) : () -> ()
      %dma_start3A = arith.constant 0 : i32
      %dma_start3A_41 = arith.constant 0 : i32
      %dma_start3A_42 = tpu.memref_slice %arg2[%dma_start3A, %dma_start3A_41] : memref<10240x128xf32, #tpu.memory_space<hbm>> -> memref<10240x128xf32, #tpu.memory_space<hbm>>
      tpu.enqueue_indirect_dma source(%dma_start3A_42 : memref<10240x128xf32, #tpu.memory_space<hbm>>) target(%arg18 : memref<80x128xf32, #tpu.memory_space<vmem>>) offsets(%arg10 : memref<80xi32, #tpu.memory_space<vmem>>) semaphore(%arg26 : memref<!tpu.dma_semaphore, #tpu.memory_space<semaphore_mem>>)
      %run_scoped3A_43 = arith.constant 1 : i32
      "tpu.region"() ({
        %run_scoped3A_65 = tpu.sem_alloc : memref<!tpu.dma_semaphore, #tpu.memory_space<semaphore_mem>>
        %dma_start3A_66 = arith.constant 0 : i32
        %dma_start3A_67 = tpu.memref_slice %arg4[%arg1, %run_scoped3A_43, %dma_start3A_66] : memref<16x250x80xi32, #tpu.memory_space<hbm>> -> memref<1x1x80xi32, #tpu.memory_space<hbm>>
        %dma_start3A_68 = tpu.memref_squeeze %dma_start3A_67 : memref<1x1x80xi32, #tpu.memory_space<hbm>> -> memref<80xi32, #tpu.memory_space<hbm>>
        %dma_start3A_69 = arith.constant 0 : i32
        %dma_start3A_70 = tpu.memref_slice %arg4[%arg1, %run_scoped3A_43, %dma_start3A_69] : memref<16x250x80xi32, #tpu.memory_space<hbm>> -> memref<1x1x80xi32, #tpu.memory_space<hbm>>
        %dma_start3A_71 = tpu.memref_squeeze %dma_start3A_70 : memref<1x1x80xi32, #tpu.memory_space<hbm>> -> memref<80xi32, #tpu.memory_space<hbm>>
        tpu.enqueue_dma source(%dma_start3A_71 : memref<80xi32, #tpu.memory_space<hbm>>) target(%arg11 : memref<80xi32, #tpu.memory_space<vmem>>) target_semaphore(%run_scoped3A_65 : memref<!tpu.dma_semaphore, #tpu.memory_space<semaphore_mem>>)
        %dma_wait3A = arith.constant 0 : i32
        %dma_wait3A_72 = tpu.memref_slice %arg4[%arg1, %run_scoped3A_43, %dma_wait3A] : memref<16x250x80xi32, #tpu.memory_space<hbm>> -> memref<1x1x80xi32, #tpu.memory_space<hbm>>
        %dma_wait3A_73 = tpu.memref_squeeze %dma_wait3A_72 : memref<1x1x80xi32, #tpu.memory_space<hbm>> -> memref<80xi32, #tpu.memory_space<hbm>>
        %dma_wait3A_74 = arith.constant 0 : i32
        %dma_wait3A_75 = tpu.memref_slice %arg4[%arg1, %run_scoped3A_43, %dma_wait3A_74] : memref<16x250x80xi32, #tpu.memory_space<hbm>> -> memref<1x1x80xi32, #tpu.memory_space<hbm>>
        %dma_wait3A_76 = tpu.memref_squeeze %dma_wait3A_75 : memref<1x1x80xi32, #tpu.memory_space<hbm>> -> memref<80xi32, #tpu.memory_space<hbm>>
        tpu.wait_dma2 semaphore(%run_scoped3A_65 : memref<!tpu.dma_semaphore, #tpu.memory_space<semaphore_mem>>) src(%dma_wait3A_76 : memref<80xi32, #tpu.memory_space<hbm>>) dst(%arg11 : memref<80xi32, #tpu.memory_space<vmem>>)
        tpu.yield
      }) : () -> ()
      %run_scoped3A_44 = arith.constant 1 : i32
      "tpu.region"() ({
        %run_scoped3A_65 = tpu.sem_alloc : memref<!tpu.dma_semaphore, #tpu.memory_space<semaphore_mem>>
        %dma_start3A_66 = arith.constant 0 : i32
        %dma_start3A_67 = tpu.memref_slice %arg5[%arg1, %run_scoped3A_44, %dma_start3A_66] : memref<16x250x80xi32, #tpu.memory_space<hbm>> -> memref<1x1x80xi32, #tpu.memory_space<hbm>>
        %dma_start3A_68 = tpu.memref_squeeze %dma_start3A_67 : memref<1x1x80xi32, #tpu.memory_space<hbm>> -> memref<80xi32, #tpu.memory_space<hbm>>
        %dma_start3A_69 = arith.constant 0 : i32
        %dma_start3A_70 = tpu.memref_slice %arg5[%arg1, %run_scoped3A_44, %dma_start3A_69] : memref<16x250x80xi32, #tpu.memory_space<hbm>> -> memref<1x1x80xi32, #tpu.memory_space<hbm>>
        %dma_start3A_71 = tpu.memref_squeeze %dma_start3A_70 : memref<1x1x80xi32, #tpu.memory_space<hbm>> -> memref<80xi32, #tpu.memory_space<hbm>>
        tpu.enqueue_dma source(%dma_start3A_71 : memref<80xi32, #tpu.memory_space<hbm>>) target(%arg15 : memref<80xi32, #tpu.memory_space<vmem>>) target_semaphore(%run_scoped3A_65 : memref<!tpu.dma_semaphore, #tpu.memory_space<semaphore_mem>>)
        %dma_wait3A = arith.constant 0 : i32
        %dma_wait3A_72 = tpu.memref_slice %arg5[%arg1, %run_scoped3A_44, %dma_wait3A] : memref<16x250x80xi32, #tpu.memory_space<hbm>> -> memref<1x1x80xi32, #tpu.memory_space<hbm>>
        %dma_wait3A_73 = tpu.memref_squeeze %dma_wait3A_72 : memref<1x1x80xi32, #tpu.memory_space<hbm>> -> memref<80xi32, #tpu.memory_space<hbm>>
        %dma_wait3A_74 = arith.constant 0 : i32
        %dma_wait3A_75 = tpu.memref_slice %arg5[%arg1, %run_scoped3A_44, %dma_wait3A_74] : memref<16x250x80xi32, #tpu.memory_space<hbm>> -> memref<1x1x80xi32, #tpu.memory_space<hbm>>
        %dma_wait3A_76 = tpu.memref_squeeze %dma_wait3A_75 : memref<1x1x80xi32, #tpu.memory_space<hbm>> -> memref<80xi32, #tpu.memory_space<hbm>>
        tpu.wait_dma2 semaphore(%run_scoped3A_65 : memref<!tpu.dma_semaphore, #tpu.memory_space<semaphore_mem>>) src(%dma_wait3A_76 : memref<80xi32, #tpu.memory_space<hbm>>) dst(%arg15 : memref<80xi32, #tpu.memory_space<vmem>>)
        tpu.yield
      }) : () -> ()
      %dma_start3A_45 = arith.constant 0 : i32
      %dma_start3A_46 = arith.constant 0 : i32
      %dma_start3A_47 = tpu.memref_slice %arg2[%dma_start3A_45, %dma_start3A_46] : memref<10240x128xf32, #tpu.memory_space<hbm>> -> memref<10240x128xf32, #tpu.memory_space<hbm>>
      tpu.enqueue_indirect_dma source(%dma_start3A_47 : memref<10240x128xf32, #tpu.memory_space<hbm>>) target(%arg19 : memref<80x128xf32, #tpu.memory_space<vmem>>) offsets(%arg11 : memref<80xi32, #tpu.memory_space<vmem>>) semaphore(%arg27 : memref<!tpu.dma_semaphore, #tpu.memory_space<semaphore_mem>>)
      %run_scoped3A_48 = arith.constant 2 : i32
      "tpu.region"() ({
        %run_scoped3A_65 = tpu.sem_alloc : memref<!tpu.dma_semaphore, #tpu.memory_space<semaphore_mem>>
        %dma_start3A_66 = arith.constant 0 : i32
        %dma_start3A_67 = tpu.memref_slice %arg4[%arg1, %run_scoped3A_48, %dma_start3A_66] : memref<16x250x80xi32, #tpu.memory_space<hbm>> -> memref<1x1x80xi32, #tpu.memory_space<hbm>>
        %dma_start3A_68 = tpu.memref_squeeze %dma_start3A_67 : memref<1x1x80xi32, #tpu.memory_space<hbm>> -> memref<80xi32, #tpu.memory_space<hbm>>
        %dma_start3A_69 = arith.constant 0 : i32
        %dma_start3A_70 = tpu.memref_slice %arg4[%arg1, %run_scoped3A_48, %dma_start3A_69] : memref<16x250x80xi32, #tpu.memory_space<hbm>> -> memref<1x1x80xi32, #tpu.memory_space<hbm>>
        %dma_start3A_71 = tpu.memref_squeeze %dma_start3A_70 : memref<1x1x80xi32, #tpu.memory_space<hbm>> -> memref<80xi32, #tpu.memory_space<hbm>>
        tpu.enqueue_dma source(%dma_start3A_71 : memref<80xi32, #tpu.memory_space<hbm>>) target(%arg12 : memref<80xi32, #tpu.memory_space<vmem>>) target_semaphore(%run_scoped3A_65 : memref<!tpu.dma_semaphore, #tpu.memory_space<semaphore_mem>>)
        %dma_wait3A = arith.constant 0 : i32
        %dma_wait3A_72 = tpu.memref_slice %arg4[%arg1, %run_scoped3A_48, %dma_wait3A] : memref<16x250x80xi32, #tpu.memory_space<hbm>> -> memref<1x1x80xi32, #tpu.memory_space<hbm>>
        %dma_wait3A_73 = tpu.memref_squeeze %dma_wait3A_72 : memref<1x1x80xi32, #tpu.memory_space<hbm>> -> memref<80xi32, #tpu.memory_space<hbm>>
        %dma_wait3A_74 = arith.constant 0 : i32
        %dma_wait3A_75 = tpu.memref_slice %arg4[%arg1, %run_scoped3A_48, %dma_wait3A_74] : memref<16x250x80xi32, #tpu.memory_space<hbm>> -> memref<1x1x80xi32, #tpu.memory_space<hbm>>
        %dma_wait3A_76 = tpu.memref_squeeze %dma_wait3A_75 : memref<1x1x80xi32, #tpu.memory_space<hbm>> -> memref<80xi32, #tpu.memory_space<hbm>>
        tpu.wait_dma2 semaphore(%run_scoped3A_65 : memref<!tpu.dma_semaphore, #tpu.memory_space<semaphore_mem>>) src(%dma_wait3A_76 : memref<80xi32, #tpu.memory_space<hbm>>) dst(%arg12 : memref<80xi32, #tpu.memory_space<vmem>>)
        tpu.yield
      }) : () -> ()
      %run_scoped3A_49 = arith.constant 2 : i32
      "tpu.region"() ({
        %run_scoped3A_65 = tpu.sem_alloc : memref<!tpu.dma_semaphore, #tpu.memory_space<semaphore_mem>>
        %dma_start3A_66 = arith.constant 0 : i32
        %dma_start3A_67 = tpu.memref_slice %arg5[%arg1, %run_scoped3A_49, %dma_start3A_66] : memref<16x250x80xi32, #tpu.memory_space<hbm>> -> memref<1x1x80xi32, #tpu.memory_space<hbm>>
        %dma_start3A_68 = tpu.memref_squeeze %dma_start3A_67 : memref<1x1x80xi32, #tpu.memory_space<hbm>> -> memref<80xi32, #tpu.memory_space<hbm>>
        %dma_start3A_69 = arith.constant 0 : i32
        %dma_start3A_70 = tpu.memref_slice %arg5[%arg1, %run_scoped3A_49, %dma_start3A_69] : memref<16x250x80xi32, #tpu.memory_space<hbm>> -> memref<1x1x80xi32, #tpu.memory_space<hbm>>
        %dma_start3A_71 = tpu.memref_squeeze %dma_start3A_70 : memref<1x1x80xi32, #tpu.memory_space<hbm>> -> memref<80xi32, #tpu.memory_space<hbm>>
        tpu.enqueue_dma source(%dma_start3A_71 : memref<80xi32, #tpu.memory_space<hbm>>) target(%arg16 : memref<80xi32, #tpu.memory_space<vmem>>) target_semaphore(%run_scoped3A_65 : memref<!tpu.dma_semaphore, #tpu.memory_space<semaphore_mem>>)
        %dma_wait3A = arith.constant 0 : i32
        %dma_wait3A_72 = tpu.memref_slice %arg5[%arg1, %run_scoped3A_49, %dma_wait3A] : memref<16x250x80xi32, #tpu.memory_space<hbm>> -> memref<1x1x80xi32, #tpu.memory_space<hbm>>
        %dma_wait3A_73 = tpu.memref_squeeze %dma_wait3A_72 : memref<1x1x80xi32, #tpu.memory_space<hbm>> -> memref<80xi32, #tpu.memory_space<hbm>>
        %dma_wait3A_74 = arith.constant 0 : i32
        %dma_wait3A_75 = tpu.memref_slice %arg5[%arg1, %run_scoped3A_49, %dma_wait3A_74] : memref<16x250x80xi32, #tpu.memory_space<hbm>> -> memref<1x1x80xi32, #tpu.memory_space<hbm>>
        %dma_wait3A_76 = tpu.memref_squeeze %dma_wait3A_75 : memref<1x1x80xi32, #tpu.memory_space<hbm>> -> memref<80xi32, #tpu.memory_space<hbm>>
        tpu.wait_dma2 semaphore(%run_scoped3A_65 : memref<!tpu.dma_semaphore, #tpu.memory_space<semaphore_mem>>) src(%dma_wait3A_76 : memref<80xi32, #tpu.memory_space<hbm>>) dst(%arg16 : memref<80xi32, #tpu.memory_space<vmem>>)
        tpu.yield
      }) : () -> ()
      %dma_start3A_50 = arith.constant 0 : i32
      %dma_start3A_51 = arith.constant 0 : i32
      %dma_start3A_52 = tpu.memref_slice %arg2[%dma_start3A_50, %dma_start3A_51] : memref<10240x128xf32, #tpu.memory_space<hbm>> -> memref<10240x128xf32, #tpu.memory_space<hbm>>
      tpu.enqueue_indirect_dma source(%dma_start3A_52 : memref<10240x128xf32, #tpu.memory_space<hbm>>) target(%arg20 : memref<80x128xf32, #tpu.memory_space<vmem>>) offsets(%arg12 : memref<80xi32, #tpu.memory_space<vmem>>) semaphore(%arg28 : memref<!tpu.dma_semaphore, #tpu.memory_space<semaphore_mem>>)
      %run_scoped3A_53 = arith.constant 3 : i32
      "tpu.region"() ({
        %run_scoped3A_65 = tpu.sem_alloc : memref<!tpu.dma_semaphore, #tpu.memory_space<semaphore_mem>>
        %dma_start3A_66 = arith.constant 0 : i32
        %dma_start3A_67 = tpu.memref_slice %arg4[%arg1, %run_scoped3A_53, %dma_start3A_66] : memref<16x250x80xi32, #tpu.memory_space<hbm>> -> memref<1x1x80xi32, #tpu.memory_space<hbm>>
        %dma_start3A_68 = tpu.memref_squeeze %dma_start3A_67 : memref<1x1x80xi32, #tpu.memory_space<hbm>> -> memref<80xi32, #tpu.memory_space<hbm>>
        %dma_start3A_69 = arith.constant 0 : i32
        %dma_start3A_70 = tpu.memref_slice %arg4[%arg1, %run_scoped3A_53, %dma_start3A_69] : memref<16x250x80xi32, #tpu.memory_space<hbm>> -> memref<1x1x80xi32, #tpu.memory_space<hbm>>
        %dma_start3A_71 = tpu.memref_squeeze %dma_start3A_70 : memref<1x1x80xi32, #tpu.memory_space<hbm>> -> memref<80xi32, #tpu.memory_space<hbm>>
        tpu.enqueue_dma source(%dma_start3A_71 : memref<80xi32, #tpu.memory_space<hbm>>) target(%arg13 : memref<80xi32, #tpu.memory_space<vmem>>) target_semaphore(%run_scoped3A_65 : memref<!tpu.dma_semaphore, #tpu.memory_space<semaphore_mem>>)
        %dma_wait3A = arith.constant 0 : i32
        %dma_wait3A_72 = tpu.memref_slice %arg4[%arg1, %run_scoped3A_53, %dma_wait3A] : memref<16x250x80xi32, #tpu.memory_space<hbm>> -> memref<1x1x80xi32, #tpu.memory_space<hbm>>
        %dma_wait3A_73 = tpu.memref_squeeze %dma_wait3A_72 : memref<1x1x80xi32, #tpu.memory_space<hbm>> -> memref<80xi32, #tpu.memory_space<hbm>>
        %dma_wait3A_74 = arith.constant 0 : i32
        %dma_wait3A_75 = tpu.memref_slice %arg4[%arg1, %run_scoped3A_53, %dma_wait3A_74] : memref<16x250x80xi32, #tpu.memory_space<hbm>> -> memref<1x1x80xi32, #tpu.memory_space<hbm>>
        %dma_wait3A_76 = tpu.memref_squeeze %dma_wait3A_75 : memref<1x1x80xi32, #tpu.memory_space<hbm>> -> memref<80xi32, #tpu.memory_space<hbm>>
        tpu.wait_dma2 semaphore(%run_scoped3A_65 : memref<!tpu.dma_semaphore, #tpu.memory_space<semaphore_mem>>) src(%dma_wait3A_76 : memref<80xi32, #tpu.memory_space<hbm>>) dst(%arg13 : memref<80xi32, #tpu.memory_space<vmem>>)
        tpu.yield
      }) : () -> ()
      %run_scoped3A_54 = arith.constant 3 : i32
      "tpu.region"() ({
        %run_scoped3A_65 = tpu.sem_alloc : memref<!tpu.dma_semaphore, #tpu.memory_space<semaphore_mem>>
        %dma_start3A_66 = arith.constant 0 : i32
        %dma_start3A_67 = tpu.memref_slice %arg5[%arg1, %run_scoped3A_54, %dma_start3A_66] : memref<16x250x80xi32, #tpu.memory_space<hbm>> -> memref<1x1x80xi32, #tpu.memory_space<hbm>>
        %dma_start3A_68 = tpu.memref_squeeze %dma_start3A_67 : memref<1x1x80xi32, #tpu.memory_space<hbm>> -> memref<80xi32, #tpu.memory_space<hbm>>
        %dma_start3A_69 = arith.constant 0 : i32
        %dma_start3A_70 = tpu.memref_slice %arg5[%arg1, %run_scoped3A_54, %dma_start3A_69] : memref<16x250x80xi32, #tpu.memory_space<hbm>> -> memref<1x1x80xi32, #tpu.memory_space<hbm>>
        %dma_start3A_71 = tpu.memref_squeeze %dma_start3A_70 : memref<1x1x80xi32, #tpu.memory_space<hbm>> -> memref<80xi32, #tpu.memory_space<hbm>>
        tpu.enqueue_dma source(%dma_start3A_71 : memref<80xi32, #tpu.memory_space<hbm>>) target(%arg17 : memref<80xi32, #tpu.memory_space<vmem>>) target_semaphore(%run_scoped3A_65 : memref<!tpu.dma_semaphore, #tpu.memory_space<semaphore_mem>>)
        %dma_wait3A = arith.constant 0 : i32
        %dma_wait3A_72 = tpu.memref_slice %arg5[%arg1, %run_scoped3A_54, %dma_wait3A] : memref<16x250x80xi32, #tpu.memory_space<hbm>> -> memref<1x1x80xi32, #tpu.memory_space<hbm>>
        %dma_wait3A_73 = tpu.memref_squeeze %dma_wait3A_72 : memref<1x1x80xi32, #tpu.memory_space<hbm>> -> memref<80xi32, #tpu.memory_space<hbm>>
        %dma_wait3A_74 = arith.constant 0 : i32
        %dma_wait3A_75 = tpu.memref_slice %arg5[%arg1, %run_scoped3A_54, %dma_wait3A_74] : memref<16x250x80xi32, #tpu.memory_space<hbm>> -> memref<1x1x80xi32, #tpu.memory_space<hbm>>
        %dma_wait3A_76 = tpu.memref_squeeze %dma_wait3A_75 : memref<1x1x80xi32, #tpu.memory_space<hbm>> -> memref<80xi32, #tpu.memory_space<hbm>>
        tpu.wait_dma2 semaphore(%run_scoped3A_65 : memref<!tpu.dma_semaphore, #tpu.memory_space<semaphore_mem>>) src(%dma_wait3A_76 : memref<80xi32, #tpu.memory_space<hbm>>) dst(%arg17 : memref<80xi32, #tpu.memory_space<vmem>>)
        tpu.yield
      }) : () -> ()
      %dma_start3A_55 = arith.constant 0 : i32
      %dma_start3A_56 = arith.constant 0 : i32
      %dma_start3A_57 = tpu.memref_slice %arg2[%dma_start3A_55, %dma_start3A_56] : memref<10240x128xf32, #tpu.memory_space<hbm>> -> memref<10240x128xf32, #tpu.memory_space<hbm>>
      tpu.enqueue_indirect_dma source(%dma_start3A_57 : memref<10240x128xf32, #tpu.memory_space<hbm>>) target(%arg21 : memref<80x128xf32, #tpu.memory_space<vmem>>) offsets(%arg13 : memref<80xi32, #tpu.memory_space<vmem>>) semaphore(%arg29 : memref<!tpu.dma_semaphore, #tpu.memory_space<semaphore_mem>>)
      %scan3A_58 = arith.constant 0 : i32
      %scan3A_59 = arith.constant 0 : i32
      %scan3A_60 = arith.constant 63 : i32
      %scan3A_61 = arith.addi %scan3A_59, %scan3A_60 : i32
      %scan3A_62 = arith.constant 1 : i32
      %scan3A_63 = scf.for %scan3A_65 = %scan3A_59 to %scan3A_61 step %scan3A_62 iter_args(%scan3A_66 = %scan3A_58) -> (i32)  : i32 {
        %mul3A_67 = arith.constant 4 : i32
        %mul3A_68 = arith.muli %scan3A_65, %mul3A_67 : i32
        %add3A_69 = arith.constant 0 : i32
        %add3A_70 = arith.addi %mul3A_68, %add3A_69 : i32
        %lt3A = arith.constant 250 : i32
        %lt3A_71 = arith.cmpi slt, %add3A_70, %lt3A : i32
        %convert_element_type3A_72 = arith.extui %lt3A_71 : i1 to i32
        %cond3A_73 = arith.constant 0 : i32
        %cond3A_74 = arith.cmpi ne, %convert_element_type3A_72, %cond3A_73 : i32
        scf.if %cond3A_74 {
          %dma_wait3A = arith.constant 0 : i32
          %dma_wait3A_133 = arith.constant 0 : i32
          %dma_wait3A_134 = tpu.memref_slice %arg2[%dma_wait3A, %dma_wait3A_133] : memref<10240x128xf32, #tpu.memory_space<hbm>> -> memref<10240x128xf32, #tpu.memory_space<hbm>>
          tpu.wait_indirect_dma semaphore(%arg26 : memref<!tpu.dma_semaphore, #tpu.memory_space<semaphore_mem>>) src(%dma_wait3A_134 : memref<10240x128xf32, #tpu.memory_space<hbm>>) dst(%arg18 : memref<80x128xf32, #tpu.memory_space<vmem>>)
          %dma_start3A_135 = arith.constant 0 : i32
          %dma_start3A_136 = arith.constant 0 : i32
          %dma_start3A_137 = tpu.memref_slice %arg24[%dma_start3A_135, %dma_start3A_136] : memref<10240x128xf32, #tpu.memory_space<vmem_shared>> -> memref<10240x128xf32, #tpu.memory_space<vmem_shared>>
          tpu.enqueue_indirect_dma source(%arg18 : memref<80x128xf32, #tpu.memory_space<vmem>>) target(%dma_start3A_137 : memref<10240x128xf32, #tpu.memory_space<vmem_shared>>) offsets(%arg14 : memref<80xi32, #tpu.memory_space<vmem>>) semaphore(%arg30 : memref<!tpu.dma_semaphore, #tpu.memory_space<semaphore_mem>>) {add = true}
        } else {
        }
        %ge3A = arith.constant 1 : i32
        %ge3A_75 = arith.cmpi sge, %add3A_70, %ge3A : i32
        %lt3A_76 = arith.constant 251 : i32
        %lt3A_77 = arith.cmpi slt, %add3A_70, %lt3A_76 : i32
        %and3A = arith.andi %ge3A_75, %lt3A_77 : i1
        %convert_element_type3A_78 = arith.extui %and3A : i1 to i32
        %cond3A_79 = arith.constant 0 : i32
        %cond3A_80 = arith.cmpi ne, %convert_element_type3A_78, %cond3A_79 : i32
        scf.if %cond3A_80 {
          %dma_wait3A = arith.constant 0 : i32
          %dma_wait3A_133 = arith.constant 0 : i32
          %dma_wait3A_134 = tpu.memref_slice %arg24[%dma_wait3A, %dma_wait3A_133] : memref<10240x128xf32, #tpu.memory_space<vmem_shared>> -> memref<10240x128xf32, #tpu.memory_space<vmem_shared>>
          tpu.wait_indirect_dma semaphore(%arg33 : memref<!tpu.dma_semaphore, #tpu.memory_space<semaphore_mem>>) src(%arg21 : memref<80x128xf32, #tpu.memory_space<vmem>>) dst(%dma_wait3A_134 : memref<10240x128xf32, #tpu.memory_space<vmem_shared>>)
          %sub3A = arith.constant 1 : i32
          %sub3A_135 = arith.subi %add3A_70, %sub3A : i32
          %add3A_136 = arith.constant 4 : i32
          %add3A_137 = arith.addi %sub3A_135, %add3A_136 : i32
          %lt3A_138 = arith.constant 250 : i32
          %lt3A_139 = arith.cmpi slt, %add3A_137, %lt3A_138 : i32
          %convert_element_type3A_140 = arith.extui %lt3A_139 : i1 to i32
          %cond3A_141 = arith.constant 0 : i32
          %cond3A_142 = arith.cmpi ne, %convert_element_type3A_140, %cond3A_141 : i32
          scf.if %cond3A_142 {
            "tpu.region"() ({
              %run_scoped3A_146 = tpu.sem_alloc : memref<!tpu.dma_semaphore, #tpu.memory_space<semaphore_mem>>
              %dma_start3A_147 = arith.constant 0 : i32
              %dma_start3A_148 = tpu.memref_slice %arg4[%arg1, %add3A_137, %dma_start3A_147] : memref<16x250x80xi32, #tpu.memory_space<hbm>> -> memref<1x1x80xi32, #tpu.memory_space<hbm>>
              %dma_start3A_149 = tpu.memref_squeeze %dma_start3A_148 : memref<1x1x80xi32, #tpu.memory_space<hbm>> -> memref<80xi32, #tpu.memory_space<hbm>>
              %dma_start3A_150 = arith.constant 0 : i32
              %dma_start3A_151 = tpu.memref_slice %arg4[%arg1, %add3A_137, %dma_start3A_150] : memref<16x250x80xi32, #tpu.memory_space<hbm>> -> memref<1x1x80xi32, #tpu.memory_space<hbm>>
              %dma_start3A_152 = tpu.memref_squeeze %dma_start3A_151 : memref<1x1x80xi32, #tpu.memory_space<hbm>> -> memref<80xi32, #tpu.memory_space<hbm>>
              tpu.enqueue_dma source(%dma_start3A_152 : memref<80xi32, #tpu.memory_space<hbm>>) target(%arg13 : memref<80xi32, #tpu.memory_space<vmem>>) target_semaphore(%run_scoped3A_146 : memref<!tpu.dma_semaphore, #tpu.memory_space<semaphore_mem>>)
              %dma_wait3A_153 = arith.constant 0 : i32
              %dma_wait3A_154 = tpu.memref_slice %arg4[%arg1, %add3A_137, %dma_wait3A_153] : memref<16x250x80xi32, #tpu.memory_space<hbm>> -> memref<1x1x80xi32, #tpu.memory_space<hbm>>
              %dma_wait3A_155 = tpu.memref_squeeze %dma_wait3A_154 : memref<1x1x80xi32, #tpu.memory_space<hbm>> -> memref<80xi32, #tpu.memory_space<hbm>>
              %dma_wait3A_156 = arith.constant 0 : i32
              %dma_wait3A_157 = tpu.memref_slice %arg4[%arg1, %add3A_137, %dma_wait3A_156] : memref<16x250x80xi32, #tpu.memory_space<hbm>> -> memref<1x1x80xi32, #tpu.memory_space<hbm>>
              %dma_wait3A_158 = tpu.memref_squeeze %dma_wait3A_157 : memref<1x1x80xi32, #tpu.memory_space<hbm>> -> memref<80xi32, #tpu.memory_space<hbm>>
              tpu.wait_dma2 semaphore(%run_scoped3A_146 : memref<!tpu.dma_semaphore, #tpu.memory_space<semaphore_mem>>) src(%dma_wait3A_158 : memref<80xi32, #tpu.memory_space<hbm>>) dst(%arg13 : memref<80xi32, #tpu.memory_space<vmem>>)
              tpu.yield
            }) : () -> ()
            "tpu.region"() ({
              %run_scoped3A_146 = tpu.sem_alloc : memref<!tpu.dma_semaphore, #tpu.memory_space<semaphore_mem>>
              %dma_start3A_147 = arith.constant 0 : i32
              %dma_start3A_148 = tpu.memref_slice %arg5[%arg1, %add3A_137, %dma_start3A_147] : memref<16x250x80xi32, #tpu.memory_space<hbm>> -> memref<1x1x80xi32, #tpu.memory_space<hbm>>
              %dma_start3A_149 = tpu.memref_squeeze %dma_start3A_148 : memref<1x1x80xi32, #tpu.memory_space<hbm>> -> memref<80xi32, #tpu.memory_space<hbm>>
              %dma_start3A_150 = arith.constant 0 : i32
              %dma_start3A_151 = tpu.memref_slice %arg5[%arg1, %add3A_137, %dma_start3A_150] : memref<16x250x80xi32, #tpu.memory_space<hbm>> -> memref<1x1x80xi32, #tpu.memory_space<hbm>>
              %dma_start3A_152 = tpu.memref_squeeze %dma_start3A_151 : memref<1x1x80xi32, #tpu.memory_space<hbm>> -> memref<80xi32, #tpu.memory_space<hbm>>
              tpu.enqueue_dma source(%dma_start3A_152 : memref<80xi32, #tpu.memory_space<hbm>>) target(%arg17 : memref<80xi32, #tpu.memory_space<vmem>>) target_semaphore(%run_scoped3A_146 : memref<!tpu.dma_semaphore, #tpu.memory_space<semaphore_mem>>)
              %dma_wait3A_153 = arith.constant 0 : i32
              %dma_wait3A_154 = tpu.memref_slice %arg5[%arg1, %add3A_137, %dma_wait3A_153] : memref<16x250x80xi32, #tpu.memory_space<hbm>> -> memref<1x1x80xi32, #tpu.memory_space<hbm>>
              %dma_wait3A_155 = tpu.memref_squeeze %dma_wait3A_154 : memref<1x1x80xi32, #tpu.memory_space<hbm>> -> memref<80xi32, #tpu.memory_space<hbm>>
              %dma_wait3A_156 = arith.constant 0 : i32
              %dma_wait3A_157 = tpu.memref_slice %arg5[%arg1, %add3A_137, %dma_wait3A_156] : memref<16x250x80xi32, #tpu.memory_space<hbm>> -> memref<1x1x80xi32, #tpu.memory_space<hbm>>
              %dma_wait3A_158 = tpu.memref_squeeze %dma_wait3A_157 : memref<1x1x80xi32, #tpu.memory_space<hbm>> -> memref<80xi32, #tpu.memory_space<hbm>>
              tpu.wait_dma2 semaphore(%run_scoped3A_146 : memref<!tpu.dma_semaphore, #tpu.memory_space<semaphore_mem>>) src(%dma_wait3A_158 : memref<80xi32, #tpu.memory_space<hbm>>) dst(%arg17 : memref<80xi32, #tpu.memory_space<vmem>>)
              tpu.yield
            }) : () -> ()
            %dma_start3A_143 = arith.constant 0 : i32
            %dma_start3A_144 = arith.constant 0 : i32
            %dma_start3A_145 = tpu.memref_slice %arg2[%dma_start3A_143, %dma_start3A_144] : memref<10240x128xf32, #tpu.memory_space<hbm>> -> memref<10240x128xf32, #tpu.memory_space<hbm>>
            tpu.enqueue_indirect_dma source(%dma_start3A_145 : memref<10240x128xf32, #tpu.memory_space<hbm>>) target(%arg21 : memref<80x128xf32, #tpu.memory_space<vmem>>) offsets(%arg13 : memref<80xi32, #tpu.memory_space<vmem>>) semaphore(%arg29 : memref<!tpu.dma_semaphore, #tpu.memory_space<semaphore_mem>>)
          } else {
          }
        } else {
        }
        %mul3A_81 = arith.constant 4 : i32
        %mul3A_82 = arith.muli %scan3A_65, %mul3A_81 : i32
        %add3A_83 = arith.constant 1 : i32
        %add3A_84 = arith.addi %mul3A_82, %add3A_83 : i32
        %lt3A_85 = arith.constant 250 : i32
        %lt3A_86 = arith.cmpi slt, %add3A_84, %lt3A_85 : i32
        %convert_element_type3A_87 = arith.extui %lt3A_86 : i1 to i32
        %cond3A_88 = arith.constant 0 : i32
        %cond3A_89 = arith.cmpi ne, %convert_element_type3A_87, %cond3A_88 : i32
        scf.if %cond3A_89 {
          %dma_wait3A = arith.constant 0 : i32
          %dma_wait3A_133 = arith.constant 0 : i32
          %dma_wait3A_134 = tpu.memref_slice %arg2[%dma_wait3A, %dma_wait3A_133] : memref<10240x128xf32, #tpu.memory_space<hbm>> -> memref<10240x128xf32, #tpu.memory_space<hbm>>
          tpu.wait_indirect_dma semaphore(%arg27 : memref<!tpu.dma_semaphore, #tpu.memory_space<semaphore_mem>>) src(%dma_wait3A_134 : memref<10240x128xf32, #tpu.memory_space<hbm>>) dst(%arg19 : memref<80x128xf32, #tpu.memory_space<vmem>>)
          %dma_start3A_135 = arith.constant 0 : i32
          %dma_start3A_136 = arith.constant 0 : i32
          %dma_start3A_137 = tpu.memref_slice %arg24[%dma_start3A_135, %dma_start3A_136] : memref<10240x128xf32, #tpu.memory_space<vmem_shared>> -> memref<10240x128xf32, #tpu.memory_space<vmem_shared>>
          tpu.enqueue_indirect_dma source(%arg19 : memref<80x128xf32, #tpu.memory_space<vmem>>) target(%dma_start3A_137 : memref<10240x128xf32, #tpu.memory_space<vmem_shared>>) offsets(%arg15 : memref<80xi32, #tpu.memory_space<vmem>>) semaphore(%arg31 : memref<!tpu.dma_semaphore, #tpu.memory_space<semaphore_mem>>) {add = true}
        } else {
        }
        %ge3A_90 = arith.constant 1 : i32
        %ge3A_91 = arith.cmpi sge, %add3A_84, %ge3A_90 : i32
        %lt3A_92 = arith.constant 251 : i32
        %lt3A_93 = arith.cmpi slt, %add3A_84, %lt3A_92 : i32
        %and3A_94 = arith.andi %ge3A_91, %lt3A_93 : i1
        %convert_element_type3A_95 = arith.extui %and3A_94 : i1 to i32
        %cond3A_96 = arith.constant 0 : i32
        %cond3A_97 = arith.cmpi ne, %convert_element_type3A_95, %cond3A_96 : i32
        scf.if %cond3A_97 {
          %dma_wait3A = arith.constant 0 : i32
          %dma_wait3A_133 = arith.constant 0 : i32
          %dma_wait3A_134 = tpu.memref_slice %arg24[%dma_wait3A, %dma_wait3A_133] : memref<10240x128xf32, #tpu.memory_space<vmem_shared>> -> memref<10240x128xf32, #tpu.memory_space<vmem_shared>>
          tpu.wait_indirect_dma semaphore(%arg30 : memref<!tpu.dma_semaphore, #tpu.memory_space<semaphore_mem>>) src(%arg18 : memref<80x128xf32, #tpu.memory_space<vmem>>) dst(%dma_wait3A_134 : memref<10240x128xf32, #tpu.memory_space<vmem_shared>>)
          %sub3A = arith.constant 1 : i32
          %sub3A_135 = arith.subi %add3A_84, %sub3A : i32
          %add3A_136 = arith.constant 4 : i32
          %add3A_137 = arith.addi %sub3A_135, %add3A_136 : i32
          %lt3A_138 = arith.constant 250 : i32
          %lt3A_139 = arith.cmpi slt, %add3A_137, %lt3A_138 : i32
          %convert_element_type3A_140 = arith.extui %lt3A_139 : i1 to i32
          %cond3A_141 = arith.constant 0 : i32
          %cond3A_142 = arith.cmpi ne, %convert_element_type3A_140, %cond3A_141 : i32
          scf.if %cond3A_142 {
            "tpu.region"() ({
              %run_scoped3A_146 = tpu.sem_alloc : memref<!tpu.dma_semaphore, #tpu.memory_space<semaphore_mem>>
              %dma_start3A_147 = arith.constant 0 : i32
              %dma_start3A_148 = tpu.memref_slice %arg4[%arg1, %add3A_137, %dma_start3A_147] : memref<16x250x80xi32, #tpu.memory_space<hbm>> -> memref<1x1x80xi32, #tpu.memory_space<hbm>>
              %dma_start3A_149 = tpu.memref_squeeze %dma_start3A_148 : memref<1x1x80xi32, #tpu.memory_space<hbm>> -> memref<80xi32, #tpu.memory_space<hbm>>
              %dma_start3A_150 = arith.constant 0 : i32
              %dma_start3A_151 = tpu.memref_slice %arg4[%arg1, %add3A_137, %dma_start3A_150] : memref<16x250x80xi32, #tpu.memory_space<hbm>> -> memref<1x1x80xi32, #tpu.memory_space<hbm>>
              %dma_start3A_152 = tpu.memref_squeeze %dma_start3A_151 : memref<1x1x80xi32, #tpu.memory_space<hbm>> -> memref<80xi32, #tpu.memory_space<hbm>>
              tpu.enqueue_dma source(%dma_start3A_152 : memref<80xi32, #tpu.memory_space<hbm>>) target(%arg10 : memref<80xi32, #tpu.memory_space<vmem>>) target_semaphore(%run_scoped3A_146 : memref<!tpu.dma_semaphore, #tpu.memory_space<semaphore_mem>>)
              %dma_wait3A_153 = arith.constant 0 : i32
              %dma_wait3A_154 = tpu.memref_slice %arg4[%arg1, %add3A_137, %dma_wait3A_153] : memref<16x250x80xi32, #tpu.memory_space<hbm>> -> memref<1x1x80xi32, #tpu.memory_space<hbm>>
              %dma_wait3A_155 = tpu.memref_squeeze %dma_wait3A_154 : memref<1x1x80xi32, #tpu.memory_space<hbm>> -> memref<80xi32, #tpu.memory_space<hbm>>
              %dma_wait3A_156 = arith.constant 0 : i32
              %dma_wait3A_157 = tpu.memref_slice %arg4[%arg1, %add3A_137, %dma_wait3A_156] : memref<16x250x80xi32, #tpu.memory_space<hbm>> -> memref<1x1x80xi32, #tpu.memory_space<hbm>>
              %dma_wait3A_158 = tpu.memref_squeeze %dma_wait3A_157 : memref<1x1x80xi32, #tpu.memory_space<hbm>> -> memref<80xi32, #tpu.memory_space<hbm>>
              tpu.wait_dma2 semaphore(%run_scoped3A_146 : memref<!tpu.dma_semaphore, #tpu.memory_space<semaphore_mem>>) src(%dma_wait3A_158 : memref<80xi32, #tpu.memory_space<hbm>>) dst(%arg10 : memref<80xi32, #tpu.memory_space<vmem>>)
              tpu.yield
            }) : () -> ()
            "tpu.region"() ({
              %run_scoped3A_146 = tpu.sem_alloc : memref<!tpu.dma_semaphore, #tpu.memory_space<semaphore_mem>>
              %dma_start3A_147 = arith.constant 0 : i32
              %dma_start3A_148 = tpu.memref_slice %arg5[%arg1, %add3A_137, %dma_start3A_147] : memref<16x250x80xi32, #tpu.memory_space<hbm>> -> memref<1x1x80xi32, #tpu.memory_space<hbm>>
              %dma_start3A_149 = tpu.memref_squeeze %dma_start3A_148 : memref<1x1x80xi32, #tpu.memory_space<hbm>> -> memref<80xi32, #tpu.memory_space<hbm>>
              %dma_start3A_150 = arith.constant 0 : i32
              %dma_start3A_151 = tpu.memref_slice %arg5[%arg1, %add3A_137, %dma_start3A_150] : memref<16x250x80xi32, #tpu.memory_space<hbm>> -> memref<1x1x80xi32, #tpu.memory_space<hbm>>
              %dma_start3A_152 = tpu.memref_squeeze %dma_start3A_151 : memref<1x1x80xi32, #tpu.memory_space<hbm>> -> memref<80xi32, #tpu.memory_space<hbm>>
              tpu.enqueue_dma source(%dma_start3A_152 : memref<80xi32, #tpu.memory_space<hbm>>) target(%arg14 : memref<80xi32, #tpu.memory_space<vmem>>) target_semaphore(%run_scoped3A_146 : memref<!tpu.dma_semaphore, #tpu.memory_space<semaphore_mem>>)
              %dma_wait3A_153 = arith.constant 0 : i32
              %dma_wait3A_154 = tpu.memref_slice %arg5[%arg1, %add3A_137, %dma_wait3A_153] : memref<16x250x80xi32, #tpu.memory_space<hbm>> -> memref<1x1x80xi32, #tpu.memory_space<hbm>>
              %dma_wait3A_155 = tpu.memref_squeeze %dma_wait3A_154 : memref<1x1x80xi32, #tpu.memory_space<hbm>> -> memref<80xi32, #tpu.memory_space<hbm>>
              %dma_wait3A_156 = arith.constant 0 : i32
              %dma_wait3A_157 = tpu.memref_slice %arg5[%arg1, %add3A_137, %dma_wait3A_156] : memref<16x250x80xi32, #tpu.memory_space<hbm>> -> memref<1x1x80xi32, #tpu.memory_space<hbm>>
              %dma_wait3A_158 = tpu.memref_squeeze %dma_wait3A_157 : memref<1x1x80xi32, #tpu.memory_space<hbm>> -> memref<80xi32, #tpu.memory_space<hbm>>
              tpu.wait_dma2 semaphore(%run_scoped3A_146 : memref<!tpu.dma_semaphore, #tpu.memory_space<semaphore_mem>>) src(%dma_wait3A_158 : memref<80xi32, #tpu.memory_space<hbm>>) dst(%arg14 : memref<80xi32, #tpu.memory_space<vmem>>)
              tpu.yield
            }) : () -> ()
            %dma_start3A_143 = arith.constant 0 : i32
            %dma_start3A_144 = arith.constant 0 : i32
            %dma_start3A_145 = tpu.memref_slice %arg2[%dma_start3A_143, %dma_start3A_144] : memref<10240x128xf32, #tpu.memory_space<hbm>> -> memref<10240x128xf32, #tpu.memory_space<hbm>>
            tpu.enqueue_indirect_dma source(%dma_start3A_145 : memref<10240x128xf32, #tpu.memory_space<hbm>>) target(%arg18 : memref<80x128xf32, #tpu.memory_space<vmem>>) offsets(%arg10 : memref<80xi32, #tpu.memory_space<vmem>>) semaphore(%arg26 : memref<!tpu.dma_semaphore, #tpu.memory_space<semaphore_mem>>)
          } else {
          }
        } else {
        }
        %mul3A_98 = arith.constant 4 : i32
        %mul3A_99 = arith.muli %scan3A_65, %mul3A_98 : i32
        %add3A_100 = arith.constant 2 : i32
        %add3A_101 = arith.addi %mul3A_99, %add3A_100 : i32
        %lt3A_102 = arith.constant 250 : i32
        %lt3A_103 = arith.cmpi slt, %add3A_101, %lt3A_102 : i32
        %convert_element_type3A_104 = arith.extui %lt3A_103 : i1 to i32
        %cond3A_105 = arith.constant 0 : i32
        %cond3A_106 = arith.cmpi ne, %convert_element_type3A_104, %cond3A_105 : i32
        scf.if %cond3A_106 {
          %dma_wait3A = arith.constant 0 : i32
          %dma_wait3A_133 = arith.constant 0 : i32
          %dma_wait3A_134 = tpu.memref_slice %arg2[%dma_wait3A, %dma_wait3A_133] : memref<10240x128xf32, #tpu.memory_space<hbm>> -> memref<10240x128xf32, #tpu.memory_space<hbm>>
          tpu.wait_indirect_dma semaphore(%arg28 : memref<!tpu.dma_semaphore, #tpu.memory_space<semaphore_mem>>) src(%dma_wait3A_134 : memref<10240x128xf32, #tpu.memory_space<hbm>>) dst(%arg20 : memref<80x128xf32, #tpu.memory_space<vmem>>)
          %dma_start3A_135 = arith.constant 0 : i32
          %dma_start3A_136 = arith.constant 0 : i32
          %dma_start3A_137 = tpu.memref_slice %arg24[%dma_start3A_135, %dma_start3A_136] : memref<10240x128xf32, #tpu.memory_space<vmem_shared>> -> memref<10240x128xf32, #tpu.memory_space<vmem_shared>>
          tpu.enqueue_indirect_dma source(%arg20 : memref<80x128xf32, #tpu.memory_space<vmem>>) target(%dma_start3A_137 : memref<10240x128xf32, #tpu.memory_space<vmem_shared>>) offsets(%arg16 : memref<80xi32, #tpu.memory_space<vmem>>) semaphore(%arg32 : memref<!tpu.dma_semaphore, #tpu.memory_space<semaphore_mem>>) {add = true}
        } else {
        }
        %ge3A_107 = arith.constant 1 : i32
        %ge3A_108 = arith.cmpi sge, %add3A_101, %ge3A_107 : i32
        %lt3A_109 = arith.constant 251 : i32
        %lt3A_110 = arith.cmpi slt, %add3A_101, %lt3A_109 : i32
        %and3A_111 = arith.andi %ge3A_108, %lt3A_110 : i1
        %convert_element_type3A_112 = arith.extui %and3A_111 : i1 to i32
        %cond3A_113 = arith.constant 0 : i32
        %cond3A_114 = arith.cmpi ne, %convert_element_type3A_112, %cond3A_113 : i32
        scf.if %cond3A_114 {
          %dma_wait3A = arith.constant 0 : i32
          %dma_wait3A_133 = arith.constant 0 : i32
          %dma_wait3A_134 = tpu.memref_slice %arg24[%dma_wait3A, %dma_wait3A_133] : memref<10240x128xf32, #tpu.memory_space<vmem_shared>> -> memref<10240x128xf32, #tpu.memory_space<vmem_shared>>
          tpu.wait_indirect_dma semaphore(%arg31 : memref<!tpu.dma_semaphore, #tpu.memory_space<semaphore_mem>>) src(%arg19 : memref<80x128xf32, #tpu.memory_space<vmem>>) dst(%dma_wait3A_134 : memref<10240x128xf32, #tpu.memory_space<vmem_shared>>)
          %sub3A = arith.constant 1 : i32
          %sub3A_135 = arith.subi %add3A_101, %sub3A : i32
          %add3A_136 = arith.constant 4 : i32
          %add3A_137 = arith.addi %sub3A_135, %add3A_136 : i32
          %lt3A_138 = arith.constant 250 : i32
          %lt3A_139 = arith.cmpi slt, %add3A_137, %lt3A_138 : i32
          %convert_element_type3A_140 = arith.extui %lt3A_139 : i1 to i32
          %cond3A_141 = arith.constant 0 : i32
          %cond3A_142 = arith.cmpi ne, %convert_element_type3A_140, %cond3A_141 : i32
          scf.if %cond3A_142 {
            "tpu.region"() ({
              %run_scoped3A_146 = tpu.sem_alloc : memref<!tpu.dma_semaphore, #tpu.memory_space<semaphore_mem>>
              %dma_start3A_147 = arith.constant 0 : i32
              %dma_start3A_148 = tpu.memref_slice %arg4[%arg1, %add3A_137, %dma_start3A_147] : memref<16x250x80xi32, #tpu.memory_space<hbm>> -> memref<1x1x80xi32, #tpu.memory_space<hbm>>
              %dma_start3A_149 = tpu.memref_squeeze %dma_start3A_148 : memref<1x1x80xi32, #tpu.memory_space<hbm>> -> memref<80xi32, #tpu.memory_space<hbm>>
              %dma_start3A_150 = arith.constant 0 : i32
              %dma_start3A_151 = tpu.memref_slice %arg4[%arg1, %add3A_137, %dma_start3A_150] : memref<16x250x80xi32, #tpu.memory_space<hbm>> -> memref<1x1x80xi32, #tpu.memory_space<hbm>>
              %dma_start3A_152 = tpu.memref_squeeze %dma_start3A_151 : memref<1x1x80xi32, #tpu.memory_space<hbm>> -> memref<80xi32, #tpu.memory_space<hbm>>
              tpu.enqueue_dma source(%dma_start3A_152 : memref<80xi32, #tpu.memory_space<hbm>>) target(%arg11 : memref<80xi32, #tpu.memory_space<vmem>>) target_semaphore(%run_scoped3A_146 : memref<!tpu.dma_semaphore, #tpu.memory_space<semaphore_mem>>)
              %dma_wait3A_153 = arith.constant 0 : i32
              %dma_wait3A_154 = tpu.memref_slice %arg4[%arg1, %add3A_137, %dma_wait3A_153] : memref<16x250x80xi32, #tpu.memory_space<hbm>> -> memref<1x1x80xi32, #tpu.memory_space<hbm>>
              %dma_wait3A_155 = tpu.memref_squeeze %dma_wait3A_154 : memref<1x1x80xi32, #tpu.memory_space<hbm>> -> memref<80xi32, #tpu.memory_space<hbm>>
              %dma_wait3A_156 = arith.constant 0 : i32
              %dma_wait3A_157 = tpu.memref_slice %arg4[%arg1, %add3A_137, %dma_wait3A_156] : memref<16x250x80xi32, #tpu.memory_space<hbm>> -> memref<1x1x80xi32, #tpu.memory_space<hbm>>
              %dma_wait3A_158 = tpu.memref_squeeze %dma_wait3A_157 : memref<1x1x80xi32, #tpu.memory_space<hbm>> -> memref<80xi32, #tpu.memory_space<hbm>>
              tpu.wait_dma2 semaphore(%run_scoped3A_146 : memref<!tpu.dma_semaphore, #tpu.memory_space<semaphore_mem>>) src(%dma_wait3A_158 : memref<80xi32, #tpu.memory_space<hbm>>) dst(%arg11 : memref<80xi32, #tpu.memory_space<vmem>>)
              tpu.yield
            }) : () -> ()
            "tpu.region"() ({
              %run_scoped3A_146 = tpu.sem_alloc : memref<!tpu.dma_semaphore, #tpu.memory_space<semaphore_mem>>
              %dma_start3A_147 = arith.constant 0 : i32
              %dma_start3A_148 = tpu.memref_slice %arg5[%arg1, %add3A_137, %dma_start3A_147] : memref<16x250x80xi32, #tpu.memory_space<hbm>> -> memref<1x1x80xi32, #tpu.memory_space<hbm>>
              %dma_start3A_149 = tpu.memref_squeeze %dma_start3A_148 : memref<1x1x80xi32, #tpu.memory_space<hbm>> -> memref<80xi32, #tpu.memory_space<hbm>>
              %dma_start3A_150 = arith.constant 0 : i32
              %dma_start3A_151 = tpu.memref_slice %arg5[%arg1, %add3A_137, %dma_start3A_150] : memref<16x250x80xi32, #tpu.memory_space<hbm>> -> memref<1x1x80xi32, #tpu.memory_space<hbm>>
              %dma_start3A_152 = tpu.memref_squeeze %dma_start3A_151 : memref<1x1x80xi32, #tpu.memory_space<hbm>> -> memref<80xi32, #tpu.memory_space<hbm>>
              tpu.enqueue_dma source(%dma_start3A_152 : memref<80xi32, #tpu.memory_space<hbm>>) target(%arg15 : memref<80xi32, #tpu.memory_space<vmem>>) target_semaphore(%run_scoped3A_146 : memref<!tpu.dma_semaphore, #tpu.memory_space<semaphore_mem>>)
              %dma_wait3A_153 = arith.constant 0 : i32
              %dma_wait3A_154 = tpu.memref_slice %arg5[%arg1, %add3A_137, %dma_wait3A_153] : memref<16x250x80xi32, #tpu.memory_space<hbm>> -> memref<1x1x80xi32, #tpu.memory_space<hbm>>
              %dma_wait3A_155 = tpu.memref_squeeze %dma_wait3A_154 : memref<1x1x80xi32, #tpu.memory_space<hbm>> -> memref<80xi32, #tpu.memory_space<hbm>>
              %dma_wait3A_156 = arith.constant 0 : i32
              %dma_wait3A_157 = tpu.memref_slice %arg5[%arg1, %add3A_137, %dma_wait3A_156] : memref<16x250x80xi32, #tpu.memory_space<hbm>> -> memref<1x1x80xi32, #tpu.memory_space<hbm>>
              %dma_wait3A_158 = tpu.memref_squeeze %dma_wait3A_157 : memref<1x1x80xi32, #tpu.memory_space<hbm>> -> memref<80xi32, #tpu.memory_space<hbm>>
              tpu.wait_dma2 semaphore(%run_scoped3A_146 : memref<!tpu.dma_semaphore, #tpu.memory_space<semaphore_mem>>) src(%dma_wait3A_158 : memref<80xi32, #tpu.memory_space<hbm>>) dst(%arg15 : memref<80xi32, #tpu.memory_space<vmem>>)
              tpu.yield
            }) : () -> ()
            %dma_start3A_143 = arith.constant 0 : i32
            %dma_start3A_144 = arith.constant 0 : i32
            %dma_start3A_145 = tpu.memref_slice %arg2[%dma_start3A_143, %dma_start3A_144] : memref<10240x128xf32, #tpu.memory_space<hbm>> -> memref<10240x128xf32, #tpu.memory_space<hbm>>
            tpu.enqueue_indirect_dma source(%dma_start3A_145 : memref<10240x128xf32, #tpu.memory_space<hbm>>) target(%arg19 : memref<80x128xf32, #tpu.memory_space<vmem>>) offsets(%arg11 : memref<80xi32, #tpu.memory_space<vmem>>) semaphore(%arg27 : memref<!tpu.dma_semaphore, #tpu.memory_space<semaphore_mem>>)
          } else {
          }
        } else {
        }
        %mul3A_115 = arith.constant 4 : i32
        %mul3A_116 = arith.muli %scan3A_65, %mul3A_115 : i32
        %add3A_117 = arith.constant 3 : i32
        %add3A_118 = arith.addi %mul3A_116, %add3A_117 : i32
        %lt3A_119 = arith.constant 250 : i32
        %lt3A_120 = arith.cmpi slt, %add3A_118, %lt3A_119 : i32
        %convert_element_type3A_121 = arith.extui %lt3A_120 : i1 to i32
        %cond3A_122 = arith.constant 0 : i32
        %cond3A_123 = arith.cmpi ne, %convert_element_type3A_121, %cond3A_122 : i32
        scf.if %cond3A_123 {
          %dma_wait3A = arith.constant 0 : i32
          %dma_wait3A_133 = arith.constant 0 : i32
          %dma_wait3A_134 = tpu.memref_slice %arg2[%dma_wait3A, %dma_wait3A_133] : memref<10240x128xf32, #tpu.memory_space<hbm>> -> memref<10240x128xf32, #tpu.memory_space<hbm>>
          tpu.wait_indirect_dma semaphore(%arg29 : memref<!tpu.dma_semaphore, #tpu.memory_space<semaphore_mem>>) src(%dma_wait3A_134 : memref<10240x128xf32, #tpu.memory_space<hbm>>) dst(%arg21 : memref<80x128xf32, #tpu.memory_space<vmem>>)
          %dma_start3A_135 = arith.constant 0 : i32
          %dma_start3A_136 = arith.constant 0 : i32
          %dma_start3A_137 = tpu.memref_slice %arg24[%dma_start3A_135, %dma_start3A_136] : memref<10240x128xf32, #tpu.memory_space<vmem_shared>> -> memref<10240x128xf32, #tpu.memory_space<vmem_shared>>
          tpu.enqueue_indirect_dma source(%arg21 : memref<80x128xf32, #tpu.memory_space<vmem>>) target(%dma_start3A_137 : memref<10240x128xf32, #tpu.memory_space<vmem_shared>>) offsets(%arg17 : memref<80xi32, #tpu.memory_space<vmem>>) semaphore(%arg33 : memref<!tpu.dma_semaphore, #tpu.memory_space<semaphore_mem>>) {add = true}
        } else {
        }
        %ge3A_124 = arith.constant 1 : i32
        %ge3A_125 = arith.cmpi sge, %add3A_118, %ge3A_124 : i32
        %lt3A_126 = arith.constant 251 : i32
        %lt3A_127 = arith.cmpi slt, %add3A_118, %lt3A_126 : i32
        %and3A_128 = arith.andi %ge3A_125, %lt3A_127 : i1
        %convert_element_type3A_129 = arith.extui %and3A_128 : i1 to i32
        %cond3A_130 = arith.constant 0 : i32
        %cond3A_131 = arith.cmpi ne, %convert_element_type3A_129, %cond3A_130 : i32
        scf.if %cond3A_131 {
          %dma_wait3A = arith.constant 0 : i32
          %dma_wait3A_133 = arith.constant 0 : i32
          %dma_wait3A_134 = tpu.memref_slice %arg24[%dma_wait3A, %dma_wait3A_133] : memref<10240x128xf32, #tpu.memory_space<vmem_shared>> -> memref<10240x128xf32, #tpu.memory_space<vmem_shared>>
          tpu.wait_indirect_dma semaphore(%arg32 : memref<!tpu.dma_semaphore, #tpu.memory_space<semaphore_mem>>) src(%arg20 : memref<80x128xf32, #tpu.memory_space<vmem>>) dst(%dma_wait3A_134 : memref<10240x128xf32, #tpu.memory_space<vmem_shared>>)
          %sub3A = arith.constant 1 : i32
          %sub3A_135 = arith.subi %add3A_118, %sub3A : i32
          %add3A_136 = arith.constant 4 : i32
          %add3A_137 = arith.addi %sub3A_135, %add3A_136 : i32
          %lt3A_138 = arith.constant 250 : i32
          %lt3A_139 = arith.cmpi slt, %add3A_137, %lt3A_138 : i32
          %convert_element_type3A_140 = arith.extui %lt3A_139 : i1 to i32
          %cond3A_141 = arith.constant 0 : i32
          %cond3A_142 = arith.cmpi ne, %convert_element_type3A_140, %cond3A_141 : i32
          scf.if %cond3A_142 {
            "tpu.region"() ({
              %run_scoped3A_146 = tpu.sem_alloc : memref<!tpu.dma_semaphore, #tpu.memory_space<semaphore_mem>>
              %dma_start3A_147 = arith.constant 0 : i32
              %dma_start3A_148 = tpu.memref_slice %arg4[%arg1, %add3A_137, %dma_start3A_147] : memref<16x250x80xi32, #tpu.memory_space<hbm>> -> memref<1x1x80xi32, #tpu.memory_space<hbm>>
              %dma_start3A_149 = tpu.memref_squeeze %dma_start3A_148 : memref<1x1x80xi32, #tpu.memory_space<hbm>> -> memref<80xi32, #tpu.memory_space<hbm>>
              %dma_start3A_150 = arith.constant 0 : i32
              %dma_start3A_151 = tpu.memref_slice %arg4[%arg1, %add3A_137, %dma_start3A_150] : memref<16x250x80xi32, #tpu.memory_space<hbm>> -> memref<1x1x80xi32, #tpu.memory_space<hbm>>
              %dma_start3A_152 = tpu.memref_squeeze %dma_start3A_151 : memref<1x1x80xi32, #tpu.memory_space<hbm>> -> memref<80xi32, #tpu.memory_space<hbm>>
              tpu.enqueue_dma source(%dma_start3A_152 : memref<80xi32, #tpu.memory_space<hbm>>) target(%arg12 : memref<80xi32, #tpu.memory_space<vmem>>) target_semaphore(%run_scoped3A_146 : memref<!tpu.dma_semaphore, #tpu.memory_space<semaphore_mem>>)
              %dma_wait3A_153 = arith.constant 0 : i32
              %dma_wait3A_154 = tpu.memref_slice %arg4[%arg1, %add3A_137, %dma_wait3A_153] : memref<16x250x80xi32, #tpu.memory_space<hbm>> -> memref<1x1x80xi32, #tpu.memory_space<hbm>>
              %dma_wait3A_155 = tpu.memref_squeeze %dma_wait3A_154 : memref<1x1x80xi32, #tpu.memory_space<hbm>> -> memref<80xi32, #tpu.memory_space<hbm>>
              %dma_wait3A_156 = arith.constant 0 : i32
              %dma_wait3A_157 = tpu.memref_slice %arg4[%arg1, %add3A_137, %dma_wait3A_156] : memref<16x250x80xi32, #tpu.memory_space<hbm>> -> memref<1x1x80xi32, #tpu.memory_space<hbm>>
              %dma_wait3A_158 = tpu.memref_squeeze %dma_wait3A_157 : memref<1x1x80xi32, #tpu.memory_space<hbm>> -> memref<80xi32, #tpu.memory_space<hbm>>
              tpu.wait_dma2 semaphore(%run_scoped3A_146 : memref<!tpu.dma_semaphore, #tpu.memory_space<semaphore_mem>>) src(%dma_wait3A_158 : memref<80xi32, #tpu.memory_space<hbm>>) dst(%arg12 : memref<80xi32, #tpu.memory_space<vmem>>)
              tpu.yield
            }) : () -> ()
            "tpu.region"() ({
              %run_scoped3A_146 = tpu.sem_alloc : memref<!tpu.dma_semaphore, #tpu.memory_space<semaphore_mem>>
              %dma_start3A_147 = arith.constant 0 : i32
              %dma_start3A_148 = tpu.memref_slice %arg5[%arg1, %add3A_137, %dma_start3A_147] : memref<16x250x80xi32, #tpu.memory_space<hbm>> -> memref<1x1x80xi32, #tpu.memory_space<hbm>>
              %dma_start3A_149 = tpu.memref_squeeze %dma_start3A_148 : memref<1x1x80xi32, #tpu.memory_space<hbm>> -> memref<80xi32, #tpu.memory_space<hbm>>
              %dma_start3A_150 = arith.constant 0 : i32
              %dma_start3A_151 = tpu.memref_slice %arg5[%arg1, %add3A_137, %dma_start3A_150] : memref<16x250x80xi32, #tpu.memory_space<hbm>> -> memref<1x1x80xi32, #tpu.memory_space<hbm>>
              %dma_start3A_152 = tpu.memref_squeeze %dma_start3A_151 : memref<1x1x80xi32, #tpu.memory_space<hbm>> -> memref<80xi32, #tpu.memory_space<hbm>>
              tpu.enqueue_dma source(%dma_start3A_152 : memref<80xi32, #tpu.memory_space<hbm>>) target(%arg16 : memref<80xi32, #tpu.memory_space<vmem>>) target_semaphore(%run_scoped3A_146 : memref<!tpu.dma_semaphore, #tpu.memory_space<semaphore_mem>>)
              %dma_wait3A_153 = arith.constant 0 : i32
              %dma_wait3A_154 = tpu.memref_slice %arg5[%arg1, %add3A_137, %dma_wait3A_153] : memref<16x250x80xi32, #tpu.memory_space<hbm>> -> memref<1x1x80xi32, #tpu.memory_space<hbm>>
              %dma_wait3A_155 = tpu.memref_squeeze %dma_wait3A_154 : memref<1x1x80xi32, #tpu.memory_space<hbm>> -> memref<80xi32, #tpu.memory_space<hbm>>
              %dma_wait3A_156 = arith.constant 0 : i32
              %dma_wait3A_157 = tpu.memref_slice %arg5[%arg1, %add3A_137, %dma_wait3A_156] : memref<16x250x80xi32, #tpu.memory_space<hbm>> -> memref<1x1x80xi32, #tpu.memory_space<hbm>>
              %dma_wait3A_158 = tpu.memref_squeeze %dma_wait3A_157 : memref<1x1x80xi32, #tpu.memory_space<hbm>> -> memref<80xi32, #tpu.memory_space<hbm>>
              tpu.wait_dma2 semaphore(%run_scoped3A_146 : memref<!tpu.dma_semaphore, #tpu.memory_space<semaphore_mem>>) src(%dma_wait3A_158 : memref<80xi32, #tpu.memory_space<hbm>>) dst(%arg16 : memref<80xi32, #tpu.memory_space<vmem>>)
              tpu.yield
            }) : () -> ()
            %dma_start3A_143 = arith.constant 0 : i32
            %dma_start3A_144 = arith.constant 0 : i32
            %dma_start3A_145 = tpu.memref_slice %arg2[%dma_start3A_143, %dma_start3A_144] : memref<10240x128xf32, #tpu.memory_space<hbm>> -> memref<10240x128xf32, #tpu.memory_space<hbm>>
            tpu.enqueue_indirect_dma source(%dma_start3A_145 : memref<10240x128xf32, #tpu.memory_space<hbm>>) target(%arg20 : memref<80x128xf32, #tpu.memory_space<vmem>>) offsets(%arg12 : memref<80xi32, #tpu.memory_space<vmem>>) semaphore(%arg28 : memref<!tpu.dma_semaphore, #tpu.memory_space<semaphore_mem>>)
          } else {
          }
        } else {
        }
        %scan3A_132 = arith.constant 0 : i32
        scf.yield %scan3A_132 : i32
      }
      %scan3A_64 = arith.constant 63 : i32
    } else {
    }
    %eq3A_24 = arith.constant 1 : i32
    %eq3A_25 = arith.cmpi eq, %arg0, %eq3A_24 : i32
    %convert_element_type3A_26 = arith.extui %eq3A_25 : i1 to i32
    %cond3A_27 = arith.constant 0 : i32
    %cond3A_28 = arith.cmpi ne, %convert_element_type3A_26, %cond3A_27 : i32
    scf.if %cond3A_28 {
      %run_scoped3A = arith.constant 0 : i32
      "tpu.region"() ({
        %run_scoped3A_65 = tpu.sem_alloc : memref<!tpu.dma_semaphore, #tpu.memory_space<semaphore_mem>>
        %dma_start3A_66 = arith.constant 0 : i32
        %dma_start3A_67 = tpu.memref_slice %arg6[%arg1, %run_scoped3A, %dma_start3A_66] : memref<16x250x80xi32, #tpu.memory_space<hbm>> -> memref<1x1x80xi32, #tpu.memory_space<hbm>>
        %dma_start3A_68 = tpu.memref_squeeze %dma_start3A_67 : memref<1x1x80xi32, #tpu.memory_space<hbm>> -> memref<80xi32, #tpu.memory_space<hbm>>
        %dma_start3A_69 = arith.constant 0 : i32
        %dma_start3A_70 = tpu.memref_slice %arg6[%arg1, %run_scoped3A, %dma_start3A_69] : memref<16x250x80xi32, #tpu.memory_space<hbm>> -> memref<1x1x80xi32, #tpu.memory_space<hbm>>
        %dma_start3A_71 = tpu.memref_squeeze %dma_start3A_70 : memref<1x1x80xi32, #tpu.memory_space<hbm>> -> memref<80xi32, #tpu.memory_space<hbm>>
        tpu.enqueue_dma source(%dma_start3A_71 : memref<80xi32, #tpu.memory_space<hbm>>) target(%arg10 : memref<80xi32, #tpu.memory_space<vmem>>) target_semaphore(%run_scoped3A_65 : memref<!tpu.dma_semaphore, #tpu.memory_space<semaphore_mem>>)
        %dma_wait3A = arith.constant 0 : i32
        %dma_wait3A_72 = tpu.memref_slice %arg6[%arg1, %run_scoped3A, %dma_wait3A] : memref<16x250x80xi32, #tpu.memory_space<hbm>> -> memref<1x1x80xi32, #tpu.memory_space<hbm>>
        %dma_wait3A_73 = tpu.memref_squeeze %dma_wait3A_72 : memref<1x1x80xi32, #tpu.memory_space<hbm>> -> memref<80xi32, #tpu.memory_space<hbm>>
        %dma_wait3A_74 = arith.constant 0 : i32
        %dma_wait3A_75 = tpu.memref_slice %arg6[%arg1, %run_scoped3A, %dma_wait3A_74] : memref<16x250x80xi32, #tpu.memory_space<hbm>> -> memref<1x1x80xi32, #tpu.memory_space<hbm>>
        %dma_wait3A_76 = tpu.memref_squeeze %dma_wait3A_75 : memref<1x1x80xi32, #tpu.memory_space<hbm>> -> memref<80xi32, #tpu.memory_space<hbm>>
        tpu.wait_dma2 semaphore(%run_scoped3A_65 : memref<!tpu.dma_semaphore, #tpu.memory_space<semaphore_mem>>) src(%dma_wait3A_76 : memref<80xi32, #tpu.memory_space<hbm>>) dst(%arg10 : memref<80xi32, #tpu.memory_space<vmem>>)
        tpu.yield
      }) : () -> ()
      %run_scoped3A_40 = arith.constant 0 : i32
      "tpu.region"() ({
        %run_scoped3A_65 = tpu.sem_alloc : memref<!tpu.dma_semaphore, #tpu.memory_space<semaphore_mem>>
        %dma_start3A_66 = arith.constant 0 : i32
        %dma_start3A_67 = tpu.memref_slice %arg7[%arg1, %run_scoped3A_40, %dma_start3A_66] : memref<16x250x80xi32, #tpu.memory_space<hbm>> -> memref<1x1x80xi32, #tpu.memory_space<hbm>>
        %dma_start3A_68 = tpu.memref_squeeze %dma_start3A_67 : memref<1x1x80xi32, #tpu.memory_space<hbm>> -> memref<80xi32, #tpu.memory_space<hbm>>
        %dma_start3A_69 = arith.constant 0 : i32
        %dma_start3A_70 = tpu.memref_slice %arg7[%arg1, %run_scoped3A_40, %dma_start3A_69] : memref<16x250x80xi32, #tpu.memory_space<hbm>> -> memref<1x1x80xi32, #tpu.memory_space<hbm>>
        %dma_start3A_71 = tpu.memref_squeeze %dma_start3A_70 : memref<1x1x80xi32, #tpu.memory_space<hbm>> -> memref<80xi32, #tpu.memory_space<hbm>>
        tpu.enqueue_dma source(%dma_start3A_71 : memref<80xi32, #tpu.memory_space<hbm>>) target(%arg14 : memref<80xi32, #tpu.memory_space<vmem>>) target_semaphore(%run_scoped3A_65 : memref<!tpu.dma_semaphore, #tpu.memory_space<semaphore_mem>>)
        %dma_wait3A = arith.constant 0 : i32
        %dma_wait3A_72 = tpu.memref_slice %arg7[%arg1, %run_scoped3A_40, %dma_wait3A] : memref<16x250x80xi32, #tpu.memory_space<hbm>> -> memref<1x1x80xi32, #tpu.memory_space<hbm>>
        %dma_wait3A_73 = tpu.memref_squeeze %dma_wait3A_72 : memref<1x1x80xi32, #tpu.memory_space<hbm>> -> memref<80xi32, #tpu.memory_space<hbm>>
        %dma_wait3A_74 = arith.constant 0 : i32
        %dma_wait3A_75 = tpu.memref_slice %arg7[%arg1, %run_scoped3A_40, %dma_wait3A_74] : memref<16x250x80xi32, #tpu.memory_space<hbm>> -> memref<1x1x80xi32, #tpu.memory_space<hbm>>
        %dma_wait3A_76 = tpu.memref_squeeze %dma_wait3A_75 : memref<1x1x80xi32, #tpu.memory_space<hbm>> -> memref<80xi32, #tpu.memory_space<hbm>>
        tpu.wait_dma2 semaphore(%run_scoped3A_65 : memref<!tpu.dma_semaphore, #tpu.memory_space<semaphore_mem>>) src(%dma_wait3A_76 : memref<80xi32, #tpu.memory_space<hbm>>) dst(%arg14 : memref<80xi32, #tpu.memory_space<vmem>>)
        tpu.yield
      }) : () -> ()
      %dma_start3A = arith.constant 0 : i32
      %dma_start3A_41 = arith.constant 0 : i32
      %dma_start3A_42 = tpu.memref_slice %arg3[%dma_start3A, %dma_start3A_41] : memref<10240x128xf32, #tpu.memory_space<hbm>> -> memref<10240x128xf32, #tpu.memory_space<hbm>>
      tpu.enqueue_indirect_dma source(%dma_start3A_42 : memref<10240x128xf32, #tpu.memory_space<hbm>>) target(%arg18 : memref<80x128xf32, #tpu.memory_space<vmem>>) offsets(%arg10 : memref<80xi32, #tpu.memory_space<vmem>>) semaphore(%arg26 : memref<!tpu.dma_semaphore, #tpu.memory_space<semaphore_mem>>)
      %run_scoped3A_43 = arith.constant 1 : i32
      "tpu.region"() ({
        %run_scoped3A_65 = tpu.sem_alloc : memref<!tpu.dma_semaphore, #tpu.memory_space<semaphore_mem>>
        %dma_start3A_66 = arith.constant 0 : i32
        %dma_start3A_67 = tpu.memref_slice %arg6[%arg1, %run_scoped3A_43, %dma_start3A_66] : memref<16x250x80xi32, #tpu.memory_space<hbm>> -> memref<1x1x80xi32, #tpu.memory_space<hbm>>
        %dma_start3A_68 = tpu.memref_squeeze %dma_start3A_67 : memref<1x1x80xi32, #tpu.memory_space<hbm>> -> memref<80xi32, #tpu.memory_space<hbm>>
        %dma_start3A_69 = arith.constant 0 : i32
        %dma_start3A_70 = tpu.memref_slice %arg6[%arg1, %run_scoped3A_43, %dma_start3A_69] : memref<16x250x80xi32, #tpu.memory_space<hbm>> -> memref<1x1x80xi32, #tpu.memory_space<hbm>>
        %dma_start3A_71 = tpu.memref_squeeze %dma_start3A_70 : memref<1x1x80xi32, #tpu.memory_space<hbm>> -> memref<80xi32, #tpu.memory_space<hbm>>
        tpu.enqueue_dma source(%dma_start3A_71 : memref<80xi32, #tpu.memory_space<hbm>>) target(%arg11 : memref<80xi32, #tpu.memory_space<vmem>>) target_semaphore(%run_scoped3A_65 : memref<!tpu.dma_semaphore, #tpu.memory_space<semaphore_mem>>)
        %dma_wait3A = arith.constant 0 : i32
        %dma_wait3A_72 = tpu.memref_slice %arg6[%arg1, %run_scoped3A_43, %dma_wait3A] : memref<16x250x80xi32, #tpu.memory_space<hbm>> -> memref<1x1x80xi32, #tpu.memory_space<hbm>>
        %dma_wait3A_73 = tpu.memref_squeeze %dma_wait3A_72 : memref<1x1x80xi32, #tpu.memory_space<hbm>> -> memref<80xi32, #tpu.memory_space<hbm>>
        %dma_wait3A_74 = arith.constant 0 : i32
        %dma_wait3A_75 = tpu.memref_slice %arg6[%arg1, %run_scoped3A_43, %dma_wait3A_74] : memref<16x250x80xi32, #tpu.memory_space<hbm>> -> memref<1x1x80xi32, #tpu.memory_space<hbm>>
        %dma_wait3A_76 = tpu.memref_squeeze %dma_wait3A_75 : memref<1x1x80xi32, #tpu.memory_space<hbm>> -> memref<80xi32, #tpu.memory_space<hbm>>
        tpu.wait_dma2 semaphore(%run_scoped3A_65 : memref<!tpu.dma_semaphore, #tpu.memory_space<semaphore_mem>>) src(%dma_wait3A_76 : memref<80xi32, #tpu.memory_space<hbm>>) dst(%arg11 : memref<80xi32, #tpu.memory_space<vmem>>)
        tpu.yield
      }) : () -> ()
      %run_scoped3A_44 = arith.constant 1 : i32
      "tpu.region"() ({
        %run_scoped3A_65 = tpu.sem_alloc : memref<!tpu.dma_semaphore, #tpu.memory_space<semaphore_mem>>
        %dma_start3A_66 = arith.constant 0 : i32
        %dma_start3A_67 = tpu.memref_slice %arg7[%arg1, %run_scoped3A_44, %dma_start3A_66] : memref<16x250x80xi32, #tpu.memory_space<hbm>> -> memref<1x1x80xi32, #tpu.memory_space<hbm>>
        %dma_start3A_68 = tpu.memref_squeeze %dma_start3A_67 : memref<1x1x80xi32, #tpu.memory_space<hbm>> -> memref<80xi32, #tpu.memory_space<hbm>>
        %dma_start3A_69 = arith.constant 0 : i32
        %dma_start3A_70 = tpu.memref_slice %arg7[%arg1, %run_scoped3A_44, %dma_start3A_69] : memref<16x250x80xi32, #tpu.memory_space<hbm>> -> memref<1x1x80xi32, #tpu.memory_space<hbm>>
        %dma_start3A_71 = tpu.memref_squeeze %dma_start3A_70 : memref<1x1x80xi32, #tpu.memory_space<hbm>> -> memref<80xi32, #tpu.memory_space<hbm>>
        tpu.enqueue_dma source(%dma_start3A_71 : memref<80xi32, #tpu.memory_space<hbm>>) target(%arg15 : memref<80xi32, #tpu.memory_space<vmem>>) target_semaphore(%run_scoped3A_65 : memref<!tpu.dma_semaphore, #tpu.memory_space<semaphore_mem>>)
        %dma_wait3A = arith.constant 0 : i32
        %dma_wait3A_72 = tpu.memref_slice %arg7[%arg1, %run_scoped3A_44, %dma_wait3A] : memref<16x250x80xi32, #tpu.memory_space<hbm>> -> memref<1x1x80xi32, #tpu.memory_space<hbm>>
        %dma_wait3A_73 = tpu.memref_squeeze %dma_wait3A_72 : memref<1x1x80xi32, #tpu.memory_space<hbm>> -> memref<80xi32, #tpu.memory_space<hbm>>
        %dma_wait3A_74 = arith.constant 0 : i32
        %dma_wait3A_75 = tpu.memref_slice %arg7[%arg1, %run_scoped3A_44, %dma_wait3A_74] : memref<16x250x80xi32, #tpu.memory_space<hbm>> -> memref<1x1x80xi32, #tpu.memory_space<hbm>>
        %dma_wait3A_76 = tpu.memref_squeeze %dma_wait3A_75 : memref<1x1x80xi32, #tpu.memory_space<hbm>> -> memref<80xi32, #tpu.memory_space<hbm>>
        tpu.wait_dma2 semaphore(%run_scoped3A_65 : memref<!tpu.dma_semaphore, #tpu.memory_space<semaphore_mem>>) src(%dma_wait3A_76 : memref<80xi32, #tpu.memory_space<hbm>>) dst(%arg15 : memref<80xi32, #tpu.memory_space<vmem>>)
        tpu.yield
      }) : () -> ()
      %dma_start3A_45 = arith.constant 0 : i32
      %dma_start3A_46 = arith.constant 0 : i32
      %dma_start3A_47 = tpu.memref_slice %arg3[%dma_start3A_45, %dma_start3A_46] : memref<10240x128xf32, #tpu.memory_space<hbm>> -> memref<10240x128xf32, #tpu.memory_space<hbm>>
      tpu.enqueue_indirect_dma source(%dma_start3A_47 : memref<10240x128xf32, #tpu.memory_space<hbm>>) target(%arg19 : memref<80x128xf32, #tpu.memory_space<vmem>>) offsets(%arg11 : memref<80xi32, #tpu.memory_space<vmem>>) semaphore(%arg27 : memref<!tpu.dma_semaphore, #tpu.memory_space<semaphore_mem>>)
      %run_scoped3A_48 = arith.constant 2 : i32
      "tpu.region"() ({
        %run_scoped3A_65 = tpu.sem_alloc : memref<!tpu.dma_semaphore, #tpu.memory_space<semaphore_mem>>
        %dma_start3A_66 = arith.constant 0 : i32
        %dma_start3A_67 = tpu.memref_slice %arg6[%arg1, %run_scoped3A_48, %dma_start3A_66] : memref<16x250x80xi32, #tpu.memory_space<hbm>> -> memref<1x1x80xi32, #tpu.memory_space<hbm>>
        %dma_start3A_68 = tpu.memref_squeeze %dma_start3A_67 : memref<1x1x80xi32, #tpu.memory_space<hbm>> -> memref<80xi32, #tpu.memory_space<hbm>>
        %dma_start3A_69 = arith.constant 0 : i32
        %dma_start3A_70 = tpu.memref_slice %arg6[%arg1, %run_scoped3A_48, %dma_start3A_69] : memref<16x250x80xi32, #tpu.memory_space<hbm>> -> memref<1x1x80xi32, #tpu.memory_space<hbm>>
        %dma_start3A_71 = tpu.memref_squeeze %dma_start3A_70 : memref<1x1x80xi32, #tpu.memory_space<hbm>> -> memref<80xi32, #tpu.memory_space<hbm>>
        tpu.enqueue_dma source(%dma_start3A_71 : memref<80xi32, #tpu.memory_space<hbm>>) target(%arg12 : memref<80xi32, #tpu.memory_space<vmem>>) target_semaphore(%run_scoped3A_65 : memref<!tpu.dma_semaphore, #tpu.memory_space<semaphore_mem>>)
        %dma_wait3A = arith.constant 0 : i32
        %dma_wait3A_72 = tpu.memref_slice %arg6[%arg1, %run_scoped3A_48, %dma_wait3A] : memref<16x250x80xi32, #tpu.memory_space<hbm>> -> memref<1x1x80xi32, #tpu.memory_space<hbm>>
        %dma_wait3A_73 = tpu.memref_squeeze %dma_wait3A_72 : memref<1x1x80xi32, #tpu.memory_space<hbm>> -> memref<80xi32, #tpu.memory_space<hbm>>
        %dma_wait3A_74 = arith.constant 0 : i32
        %dma_wait3A_75 = tpu.memref_slice %arg6[%arg1, %run_scoped3A_48, %dma_wait3A_74] : memref<16x250x80xi32, #tpu.memory_space<hbm>> -> memref<1x1x80xi32, #tpu.memory_space<hbm>>
        %dma_wait3A_76 = tpu.memref_squeeze %dma_wait3A_75 : memref<1x1x80xi32, #tpu.memory_space<hbm>> -> memref<80xi32, #tpu.memory_space<hbm>>
        tpu.wait_dma2 semaphore(%run_scoped3A_65 : memref<!tpu.dma_semaphore, #tpu.memory_space<semaphore_mem>>) src(%dma_wait3A_76 : memref<80xi32, #tpu.memory_space<hbm>>) dst(%arg12 : memref<80xi32, #tpu.memory_space<vmem>>)
        tpu.yield
      }) : () -> ()
      %run_scoped3A_49 = arith.constant 2 : i32
      "tpu.region"() ({
        %run_scoped3A_65 = tpu.sem_alloc : memref<!tpu.dma_semaphore, #tpu.memory_space<semaphore_mem>>
        %dma_start3A_66 = arith.constant 0 : i32
        %dma_start3A_67 = tpu.memref_slice %arg7[%arg1, %run_scoped3A_49, %dma_start3A_66] : memref<16x250x80xi32, #tpu.memory_space<hbm>> -> memref<1x1x80xi32, #tpu.memory_space<hbm>>
        %dma_start3A_68 = tpu.memref_squeeze %dma_start3A_67 : memref<1x1x80xi32, #tpu.memory_space<hbm>> -> memref<80xi32, #tpu.memory_space<hbm>>
        %dma_start3A_69 = arith.constant 0 : i32
        %dma_start3A_70 = tpu.memref_slice %arg7[%arg1, %run_scoped3A_49, %dma_start3A_69] : memref<16x250x80xi32, #tpu.memory_space<hbm>> -> memref<1x1x80xi32, #tpu.memory_space<hbm>>
        %dma_start3A_71 = tpu.memref_squeeze %dma_start3A_70 : memref<1x1x80xi32, #tpu.memory_space<hbm>> -> memref<80xi32, #tpu.memory_space<hbm>>
        tpu.enqueue_dma source(%dma_start3A_71 : memref<80xi32, #tpu.memory_space<hbm>>) target(%arg16 : memref<80xi32, #tpu.memory_space<vmem>>) target_semaphore(%run_scoped3A_65 : memref<!tpu.dma_semaphore, #tpu.memory_space<semaphore_mem>>)
        %dma_wait3A = arith.constant 0 : i32
        %dma_wait3A_72 = tpu.memref_slice %arg7[%arg1, %run_scoped3A_49, %dma_wait3A] : memref<16x250x80xi32, #tpu.memory_space<hbm>> -> memref<1x1x80xi32, #tpu.memory_space<hbm>>
        %dma_wait3A_73 = tpu.memref_squeeze %dma_wait3A_72 : memref<1x1x80xi32, #tpu.memory_space<hbm>> -> memref<80xi32, #tpu.memory_space<hbm>>
        %dma_wait3A_74 = arith.constant 0 : i32
        %dma_wait3A_75 = tpu.memref_slice %arg7[%arg1, %run_scoped3A_49, %dma_wait3A_74] : memref<16x250x80xi32, #tpu.memory_space<hbm>> -> memref<1x1x80xi32, #tpu.memory_space<hbm>>
        %dma_wait3A_76 = tpu.memref_squeeze %dma_wait3A_75 : memref<1x1x80xi32, #tpu.memory_space<hbm>> -> memref<80xi32, #tpu.memory_space<hbm>>
        tpu.wait_dma2 semaphore(%run_scoped3A_65 : memref<!tpu.dma_semaphore, #tpu.memory_space<semaphore_mem>>) src(%dma_wait3A_76 : memref<80xi32, #tpu.memory_space<hbm>>) dst(%arg16 : memref<80xi32, #tpu.memory_space<vmem>>)
        tpu.yield
      }) : () -> ()
      %dma_start3A_50 = arith.constant 0 : i32
      %dma_start3A_51 = arith.constant 0 : i32
      %dma_start3A_52 = tpu.memref_slice %arg3[%dma_start3A_50, %dma_start3A_51] : memref<10240x128xf32, #tpu.memory_space<hbm>> -> memref<10240x128xf32, #tpu.memory_space<hbm>>
      tpu.enqueue_indirect_dma source(%dma_start3A_52 : memref<10240x128xf32, #tpu.memory_space<hbm>>) target(%arg20 : memref<80x128xf32, #tpu.memory_space<vmem>>) offsets(%arg12 : memref<80xi32, #tpu.memory_space<vmem>>) semaphore(%arg28 : memref<!tpu.dma_semaphore, #tpu.memory_space<semaphore_mem>>)
      %run_scoped3A_53 = arith.constant 3 : i32
      "tpu.region"() ({
        %run_scoped3A_65 = tpu.sem_alloc : memref<!tpu.dma_semaphore, #tpu.memory_space<semaphore_mem>>
        %dma_start3A_66 = arith.constant 0 : i32
        %dma_start3A_67 = tpu.memref_slice %arg6[%arg1, %run_scoped3A_53, %dma_start3A_66] : memref<16x250x80xi32, #tpu.memory_space<hbm>> -> memref<1x1x80xi32, #tpu.memory_space<hbm>>
        %dma_start3A_68 = tpu.memref_squeeze %dma_start3A_67 : memref<1x1x80xi32, #tpu.memory_space<hbm>> -> memref<80xi32, #tpu.memory_space<hbm>>
        %dma_start3A_69 = arith.constant 0 : i32
        %dma_start3A_70 = tpu.memref_slice %arg6[%arg1, %run_scoped3A_53, %dma_start3A_69] : memref<16x250x80xi32, #tpu.memory_space<hbm>> -> memref<1x1x80xi32, #tpu.memory_space<hbm>>
        %dma_start3A_71 = tpu.memref_squeeze %dma_start3A_70 : memref<1x1x80xi32, #tpu.memory_space<hbm>> -> memref<80xi32, #tpu.memory_space<hbm>>
        tpu.enqueue_dma source(%dma_start3A_71 : memref<80xi32, #tpu.memory_space<hbm>>) target(%arg13 : memref<80xi32, #tpu.memory_space<vmem>>) target_semaphore(%run_scoped3A_65 : memref<!tpu.dma_semaphore, #tpu.memory_space<semaphore_mem>>)
        %dma_wait3A = arith.constant 0 : i32
        %dma_wait3A_72 = tpu.memref_slice %arg6[%arg1, %run_scoped3A_53, %dma_wait3A] : memref<16x250x80xi32, #tpu.memory_space<hbm>> -> memref<1x1x80xi32, #tpu.memory_space<hbm>>
        %dma_wait3A_73 = tpu.memref_squeeze %dma_wait3A_72 : memref<1x1x80xi32, #tpu.memory_space<hbm>> -> memref<80xi32, #tpu.memory_space<hbm>>
        %dma_wait3A_74 = arith.constant 0 : i32
        %dma_wait3A_75 = tpu.memref_slice %arg6[%arg1, %run_scoped3A_53, %dma_wait3A_74] : memref<16x250x80xi32, #tpu.memory_space<hbm>> -> memref<1x1x80xi32, #tpu.memory_space<hbm>>
        %dma_wait3A_76 = tpu.memref_squeeze %dma_wait3A_75 : memref<1x1x80xi32, #tpu.memory_space<hbm>> -> memref<80xi32, #tpu.memory_space<hbm>>
        tpu.wait_dma2 semaphore(%run_scoped3A_65 : memref<!tpu.dma_semaphore, #tpu.memory_space<semaphore_mem>>) src(%dma_wait3A_76 : memref<80xi32, #tpu.memory_space<hbm>>) dst(%arg13 : memref<80xi32, #tpu.memory_space<vmem>>)
        tpu.yield
      }) : () -> ()
      %run_scoped3A_54 = arith.constant 3 : i32
      "tpu.region"() ({
        %run_scoped3A_65 = tpu.sem_alloc : memref<!tpu.dma_semaphore, #tpu.memory_space<semaphore_mem>>
        %dma_start3A_66 = arith.constant 0 : i32
        %dma_start3A_67 = tpu.memref_slice %arg7[%arg1, %run_scoped3A_54, %dma_start3A_66] : memref<16x250x80xi32, #tpu.memory_space<hbm>> -> memref<1x1x80xi32, #tpu.memory_space<hbm>>
        %dma_start3A_68 = tpu.memref_squeeze %dma_start3A_67 : memref<1x1x80xi32, #tpu.memory_space<hbm>> -> memref<80xi32, #tpu.memory_space<hbm>>
        %dma_start3A_69 = arith.constant 0 : i32
        %dma_start3A_70 = tpu.memref_slice %arg7[%arg1, %run_scoped3A_54, %dma_start3A_69] : memref<16x250x80xi32, #tpu.memory_space<hbm>> -> memref<1x1x80xi32, #tpu.memory_space<hbm>>
        %dma_start3A_71 = tpu.memref_squeeze %dma_start3A_70 : memref<1x1x80xi32, #tpu.memory_space<hbm>> -> memref<80xi32, #tpu.memory_space<hbm>>
        tpu.enqueue_dma source(%dma_start3A_71 : memref<80xi32, #tpu.memory_space<hbm>>) target(%arg17 : memref<80xi32, #tpu.memory_space<vmem>>) target_semaphore(%run_scoped3A_65 : memref<!tpu.dma_semaphore, #tpu.memory_space<semaphore_mem>>)
        %dma_wait3A = arith.constant 0 : i32
        %dma_wait3A_72 = tpu.memref_slice %arg7[%arg1, %run_scoped3A_54, %dma_wait3A] : memref<16x250x80xi32, #tpu.memory_space<hbm>> -> memref<1x1x80xi32, #tpu.memory_space<hbm>>
        %dma_wait3A_73 = tpu.memref_squeeze %dma_wait3A_72 : memref<1x1x80xi32, #tpu.memory_space<hbm>> -> memref<80xi32, #tpu.memory_space<hbm>>
        %dma_wait3A_74 = arith.constant 0 : i32
        %dma_wait3A_75 = tpu.memref_slice %arg7[%arg1, %run_scoped3A_54, %dma_wait3A_74] : memref<16x250x80xi32, #tpu.memory_space<hbm>> -> memref<1x1x80xi32, #tpu.memory_space<hbm>>
        %dma_wait3A_76 = tpu.memref_squeeze %dma_wait3A_75 : memref<1x1x80xi32, #tpu.memory_space<hbm>> -> memref<80xi32, #tpu.memory_space<hbm>>
        tpu.wait_dma2 semaphore(%run_scoped3A_65 : memref<!tpu.dma_semaphore, #tpu.memory_space<semaphore_mem>>) src(%dma_wait3A_76 : memref<80xi32, #tpu.memory_space<hbm>>) dst(%arg17 : memref<80xi32, #tpu.memory_space<vmem>>)
        tpu.yield
      }) : () -> ()
      %dma_start3A_55 = arith.constant 0 : i32
      %dma_start3A_56 = arith.constant 0 : i32
      %dma_start3A_57 = tpu.memref_slice %arg3[%dma_start3A_55, %dma_start3A_56] : memref<10240x128xf32, #tpu.memory_space<hbm>> -> memref<10240x128xf32, #tpu.memory_space<hbm>>
      tpu.enqueue_indirect_dma source(%dma_start3A_57 : memref<10240x128xf32, #tpu.memory_space<hbm>>) target(%arg21 : memref<80x128xf32, #tpu.memory_space<vmem>>) offsets(%arg13 : memref<80xi32, #tpu.memory_space<vmem>>) semaphore(%arg29 : memref<!tpu.dma_semaphore, #tpu.memory_space<semaphore_mem>>)
      %scan3A_58 = arith.constant 0 : i32
      %scan3A_59 = arith.constant 0 : i32
      %scan3A_60 = arith.constant 63 : i32
      %scan3A_61 = arith.addi %scan3A_59, %scan3A_60 : i32
      %scan3A_62 = arith.constant 1 : i32
      %scan3A_63 = scf.for %scan3A_65 = %scan3A_59 to %scan3A_61 step %scan3A_62 iter_args(%scan3A_66 = %scan3A_58) -> (i32)  : i32 {
        %mul3A_67 = arith.constant 4 : i32
        %mul3A_68 = arith.muli %scan3A_65, %mul3A_67 : i32
        %add3A_69 = arith.constant 0 : i32
        %add3A_70 = arith.addi %mul3A_68, %add3A_69 : i32
        %lt3A = arith.constant 250 : i32
        %lt3A_71 = arith.cmpi slt, %add3A_70, %lt3A : i32
        %convert_element_type3A_72 = arith.extui %lt3A_71 : i1 to i32
        %cond3A_73 = arith.constant 0 : i32
        %cond3A_74 = arith.cmpi ne, %convert_element_type3A_72, %cond3A_73 : i32
        scf.if %cond3A_74 {
          %dma_wait3A = arith.constant 0 : i32
          %dma_wait3A_133 = arith.constant 0 : i32
          %dma_wait3A_134 = tpu.memref_slice %arg3[%dma_wait3A, %dma_wait3A_133] : memref<10240x128xf32, #tpu.memory_space<hbm>> -> memref<10240x128xf32, #tpu.memory_space<hbm>>
          tpu.wait_indirect_dma semaphore(%arg26 : memref<!tpu.dma_semaphore, #tpu.memory_space<semaphore_mem>>) src(%dma_wait3A_134 : memref<10240x128xf32, #tpu.memory_space<hbm>>) dst(%arg18 : memref<80x128xf32, #tpu.memory_space<vmem>>)
          %dma_start3A_135 = arith.constant 0 : i32
          %dma_start3A_136 = arith.constant 0 : i32
          %dma_start3A_137 = tpu.memref_slice %arg24[%dma_start3A_135, %dma_start3A_136] : memref<10240x128xf32, #tpu.memory_space<vmem_shared>> -> memref<10240x128xf32, #tpu.memory_space<vmem_shared>>
          tpu.enqueue_indirect_dma source(%arg18 : memref<80x128xf32, #tpu.memory_space<vmem>>) target(%dma_start3A_137 : memref<10240x128xf32, #tpu.memory_space<vmem_shared>>) offsets(%arg14 : memref<80xi32, #tpu.memory_space<vmem>>) semaphore(%arg30 : memref<!tpu.dma_semaphore, #tpu.memory_space<semaphore_mem>>) {add = true}
        } else {
        }
        %ge3A = arith.constant 1 : i32
        %ge3A_75 = arith.cmpi sge, %add3A_70, %ge3A : i32
        %lt3A_76 = arith.constant 251 : i32
        %lt3A_77 = arith.cmpi slt, %add3A_70, %lt3A_76 : i32
        %and3A = arith.andi %ge3A_75, %lt3A_77 : i1
        %convert_element_type3A_78 = arith.extui %and3A : i1 to i32
        %cond3A_79 = arith.constant 0 : i32
        %cond3A_80 = arith.cmpi ne, %convert_element_type3A_78, %cond3A_79 : i32
        scf.if %cond3A_80 {
          %dma_wait3A = arith.constant 0 : i32
          %dma_wait3A_133 = arith.constant 0 : i32
          %dma_wait3A_134 = tpu.memref_slice %arg24[%dma_wait3A, %dma_wait3A_133] : memref<10240x128xf32, #tpu.memory_space<vmem_shared>> -> memref<10240x128xf32, #tpu.memory_space<vmem_shared>>
          tpu.wait_indirect_dma semaphore(%arg33 : memref<!tpu.dma_semaphore, #tpu.memory_space<semaphore_mem>>) src(%arg21 : memref<80x128xf32, #tpu.memory_space<vmem>>) dst(%dma_wait3A_134 : memref<10240x128xf32, #tpu.memory_space<vmem_shared>>)
          %sub3A = arith.constant 1 : i32
          %sub3A_135 = arith.subi %add3A_70, %sub3A : i32
          %add3A_136 = arith.constant 4 : i32
          %add3A_137 = arith.addi %sub3A_135, %add3A_136 : i32
          %lt3A_138 = arith.constant 250 : i32
          %lt3A_139 = arith.cmpi slt, %add3A_137, %lt3A_138 : i32
          %convert_element_type3A_140 = arith.extui %lt3A_139 : i1 to i32
          %cond3A_141 = arith.constant 0 : i32
          %cond3A_142 = arith.cmpi ne, %convert_element_type3A_140, %cond3A_141 : i32
          scf.if %cond3A_142 {
            "tpu.region"() ({
              %run_scoped3A_146 = tpu.sem_alloc : memref<!tpu.dma_semaphore, #tpu.memory_space<semaphore_mem>>
              %dma_start3A_147 = arith.constant 0 : i32
              %dma_start3A_148 = tpu.memref_slice %arg6[%arg1, %add3A_137, %dma_start3A_147] : memref<16x250x80xi32, #tpu.memory_space<hbm>> -> memref<1x1x80xi32, #tpu.memory_space<hbm>>
              %dma_start3A_149 = tpu.memref_squeeze %dma_start3A_148 : memref<1x1x80xi32, #tpu.memory_space<hbm>> -> memref<80xi32, #tpu.memory_space<hbm>>
              %dma_start3A_150 = arith.constant 0 : i32
              %dma_start3A_151 = tpu.memref_slice %arg6[%arg1, %add3A_137, %dma_start3A_150] : memref<16x250x80xi32, #tpu.memory_space<hbm>> -> memref<1x1x80xi32, #tpu.memory_space<hbm>>
              %dma_start3A_152 = tpu.memref_squeeze %dma_start3A_151 : memref<1x1x80xi32, #tpu.memory_space<hbm>> -> memref<80xi32, #tpu.memory_space<hbm>>
              tpu.enqueue_dma source(%dma_start3A_152 : memref<80xi32, #tpu.memory_space<hbm>>) target(%arg13 : memref<80xi32, #tpu.memory_space<vmem>>) target_semaphore(%run_scoped3A_146 : memref<!tpu.dma_semaphore, #tpu.memory_space<semaphore_mem>>)
              %dma_wait3A_153 = arith.constant 0 : i32
              %dma_wait3A_154 = tpu.memref_slice %arg6[%arg1, %add3A_137, %dma_wait3A_153] : memref<16x250x80xi32, #tpu.memory_space<hbm>> -> memref<1x1x80xi32, #tpu.memory_space<hbm>>
              %dma_wait3A_155 = tpu.memref_squeeze %dma_wait3A_154 : memref<1x1x80xi32, #tpu.memory_space<hbm>> -> memref<80xi32, #tpu.memory_space<hbm>>
              %dma_wait3A_156 = arith.constant 0 : i32
              %dma_wait3A_157 = tpu.memref_slice %arg6[%arg1, %add3A_137, %dma_wait3A_156] : memref<16x250x80xi32, #tpu.memory_space<hbm>> -> memref<1x1x80xi32, #tpu.memory_space<hbm>>
              %dma_wait3A_158 = tpu.memref_squeeze %dma_wait3A_157 : memref<1x1x80xi32, #tpu.memory_space<hbm>> -> memref<80xi32, #tpu.memory_space<hbm>>
              tpu.wait_dma2 semaphore(%run_scoped3A_146 : memref<!tpu.dma_semaphore, #tpu.memory_space<semaphore_mem>>) src(%dma_wait3A_158 : memref<80xi32, #tpu.memory_space<hbm>>) dst(%arg13 : memref<80xi32, #tpu.memory_space<vmem>>)
              tpu.yield
            }) : () -> ()
            "tpu.region"() ({
              %run_scoped3A_146 = tpu.sem_alloc : memref<!tpu.dma_semaphore, #tpu.memory_space<semaphore_mem>>
              %dma_start3A_147 = arith.constant 0 : i32
              %dma_start3A_148 = tpu.memref_slice %arg7[%arg1, %add3A_137, %dma_start3A_147] : memref<16x250x80xi32, #tpu.memory_space<hbm>> -> memref<1x1x80xi32, #tpu.memory_space<hbm>>
              %dma_start3A_149 = tpu.memref_squeeze %dma_start3A_148 : memref<1x1x80xi32, #tpu.memory_space<hbm>> -> memref<80xi32, #tpu.memory_space<hbm>>
              %dma_start3A_150 = arith.constant 0 : i32
              %dma_start3A_151 = tpu.memref_slice %arg7[%arg1, %add3A_137, %dma_start3A_150] : memref<16x250x80xi32, #tpu.memory_space<hbm>> -> memref<1x1x80xi32, #tpu.memory_space<hbm>>
              %dma_start3A_152 = tpu.memref_squeeze %dma_start3A_151 : memref<1x1x80xi32, #tpu.memory_space<hbm>> -> memref<80xi32, #tpu.memory_space<hbm>>
              tpu.enqueue_dma source(%dma_start3A_152 : memref<80xi32, #tpu.memory_space<hbm>>) target(%arg17 : memref<80xi32, #tpu.memory_space<vmem>>) target_semaphore(%run_scoped3A_146 : memref<!tpu.dma_semaphore, #tpu.memory_space<semaphore_mem>>)
              %dma_wait3A_153 = arith.constant 0 : i32
              %dma_wait3A_154 = tpu.memref_slice %arg7[%arg1, %add3A_137, %dma_wait3A_153] : memref<16x250x80xi32, #tpu.memory_space<hbm>> -> memref<1x1x80xi32, #tpu.memory_space<hbm>>
              %dma_wait3A_155 = tpu.memref_squeeze %dma_wait3A_154 : memref<1x1x80xi32, #tpu.memory_space<hbm>> -> memref<80xi32, #tpu.memory_space<hbm>>
              %dma_wait3A_156 = arith.constant 0 : i32
              %dma_wait3A_157 = tpu.memref_slice %arg7[%arg1, %add3A_137, %dma_wait3A_156] : memref<16x250x80xi32, #tpu.memory_space<hbm>> -> memref<1x1x80xi32, #tpu.memory_space<hbm>>
              %dma_wait3A_158 = tpu.memref_squeeze %dma_wait3A_157 : memref<1x1x80xi32, #tpu.memory_space<hbm>> -> memref<80xi32, #tpu.memory_space<hbm>>
              tpu.wait_dma2 semaphore(%run_scoped3A_146 : memref<!tpu.dma_semaphore, #tpu.memory_space<semaphore_mem>>) src(%dma_wait3A_158 : memref<80xi32, #tpu.memory_space<hbm>>) dst(%arg17 : memref<80xi32, #tpu.memory_space<vmem>>)
              tpu.yield
            }) : () -> ()
            %dma_start3A_143 = arith.constant 0 : i32
            %dma_start3A_144 = arith.constant 0 : i32
            %dma_start3A_145 = tpu.memref_slice %arg3[%dma_start3A_143, %dma_start3A_144] : memref<10240x128xf32, #tpu.memory_space<hbm>> -> memref<10240x128xf32, #tpu.memory_space<hbm>>
            tpu.enqueue_indirect_dma source(%dma_start3A_145 : memref<10240x128xf32, #tpu.memory_space<hbm>>) target(%arg21 : memref<80x128xf32, #tpu.memory_space<vmem>>) offsets(%arg13 : memref<80xi32, #tpu.memory_space<vmem>>) semaphore(%arg29 : memref<!tpu.dma_semaphore, #tpu.memory_space<semaphore_mem>>)
          } else {
          }
        } else {
        }
        %mul3A_81 = arith.constant 4 : i32
        %mul3A_82 = arith.muli %scan3A_65, %mul3A_81 : i32
        %add3A_83 = arith.constant 1 : i32
        %add3A_84 = arith.addi %mul3A_82, %add3A_83 : i32
        %lt3A_85 = arith.constant 250 : i32
        %lt3A_86 = arith.cmpi slt, %add3A_84, %lt3A_85 : i32
        %convert_element_type3A_87 = arith.extui %lt3A_86 : i1 to i32
        %cond3A_88 = arith.constant 0 : i32
        %cond3A_89 = arith.cmpi ne, %convert_element_type3A_87, %cond3A_88 : i32
        scf.if %cond3A_89 {
          %dma_wait3A = arith.constant 0 : i32
          %dma_wait3A_133 = arith.constant 0 : i32
          %dma_wait3A_134 = tpu.memref_slice %arg3[%dma_wait3A, %dma_wait3A_133] : memref<10240x128xf32, #tpu.memory_space<hbm>> -> memref<10240x128xf32, #tpu.memory_space<hbm>>
          tpu.wait_indirect_dma semaphore(%arg27 : memref<!tpu.dma_semaphore, #tpu.memory_space<semaphore_mem>>) src(%dma_wait3A_134 : memref<10240x128xf32, #tpu.memory_space<hbm>>) dst(%arg19 : memref<80x128xf32, #tpu.memory_space<vmem>>)
          %dma_start3A_135 = arith.constant 0 : i32
          %dma_start3A_136 = arith.constant 0 : i32
          %dma_start3A_137 = tpu.memref_slice %arg24[%dma_start3A_135, %dma_start3A_136] : memref<10240x128xf32, #tpu.memory_space<vmem_shared>> -> memref<10240x128xf32, #tpu.memory_space<vmem_shared>>
          tpu.enqueue_indirect_dma source(%arg19 : memref<80x128xf32, #tpu.memory_space<vmem>>) target(%dma_start3A_137 : memref<10240x128xf32, #tpu.memory_space<vmem_shared>>) offsets(%arg15 : memref<80xi32, #tpu.memory_space<vmem>>) semaphore(%arg31 : memref<!tpu.dma_semaphore, #tpu.memory_space<semaphore_mem>>) {add = true}
        } else {
        }
        %ge3A_90 = arith.constant 1 : i32
        %ge3A_91 = arith.cmpi sge, %add3A_84, %ge3A_90 : i32
        %lt3A_92 = arith.constant 251 : i32
        %lt3A_93 = arith.cmpi slt, %add3A_84, %lt3A_92 : i32
        %and3A_94 = arith.andi %ge3A_91, %lt3A_93 : i1
        %convert_element_type3A_95 = arith.extui %and3A_94 : i1 to i32
        %cond3A_96 = arith.constant 0 : i32
        %cond3A_97 = arith.cmpi ne, %convert_element_type3A_95, %cond3A_96 : i32
        scf.if %cond3A_97 {
          %dma_wait3A = arith.constant 0 : i32
          %dma_wait3A_133 = arith.constant 0 : i32
          %dma_wait3A_134 = tpu.memref_slice %arg24[%dma_wait3A, %dma_wait3A_133] : memref<10240x128xf32, #tpu.memory_space<vmem_shared>> -> memref<10240x128xf32, #tpu.memory_space<vmem_shared>>
          tpu.wait_indirect_dma semaphore(%arg30 : memref<!tpu.dma_semaphore, #tpu.memory_space<semaphore_mem>>) src(%arg18 : memref<80x128xf32, #tpu.memory_space<vmem>>) dst(%dma_wait3A_134 : memref<10240x128xf32, #tpu.memory_space<vmem_shared>>)
          %sub3A = arith.constant 1 : i32
          %sub3A_135 = arith.subi %add3A_84, %sub3A : i32
          %add3A_136 = arith.constant 4 : i32
          %add3A_137 = arith.addi %sub3A_135, %add3A_136 : i32
          %lt3A_138 = arith.constant 250 : i32
          %lt3A_139 = arith.cmpi slt, %add3A_137, %lt3A_138 : i32
          %convert_element_type3A_140 = arith.extui %lt3A_139 : i1 to i32
          %cond3A_141 = arith.constant 0 : i32
          %cond3A_142 = arith.cmpi ne, %convert_element_type3A_140, %cond3A_141 : i32
          scf.if %cond3A_142 {
            "tpu.region"() ({
              %run_scoped3A_146 = tpu.sem_alloc : memref<!tpu.dma_semaphore, #tpu.memory_space<semaphore_mem>>
              %dma_start3A_147 = arith.constant 0 : i32
              %dma_start3A_148 = tpu.memref_slice %arg6[%arg1, %add3A_137, %dma_start3A_147] : memref<16x250x80xi32, #tpu.memory_space<hbm>> -> memref<1x1x80xi32, #tpu.memory_space<hbm>>
              %dma_start3A_149 = tpu.memref_squeeze %dma_start3A_148 : memref<1x1x80xi32, #tpu.memory_space<hbm>> -> memref<80xi32, #tpu.memory_space<hbm>>
              %dma_start3A_150 = arith.constant 0 : i32
              %dma_start3A_151 = tpu.memref_slice %arg6[%arg1, %add3A_137, %dma_start3A_150] : memref<16x250x80xi32, #tpu.memory_space<hbm>> -> memref<1x1x80xi32, #tpu.memory_space<hbm>>
              %dma_start3A_152 = tpu.memref_squeeze %dma_start3A_151 : memref<1x1x80xi32, #tpu.memory_space<hbm>> -> memref<80xi32, #tpu.memory_space<hbm>>
              tpu.enqueue_dma source(%dma_start3A_152 : memref<80xi32, #tpu.memory_space<hbm>>) target(%arg10 : memref<80xi32, #tpu.memory_space<vmem>>) target_semaphore(%run_scoped3A_146 : memref<!tpu.dma_semaphore, #tpu.memory_space<semaphore_mem>>)
              %dma_wait3A_153 = arith.constant 0 : i32
              %dma_wait3A_154 = tpu.memref_slice %arg6[%arg1, %add3A_137, %dma_wait3A_153] : memref<16x250x80xi32, #tpu.memory_space<hbm>> -> memref<1x1x80xi32, #tpu.memory_space<hbm>>
              %dma_wait3A_155 = tpu.memref_squeeze %dma_wait3A_154 : memref<1x1x80xi32, #tpu.memory_space<hbm>> -> memref<80xi32, #tpu.memory_space<hbm>>
              %dma_wait3A_156 = arith.constant 0 : i32
              %dma_wait3A_157 = tpu.memref_slice %arg6[%arg1, %add3A_137, %dma_wait3A_156] : memref<16x250x80xi32, #tpu.memory_space<hbm>> -> memref<1x1x80xi32, #tpu.memory_space<hbm>>
              %dma_wait3A_158 = tpu.memref_squeeze %dma_wait3A_157 : memref<1x1x80xi32, #tpu.memory_space<hbm>> -> memref<80xi32, #tpu.memory_space<hbm>>
              tpu.wait_dma2 semaphore(%run_scoped3A_146 : memref<!tpu.dma_semaphore, #tpu.memory_space<semaphore_mem>>) src(%dma_wait3A_158 : memref<80xi32, #tpu.memory_space<hbm>>) dst(%arg10 : memref<80xi32, #tpu.memory_space<vmem>>)
              tpu.yield
            }) : () -> ()
            "tpu.region"() ({
              %run_scoped3A_146 = tpu.sem_alloc : memref<!tpu.dma_semaphore, #tpu.memory_space<semaphore_mem>>
              %dma_start3A_147 = arith.constant 0 : i32
              %dma_start3A_148 = tpu.memref_slice %arg7[%arg1, %add3A_137, %dma_start3A_147] : memref<16x250x80xi32, #tpu.memory_space<hbm>> -> memref<1x1x80xi32, #tpu.memory_space<hbm>>
              %dma_start3A_149 = tpu.memref_squeeze %dma_start3A_148 : memref<1x1x80xi32, #tpu.memory_space<hbm>> -> memref<80xi32, #tpu.memory_space<hbm>>
              %dma_start3A_150 = arith.constant 0 : i32
              %dma_start3A_151 = tpu.memref_slice %arg7[%arg1, %add3A_137, %dma_start3A_150] : memref<16x250x80xi32, #tpu.memory_space<hbm>> -> memref<1x1x80xi32, #tpu.memory_space<hbm>>
              %dma_start3A_152 = tpu.memref_squeeze %dma_start3A_151 : memref<1x1x80xi32, #tpu.memory_space<hbm>> -> memref<80xi32, #tpu.memory_space<hbm>>
              tpu.enqueue_dma source(%dma_start3A_152 : memref<80xi32, #tpu.memory_space<hbm>>) target(%arg14 : memref<80xi32, #tpu.memory_space<vmem>>) target_semaphore(%run_scoped3A_146 : memref<!tpu.dma_semaphore, #tpu.memory_space<semaphore_mem>>)
              %dma_wait3A_153 = arith.constant 0 : i32
              %dma_wait3A_154 = tpu.memref_slice %arg7[%arg1, %add3A_137, %dma_wait3A_153] : memref<16x250x80xi32, #tpu.memory_space<hbm>> -> memref<1x1x80xi32, #tpu.memory_space<hbm>>
              %dma_wait3A_155 = tpu.memref_squeeze %dma_wait3A_154 : memref<1x1x80xi32, #tpu.memory_space<hbm>> -> memref<80xi32, #tpu.memory_space<hbm>>
              %dma_wait3A_156 = arith.constant 0 : i32
              %dma_wait3A_157 = tpu.memref_slice %arg7[%arg1, %add3A_137, %dma_wait3A_156] : memref<16x250x80xi32, #tpu.memory_space<hbm>> -> memref<1x1x80xi32, #tpu.memory_space<hbm>>
              %dma_wait3A_158 = tpu.memref_squeeze %dma_wait3A_157 : memref<1x1x80xi32, #tpu.memory_space<hbm>> -> memref<80xi32, #tpu.memory_space<hbm>>
              tpu.wait_dma2 semaphore(%run_scoped3A_146 : memref<!tpu.dma_semaphore, #tpu.memory_space<semaphore_mem>>) src(%dma_wait3A_158 : memref<80xi32, #tpu.memory_space<hbm>>) dst(%arg14 : memref<80xi32, #tpu.memory_space<vmem>>)
              tpu.yield
            }) : () -> ()
            %dma_start3A_143 = arith.constant 0 : i32
            %dma_start3A_144 = arith.constant 0 : i32
            %dma_start3A_145 = tpu.memref_slice %arg3[%dma_start3A_143, %dma_start3A_144] : memref<10240x128xf32, #tpu.memory_space<hbm>> -> memref<10240x128xf32, #tpu.memory_space<hbm>>
            tpu.enqueue_indirect_dma source(%dma_start3A_145 : memref<10240x128xf32, #tpu.memory_space<hbm>>) target(%arg18 : memref<80x128xf32, #tpu.memory_space<vmem>>) offsets(%arg10 : memref<80xi32, #tpu.memory_space<vmem>>) semaphore(%arg26 : memref<!tpu.dma_semaphore, #tpu.memory_space<semaphore_mem>>)
          } else {
          }
        } else {
        }
        %mul3A_98 = arith.constant 4 : i32
        %mul3A_99 = arith.muli %scan3A_65, %mul3A_98 : i32
        %add3A_100 = arith.constant 2 : i32
        %add3A_101 = arith.addi %mul3A_99, %add3A_100 : i32
        %lt3A_102 = arith.constant 250 : i32
        %lt3A_103 = arith.cmpi slt, %add3A_101, %lt3A_102 : i32
        %convert_element_type3A_104 = arith.extui %lt3A_103 : i1 to i32
        %cond3A_105 = arith.constant 0 : i32
        %cond3A_106 = arith.cmpi ne, %convert_element_type3A_104, %cond3A_105 : i32
        scf.if %cond3A_106 {
          %dma_wait3A = arith.constant 0 : i32
          %dma_wait3A_133 = arith.constant 0 : i32
          %dma_wait3A_134 = tpu.memref_slice %arg3[%dma_wait3A, %dma_wait3A_133] : memref<10240x128xf32, #tpu.memory_space<hbm>> -> memref<10240x128xf32, #tpu.memory_space<hbm>>
          tpu.wait_indirect_dma semaphore(%arg28 : memref<!tpu.dma_semaphore, #tpu.memory_space<semaphore_mem>>) src(%dma_wait3A_134 : memref<10240x128xf32, #tpu.memory_space<hbm>>) dst(%arg20 : memref<80x128xf32, #tpu.memory_space<vmem>>)
          %dma_start3A_135 = arith.constant 0 : i32
          %dma_start3A_136 = arith.constant 0 : i32
          %dma_start3A_137 = tpu.memref_slice %arg24[%dma_start3A_135, %dma_start3A_136] : memref<10240x128xf32, #tpu.memory_space<vmem_shared>> -> memref<10240x128xf32, #tpu.memory_space<vmem_shared>>
          tpu.enqueue_indirect_dma source(%arg20 : memref<80x128xf32, #tpu.memory_space<vmem>>) target(%dma_start3A_137 : memref<10240x128xf32, #tpu.memory_space<vmem_shared>>) offsets(%arg16 : memref<80xi32, #tpu.memory_space<vmem>>) semaphore(%arg32 : memref<!tpu.dma_semaphore, #tpu.memory_space<semaphore_mem>>) {add = true}
        } else {
        }
        %ge3A_107 = arith.constant 1 : i32
        %ge3A_108 = arith.cmpi sge, %add3A_101, %ge3A_107 : i32
        %lt3A_109 = arith.constant 251 : i32
        %lt3A_110 = arith.cmpi slt, %add3A_101, %lt3A_109 : i32
        %and3A_111 = arith.andi %ge3A_108, %lt3A_110 : i1
        %convert_element_type3A_112 = arith.extui %and3A_111 : i1 to i32
        %cond3A_113 = arith.constant 0 : i32
        %cond3A_114 = arith.cmpi ne, %convert_element_type3A_112, %cond3A_113 : i32
        scf.if %cond3A_114 {
          %dma_wait3A = arith.constant 0 : i32
          %dma_wait3A_133 = arith.constant 0 : i32
          %dma_wait3A_134 = tpu.memref_slice %arg24[%dma_wait3A, %dma_wait3A_133] : memref<10240x128xf32, #tpu.memory_space<vmem_shared>> -> memref<10240x128xf32, #tpu.memory_space<vmem_shared>>
          tpu.wait_indirect_dma semaphore(%arg31 : memref<!tpu.dma_semaphore, #tpu.memory_space<semaphore_mem>>) src(%arg19 : memref<80x128xf32, #tpu.memory_space<vmem>>) dst(%dma_wait3A_134 : memref<10240x128xf32, #tpu.memory_space<vmem_shared>>)
          %sub3A = arith.constant 1 : i32
          %sub3A_135 = arith.subi %add3A_101, %sub3A : i32
          %add3A_136 = arith.constant 4 : i32
          %add3A_137 = arith.addi %sub3A_135, %add3A_136 : i32
          %lt3A_138 = arith.constant 250 : i32
          %lt3A_139 = arith.cmpi slt, %add3A_137, %lt3A_138 : i32
          %convert_element_type3A_140 = arith.extui %lt3A_139 : i1 to i32
          %cond3A_141 = arith.constant 0 : i32
          %cond3A_142 = arith.cmpi ne, %convert_element_type3A_140, %cond3A_141 : i32
          scf.if %cond3A_142 {
            "tpu.region"() ({
              %run_scoped3A_146 = tpu.sem_alloc : memref<!tpu.dma_semaphore, #tpu.memory_space<semaphore_mem>>
              %dma_start3A_147 = arith.constant 0 : i32
              %dma_start3A_148 = tpu.memref_slice %arg6[%arg1, %add3A_137, %dma_start3A_147] : memref<16x250x80xi32, #tpu.memory_space<hbm>> -> memref<1x1x80xi32, #tpu.memory_space<hbm>>
              %dma_start3A_149 = tpu.memref_squeeze %dma_start3A_148 : memref<1x1x80xi32, #tpu.memory_space<hbm>> -> memref<80xi32, #tpu.memory_space<hbm>>
              %dma_start3A_150 = arith.constant 0 : i32
              %dma_start3A_151 = tpu.memref_slice %arg6[%arg1, %add3A_137, %dma_start3A_150] : memref<16x250x80xi32, #tpu.memory_space<hbm>> -> memref<1x1x80xi32, #tpu.memory_space<hbm>>
              %dma_start3A_152 = tpu.memref_squeeze %dma_start3A_151 : memref<1x1x80xi32, #tpu.memory_space<hbm>> -> memref<80xi32, #tpu.memory_space<hbm>>
              tpu.enqueue_dma source(%dma_start3A_152 : memref<80xi32, #tpu.memory_space<hbm>>) target(%arg11 : memref<80xi32, #tpu.memory_space<vmem>>) target_semaphore(%run_scoped3A_146 : memref<!tpu.dma_semaphore, #tpu.memory_space<semaphore_mem>>)
              %dma_wait3A_153 = arith.constant 0 : i32
              %dma_wait3A_154 = tpu.memref_slice %arg6[%arg1, %add3A_137, %dma_wait3A_153] : memref<16x250x80xi32, #tpu.memory_space<hbm>> -> memref<1x1x80xi32, #tpu.memory_space<hbm>>
              %dma_wait3A_155 = tpu.memref_squeeze %dma_wait3A_154 : memref<1x1x80xi32, #tpu.memory_space<hbm>> -> memref<80xi32, #tpu.memory_space<hbm>>
              %dma_wait3A_156 = arith.constant 0 : i32
              %dma_wait3A_157 = tpu.memref_slice %arg6[%arg1, %add3A_137, %dma_wait3A_156] : memref<16x250x80xi32, #tpu.memory_space<hbm>> -> memref<1x1x80xi32, #tpu.memory_space<hbm>>
              %dma_wait3A_158 = tpu.memref_squeeze %dma_wait3A_157 : memref<1x1x80xi32, #tpu.memory_space<hbm>> -> memref<80xi32, #tpu.memory_space<hbm>>
              tpu.wait_dma2 semaphore(%run_scoped3A_146 : memref<!tpu.dma_semaphore, #tpu.memory_space<semaphore_mem>>) src(%dma_wait3A_158 : memref<80xi32, #tpu.memory_space<hbm>>) dst(%arg11 : memref<80xi32, #tpu.memory_space<vmem>>)
              tpu.yield
            }) : () -> ()
            "tpu.region"() ({
              %run_scoped3A_146 = tpu.sem_alloc : memref<!tpu.dma_semaphore, #tpu.memory_space<semaphore_mem>>
              %dma_start3A_147 = arith.constant 0 : i32
              %dma_start3A_148 = tpu.memref_slice %arg7[%arg1, %add3A_137, %dma_start3A_147] : memref<16x250x80xi32, #tpu.memory_space<hbm>> -> memref<1x1x80xi32, #tpu.memory_space<hbm>>
              %dma_start3A_149 = tpu.memref_squeeze %dma_start3A_148 : memref<1x1x80xi32, #tpu.memory_space<hbm>> -> memref<80xi32, #tpu.memory_space<hbm>>
              %dma_start3A_150 = arith.constant 0 : i32
              %dma_start3A_151 = tpu.memref_slice %arg7[%arg1, %add3A_137, %dma_start3A_150] : memref<16x250x80xi32, #tpu.memory_space<hbm>> -> memref<1x1x80xi32, #tpu.memory_space<hbm>>
              %dma_start3A_152 = tpu.memref_squeeze %dma_start3A_151 : memref<1x1x80xi32, #tpu.memory_space<hbm>> -> memref<80xi32, #tpu.memory_space<hbm>>
              tpu.enqueue_dma source(%dma_start3A_152 : memref<80xi32, #tpu.memory_space<hbm>>) target(%arg15 : memref<80xi32, #tpu.memory_space<vmem>>) target_semaphore(%run_scoped3A_146 : memref<!tpu.dma_semaphore, #tpu.memory_space<semaphore_mem>>)
              %dma_wait3A_153 = arith.constant 0 : i32
              %dma_wait3A_154 = tpu.memref_slice %arg7[%arg1, %add3A_137, %dma_wait3A_153] : memref<16x250x80xi32, #tpu.memory_space<hbm>> -> memref<1x1x80xi32, #tpu.memory_space<hbm>>
              %dma_wait3A_155 = tpu.memref_squeeze %dma_wait3A_154 : memref<1x1x80xi32, #tpu.memory_space<hbm>> -> memref<80xi32, #tpu.memory_space<hbm>>
              %dma_wait3A_156 = arith.constant 0 : i32
              %dma_wait3A_157 = tpu.memref_slice %arg7[%arg1, %add3A_137, %dma_wait3A_156] : memref<16x250x80xi32, #tpu.memory_space<hbm>> -> memref<1x1x80xi32, #tpu.memory_space<hbm>>
              %dma_wait3A_158 = tpu.memref_squeeze %dma_wait3A_157 : memref<1x1x80xi32, #tpu.memory_space<hbm>> -> memref<80xi32, #tpu.memory_space<hbm>>
              tpu.wait_dma2 semaphore(%run_scoped3A_146 : memref<!tpu.dma_semaphore, #tpu.memory_space<semaphore_mem>>) src(%dma_wait3A_158 : memref<80xi32, #tpu.memory_space<hbm>>) dst(%arg15 : memref<80xi32, #tpu.memory_space<vmem>>)
              tpu.yield
            }) : () -> ()
            %dma_start3A_143 = arith.constant 0 : i32
            %dma_start3A_144 = arith.constant 0 : i32
            %dma_start3A_145 = tpu.memref_slice %arg3[%dma_start3A_143, %dma_start3A_144] : memref<10240x128xf32, #tpu.memory_space<hbm>> -> memref<10240x128xf32, #tpu.memory_space<hbm>>
            tpu.enqueue_indirect_dma source(%dma_start3A_145 : memref<10240x128xf32, #tpu.memory_space<hbm>>) target(%arg19 : memref<80x128xf32, #tpu.memory_space<vmem>>) offsets(%arg11 : memref<80xi32, #tpu.memory_space<vmem>>) semaphore(%arg27 : memref<!tpu.dma_semaphore, #tpu.memory_space<semaphore_mem>>)
          } else {
          }
        } else {
        }
        %mul3A_115 = arith.constant 4 : i32
        %mul3A_116 = arith.muli %scan3A_65, %mul3A_115 : i32
        %add3A_117 = arith.constant 3 : i32
        %add3A_118 = arith.addi %mul3A_116, %add3A_117 : i32
        %lt3A_119 = arith.constant 250 : i32
        %lt3A_120 = arith.cmpi slt, %add3A_118, %lt3A_119 : i32
        %convert_element_type3A_121 = arith.extui %lt3A_120 : i1 to i32
        %cond3A_122 = arith.constant 0 : i32
        %cond3A_123 = arith.cmpi ne, %convert_element_type3A_121, %cond3A_122 : i32
        scf.if %cond3A_123 {
          %dma_wait3A = arith.constant 0 : i32
          %dma_wait3A_133 = arith.constant 0 : i32
          %dma_wait3A_134 = tpu.memref_slice %arg3[%dma_wait3A, %dma_wait3A_133] : memref<10240x128xf32, #tpu.memory_space<hbm>> -> memref<10240x128xf32, #tpu.memory_space<hbm>>
          tpu.wait_indirect_dma semaphore(%arg29 : memref<!tpu.dma_semaphore, #tpu.memory_space<semaphore_mem>>) src(%dma_wait3A_134 : memref<10240x128xf32, #tpu.memory_space<hbm>>) dst(%arg21 : memref<80x128xf32, #tpu.memory_space<vmem>>)
          %dma_start3A_135 = arith.constant 0 : i32
          %dma_start3A_136 = arith.constant 0 : i32
          %dma_start3A_137 = tpu.memref_slice %arg24[%dma_start3A_135, %dma_start3A_136] : memref<10240x128xf32, #tpu.memory_space<vmem_shared>> -> memref<10240x128xf32, #tpu.memory_space<vmem_shared>>
          tpu.enqueue_indirect_dma source(%arg21 : memref<80x128xf32, #tpu.memory_space<vmem>>) target(%dma_start3A_137 : memref<10240x128xf32, #tpu.memory_space<vmem_shared>>) offsets(%arg17 : memref<80xi32, #tpu.memory_space<vmem>>) semaphore(%arg33 : memref<!tpu.dma_semaphore, #tpu.memory_space<semaphore_mem>>) {add = true}
        } else {
        }
        %ge3A_124 = arith.constant 1 : i32
        %ge3A_125 = arith.cmpi sge, %add3A_118, %ge3A_124 : i32
        %lt3A_126 = arith.constant 251 : i32
        %lt3A_127 = arith.cmpi slt, %add3A_118, %lt3A_126 : i32
        %and3A_128 = arith.andi %ge3A_125, %lt3A_127 : i1
        %convert_element_type3A_129 = arith.extui %and3A_128 : i1 to i32
        %cond3A_130 = arith.constant 0 : i32
        %cond3A_131 = arith.cmpi ne, %convert_element_type3A_129, %cond3A_130 : i32
        scf.if %cond3A_131 {
          %dma_wait3A = arith.constant 0 : i32
          %dma_wait3A_133 = arith.constant 0 : i32
          %dma_wait3A_134 = tpu.memref_slice %arg24[%dma_wait3A, %dma_wait3A_133] : memref<10240x128xf32, #tpu.memory_space<vmem_shared>> -> memref<10240x128xf32, #tpu.memory_space<vmem_shared>>
          tpu.wait_indirect_dma semaphore(%arg32 : memref<!tpu.dma_semaphore, #tpu.memory_space<semaphore_mem>>) src(%arg20 : memref<80x128xf32, #tpu.memory_space<vmem>>) dst(%dma_wait3A_134 : memref<10240x128xf32, #tpu.memory_space<vmem_shared>>)
          %sub3A = arith.constant 1 : i32
          %sub3A_135 = arith.subi %add3A_118, %sub3A : i32
          %add3A_136 = arith.constant 4 : i32
          %add3A_137 = arith.addi %sub3A_135, %add3A_136 : i32
          %lt3A_138 = arith.constant 250 : i32
          %lt3A_139 = arith.cmpi slt, %add3A_137, %lt3A_138 : i32
          %convert_element_type3A_140 = arith.extui %lt3A_139 : i1 to i32
          %cond3A_141 = arith.constant 0 : i32
          %cond3A_142 = arith.cmpi ne, %convert_element_type3A_140, %cond3A_141 : i32
          scf.if %cond3A_142 {
            "tpu.region"() ({
              %run_scoped3A_146 = tpu.sem_alloc : memref<!tpu.dma_semaphore, #tpu.memory_space<semaphore_mem>>
              %dma_start3A_147 = arith.constant 0 : i32
              %dma_start3A_148 = tpu.memref_slice %arg6[%arg1, %add3A_137, %dma_start3A_147] : memref<16x250x80xi32, #tpu.memory_space<hbm>> -> memref<1x1x80xi32, #tpu.memory_space<hbm>>
              %dma_start3A_149 = tpu.memref_squeeze %dma_start3A_148 : memref<1x1x80xi32, #tpu.memory_space<hbm>> -> memref<80xi32, #tpu.memory_space<hbm>>
              %dma_start3A_150 = arith.constant 0 : i32
              %dma_start3A_151 = tpu.memref_slice %arg6[%arg1, %add3A_137, %dma_start3A_150] : memref<16x250x80xi32, #tpu.memory_space<hbm>> -> memref<1x1x80xi32, #tpu.memory_space<hbm>>
              %dma_start3A_152 = tpu.memref_squeeze %dma_start3A_151 : memref<1x1x80xi32, #tpu.memory_space<hbm>> -> memref<80xi32, #tpu.memory_space<hbm>>
              tpu.enqueue_dma source(%dma_start3A_152 : memref<80xi32, #tpu.memory_space<hbm>>) target(%arg12 : memref<80xi32, #tpu.memory_space<vmem>>) target_semaphore(%run_scoped3A_146 : memref<!tpu.dma_semaphore, #tpu.memory_space<semaphore_mem>>)
              %dma_wait3A_153 = arith.constant 0 : i32
              %dma_wait3A_154 = tpu.memref_slice %arg6[%arg1, %add3A_137, %dma_wait3A_153] : memref<16x250x80xi32, #tpu.memory_space<hbm>> -> memref<1x1x80xi32, #tpu.memory_space<hbm>>
              %dma_wait3A_155 = tpu.memref_squeeze %dma_wait3A_154 : memref<1x1x80xi32, #tpu.memory_space<hbm>> -> memref<80xi32, #tpu.memory_space<hbm>>
              %dma_wait3A_156 = arith.constant 0 : i32
              %dma_wait3A_157 = tpu.memref_slice %arg6[%arg1, %add3A_137, %dma_wait3A_156] : memref<16x250x80xi32, #tpu.memory_space<hbm>> -> memref<1x1x80xi32, #tpu.memory_space<hbm>>
              %dma_wait3A_158 = tpu.memref_squeeze %dma_wait3A_157 : memref<1x1x80xi32, #tpu.memory_space<hbm>> -> memref<80xi32, #tpu.memory_space<hbm>>
              tpu.wait_dma2 semaphore(%run_scoped3A_146 : memref<!tpu.dma_semaphore, #tpu.memory_space<semaphore_mem>>) src(%dma_wait3A_158 : memref<80xi32, #tpu.memory_space<hbm>>) dst(%arg12 : memref<80xi32, #tpu.memory_space<vmem>>)
              tpu.yield
            }) : () -> ()
            "tpu.region"() ({
              %run_scoped3A_146 = tpu.sem_alloc : memref<!tpu.dma_semaphore, #tpu.memory_space<semaphore_mem>>
              %dma_start3A_147 = arith.constant 0 : i32
              %dma_start3A_148 = tpu.memref_slice %arg7[%arg1, %add3A_137, %dma_start3A_147] : memref<16x250x80xi32, #tpu.memory_space<hbm>> -> memref<1x1x80xi32, #tpu.memory_space<hbm>>
              %dma_start3A_149 = tpu.memref_squeeze %dma_start3A_148 : memref<1x1x80xi32, #tpu.memory_space<hbm>> -> memref<80xi32, #tpu.memory_space<hbm>>
              %dma_start3A_150 = arith.constant 0 : i32
              %dma_start3A_151 = tpu.memref_slice %arg7[%arg1, %add3A_137, %dma_start3A_150] : memref<16x250x80xi32, #tpu.memory_space<hbm>> -> memref<1x1x80xi32, #tpu.memory_space<hbm>>
              %dma_start3A_152 = tpu.memref_squeeze %dma_start3A_151 : memref<1x1x80xi32, #tpu.memory_space<hbm>> -> memref<80xi32, #tpu.memory_space<hbm>>
              tpu.enqueue_dma source(%dma_start3A_152 : memref<80xi32, #tpu.memory_space<hbm>>) target(%arg16 : memref<80xi32, #tpu.memory_space<vmem>>) target_semaphore(%run_scoped3A_146 : memref<!tpu.dma_semaphore, #tpu.memory_space<semaphore_mem>>)
              %dma_wait3A_153 = arith.constant 0 : i32
              %dma_wait3A_154 = tpu.memref_slice %arg7[%arg1, %add3A_137, %dma_wait3A_153] : memref<16x250x80xi32, #tpu.memory_space<hbm>> -> memref<1x1x80xi32, #tpu.memory_space<hbm>>
              %dma_wait3A_155 = tpu.memref_squeeze %dma_wait3A_154 : memref<1x1x80xi32, #tpu.memory_space<hbm>> -> memref<80xi32, #tpu.memory_space<hbm>>
              %dma_wait3A_156 = arith.constant 0 : i32
              %dma_wait3A_157 = tpu.memref_slice %arg7[%arg1, %add3A_137, %dma_wait3A_156] : memref<16x250x80xi32, #tpu.memory_space<hbm>> -> memref<1x1x80xi32, #tpu.memory_space<hbm>>
              %dma_wait3A_158 = tpu.memref_squeeze %dma_wait3A_157 : memref<1x1x80xi32, #tpu.memory_space<hbm>> -> memref<80xi32, #tpu.memory_space<hbm>>
              tpu.wait_dma2 semaphore(%run_scoped3A_146 : memref<!tpu.dma_semaphore, #tpu.memory_space<semaphore_mem>>) src(%dma_wait3A_158 : memref<80xi32, #tpu.memory_space<hbm>>) dst(%arg16 : memref<80xi32, #tpu.memory_space<vmem>>)
              tpu.yield
            }) : () -> ()
            %dma_start3A_143 = arith.constant 0 : i32
            %dma_start3A_144 = arith.constant 0 : i32
            %dma_start3A_145 = tpu.memref_slice %arg3[%dma_start3A_143, %dma_start3A_144] : memref<10240x128xf32, #tpu.memory_space<hbm>> -> memref<10240x128xf32, #tpu.memory_space<hbm>>
            tpu.enqueue_indirect_dma source(%dma_start3A_145 : memref<10240x128xf32, #tpu.memory_space<hbm>>) target(%arg20 : memref<80x128xf32, #tpu.memory_space<vmem>>) offsets(%arg12 : memref<80xi32, #tpu.memory_space<vmem>>) semaphore(%arg28 : memref<!tpu.dma_semaphore, #tpu.memory_space<semaphore_mem>>)
          } else {
          }
        } else {
        }
        %scan3A_132 = arith.constant 0 : i32
        scf.yield %scan3A_132 : i32
      }
      %scan3A_64 = arith.constant 63 : i32
    } else {
    }
    %barrier3A_29 = arith.constant 0 : index
    tpu.barrier barrier_id(%barrier3A_29)
    %eq3A_30 = arith.constant 0 : i32
    %eq3A_31 = arith.cmpi eq, %arg0, %eq3A_30 : i32
    %convert_element_type3A_32 = arith.extui %eq3A_31 : i1 to i32
    %cond3A_33 = arith.constant 0 : i32
    %cond3A_34 = arith.cmpi ne, %convert_element_type3A_32, %cond3A_33 : i32
    scf.if %cond3A_34 {
      %add3A_40 = arith.constant 0 : i32
      %add3A_41 = arith.addi %mul3A_0, %add3A_40 : i32
      %add3A_42 = arith.constant 0 : i32
      %add3A_43 = arith.addi %mul3A_0, %add3A_42 : i32
      %dma_start3A = arith.constant 0 : i32
      %dma_start3A_44 = tpu.memref_slice %arg8[%add3A_43, %dma_start3A] : memref<10240x128xf32, #tpu.memory_space<hbm>> -> memref<80x128xf32, #tpu.memory_space<hbm>>
      %dma_start3A_45 = arith.constant 0 : i32
      %dma_start3A_46 = tpu.memref_slice %arg24[%add3A_41, %dma_start3A_45] : memref<10240x128xf32, #tpu.memory_space<vmem_shared>> -> memref<80x128xf32, #tpu.memory_space<vmem_shared>>
      tpu.enqueue_dma source(%dma_start3A_46 : memref<80x128xf32, #tpu.memory_space<vmem_shared>>) target(%dma_start3A_44 : memref<80x128xf32, #tpu.memory_space<hbm>>) target_semaphore(%arg26 : memref<!tpu.dma_semaphore, #tpu.memory_space<semaphore_mem>>)
      %add3A_47 = arith.constant 80 : i32
      %add3A_48 = arith.addi %mul3A_0, %add3A_47 : i32
      %add3A_49 = arith.constant 80 : i32
      %add3A_50 = arith.addi %mul3A_0, %add3A_49 : i32
      %dma_start3A_51 = arith.constant 0 : i32
      %dma_start3A_52 = tpu.memref_slice %arg8[%add3A_50, %dma_start3A_51] : memref<10240x128xf32, #tpu.memory_space<hbm>> -> memref<80x128xf32, #tpu.memory_space<hbm>>
      %dma_start3A_53 = arith.constant 0 : i32
      %dma_start3A_54 = tpu.memref_slice %arg24[%add3A_48, %dma_start3A_53] : memref<10240x128xf32, #tpu.memory_space<vmem_shared>> -> memref<80x128xf32, #tpu.memory_space<vmem_shared>>
      tpu.enqueue_dma source(%dma_start3A_54 : memref<80x128xf32, #tpu.memory_space<vmem_shared>>) target(%dma_start3A_52 : memref<80x128xf32, #tpu.memory_space<hbm>>) target_semaphore(%arg27 : memref<!tpu.dma_semaphore, #tpu.memory_space<semaphore_mem>>)
      %add3A_55 = arith.constant 160 : i32
      %add3A_56 = arith.addi %mul3A_0, %add3A_55 : i32
      %add3A_57 = arith.constant 160 : i32
      %add3A_58 = arith.addi %mul3A_0, %add3A_57 : i32
      %dma_start3A_59 = arith.constant 0 : i32
      %dma_start3A_60 = tpu.memref_slice %arg8[%add3A_58, %dma_start3A_59] : memref<10240x128xf32, #tpu.memory_space<hbm>> -> memref<80x128xf32, #tpu.memory_space<hbm>>
      %dma_start3A_61 = arith.constant 0 : i32
      %dma_start3A_62 = tpu.memref_slice %arg24[%add3A_56, %dma_start3A_61] : memref<10240x128xf32, #tpu.memory_space<vmem_shared>> -> memref<80x128xf32, #tpu.memory_space<vmem_shared>>
      tpu.enqueue_dma source(%dma_start3A_62 : memref<80x128xf32, #tpu.memory_space<vmem_shared>>) target(%dma_start3A_60 : memref<80x128xf32, #tpu.memory_space<hbm>>) target_semaphore(%arg28 : memref<!tpu.dma_semaphore, #tpu.memory_space<semaphore_mem>>)
      %add3A_63 = arith.constant 240 : i32
      %add3A_64 = arith.addi %mul3A_0, %add3A_63 : i32
      %add3A_65 = arith.constant 240 : i32
      %add3A_66 = arith.addi %mul3A_0, %add3A_65 : i32
      %dma_start3A_67 = arith.constant 0 : i32
      %dma_start3A_68 = tpu.memref_slice %arg8[%add3A_66, %dma_start3A_67] : memref<10240x128xf32, #tpu.memory_space<hbm>> -> memref<80x128xf32, #tpu.memory_space<hbm>>
      %dma_start3A_69 = arith.constant 0 : i32
      %dma_start3A_70 = tpu.memref_slice %arg24[%add3A_64, %dma_start3A_69] : memref<10240x128xf32, #tpu.memory_space<vmem_shared>> -> memref<80x128xf32, #tpu.memory_space<vmem_shared>>
      tpu.enqueue_dma source(%dma_start3A_70 : memref<80x128xf32, #tpu.memory_space<vmem_shared>>) target(%dma_start3A_68 : memref<80x128xf32, #tpu.memory_space<hbm>>) target_semaphore(%arg29 : memref<!tpu.dma_semaphore, #tpu.memory_space<semaphore_mem>>)
      %add3A_71 = arith.constant 320 : i32
      %add3A_72 = arith.addi %mul3A_0, %add3A_71 : i32
      %add3A_73 = arith.constant 320 : i32
      %add3A_74 = arith.addi %mul3A_0, %add3A_73 : i32
      %dma_start3A_75 = arith.constant 0 : i32
      %dma_start3A_76 = tpu.memref_slice %arg8[%add3A_74, %dma_start3A_75] : memref<10240x128xf32, #tpu.memory_space<hbm>> -> memref<80x128xf32, #tpu.memory_space<hbm>>
      %dma_start3A_77 = arith.constant 0 : i32
      %dma_start3A_78 = tpu.memref_slice %arg24[%add3A_72, %dma_start3A_77] : memref<10240x128xf32, #tpu.memory_space<vmem_shared>> -> memref<80x128xf32, #tpu.memory_space<vmem_shared>>
      tpu.enqueue_dma source(%dma_start3A_78 : memref<80x128xf32, #tpu.memory_space<vmem_shared>>) target(%dma_start3A_76 : memref<80x128xf32, #tpu.memory_space<hbm>>) target_semaphore(%arg26 : memref<!tpu.dma_semaphore, #tpu.memory_space<semaphore_mem>>)
      %add3A_79 = arith.constant 400 : i32
      %add3A_80 = arith.addi %mul3A_0, %add3A_79 : i32
      %add3A_81 = arith.constant 400 : i32
      %add3A_82 = arith.addi %mul3A_0, %add3A_81 : i32
      %dma_start3A_83 = arith.constant 0 : i32
      %dma_start3A_84 = tpu.memref_slice %arg8[%add3A_82, %dma_start3A_83] : memref<10240x128xf32, #tpu.memory_space<hbm>> -> memref<80x128xf32, #tpu.memory_space<hbm>>
      %dma_start3A_85 = arith.constant 0 : i32
      %dma_start3A_86 = tpu.memref_slice %arg24[%add3A_80, %dma_start3A_85] : memref<10240x128xf32, #tpu.memory_space<vmem_shared>> -> memref<80x128xf32, #tpu.memory_space<vmem_shared>>
      tpu.enqueue_dma source(%dma_start3A_86 : memref<80x128xf32, #tpu.memory_space<vmem_shared>>) target(%dma_start3A_84 : memref<80x128xf32, #tpu.memory_space<hbm>>) target_semaphore(%arg27 : memref<!tpu.dma_semaphore, #tpu.memory_space<semaphore_mem>>)
      %add3A_87 = arith.constant 480 : i32
      %add3A_88 = arith.addi %mul3A_0, %add3A_87 : i32
      %add3A_89 = arith.constant 480 : i32
      %add3A_90 = arith.addi %mul3A_0, %add3A_89 : i32
      %dma_start3A_91 = arith.constant 0 : i32
      %dma_start3A_92 = tpu.memref_slice %arg8[%add3A_90, %dma_start3A_91] : memref<10240x128xf32, #tpu.memory_space<hbm>> -> memref<80x128xf32, #tpu.memory_space<hbm>>
      %dma_start3A_93 = arith.constant 0 : i32
      %dma_start3A_94 = tpu.memref_slice %arg24[%add3A_88, %dma_start3A_93] : memref<10240x128xf32, #tpu.memory_space<vmem_shared>> -> memref<80x128xf32, #tpu.memory_space<vmem_shared>>
      tpu.enqueue_dma source(%dma_start3A_94 : memref<80x128xf32, #tpu.memory_space<vmem_shared>>) target(%dma_start3A_92 : memref<80x128xf32, #tpu.memory_space<hbm>>) target_semaphore(%arg28 : memref<!tpu.dma_semaphore, #tpu.memory_space<semaphore_mem>>)
      %add3A_95 = arith.constant 560 : i32
      %add3A_96 = arith.addi %mul3A_0, %add3A_95 : i32
      %add3A_97 = arith.constant 560 : i32
      %add3A_98 = arith.addi %mul3A_0, %add3A_97 : i32
      %dma_start3A_99 = arith.constant 0 : i32
      %dma_start3A_100 = tpu.memref_slice %arg8[%add3A_98, %dma_start3A_99] : memref<10240x128xf32, #tpu.memory_space<hbm>> -> memref<80x128xf32, #tpu.memory_space<hbm>>
      %dma_start3A_101 = arith.constant 0 : i32
      %dma_start3A_102 = tpu.memref_slice %arg24[%add3A_96, %dma_start3A_101] : memref<10240x128xf32, #tpu.memory_space<vmem_shared>> -> memref<80x128xf32, #tpu.memory_space<vmem_shared>>
      tpu.enqueue_dma source(%dma_start3A_102 : memref<80x128xf32, #tpu.memory_space<vmem_shared>>) target(%dma_start3A_100 : memref<80x128xf32, #tpu.memory_space<hbm>>) target_semaphore(%arg29 : memref<!tpu.dma_semaphore, #tpu.memory_space<semaphore_mem>>)
      %add3A_103 = arith.constant 0 : i32
      %add3A_104 = arith.addi %mul3A_0, %add3A_103 : i32
      %add3A_105 = arith.constant 0 : i32
      %add3A_106 = arith.addi %mul3A_0, %add3A_105 : i32
      %dma_wait3A = arith.constant 0 : i32
      %dma_wait3A_107 = tpu.memref_slice %arg8[%add3A_106, %dma_wait3A] : memref<10240x128xf32, #tpu.memory_space<hbm>> -> memref<80x128xf32, #tpu.memory_space<hbm>>
      %dma_wait3A_108 = arith.constant 0 : i32
      %dma_wait3A_109 = tpu.memref_slice %arg24[%add3A_104, %dma_wait3A_108] : memref<10240x128xf32, #tpu.memory_space<vmem_shared>> -> memref<80x128xf32, #tpu.memory_space<vmem_shared>>
      tpu.wait_dma2 semaphore(%arg26 : memref<!tpu.dma_semaphore, #tpu.memory_space<semaphore_mem>>) src(%dma_wait3A_109 : memref<80x128xf32, #tpu.memory_space<vmem_shared>>) dst(%dma_wait3A_107 : memref<80x128xf32, #tpu.memory_space<hbm>>)
      %add3A_110 = arith.constant 80 : i32
      %add3A_111 = arith.addi %mul3A_0, %add3A_110 : i32
      %add3A_112 = arith.constant 80 : i32
      %add3A_113 = arith.addi %mul3A_0, %add3A_112 : i32
      %dma_wait3A_114 = arith.constant 0 : i32
      %dma_wait3A_115 = tpu.memref_slice %arg8[%add3A_113, %dma_wait3A_114] : memref<10240x128xf32, #tpu.memory_space<hbm>> -> memref<80x128xf32, #tpu.memory_space<hbm>>
      %dma_wait3A_116 = arith.constant 0 : i32
      %dma_wait3A_117 = tpu.memref_slice %arg24[%add3A_111, %dma_wait3A_116] : memref<10240x128xf32, #tpu.memory_space<vmem_shared>> -> memref<80x128xf32, #tpu.memory_space<vmem_shared>>
      tpu.wait_dma2 semaphore(%arg27 : memref<!tpu.dma_semaphore, #tpu.memory_space<semaphore_mem>>) src(%dma_wait3A_117 : memref<80x128xf32, #tpu.memory_space<vmem_shared>>) dst(%dma_wait3A_115 : memref<80x128xf32, #tpu.memory_space<hbm>>)
      %add3A_118 = arith.constant 160 : i32
      %add3A_119 = arith.addi %mul3A_0, %add3A_118 : i32
      %add3A_120 = arith.constant 160 : i32
      %add3A_121 = arith.addi %mul3A_0, %add3A_120 : i32
      %dma_wait3A_122 = arith.constant 0 : i32
      %dma_wait3A_123 = tpu.memref_slice %arg8[%add3A_121, %dma_wait3A_122] : memref<10240x128xf32, #tpu.memory_space<hbm>> -> memref<80x128xf32, #tpu.memory_space<hbm>>
      %dma_wait3A_124 = arith.constant 0 : i32
      %dma_wait3A_125 = tpu.memref_slice %arg24[%add3A_119, %dma_wait3A_124] : memref<10240x128xf32, #tpu.memory_space<vmem_shared>> -> memref<80x128xf32, #tpu.memory_space<vmem_shared>>
      tpu.wait_dma2 semaphore(%arg28 : memref<!tpu.dma_semaphore, #tpu.memory_space<semaphore_mem>>) src(%dma_wait3A_125 : memref<80x128xf32, #tpu.memory_space<vmem_shared>>) dst(%dma_wait3A_123 : memref<80x128xf32, #tpu.memory_space<hbm>>)
      %add3A_126 = arith.constant 240 : i32
      %add3A_127 = arith.addi %mul3A_0, %add3A_126 : i32
      %add3A_128 = arith.constant 240 : i32
      %add3A_129 = arith.addi %mul3A_0, %add3A_128 : i32
      %dma_wait3A_130 = arith.constant 0 : i32
      %dma_wait3A_131 = tpu.memref_slice %arg8[%add3A_129, %dma_wait3A_130] : memref<10240x128xf32, #tpu.memory_space<hbm>> -> memref<80x128xf32, #tpu.memory_space<hbm>>
      %dma_wait3A_132 = arith.constant 0 : i32
      %dma_wait3A_133 = tpu.memref_slice %arg24[%add3A_127, %dma_wait3A_132] : memref<10240x128xf32, #tpu.memory_space<vmem_shared>> -> memref<80x128xf32, #tpu.memory_space<vmem_shared>>
      tpu.wait_dma2 semaphore(%arg29 : memref<!tpu.dma_semaphore, #tpu.memory_space<semaphore_mem>>) src(%dma_wait3A_133 : memref<80x128xf32, #tpu.memory_space<vmem_shared>>) dst(%dma_wait3A_131 : memref<80x128xf32, #tpu.memory_space<hbm>>)
      %add3A_134 = arith.constant 320 : i32
      %add3A_135 = arith.addi %mul3A_0, %add3A_134 : i32
      %add3A_136 = arith.constant 320 : i32
      %add3A_137 = arith.addi %mul3A_0, %add3A_136 : i32
      %dma_wait3A_138 = arith.constant 0 : i32
      %dma_wait3A_139 = tpu.memref_slice %arg8[%add3A_137, %dma_wait3A_138] : memref<10240x128xf32, #tpu.memory_space<hbm>> -> memref<80x128xf32, #tpu.memory_space<hbm>>
      %dma_wait3A_140 = arith.constant 0 : i32
      %dma_wait3A_141 = tpu.memref_slice %arg24[%add3A_135, %dma_wait3A_140] : memref<10240x128xf32, #tpu.memory_space<vmem_shared>> -> memref<80x128xf32, #tpu.memory_space<vmem_shared>>
      tpu.wait_dma2 semaphore(%arg26 : memref<!tpu.dma_semaphore, #tpu.memory_space<semaphore_mem>>) src(%dma_wait3A_141 : memref<80x128xf32, #tpu.memory_space<vmem_shared>>) dst(%dma_wait3A_139 : memref<80x128xf32, #tpu.memory_space<hbm>>)
      %add3A_142 = arith.constant 400 : i32
      %add3A_143 = arith.addi %mul3A_0, %add3A_142 : i32
      %add3A_144 = arith.constant 400 : i32
      %add3A_145 = arith.addi %mul3A_0, %add3A_144 : i32
      %dma_wait3A_146 = arith.constant 0 : i32
      %dma_wait3A_147 = tpu.memref_slice %arg8[%add3A_145, %dma_wait3A_146] : memref<10240x128xf32, #tpu.memory_space<hbm>> -> memref<80x128xf32, #tpu.memory_space<hbm>>
      %dma_wait3A_148 = arith.constant 0 : i32
      %dma_wait3A_149 = tpu.memref_slice %arg24[%add3A_143, %dma_wait3A_148] : memref<10240x128xf32, #tpu.memory_space<vmem_shared>> -> memref<80x128xf32, #tpu.memory_space<vmem_shared>>
      tpu.wait_dma2 semaphore(%arg27 : memref<!tpu.dma_semaphore, #tpu.memory_space<semaphore_mem>>) src(%dma_wait3A_149 : memref<80x128xf32, #tpu.memory_space<vmem_shared>>) dst(%dma_wait3A_147 : memref<80x128xf32, #tpu.memory_space<hbm>>)
      %add3A_150 = arith.constant 480 : i32
      %add3A_151 = arith.addi %mul3A_0, %add3A_150 : i32
      %add3A_152 = arith.constant 480 : i32
      %add3A_153 = arith.addi %mul3A_0, %add3A_152 : i32
      %dma_wait3A_154 = arith.constant 0 : i32
      %dma_wait3A_155 = tpu.memref_slice %arg8[%add3A_153, %dma_wait3A_154] : memref<10240x128xf32, #tpu.memory_space<hbm>> -> memref<80x128xf32, #tpu.memory_space<hbm>>
      %dma_wait3A_156 = arith.constant 0 : i32
      %dma_wait3A_157 = tpu.memref_slice %arg24[%add3A_151, %dma_wait3A_156] : memref<10240x128xf32, #tpu.memory_space<vmem_shared>> -> memref<80x128xf32, #tpu.memory_space<vmem_shared>>
      tpu.wait_dma2 semaphore(%arg28 : memref<!tpu.dma_semaphore, #tpu.memory_space<semaphore_mem>>) src(%dma_wait3A_157 : memref<80x128xf32, #tpu.memory_space<vmem_shared>>) dst(%dma_wait3A_155 : memref<80x128xf32, #tpu.memory_space<hbm>>)
      %add3A_158 = arith.constant 560 : i32
      %add3A_159 = arith.addi %mul3A_0, %add3A_158 : i32
      %add3A_160 = arith.constant 560 : i32
      %add3A_161 = arith.addi %mul3A_0, %add3A_160 : i32
      %dma_wait3A_162 = arith.constant 0 : i32
      %dma_wait3A_163 = tpu.memref_slice %arg8[%add3A_161, %dma_wait3A_162] : memref<10240x128xf32, #tpu.memory_space<hbm>> -> memref<80x128xf32, #tpu.memory_space<hbm>>
      %dma_wait3A_164 = arith.constant 0 : i32
      %dma_wait3A_165 = tpu.memref_slice %arg24[%add3A_159, %dma_wait3A_164] : memref<10240x128xf32, #tpu.memory_space<vmem_shared>> -> memref<80x128xf32, #tpu.memory_space<vmem_shared>>
      tpu.wait_dma2 semaphore(%arg29 : memref<!tpu.dma_semaphore, #tpu.memory_space<semaphore_mem>>) src(%dma_wait3A_165 : memref<80x128xf32, #tpu.memory_space<vmem_shared>>) dst(%dma_wait3A_163 : memref<80x128xf32, #tpu.memory_space<hbm>>)
    } else {
    }
    %eq3A_35 = arith.constant 1 : i32
    %eq3A_36 = arith.cmpi eq, %arg0, %eq3A_35 : i32
    %convert_element_type3A_37 = arith.extui %eq3A_36 : i1 to i32
    %cond3A_38 = arith.constant 0 : i32
    %cond3A_39 = arith.cmpi ne, %convert_element_type3A_37, %cond3A_38 : i32
    scf.if %cond3A_39 {
      %add3A_40 = arith.constant 0 : i32
      %add3A_41 = arith.addi %mul3A_0, %add3A_40 : i32
      %add3A_42 = arith.constant 0 : i32
      %add3A_43 = arith.addi %mul3A_0, %add3A_42 : i32
      %dma_start3A = arith.constant 0 : i32
      %dma_start3A_44 = tpu.memref_slice %arg9[%add3A_43, %dma_start3A] : memref<10240x128xf32, #tpu.memory_space<hbm>> -> memref<80x128xf32, #tpu.memory_space<hbm>>
      %dma_start3A_45 = arith.constant 0 : i32
      %dma_start3A_46 = tpu.memref_slice %arg24[%add3A_41, %dma_start3A_45] : memref<10240x128xf32, #tpu.memory_space<vmem_shared>> -> memref<80x128xf32, #tpu.memory_space<vmem_shared>>
      tpu.enqueue_dma source(%dma_start3A_46 : memref<80x128xf32, #tpu.memory_space<vmem_shared>>) target(%dma_start3A_44 : memref<80x128xf32, #tpu.memory_space<hbm>>) target_semaphore(%arg26 : memref<!tpu.dma_semaphore, #tpu.memory_space<semaphore_mem>>)
      %add3A_47 = arith.constant 80 : i32
      %add3A_48 = arith.addi %mul3A_0, %add3A_47 : i32
      %add3A_49 = arith.constant 80 : i32
      %add3A_50 = arith.addi %mul3A_0, %add3A_49 : i32
      %dma_start3A_51 = arith.constant 0 : i32
      %dma_start3A_52 = tpu.memref_slice %arg9[%add3A_50, %dma_start3A_51] : memref<10240x128xf32, #tpu.memory_space<hbm>> -> memref<80x128xf32, #tpu.memory_space<hbm>>
      %dma_start3A_53 = arith.constant 0 : i32
      %dma_start3A_54 = tpu.memref_slice %arg24[%add3A_48, %dma_start3A_53] : memref<10240x128xf32, #tpu.memory_space<vmem_shared>> -> memref<80x128xf32, #tpu.memory_space<vmem_shared>>
      tpu.enqueue_dma source(%dma_start3A_54 : memref<80x128xf32, #tpu.memory_space<vmem_shared>>) target(%dma_start3A_52 : memref<80x128xf32, #tpu.memory_space<hbm>>) target_semaphore(%arg27 : memref<!tpu.dma_semaphore, #tpu.memory_space<semaphore_mem>>)
      %add3A_55 = arith.constant 160 : i32
      %add3A_56 = arith.addi %mul3A_0, %add3A_55 : i32
      %add3A_57 = arith.constant 160 : i32
      %add3A_58 = arith.addi %mul3A_0, %add3A_57 : i32
      %dma_start3A_59 = arith.constant 0 : i32
      %dma_start3A_60 = tpu.memref_slice %arg9[%add3A_58, %dma_start3A_59] : memref<10240x128xf32, #tpu.memory_space<hbm>> -> memref<80x128xf32, #tpu.memory_space<hbm>>
      %dma_start3A_61 = arith.constant 0 : i32
      %dma_start3A_62 = tpu.memref_slice %arg24[%add3A_56, %dma_start3A_61] : memref<10240x128xf32, #tpu.memory_space<vmem_shared>> -> memref<80x128xf32, #tpu.memory_space<vmem_shared>>
      tpu.enqueue_dma source(%dma_start3A_62 : memref<80x128xf32, #tpu.memory_space<vmem_shared>>) target(%dma_start3A_60 : memref<80x128xf32, #tpu.memory_space<hbm>>) target_semaphore(%arg28 : memref<!tpu.dma_semaphore, #tpu.memory_space<semaphore_mem>>)
      %add3A_63 = arith.constant 240 : i32
      %add3A_64 = arith.addi %mul3A_0, %add3A_63 : i32
      %add3A_65 = arith.constant 240 : i32
      %add3A_66 = arith.addi %mul3A_0, %add3A_65 : i32
      %dma_start3A_67 = arith.constant 0 : i32
      %dma_start3A_68 = tpu.memref_slice %arg9[%add3A_66, %dma_start3A_67] : memref<10240x128xf32, #tpu.memory_space<hbm>> -> memref<80x128xf32, #tpu.memory_space<hbm>>
      %dma_start3A_69 = arith.constant 0 : i32
      %dma_start3A_70 = tpu.memref_slice %arg24[%add3A_64, %dma_start3A_69] : memref<10240x128xf32, #tpu.memory_space<vmem_shared>> -> memref<80x128xf32, #tpu.memory_space<vmem_shared>>
      tpu.enqueue_dma source(%dma_start3A_70 : memref<80x128xf32, #tpu.memory_space<vmem_shared>>) target(%dma_start3A_68 : memref<80x128xf32, #tpu.memory_space<hbm>>) target_semaphore(%arg29 : memref<!tpu.dma_semaphore, #tpu.memory_space<semaphore_mem>>)
      %add3A_71 = arith.constant 320 : i32
      %add3A_72 = arith.addi %mul3A_0, %add3A_71 : i32
      %add3A_73 = arith.constant 320 : i32
      %add3A_74 = arith.addi %mul3A_0, %add3A_73 : i32
      %dma_start3A_75 = arith.constant 0 : i32
      %dma_start3A_76 = tpu.memref_slice %arg9[%add3A_74, %dma_start3A_75] : memref<10240x128xf32, #tpu.memory_space<hbm>> -> memref<80x128xf32, #tpu.memory_space<hbm>>
      %dma_start3A_77 = arith.constant 0 : i32
      %dma_start3A_78 = tpu.memref_slice %arg24[%add3A_72, %dma_start3A_77] : memref<10240x128xf32, #tpu.memory_space<vmem_shared>> -> memref<80x128xf32, #tpu.memory_space<vmem_shared>>
      tpu.enqueue_dma source(%dma_start3A_78 : memref<80x128xf32, #tpu.memory_space<vmem_shared>>) target(%dma_start3A_76 : memref<80x128xf32, #tpu.memory_space<hbm>>) target_semaphore(%arg26 : memref<!tpu.dma_semaphore, #tpu.memory_space<semaphore_mem>>)
      %add3A_79 = arith.constant 400 : i32
      %add3A_80 = arith.addi %mul3A_0, %add3A_79 : i32
      %add3A_81 = arith.constant 400 : i32
      %add3A_82 = arith.addi %mul3A_0, %add3A_81 : i32
      %dma_start3A_83 = arith.constant 0 : i32
      %dma_start3A_84 = tpu.memref_slice %arg9[%add3A_82, %dma_start3A_83] : memref<10240x128xf32, #tpu.memory_space<hbm>> -> memref<80x128xf32, #tpu.memory_space<hbm>>
      %dma_start3A_85 = arith.constant 0 : i32
      %dma_start3A_86 = tpu.memref_slice %arg24[%add3A_80, %dma_start3A_85] : memref<10240x128xf32, #tpu.memory_space<vmem_shared>> -> memref<80x128xf32, #tpu.memory_space<vmem_shared>>
      tpu.enqueue_dma source(%dma_start3A_86 : memref<80x128xf32, #tpu.memory_space<vmem_shared>>) target(%dma_start3A_84 : memref<80x128xf32, #tpu.memory_space<hbm>>) target_semaphore(%arg27 : memref<!tpu.dma_semaphore, #tpu.memory_space<semaphore_mem>>)
      %add3A_87 = arith.constant 480 : i32
      %add3A_88 = arith.addi %mul3A_0, %add3A_87 : i32
      %add3A_89 = arith.constant 480 : i32
      %add3A_90 = arith.addi %mul3A_0, %add3A_89 : i32
      %dma_start3A_91 = arith.constant 0 : i32
      %dma_start3A_92 = tpu.memref_slice %arg9[%add3A_90, %dma_start3A_91] : memref<10240x128xf32, #tpu.memory_space<hbm>> -> memref<80x128xf32, #tpu.memory_space<hbm>>
      %dma_start3A_93 = arith.constant 0 : i32
      %dma_start3A_94 = tpu.memref_slice %arg24[%add3A_88, %dma_start3A_93] : memref<10240x128xf32, #tpu.memory_space<vmem_shared>> -> memref<80x128xf32, #tpu.memory_space<vmem_shared>>
      tpu.enqueue_dma source(%dma_start3A_94 : memref<80x128xf32, #tpu.memory_space<vmem_shared>>) target(%dma_start3A_92 : memref<80x128xf32, #tpu.memory_space<hbm>>) target_semaphore(%arg28 : memref<!tpu.dma_semaphore, #tpu.memory_space<semaphore_mem>>)
      %add3A_95 = arith.constant 560 : i32
      %add3A_96 = arith.addi %mul3A_0, %add3A_95 : i32
      %add3A_97 = arith.constant 560 : i32
      %add3A_98 = arith.addi %mul3A_0, %add3A_97 : i32
      %dma_start3A_99 = arith.constant 0 : i32
      %dma_start3A_100 = tpu.memref_slice %arg9[%add3A_98, %dma_start3A_99] : memref<10240x128xf32, #tpu.memory_space<hbm>> -> memref<80x128xf32, #tpu.memory_space<hbm>>
      %dma_start3A_101 = arith.constant 0 : i32
      %dma_start3A_102 = tpu.memref_slice %arg24[%add3A_96, %dma_start3A_101] : memref<10240x128xf32, #tpu.memory_space<vmem_shared>> -> memref<80x128xf32, #tpu.memory_space<vmem_shared>>
      tpu.enqueue_dma source(%dma_start3A_102 : memref<80x128xf32, #tpu.memory_space<vmem_shared>>) target(%dma_start3A_100 : memref<80x128xf32, #tpu.memory_space<hbm>>) target_semaphore(%arg29 : memref<!tpu.dma_semaphore, #tpu.memory_space<semaphore_mem>>)
      %add3A_103 = arith.constant 0 : i32
      %add3A_104 = arith.addi %mul3A_0, %add3A_103 : i32
      %add3A_105 = arith.constant 0 : i32
      %add3A_106 = arith.addi %mul3A_0, %add3A_105 : i32
      %dma_wait3A = arith.constant 0 : i32
      %dma_wait3A_107 = tpu.memref_slice %arg9[%add3A_106, %dma_wait3A] : memref<10240x128xf32, #tpu.memory_space<hbm>> -> memref<80x128xf32, #tpu.memory_space<hbm>>
      %dma_wait3A_108 = arith.constant 0 : i32
      %dma_wait3A_109 = tpu.memref_slice %arg24[%add3A_104, %dma_wait3A_108] : memref<10240x128xf32, #tpu.memory_space<vmem_shared>> -> memref<80x128xf32, #tpu.memory_space<vmem_shared>>
      tpu.wait_dma2 semaphore(%arg26 : memref<!tpu.dma_semaphore, #tpu.memory_space<semaphore_mem>>) src(%dma_wait3A_109 : memref<80x128xf32, #tpu.memory_space<vmem_shared>>) dst(%dma_wait3A_107 : memref<80x128xf32, #tpu.memory_space<hbm>>)
      %add3A_110 = arith.constant 80 : i32
      %add3A_111 = arith.addi %mul3A_0, %add3A_110 : i32
      %add3A_112 = arith.constant 80 : i32
      %add3A_113 = arith.addi %mul3A_0, %add3A_112 : i32
      %dma_wait3A_114 = arith.constant 0 : i32
      %dma_wait3A_115 = tpu.memref_slice %arg9[%add3A_113, %dma_wait3A_114] : memref<10240x128xf32, #tpu.memory_space<hbm>> -> memref<80x128xf32, #tpu.memory_space<hbm>>
      %dma_wait3A_116 = arith.constant 0 : i32
      %dma_wait3A_117 = tpu.memref_slice %arg24[%add3A_111, %dma_wait3A_116] : memref<10240x128xf32, #tpu.memory_space<vmem_shared>> -> memref<80x128xf32, #tpu.memory_space<vmem_shared>>
      tpu.wait_dma2 semaphore(%arg27 : memref<!tpu.dma_semaphore, #tpu.memory_space<semaphore_mem>>) src(%dma_wait3A_117 : memref<80x128xf32, #tpu.memory_space<vmem_shared>>) dst(%dma_wait3A_115 : memref<80x128xf32, #tpu.memory_space<hbm>>)
      %add3A_118 = arith.constant 160 : i32
      %add3A_119 = arith.addi %mul3A_0, %add3A_118 : i32
      %add3A_120 = arith.constant 160 : i32
      %add3A_121 = arith.addi %mul3A_0, %add3A_120 : i32
      %dma_wait3A_122 = arith.constant 0 : i32
      %dma_wait3A_123 = tpu.memref_slice %arg9[%add3A_121, %dma_wait3A_122] : memref<10240x128xf32, #tpu.memory_space<hbm>> -> memref<80x128xf32, #tpu.memory_space<hbm>>
      %dma_wait3A_124 = arith.constant 0 : i32
      %dma_wait3A_125 = tpu.memref_slice %arg24[%add3A_119, %dma_wait3A_124] : memref<10240x128xf32, #tpu.memory_space<vmem_shared>> -> memref<80x128xf32, #tpu.memory_space<vmem_shared>>
      tpu.wait_dma2 semaphore(%arg28 : memref<!tpu.dma_semaphore, #tpu.memory_space<semaphore_mem>>) src(%dma_wait3A_125 : memref<80x128xf32, #tpu.memory_space<vmem_shared>>) dst(%dma_wait3A_123 : memref<80x128xf32, #tpu.memory_space<hbm>>)
      %add3A_126 = arith.constant 240 : i32
      %add3A_127 = arith.addi %mul3A_0, %add3A_126 : i32
      %add3A_128 = arith.constant 240 : i32
      %add3A_129 = arith.addi %mul3A_0, %add3A_128 : i32
      %dma_wait3A_130 = arith.constant 0 : i32
      %dma_wait3A_131 = tpu.memref_slice %arg9[%add3A_129, %dma_wait3A_130] : memref<10240x128xf32, #tpu.memory_space<hbm>> -> memref<80x128xf32, #tpu.memory_space<hbm>>
      %dma_wait3A_132 = arith.constant 0 : i32
      %dma_wait3A_133 = tpu.memref_slice %arg24[%add3A_127, %dma_wait3A_132] : memref<10240x128xf32, #tpu.memory_space<vmem_shared>> -> memref<80x128xf32, #tpu.memory_space<vmem_shared>>
      tpu.wait_dma2 semaphore(%arg29 : memref<!tpu.dma_semaphore, #tpu.memory_space<semaphore_mem>>) src(%dma_wait3A_133 : memref<80x128xf32, #tpu.memory_space<vmem_shared>>) dst(%dma_wait3A_131 : memref<80x128xf32, #tpu.memory_space<hbm>>)
      %add3A_134 = arith.constant 320 : i32
      %add3A_135 = arith.addi %mul3A_0, %add3A_134 : i32
      %add3A_136 = arith.constant 320 : i32
      %add3A_137 = arith.addi %mul3A_0, %add3A_136 : i32
      %dma_wait3A_138 = arith.constant 0 : i32
      %dma_wait3A_139 = tpu.memref_slice %arg9[%add3A_137, %dma_wait3A_138] : memref<10240x128xf32, #tpu.memory_space<hbm>> -> memref<80x128xf32, #tpu.memory_space<hbm>>
      %dma_wait3A_140 = arith.constant 0 : i32
      %dma_wait3A_141 = tpu.memref_slice %arg24[%add3A_135, %dma_wait3A_140] : memref<10240x128xf32, #tpu.memory_space<vmem_shared>> -> memref<80x128xf32, #tpu.memory_space<vmem_shared>>
      tpu.wait_dma2 semaphore(%arg26 : memref<!tpu.dma_semaphore, #tpu.memory_space<semaphore_mem>>) src(%dma_wait3A_141 : memref<80x128xf32, #tpu.memory_space<vmem_shared>>) dst(%dma_wait3A_139 : memref<80x128xf32, #tpu.memory_space<hbm>>)
      %add3A_142 = arith.constant 400 : i32
      %add3A_143 = arith.addi %mul3A_0, %add3A_142 : i32
      %add3A_144 = arith.constant 400 : i32
      %add3A_145 = arith.addi %mul3A_0, %add3A_144 : i32
      %dma_wait3A_146 = arith.constant 0 : i32
      %dma_wait3A_147 = tpu.memref_slice %arg9[%add3A_145, %dma_wait3A_146] : memref<10240x128xf32, #tpu.memory_space<hbm>> -> memref<80x128xf32, #tpu.memory_space<hbm>>
      %dma_wait3A_148 = arith.constant 0 : i32
      %dma_wait3A_149 = tpu.memref_slice %arg24[%add3A_143, %dma_wait3A_148] : memref<10240x128xf32, #tpu.memory_space<vmem_shared>> -> memref<80x128xf32, #tpu.memory_space<vmem_shared>>
      tpu.wait_dma2 semaphore(%arg27 : memref<!tpu.dma_semaphore, #tpu.memory_space<semaphore_mem>>) src(%dma_wait3A_149 : memref<80x128xf32, #tpu.memory_space<vmem_shared>>) dst(%dma_wait3A_147 : memref<80x128xf32, #tpu.memory_space<hbm>>)
      %add3A_150 = arith.constant 480 : i32
      %add3A_151 = arith.addi %mul3A_0, %add3A_150 : i32
      %add3A_152 = arith.constant 480 : i32
      %add3A_153 = arith.addi %mul3A_0, %add3A_152 : i32
      %dma_wait3A_154 = arith.constant 0 : i32
      %dma_wait3A_155 = tpu.memref_slice %arg9[%add3A_153, %dma_wait3A_154] : memref<10240x128xf32, #tpu.memory_space<hbm>> -> memref<80x128xf32, #tpu.memory_space<hbm>>
      %dma_wait3A_156 = arith.constant 0 : i32
      %dma_wait3A_157 = tpu.memref_slice %arg24[%add3A_151, %dma_wait3A_156] : memref<10240x128xf32, #tpu.memory_space<vmem_shared>> -> memref<80x128xf32, #tpu.memory_space<vmem_shared>>
      tpu.wait_dma2 semaphore(%arg28 : memref<!tpu.dma_semaphore, #tpu.memory_space<semaphore_mem>>) src(%dma_wait3A_157 : memref<80x128xf32, #tpu.memory_space<vmem_shared>>) dst(%dma_wait3A_155 : memref<80x128xf32, #tpu.memory_space<hbm>>)
      %add3A_158 = arith.constant 560 : i32
      %add3A_159 = arith.addi %mul3A_0, %add3A_158 : i32
      %add3A_160 = arith.constant 560 : i32
      %add3A_161 = arith.addi %mul3A_0, %add3A_160 : i32
      %dma_wait3A_162 = arith.constant 0 : i32
      %dma_wait3A_163 = tpu.memref_slice %arg9[%add3A_161, %dma_wait3A_162] : memref<10240x128xf32, #tpu.memory_space<hbm>> -> memref<80x128xf32, #tpu.memory_space<hbm>>
      %dma_wait3A_164 = arith.constant 0 : i32
      %dma_wait3A_165 = tpu.memref_slice %arg24[%add3A_159, %dma_wait3A_164] : memref<10240x128xf32, #tpu.memory_space<vmem_shared>> -> memref<80x128xf32, #tpu.memory_space<vmem_shared>>
      tpu.wait_dma2 semaphore(%arg29 : memref<!tpu.dma_semaphore, #tpu.memory_space<semaphore_mem>>) src(%dma_wait3A_165 : memref<80x128xf32, #tpu.memory_space<vmem_shared>>) dst(%dma_wait3A_163 : memref<80x128xf32, #tpu.memory_space<hbm>>)
    } else {
    }
    return
  }
}

#map = affine_map<(d0, d1) -> (0, 0)>
#map1 = affine_map<(d0, d1) -> (0, 0, 0)>
#map2 = affine_map<(d0, d1) -> (0)>
module attributes {stable_mosaic.version = 14 : i64} {
  func.func @body(%arg0: i32, %arg1: i32, %arg2: memref<10240x128xf32, #tpu.memory_space<hbm>>, %arg3: memref<10240x128xf32, #tpu.memory_space<hbm>>, %arg4: memref<16x250x80xi32, #tpu.memory_space<hbm>>, %arg5: memref<16x250x80xi32, #tpu.memory_space<hbm>>, %arg6: memref<16x250x80xi32, #tpu.memory_space<hbm>>, %arg7: memref<16x250x80xi32, #tpu.memory_space<hbm>>, %arg8: memref<10240x128xf32, #tpu.memory_space<hbm>>, %arg9: memref<10240x128xf32, #tpu.memory_space<hbm>>, %arg10: memref<10240xf32, #tpu.memory_space<hbm>>, %arg11: memref<10240xf32, #tpu.memory_space<hbm>>, %arg12: memref<80xi32, #tpu.memory_space<vmem>>, %arg13: memref<80xi32, #tpu.memory_space<vmem>>, %arg14: memref<80xi32, #tpu.memory_space<vmem>>, %arg15: memref<80xi32, #tpu.memory_space<vmem>>, %arg16: memref<80xi32, #tpu.memory_space<vmem>>, %arg17: memref<80xi32, #tpu.memory_space<vmem>>, %arg18: memref<80xi32, #tpu.memory_space<vmem>>, %arg19: memref<80xi32, #tpu.memory_space<vmem>>, %arg20: memref<80x128xf32, #tpu.memory_space<vmem>>, %arg21: memref<80x128xf32, #tpu.memory_space<vmem>>, %arg22: memref<80x128xf32, #tpu.memory_space<vmem>>, %arg23: memref<80x128xf32, #tpu.memory_space<vmem>>, %arg24: memref<640xf32, #tpu.memory_space<vmem>>, %arg25: memref<96xf32, #tpu.memory_space<vmem>>, %arg26: memref<10240x128xf32, #tpu.memory_space<vmem_shared>>, %arg27: memref<10240xf32, #tpu.memory_space<vmem_shared>>, %arg28: memref<!tpu.dma_semaphore, #tpu.memory_space<semaphore_mem>>, %arg29: memref<!tpu.dma_semaphore, #tpu.memory_space<semaphore_mem>>, %arg30: memref<!tpu.dma_semaphore, #tpu.memory_space<semaphore_mem>>, %arg31: memref<!tpu.dma_semaphore, #tpu.memory_space<semaphore_mem>>, %arg32: memref<!tpu.dma_semaphore, #tpu.memory_space<semaphore_mem>>, %arg33: memref<!tpu.dma_semaphore, #tpu.memory_space<semaphore_mem>>, %arg34: memref<!tpu.dma_semaphore, #tpu.memory_space<semaphore_mem>>, %arg35: memref<!tpu.dma_semaphore, #tpu.memory_space<semaphore_mem>>, %arg36: memref<!tpu.dma_semaphore, #tpu.memory_space<semaphore_mem>>, %arg37: memref<!tpu.dma_semaphore, #tpu.memory_space<semaphore_mem>>, %arg38: memref<!tpu.dma_semaphore, #tpu.memory_space<semaphore_mem>>, %arg39: memref<!tpu.dma_semaphore, #tpu.memory_space<semaphore_mem>>) attributes {dimension_semantics = [#tpu.dimension_semantics<core_parallel>, #tpu.dimension_semantics<subcore_parallel>], iteration_bounds = array<i64: 2, 16>, scalar_prefetch = 0 : i64, scratch_operands = 28 : i64, tpu.core_type = #tpu.core_type<sc_vector_subcore>, window_params = [{transform_indices = #map}, {transform_indices = #map}, {transform_indices = #map1}, {transform_indices = #map1}, {transform_indices = #map1}, {transform_indices = #map1}, {transform_indices = #map}, {transform_indices = #map}, {transform_indices = #map2}, {transform_indices = #map2}]} {
    %mul3A = arith.constant 640 : i32
    %mul3A_0 = arith.muli %arg1, %mul3A : i32
    %scan3A = arith.constant 0 : i32
    %scan3A_1 = arith.constant 0 : i32
    %scan3A_2 = arith.constant 80 : i32
    %scan3A_3 = arith.addi %scan3A_1, %scan3A_2 : i32
    %scan3A_4 = arith.constant 1 : i32
    %scan3A_5 = scf.for %scan3A_54 = %scan3A_1 to %scan3A_3 step %scan3A_4 iter_args(%scan3A_55 = %scan3A) -> (i32)  : i32 {
      %scan3A_56 = arith.constant 0 : i32
      %scan3A_57 = arith.constant 0 : i32
      %scan3A_58 = arith.constant 8 : i32
      %scan3A_59 = arith.addi %scan3A_57, %scan3A_58 : i32
      %scan3A_60 = arith.constant 1 : i32
      %scan3A_61 = scf.for %scan3A_63 = %scan3A_57 to %scan3A_59 step %scan3A_60 iter_args(%scan3A_64 = %scan3A_56) -> (i32)  : i32 {
        %broadcast_in_dim3A = arith.constant 0.000000e+00 : f32
        %broadcast_in_dim3A_65 = vector.broadcast %broadcast_in_dim3A : f32 to vector<16xf32>
        %mul3A_66 = arith.constant 16 : i32
        %mul3A_67 = arith.muli %scan3A_63, %mul3A_66 : i32
        %swap3A = arith.index_cast %scan3A_54 : i32 to index
        %swap3A_68 = arith.index_cast %mul3A_67 : i32 to index
        %swap3A_69 = tpu.vector_load %arg20[%swap3A, %swap3A_68] {strides = array<i32>} : memref<80x128xf32, #tpu.memory_space<vmem>>, vector<1x16xf32>,
        %swap3A_70 = vector.shape_cast %swap3A_69 : vector<1x16xf32> to vector<16xf32>
        %swap3A_71 = vector.shape_cast %broadcast_in_dim3A_65 : vector<16xf32> to vector<1x16xf32>
        tpu.vector_store %arg20[%swap3A, %swap3A_68], %swap3A_71 {strides = array<i32>} : memref<80x128xf32, #tpu.memory_space<vmem>>, vector<1x16xf32>,
        %scan3A_72 = arith.constant 0 : i32
        scf.yield %scan3A_72 : i32
      }
      %scan3A_62 = arith.constant 8 : i32
      scf.yield %scan3A_61 : i32
    }
    %scan3A_6 = arith.constant 80 : i32
    %scan3A_7 = arith.constant 0 : i32
    %scan3A_8 = arith.constant 0 : i32
    %scan3A_9 = arith.constant 40 : i32
    %scan3A_10 = arith.addi %scan3A_8, %scan3A_9 : i32
    %scan3A_11 = arith.constant 1 : i32
    %scan3A_12 = scf.for %scan3A_54 = %scan3A_8 to %scan3A_10 step %scan3A_11 iter_args(%scan3A_55 = %scan3A_7) -> (i32)  : i32 {
      %broadcast_in_dim3A = arith.constant 0.000000e+00 : f32
      %broadcast_in_dim3A_56 = vector.broadcast %broadcast_in_dim3A : f32 to vector<16xf32>
      %mul3A_57 = arith.constant 16 : i32
      %mul3A_58 = arith.muli %scan3A_54, %mul3A_57 : i32
      %swap3A = arith.index_cast %mul3A_58 : i32 to index
      %swap3A_59 = tpu.vector_load %arg24[%swap3A] {strides = array<i32>} : memref<640xf32, #tpu.memory_space<vmem>>, vector<16xf32>,
      %swap3A_60 = vector.shape_cast %swap3A_59 : vector<16xf32> to vector<16xf32>
      %swap3A_61 = vector.shape_cast %broadcast_in_dim3A_56 : vector<16xf32> to vector<16xf32>
      tpu.vector_store %arg24[%swap3A], %swap3A_61 {strides = array<i32>} : memref<640xf32, #tpu.memory_space<vmem>>, vector<16xf32>,
      %scan3A_62 = arith.constant 0 : i32
      scf.yield %scan3A_62 : i32
    }
    %scan3A_13 = arith.constant 40 : i32
    %scan3A_14 = arith.constant 0 : i32
    %scan3A_15 = arith.constant 0 : i32
    %scan3A_16 = arith.constant 6 : i32
    %scan3A_17 = arith.addi %scan3A_15, %scan3A_16 : i32
    %scan3A_18 = arith.constant 1 : i32
    %scan3A_19 = scf.for %scan3A_54 = %scan3A_15 to %scan3A_17 step %scan3A_18 iter_args(%scan3A_55 = %scan3A_14) -> (i32)  : i32 {
      %broadcast_in_dim3A = arith.constant 1.000000e+00 : f32
      %broadcast_in_dim3A_56 = vector.broadcast %broadcast_in_dim3A : f32 to vector<16xf32>
      %mul3A_57 = arith.constant 16 : i32
      %mul3A_58 = arith.muli %scan3A_54, %mul3A_57 : i32
      %swap3A = arith.index_cast %mul3A_58 : i32 to index
      %swap3A_59 = tpu.vector_load %arg25[%swap3A] {strides = array<i32>} : memref<96xf32, #tpu.memory_space<vmem>>, vector<16xf32>,
      %swap3A_60 = vector.shape_cast %swap3A_59 : vector<16xf32> to vector<16xf32>
      %swap3A_61 = vector.shape_cast %broadcast_in_dim3A_56 : vector<16xf32> to vector<16xf32>
      tpu.vector_store %arg25[%swap3A], %swap3A_61 {strides = array<i32>} : memref<96xf32, #tpu.memory_space<vmem>>, vector<16xf32>,
      %scan3A_62 = arith.constant 0 : i32
      scf.yield %scan3A_62 : i32
    }
    %scan3A_20 = arith.constant 6 : i32
    "tpu.region"() ({
      %run_scoped3A = tpu.sem_alloc : memref<!tpu.dma_semaphore, #tpu.memory_space<semaphore_mem>>
      %dma_start3A = tpu.memref_slice %arg27[%mul3A_0] : memref<10240xf32, #tpu.memory_space<vmem_shared>> -> memref<640xf32, #tpu.memory_space<vmem_shared>>
      %dma_start3A_54 = tpu.memref_slice %arg27[%mul3A_0] : memref<10240xf32, #tpu.memory_space<vmem_shared>> -> memref<640xf32, #tpu.memory_space<vmem_shared>>
      tpu.enqueue_dma source(%arg24 : memref<640xf32, #tpu.memory_space<vmem>>) target(%dma_start3A_54 : memref<640xf32, #tpu.memory_space<vmem_shared>>) target_semaphore(%run_scoped3A : memref<!tpu.dma_semaphore, #tpu.memory_space<semaphore_mem>>)
      %dma_wait3A = tpu.memref_slice %arg27[%mul3A_0] : memref<10240xf32, #tpu.memory_space<vmem_shared>> -> memref<640xf32, #tpu.memory_space<vmem_shared>>
      %dma_wait3A_55 = tpu.memref_slice %arg27[%mul3A_0] : memref<10240xf32, #tpu.memory_space<vmem_shared>> -> memref<640xf32, #tpu.memory_space<vmem_shared>>
      tpu.wait_dma2 semaphore(%run_scoped3A : memref<!tpu.dma_semaphore, #tpu.memory_space<semaphore_mem>>) src(%arg24 : memref<640xf32, #tpu.memory_space<vmem>>) dst(%dma_wait3A_55 : memref<640xf32, #tpu.memory_space<vmem_shared>>)
      tpu.yield
    }) : () -> ()
    %add3A = arith.constant 0 : i32
    %add3A_21 = arith.addi %mul3A_0, %add3A : i32
    "tpu.region"() ({
      %run_scoped3A = tpu.sem_alloc : memref<!tpu.dma_semaphore, #tpu.memory_space<semaphore_mem>>
      %dma_start3A = arith.constant 0 : i32
      %dma_start3A_54 = arith.constant 0 : i32
      %dma_start3A_55 = tpu.memref_slice %arg20[%dma_start3A, %dma_start3A_54] : memref<80x128xf32, #tpu.memory_space<vmem>> -> memref<80x128xf32, #tpu.memory_space<vmem>>
      %dma_start3A_56 = arith.constant 0 : i32
      %dma_start3A_57 = tpu.memref_slice %arg26[%add3A_21, %dma_start3A_56] : memref<10240x128xf32, #tpu.memory_space<vmem_shared>> -> memref<80x128xf32, #tpu.memory_space<vmem_shared>>
      %dma_start3A_58 = arith.constant 0 : i32
      %dma_start3A_59 = tpu.memref_slice %arg26[%add3A_21, %dma_start3A_58] : memref<10240x128xf32, #tpu.memory_space<vmem_shared>> -> memref<80x128xf32, #tpu.memory_space<vmem_shared>>
      %dma_start3A_60 = arith.constant 0 : i32
      %dma_start3A_61 = arith.constant 0 : i32
      %dma_start3A_62 = tpu.memref_slice %arg20[%dma_start3A_60, %dma_start3A_61] : memref<80x128xf32, #tpu.memory_space<vmem>> -> memref<80x128xf32, #tpu.memory_space<vmem>>
      tpu.enqueue_dma source(%dma_start3A_62 : memref<80x128xf32, #tpu.memory_space<vmem>>) target(%dma_start3A_59 : memref<80x128xf32, #tpu.memory_space<vmem_shared>>) target_semaphore(%run_scoped3A : memref<!tpu.dma_semaphore, #tpu.memory_space<semaphore_mem>>)
      %dma_wait3A = arith.constant 0 : i32
      %dma_wait3A_63 = arith.constant 0 : i32
      %dma_wait3A_64 = tpu.memref_slice %arg20[%dma_wait3A, %dma_wait3A_63] : memref<80x128xf32, #tpu.memory_space<vmem>> -> memref<80x128xf32, #tpu.memory_space<vmem>>
      %dma_wait3A_65 = arith.constant 0 : i32
      %dma_wait3A_66 = tpu.memref_slice %arg26[%add3A_21, %dma_wait3A_65] : memref<10240x128xf32, #tpu.memory_space<vmem_shared>> -> memref<80x128xf32, #tpu.memory_space<vmem_shared>>
      %dma_wait3A_67 = arith.constant 0 : i32
      %dma_wait3A_68 = tpu.memref_slice %arg26[%add3A_21, %dma_wait3A_67] : memref<10240x128xf32, #tpu.memory_space<vmem_shared>> -> memref<80x128xf32, #tpu.memory_space<vmem_shared>>
      %dma_wait3A_69 = arith.constant 0 : i32
      %dma_wait3A_70 = arith.constant 0 : i32
      %dma_wait3A_71 = tpu.memref_slice %arg20[%dma_wait3A_69, %dma_wait3A_70] : memref<80x128xf32, #tpu.memory_space<vmem>> -> memref<80x128xf32, #tpu.memory_space<vmem>>
      tpu.wait_dma2 semaphore(%run_scoped3A : memref<!tpu.dma_semaphore, #tpu.memory_space<semaphore_mem>>) src(%dma_wait3A_71 : memref<80x128xf32, #tpu.memory_space<vmem>>) dst(%dma_wait3A_68 : memref<80x128xf32, #tpu.memory_space<vmem_shared>>)
      tpu.yield
    }) : () -> ()
    %add3A_22 = arith.constant 80 : i32
    %add3A_23 = arith.addi %mul3A_0, %add3A_22 : i32
    "tpu.region"() ({
      %run_scoped3A = tpu.sem_alloc : memref<!tpu.dma_semaphore, #tpu.memory_space<semaphore_mem>>
      %dma_start3A = arith.constant 0 : i32
      %dma_start3A_54 = arith.constant 0 : i32
      %dma_start3A_55 = tpu.memref_slice %arg20[%dma_start3A, %dma_start3A_54] : memref<80x128xf32, #tpu.memory_space<vmem>> -> memref<80x128xf32, #tpu.memory_space<vmem>>
      %dma_start3A_56 = arith.constant 0 : i32
      %dma_start3A_57 = tpu.memref_slice %arg26[%add3A_23, %dma_start3A_56] : memref<10240x128xf32, #tpu.memory_space<vmem_shared>> -> memref<80x128xf32, #tpu.memory_space<vmem_shared>>
      %dma_start3A_58 = arith.constant 0 : i32
      %dma_start3A_59 = tpu.memref_slice %arg26[%add3A_23, %dma_start3A_58] : memref<10240x128xf32, #tpu.memory_space<vmem_shared>> -> memref<80x128xf32, #tpu.memory_space<vmem_shared>>
      %dma_start3A_60 = arith.constant 0 : i32
      %dma_start3A_61 = arith.constant 0 : i32
      %dma_start3A_62 = tpu.memref_slice %arg20[%dma_start3A_60, %dma_start3A_61] : memref<80x128xf32, #tpu.memory_space<vmem>> -> memref<80x128xf32, #tpu.memory_space<vmem>>
      tpu.enqueue_dma source(%dma_start3A_62 : memref<80x128xf32, #tpu.memory_space<vmem>>) target(%dma_start3A_59 : memref<80x128xf32, #tpu.memory_space<vmem_shared>>) target_semaphore(%run_scoped3A : memref<!tpu.dma_semaphore, #tpu.memory_space<semaphore_mem>>)
      %dma_wait3A = arith.constant 0 : i32
      %dma_wait3A_63 = arith.constant 0 : i32
      %dma_wait3A_64 = tpu.memref_slice %arg20[%dma_wait3A, %dma_wait3A_63] : memref<80x128xf32, #tpu.memory_space<vmem>> -> memref<80x128xf32, #tpu.memory_space<vmem>>
      %dma_wait3A_65 = arith.constant 0 : i32
      %dma_wait3A_66 = tpu.memref_slice %arg26[%add3A_23, %dma_wait3A_65] : memref<10240x128xf32, #tpu.memory_space<vmem_shared>> -> memref<80x128xf32, #tpu.memory_space<vmem_shared>>
      %dma_wait3A_67 = arith.constant 0 : i32
      %dma_wait3A_68 = tpu.memref_slice %arg26[%add3A_23, %dma_wait3A_67] : memref<10240x128xf32, #tpu.memory_space<vmem_shared>> -> memref<80x128xf32, #tpu.memory_space<vmem_shared>>
      %dma_wait3A_69 = arith.constant 0 : i32
      %dma_wait3A_70 = arith.constant 0 : i32
      %dma_wait3A_71 = tpu.memref_slice %arg20[%dma_wait3A_69, %dma_wait3A_70] : memref<80x128xf32, #tpu.memory_space<vmem>> -> memref<80x128xf32, #tpu.memory_space<vmem>>
      tpu.wait_dma2 semaphore(%run_scoped3A : memref<!tpu.dma_semaphore, #tpu.memory_space<semaphore_mem>>) src(%dma_wait3A_71 : memref<80x128xf32, #tpu.memory_space<vmem>>) dst(%dma_wait3A_68 : memref<80x128xf32, #tpu.memory_space<vmem_shared>>)
      tpu.yield
    }) : () -> ()
    %add3A_24 = arith.constant 160 : i32
    %add3A_25 = arith.addi %mul3A_0, %add3A_24 : i32
    "tpu.region"() ({
      %run_scoped3A = tpu.sem_alloc : memref<!tpu.dma_semaphore, #tpu.memory_space<semaphore_mem>>
      %dma_start3A = arith.constant 0 : i32
      %dma_start3A_54 = arith.constant 0 : i32
      %dma_start3A_55 = tpu.memref_slice %arg20[%dma_start3A, %dma_start3A_54] : memref<80x128xf32, #tpu.memory_space<vmem>> -> memref<80x128xf32, #tpu.memory_space<vmem>>
      %dma_start3A_56 = arith.constant 0 : i32
      %dma_start3A_57 = tpu.memref_slice %arg26[%add3A_25, %dma_start3A_56] : memref<10240x128xf32, #tpu.memory_space<vmem_shared>> -> memref<80x128xf32, #tpu.memory_space<vmem_shared>>
      %dma_start3A_58 = arith.constant 0 : i32
      %dma_start3A_59 = tpu.memref_slice %arg26[%add3A_25, %dma_start3A_58] : memref<10240x128xf32, #tpu.memory_space<vmem_shared>> -> memref<80x128xf32, #tpu.memory_space<vmem_shared>>
      %dma_start3A_60 = arith.constant 0 : i32
      %dma_start3A_61 = arith.constant 0 : i32
      %dma_start3A_62 = tpu.memref_slice %arg20[%dma_start3A_60, %dma_start3A_61] : memref<80x128xf32, #tpu.memory_space<vmem>> -> memref<80x128xf32, #tpu.memory_space<vmem>>
      tpu.enqueue_dma source(%dma_start3A_62 : memref<80x128xf32, #tpu.memory_space<vmem>>) target(%dma_start3A_59 : memref<80x128xf32, #tpu.memory_space<vmem_shared>>) target_semaphore(%run_scoped3A : memref<!tpu.dma_semaphore, #tpu.memory_space<semaphore_mem>>)
      %dma_wait3A = arith.constant 0 : i32
      %dma_wait3A_63 = arith.constant 0 : i32
      %dma_wait3A_64 = tpu.memref_slice %arg20[%dma_wait3A, %dma_wait3A_63] : memref<80x128xf32, #tpu.memory_space<vmem>> -> memref<80x128xf32, #tpu.memory_space<vmem>>
      %dma_wait3A_65 = arith.constant 0 : i32
      %dma_wait3A_66 = tpu.memref_slice %arg26[%add3A_25, %dma_wait3A_65] : memref<10240x128xf32, #tpu.memory_space<vmem_shared>> -> memref<80x128xf32, #tpu.memory_space<vmem_shared>>
      %dma_wait3A_67 = arith.constant 0 : i32
      %dma_wait3A_68 = tpu.memref_slice %arg26[%add3A_25, %dma_wait3A_67] : memref<10240x128xf32, #tpu.memory_space<vmem_shared>> -> memref<80x128xf32, #tpu.memory_space<vmem_shared>>
      %dma_wait3A_69 = arith.constant 0 : i32
      %dma_wait3A_70 = arith.constant 0 : i32
      %dma_wait3A_71 = tpu.memref_slice %arg20[%dma_wait3A_69, %dma_wait3A_70] : memref<80x128xf32, #tpu.memory_space<vmem>> -> memref<80x128xf32, #tpu.memory_space<vmem>>
      tpu.wait_dma2 semaphore(%run_scoped3A : memref<!tpu.dma_semaphore, #tpu.memory_space<semaphore_mem>>) src(%dma_wait3A_71 : memref<80x128xf32, #tpu.memory_space<vmem>>) dst(%dma_wait3A_68 : memref<80x128xf32, #tpu.memory_space<vmem_shared>>)
      tpu.yield
    }) : () -> ()
    %add3A_26 = arith.constant 240 : i32
    %add3A_27 = arith.addi %mul3A_0, %add3A_26 : i32
    "tpu.region"() ({
      %run_scoped3A = tpu.sem_alloc : memref<!tpu.dma_semaphore, #tpu.memory_space<semaphore_mem>>
      %dma_start3A = arith.constant 0 : i32
      %dma_start3A_54 = arith.constant 0 : i32
      %dma_start3A_55 = tpu.memref_slice %arg20[%dma_start3A, %dma_start3A_54] : memref<80x128xf32, #tpu.memory_space<vmem>> -> memref<80x128xf32, #tpu.memory_space<vmem>>
      %dma_start3A_56 = arith.constant 0 : i32
      %dma_start3A_57 = tpu.memref_slice %arg26[%add3A_27, %dma_start3A_56] : memref<10240x128xf32, #tpu.memory_space<vmem_shared>> -> memref<80x128xf32, #tpu.memory_space<vmem_shared>>
      %dma_start3A_58 = arith.constant 0 : i32
      %dma_start3A_59 = tpu.memref_slice %arg26[%add3A_27, %dma_start3A_58] : memref<10240x128xf32, #tpu.memory_space<vmem_shared>> -> memref<80x128xf32, #tpu.memory_space<vmem_shared>>
      %dma_start3A_60 = arith.constant 0 : i32
      %dma_start3A_61 = arith.constant 0 : i32
      %dma_start3A_62 = tpu.memref_slice %arg20[%dma_start3A_60, %dma_start3A_61] : memref<80x128xf32, #tpu.memory_space<vmem>> -> memref<80x128xf32, #tpu.memory_space<vmem>>
      tpu.enqueue_dma source(%dma_start3A_62 : memref<80x128xf32, #tpu.memory_space<vmem>>) target(%dma_start3A_59 : memref<80x128xf32, #tpu.memory_space<vmem_shared>>) target_semaphore(%run_scoped3A : memref<!tpu.dma_semaphore, #tpu.memory_space<semaphore_mem>>)
      %dma_wait3A = arith.constant 0 : i32
      %dma_wait3A_63 = arith.constant 0 : i32
      %dma_wait3A_64 = tpu.memref_slice %arg20[%dma_wait3A, %dma_wait3A_63] : memref<80x128xf32, #tpu.memory_space<vmem>> -> memref<80x128xf32, #tpu.memory_space<vmem>>
      %dma_wait3A_65 = arith.constant 0 : i32
      %dma_wait3A_66 = tpu.memref_slice %arg26[%add3A_27, %dma_wait3A_65] : memref<10240x128xf32, #tpu.memory_space<vmem_shared>> -> memref<80x128xf32, #tpu.memory_space<vmem_shared>>
      %dma_wait3A_67 = arith.constant 0 : i32
      %dma_wait3A_68 = tpu.memref_slice %arg26[%add3A_27, %dma_wait3A_67] : memref<10240x128xf32, #tpu.memory_space<vmem_shared>> -> memref<80x128xf32, #tpu.memory_space<vmem_shared>>
      %dma_wait3A_69 = arith.constant 0 : i32
      %dma_wait3A_70 = arith.constant 0 : i32
      %dma_wait3A_71 = tpu.memref_slice %arg20[%dma_wait3A_69, %dma_wait3A_70] : memref<80x128xf32, #tpu.memory_space<vmem>> -> memref<80x128xf32, #tpu.memory_space<vmem>>
      tpu.wait_dma2 semaphore(%run_scoped3A : memref<!tpu.dma_semaphore, #tpu.memory_space<semaphore_mem>>) src(%dma_wait3A_71 : memref<80x128xf32, #tpu.memory_space<vmem>>) dst(%dma_wait3A_68 : memref<80x128xf32, #tpu.memory_space<vmem_shared>>)
      tpu.yield
    }) : () -> ()
    %add3A_28 = arith.constant 320 : i32
    %add3A_29 = arith.addi %mul3A_0, %add3A_28 : i32
    "tpu.region"() ({
      %run_scoped3A = tpu.sem_alloc : memref<!tpu.dma_semaphore, #tpu.memory_space<semaphore_mem>>
      %dma_start3A = arith.constant 0 : i32
      %dma_start3A_54 = arith.constant 0 : i32
      %dma_start3A_55 = tpu.memref_slice %arg20[%dma_start3A, %dma_start3A_54] : memref<80x128xf32, #tpu.memory_space<vmem>> -> memref<80x128xf32, #tpu.memory_space<vmem>>
      %dma_start3A_56 = arith.constant 0 : i32
      %dma_start3A_57 = tpu.memref_slice %arg26[%add3A_29, %dma_start3A_56] : memref<10240x128xf32, #tpu.memory_space<vmem_shared>> -> memref<80x128xf32, #tpu.memory_space<vmem_shared>>
      %dma_start3A_58 = arith.constant 0 : i32
      %dma_start3A_59 = tpu.memref_slice %arg26[%add3A_29, %dma_start3A_58] : memref<10240x128xf32, #tpu.memory_space<vmem_shared>> -> memref<80x128xf32, #tpu.memory_space<vmem_shared>>
      %dma_start3A_60 = arith.constant 0 : i32
      %dma_start3A_61 = arith.constant 0 : i32
      %dma_start3A_62 = tpu.memref_slice %arg20[%dma_start3A_60, %dma_start3A_61] : memref<80x128xf32, #tpu.memory_space<vmem>> -> memref<80x128xf32, #tpu.memory_space<vmem>>
      tpu.enqueue_dma source(%dma_start3A_62 : memref<80x128xf32, #tpu.memory_space<vmem>>) target(%dma_start3A_59 : memref<80x128xf32, #tpu.memory_space<vmem_shared>>) target_semaphore(%run_scoped3A : memref<!tpu.dma_semaphore, #tpu.memory_space<semaphore_mem>>)
      %dma_wait3A = arith.constant 0 : i32
      %dma_wait3A_63 = arith.constant 0 : i32
      %dma_wait3A_64 = tpu.memref_slice %arg20[%dma_wait3A, %dma_wait3A_63] : memref<80x128xf32, #tpu.memory_space<vmem>> -> memref<80x128xf32, #tpu.memory_space<vmem>>
      %dma_wait3A_65 = arith.constant 0 : i32
      %dma_wait3A_66 = tpu.memref_slice %arg26[%add3A_29, %dma_wait3A_65] : memref<10240x128xf32, #tpu.memory_space<vmem_shared>> -> memref<80x128xf32, #tpu.memory_space<vmem_shared>>
      %dma_wait3A_67 = arith.constant 0 : i32
      %dma_wait3A_68 = tpu.memref_slice %arg26[%add3A_29, %dma_wait3A_67] : memref<10240x128xf32, #tpu.memory_space<vmem_shared>> -> memref<80x128xf32, #tpu.memory_space<vmem_shared>>
      %dma_wait3A_69 = arith.constant 0 : i32
      %dma_wait3A_70 = arith.constant 0 : i32
      %dma_wait3A_71 = tpu.memref_slice %arg20[%dma_wait3A_69, %dma_wait3A_70] : memref<80x128xf32, #tpu.memory_space<vmem>> -> memref<80x128xf32, #tpu.memory_space<vmem>>
      tpu.wait_dma2 semaphore(%run_scoped3A : memref<!tpu.dma_semaphore, #tpu.memory_space<semaphore_mem>>) src(%dma_wait3A_71 : memref<80x128xf32, #tpu.memory_space<vmem>>) dst(%dma_wait3A_68 : memref<80x128xf32, #tpu.memory_space<vmem_shared>>)
      tpu.yield
    }) : () -> ()
    %add3A_30 = arith.constant 400 : i32
    %add3A_31 = arith.addi %mul3A_0, %add3A_30 : i32
    "tpu.region"() ({
      %run_scoped3A = tpu.sem_alloc : memref<!tpu.dma_semaphore, #tpu.memory_space<semaphore_mem>>
      %dma_start3A = arith.constant 0 : i32
      %dma_start3A_54 = arith.constant 0 : i32
      %dma_start3A_55 = tpu.memref_slice %arg20[%dma_start3A, %dma_start3A_54] : memref<80x128xf32, #tpu.memory_space<vmem>> -> memref<80x128xf32, #tpu.memory_space<vmem>>
      %dma_start3A_56 = arith.constant 0 : i32
      %dma_start3A_57 = tpu.memref_slice %arg26[%add3A_31, %dma_start3A_56] : memref<10240x128xf32, #tpu.memory_space<vmem_shared>> -> memref<80x128xf32, #tpu.memory_space<vmem_shared>>
      %dma_start3A_58 = arith.constant 0 : i32
      %dma_start3A_59 = tpu.memref_slice %arg26[%add3A_31, %dma_start3A_58] : memref<10240x128xf32, #tpu.memory_space<vmem_shared>> -> memref<80x128xf32, #tpu.memory_space<vmem_shared>>
      %dma_start3A_60 = arith.constant 0 : i32
      %dma_start3A_61 = arith.constant 0 : i32
      %dma_start3A_62 = tpu.memref_slice %arg20[%dma_start3A_60, %dma_start3A_61] : memref<80x128xf32, #tpu.memory_space<vmem>> -> memref<80x128xf32, #tpu.memory_space<vmem>>
      tpu.enqueue_dma source(%dma_start3A_62 : memref<80x128xf32, #tpu.memory_space<vmem>>) target(%dma_start3A_59 : memref<80x128xf32, #tpu.memory_space<vmem_shared>>) target_semaphore(%run_scoped3A : memref<!tpu.dma_semaphore, #tpu.memory_space<semaphore_mem>>)
      %dma_wait3A = arith.constant 0 : i32
      %dma_wait3A_63 = arith.constant 0 : i32
      %dma_wait3A_64 = tpu.memref_slice %arg20[%dma_wait3A, %dma_wait3A_63] : memref<80x128xf32, #tpu.memory_space<vmem>> -> memref<80x128xf32, #tpu.memory_space<vmem>>
      %dma_wait3A_65 = arith.constant 0 : i32
      %dma_wait3A_66 = tpu.memref_slice %arg26[%add3A_31, %dma_wait3A_65] : memref<10240x128xf32, #tpu.memory_space<vmem_shared>> -> memref<80x128xf32, #tpu.memory_space<vmem_shared>>
      %dma_wait3A_67 = arith.constant 0 : i32
      %dma_wait3A_68 = tpu.memref_slice %arg26[%add3A_31, %dma_wait3A_67] : memref<10240x128xf32, #tpu.memory_space<vmem_shared>> -> memref<80x128xf32, #tpu.memory_space<vmem_shared>>
      %dma_wait3A_69 = arith.constant 0 : i32
      %dma_wait3A_70 = arith.constant 0 : i32
      %dma_wait3A_71 = tpu.memref_slice %arg20[%dma_wait3A_69, %dma_wait3A_70] : memref<80x128xf32, #tpu.memory_space<vmem>> -> memref<80x128xf32, #tpu.memory_space<vmem>>
      tpu.wait_dma2 semaphore(%run_scoped3A : memref<!tpu.dma_semaphore, #tpu.memory_space<semaphore_mem>>) src(%dma_wait3A_71 : memref<80x128xf32, #tpu.memory_space<vmem>>) dst(%dma_wait3A_68 : memref<80x128xf32, #tpu.memory_space<vmem_shared>>)
      tpu.yield
    }) : () -> ()
    %add3A_32 = arith.constant 480 : i32
    %add3A_33 = arith.addi %mul3A_0, %add3A_32 : i32
    "tpu.region"() ({
      %run_scoped3A = tpu.sem_alloc : memref<!tpu.dma_semaphore, #tpu.memory_space<semaphore_mem>>
      %dma_start3A = arith.constant 0 : i32
      %dma_start3A_54 = arith.constant 0 : i32
      %dma_start3A_55 = tpu.memref_slice %arg20[%dma_start3A, %dma_start3A_54] : memref<80x128xf32, #tpu.memory_space<vmem>> -> memref<80x128xf32, #tpu.memory_space<vmem>>
      %dma_start3A_56 = arith.constant 0 : i32
      %dma_start3A_57 = tpu.memref_slice %arg26[%add3A_33, %dma_start3A_56] : memref<10240x128xf32, #tpu.memory_space<vmem_shared>> -> memref<80x128xf32, #tpu.memory_space<vmem_shared>>
      %dma_start3A_58 = arith.constant 0 : i32
      %dma_start3A_59 = tpu.memref_slice %arg26[%add3A_33, %dma_start3A_58] : memref<10240x128xf32, #tpu.memory_space<vmem_shared>> -> memref<80x128xf32, #tpu.memory_space<vmem_shared>>
      %dma_start3A_60 = arith.constant 0 : i32
      %dma_start3A_61 = arith.constant 0 : i32
      %dma_start3A_62 = tpu.memref_slice %arg20[%dma_start3A_60, %dma_start3A_61] : memref<80x128xf32, #tpu.memory_space<vmem>> -> memref<80x128xf32, #tpu.memory_space<vmem>>
      tpu.enqueue_dma source(%dma_start3A_62 : memref<80x128xf32, #tpu.memory_space<vmem>>) target(%dma_start3A_59 : memref<80x128xf32, #tpu.memory_space<vmem_shared>>) target_semaphore(%run_scoped3A : memref<!tpu.dma_semaphore, #tpu.memory_space<semaphore_mem>>)
      %dma_wait3A = arith.constant 0 : i32
      %dma_wait3A_63 = arith.constant 0 : i32
      %dma_wait3A_64 = tpu.memref_slice %arg20[%dma_wait3A, %dma_wait3A_63] : memref<80x128xf32, #tpu.memory_space<vmem>> -> memref<80x128xf32, #tpu.memory_space<vmem>>
      %dma_wait3A_65 = arith.constant 0 : i32
      %dma_wait3A_66 = tpu.memref_slice %arg26[%add3A_33, %dma_wait3A_65] : memref<10240x128xf32, #tpu.memory_space<vmem_shared>> -> memref<80x128xf32, #tpu.memory_space<vmem_shared>>
      %dma_wait3A_67 = arith.constant 0 : i32
      %dma_wait3A_68 = tpu.memref_slice %arg26[%add3A_33, %dma_wait3A_67] : memref<10240x128xf32, #tpu.memory_space<vmem_shared>> -> memref<80x128xf32, #tpu.memory_space<vmem_shared>>
      %dma_wait3A_69 = arith.constant 0 : i32
      %dma_wait3A_70 = arith.constant 0 : i32
      %dma_wait3A_71 = tpu.memref_slice %arg20[%dma_wait3A_69, %dma_wait3A_70] : memref<80x128xf32, #tpu.memory_space<vmem>> -> memref<80x128xf32, #tpu.memory_space<vmem>>
      tpu.wait_dma2 semaphore(%run_scoped3A : memref<!tpu.dma_semaphore, #tpu.memory_space<semaphore_mem>>) src(%dma_wait3A_71 : memref<80x128xf32, #tpu.memory_space<vmem>>) dst(%dma_wait3A_68 : memref<80x128xf32, #tpu.memory_space<vmem_shared>>)
      tpu.yield
    }) : () -> ()
    %add3A_34 = arith.constant 560 : i32
    %add3A_35 = arith.addi %mul3A_0, %add3A_34 : i32
    "tpu.region"() ({
      %run_scoped3A = tpu.sem_alloc : memref<!tpu.dma_semaphore, #tpu.memory_space<semaphore_mem>>
      %dma_start3A = arith.constant 0 : i32
      %dma_start3A_54 = arith.constant 0 : i32
      %dma_start3A_55 = tpu.memref_slice %arg20[%dma_start3A, %dma_start3A_54] : memref<80x128xf32, #tpu.memory_space<vmem>> -> memref<80x128xf32, #tpu.memory_space<vmem>>
      %dma_start3A_56 = arith.constant 0 : i32
      %dma_start3A_57 = tpu.memref_slice %arg26[%add3A_35, %dma_start3A_56] : memref<10240x128xf32, #tpu.memory_space<vmem_shared>> -> memref<80x128xf32, #tpu.memory_space<vmem_shared>>
      %dma_start3A_58 = arith.constant 0 : i32
      %dma_start3A_59 = tpu.memref_slice %arg26[%add3A_35, %dma_start3A_58] : memref<10240x128xf32, #tpu.memory_space<vmem_shared>> -> memref<80x128xf32, #tpu.memory_space<vmem_shared>>
      %dma_start3A_60 = arith.constant 0 : i32
      %dma_start3A_61 = arith.constant 0 : i32
      %dma_start3A_62 = tpu.memref_slice %arg20[%dma_start3A_60, %dma_start3A_61] : memref<80x128xf32, #tpu.memory_space<vmem>> -> memref<80x128xf32, #tpu.memory_space<vmem>>
      tpu.enqueue_dma source(%dma_start3A_62 : memref<80x128xf32, #tpu.memory_space<vmem>>) target(%dma_start3A_59 : memref<80x128xf32, #tpu.memory_space<vmem_shared>>) target_semaphore(%run_scoped3A : memref<!tpu.dma_semaphore, #tpu.memory_space<semaphore_mem>>)
      %dma_wait3A = arith.constant 0 : i32
      %dma_wait3A_63 = arith.constant 0 : i32
      %dma_wait3A_64 = tpu.memref_slice %arg20[%dma_wait3A, %dma_wait3A_63] : memref<80x128xf32, #tpu.memory_space<vmem>> -> memref<80x128xf32, #tpu.memory_space<vmem>>
      %dma_wait3A_65 = arith.constant 0 : i32
      %dma_wait3A_66 = tpu.memref_slice %arg26[%add3A_35, %dma_wait3A_65] : memref<10240x128xf32, #tpu.memory_space<vmem_shared>> -> memref<80x128xf32, #tpu.memory_space<vmem_shared>>
      %dma_wait3A_67 = arith.constant 0 : i32
      %dma_wait3A_68 = tpu.memref_slice %arg26[%add3A_35, %dma_wait3A_67] : memref<10240x128xf32, #tpu.memory_space<vmem_shared>> -> memref<80x128xf32, #tpu.memory_space<vmem_shared>>
      %dma_wait3A_69 = arith.constant 0 : i32
      %dma_wait3A_70 = arith.constant 0 : i32
      %dma_wait3A_71 = tpu.memref_slice %arg20[%dma_wait3A_69, %dma_wait3A_70] : memref<80x128xf32, #tpu.memory_space<vmem>> -> memref<80x128xf32, #tpu.memory_space<vmem>>
      tpu.wait_dma2 semaphore(%run_scoped3A : memref<!tpu.dma_semaphore, #tpu.memory_space<semaphore_mem>>) src(%dma_wait3A_71 : memref<80x128xf32, #tpu.memory_space<vmem>>) dst(%dma_wait3A_68 : memref<80x128xf32, #tpu.memory_space<vmem_shared>>)
      tpu.yield
    }) : () -> ()
    %barrier3A = arith.constant 0 : index
    tpu.barrier barrier_id(%barrier3A)
    %eq3A = arith.constant 0 : i32
    %eq3A_36 = arith.cmpi eq, %arg0, %eq3A : i32
    %convert_element_type3A = arith.extui %eq3A_36 : i1 to i32
    %cond3A = arith.constant 0 : i32
    %cond3A_37 = arith.cmpi ne, %convert_element_type3A, %cond3A : i32
    scf.if %cond3A_37 {
      %run_scoped3A = arith.constant 0 : i32
      "tpu.region"() ({
        %run_scoped3A_79 = tpu.sem_alloc : memref<!tpu.dma_semaphore, #tpu.memory_space<semaphore_mem>>
        %dma_start3A_80 = arith.constant 0 : i32
        %dma_start3A_81 = tpu.memref_slice %arg4[%arg1, %run_scoped3A, %dma_start3A_80] : memref<16x250x80xi32, #tpu.memory_space<hbm>> -> memref<1x1x80xi32, #tpu.memory_space<hbm>>
        %dma_start3A_82 = tpu.memref_squeeze %dma_start3A_81 : memref<1x1x80xi32, #tpu.memory_space<hbm>> -> memref<80xi32, #tpu.memory_space<hbm>>
        %dma_start3A_83 = arith.constant 0 : i32
        %dma_start3A_84 = tpu.memref_slice %arg4[%arg1, %run_scoped3A, %dma_start3A_83] : memref<16x250x80xi32, #tpu.memory_space<hbm>> -> memref<1x1x80xi32, #tpu.memory_space<hbm>>
        %dma_start3A_85 = tpu.memref_squeeze %dma_start3A_84 : memref<1x1x80xi32, #tpu.memory_space<hbm>> -> memref<80xi32, #tpu.memory_space<hbm>>
        tpu.enqueue_dma source(%dma_start3A_85 : memref<80xi32, #tpu.memory_space<hbm>>) target(%arg12 : memref<80xi32, #tpu.memory_space<vmem>>) target_semaphore(%run_scoped3A_79 : memref<!tpu.dma_semaphore, #tpu.memory_space<semaphore_mem>>)
        %dma_wait3A = arith.constant 0 : i32
        %dma_wait3A_86 = tpu.memref_slice %arg4[%arg1, %run_scoped3A, %dma_wait3A] : memref<16x250x80xi32, #tpu.memory_space<hbm>> -> memref<1x1x80xi32, #tpu.memory_space<hbm>>
        %dma_wait3A_87 = tpu.memref_squeeze %dma_wait3A_86 : memref<1x1x80xi32, #tpu.memory_space<hbm>> -> memref<80xi32, #tpu.memory_space<hbm>>
        %dma_wait3A_88 = arith.constant 0 : i32
        %dma_wait3A_89 = tpu.memref_slice %arg4[%arg1, %run_scoped3A, %dma_wait3A_88] : memref<16x250x80xi32, #tpu.memory_space<hbm>> -> memref<1x1x80xi32, #tpu.memory_space<hbm>>
        %dma_wait3A_90 = tpu.memref_squeeze %dma_wait3A_89 : memref<1x1x80xi32, #tpu.memory_space<hbm>> -> memref<80xi32, #tpu.memory_space<hbm>>
        tpu.wait_dma2 semaphore(%run_scoped3A_79 : memref<!tpu.dma_semaphore, #tpu.memory_space<semaphore_mem>>) src(%dma_wait3A_90 : memref<80xi32, #tpu.memory_space<hbm>>) dst(%arg12 : memref<80xi32, #tpu.memory_space<vmem>>)
        tpu.yield
      }) : () -> ()
      %run_scoped3A_54 = arith.constant 0 : i32
      "tpu.region"() ({
        %run_scoped3A_79 = tpu.sem_alloc : memref<!tpu.dma_semaphore, #tpu.memory_space<semaphore_mem>>
        %dma_start3A_80 = arith.constant 0 : i32
        %dma_start3A_81 = tpu.memref_slice %arg5[%arg1, %run_scoped3A_54, %dma_start3A_80] : memref<16x250x80xi32, #tpu.memory_space<hbm>> -> memref<1x1x80xi32, #tpu.memory_space<hbm>>
        %dma_start3A_82 = tpu.memref_squeeze %dma_start3A_81 : memref<1x1x80xi32, #tpu.memory_space<hbm>> -> memref<80xi32, #tpu.memory_space<hbm>>
        %dma_start3A_83 = arith.constant 0 : i32
        %dma_start3A_84 = tpu.memref_slice %arg5[%arg1, %run_scoped3A_54, %dma_start3A_83] : memref<16x250x80xi32, #tpu.memory_space<hbm>> -> memref<1x1x80xi32, #tpu.memory_space<hbm>>
        %dma_start3A_85 = tpu.memref_squeeze %dma_start3A_84 : memref<1x1x80xi32, #tpu.memory_space<hbm>> -> memref<80xi32, #tpu.memory_space<hbm>>
        tpu.enqueue_dma source(%dma_start3A_85 : memref<80xi32, #tpu.memory_space<hbm>>) target(%arg16 : memref<80xi32, #tpu.memory_space<vmem>>) target_semaphore(%run_scoped3A_79 : memref<!tpu.dma_semaphore, #tpu.memory_space<semaphore_mem>>)
        %dma_wait3A = arith.constant 0 : i32
        %dma_wait3A_86 = tpu.memref_slice %arg5[%arg1, %run_scoped3A_54, %dma_wait3A] : memref<16x250x80xi32, #tpu.memory_space<hbm>> -> memref<1x1x80xi32, #tpu.memory_space<hbm>>
        %dma_wait3A_87 = tpu.memref_squeeze %dma_wait3A_86 : memref<1x1x80xi32, #tpu.memory_space<hbm>> -> memref<80xi32, #tpu.memory_space<hbm>>
        %dma_wait3A_88 = arith.constant 0 : i32
        %dma_wait3A_89 = tpu.memref_slice %arg5[%arg1, %run_scoped3A_54, %dma_wait3A_88] : memref<16x250x80xi32, #tpu.memory_space<hbm>> -> memref<1x1x80xi32, #tpu.memory_space<hbm>>
        %dma_wait3A_90 = tpu.memref_squeeze %dma_wait3A_89 : memref<1x1x80xi32, #tpu.memory_space<hbm>> -> memref<80xi32, #tpu.memory_space<hbm>>
        tpu.wait_dma2 semaphore(%run_scoped3A_79 : memref<!tpu.dma_semaphore, #tpu.memory_space<semaphore_mem>>) src(%dma_wait3A_90 : memref<80xi32, #tpu.memory_space<hbm>>) dst(%arg16 : memref<80xi32, #tpu.memory_space<vmem>>)
        tpu.yield
      }) : () -> ()
      %dma_start3A = arith.constant 0 : i32
      %dma_start3A_55 = arith.constant 0 : i32
      %dma_start3A_56 = tpu.memref_slice %arg2[%dma_start3A, %dma_start3A_55] : memref<10240x128xf32, #tpu.memory_space<hbm>> -> memref<10240x128xf32, #tpu.memory_space<hbm>>
      tpu.enqueue_indirect_dma source(%dma_start3A_56 : memref<10240x128xf32, #tpu.memory_space<hbm>>) target(%arg20 : memref<80x128xf32, #tpu.memory_space<vmem>>) offsets(%arg12 : memref<80xi32, #tpu.memory_space<vmem>>) semaphore(%arg28 : memref<!tpu.dma_semaphore, #tpu.memory_space<semaphore_mem>>)
      %run_scoped3A_57 = arith.constant 1 : i32
      "tpu.region"() ({
        %run_scoped3A_79 = tpu.sem_alloc : memref<!tpu.dma_semaphore, #tpu.memory_space<semaphore_mem>>
        %dma_start3A_80 = arith.constant 0 : i32
        %dma_start3A_81 = tpu.memref_slice %arg4[%arg1, %run_scoped3A_57, %dma_start3A_80] : memref<16x250x80xi32, #tpu.memory_space<hbm>> -> memref<1x1x80xi32, #tpu.memory_space<hbm>>
        %dma_start3A_82 = tpu.memref_squeeze %dma_start3A_81 : memref<1x1x80xi32, #tpu.memory_space<hbm>> -> memref<80xi32, #tpu.memory_space<hbm>>
        %dma_start3A_83 = arith.constant 0 : i32
        %dma_start3A_84 = tpu.memref_slice %arg4[%arg1, %run_scoped3A_57, %dma_start3A_83] : memref<16x250x80xi32, #tpu.memory_space<hbm>> -> memref<1x1x80xi32, #tpu.memory_space<hbm>>
        %dma_start3A_85 = tpu.memref_squeeze %dma_start3A_84 : memref<1x1x80xi32, #tpu.memory_space<hbm>> -> memref<80xi32, #tpu.memory_space<hbm>>
        tpu.enqueue_dma source(%dma_start3A_85 : memref<80xi32, #tpu.memory_space<hbm>>) target(%arg13 : memref<80xi32, #tpu.memory_space<vmem>>) target_semaphore(%run_scoped3A_79 : memref<!tpu.dma_semaphore, #tpu.memory_space<semaphore_mem>>)
        %dma_wait3A = arith.constant 0 : i32
        %dma_wait3A_86 = tpu.memref_slice %arg4[%arg1, %run_scoped3A_57, %dma_wait3A] : memref<16x250x80xi32, #tpu.memory_space<hbm>> -> memref<1x1x80xi32, #tpu.memory_space<hbm>>
        %dma_wait3A_87 = tpu.memref_squeeze %dma_wait3A_86 : memref<1x1x80xi32, #tpu.memory_space<hbm>> -> memref<80xi32, #tpu.memory_space<hbm>>
        %dma_wait3A_88 = arith.constant 0 : i32
        %dma_wait3A_89 = tpu.memref_slice %arg4[%arg1, %run_scoped3A_57, %dma_wait3A_88] : memref<16x250x80xi32, #tpu.memory_space<hbm>> -> memref<1x1x80xi32, #tpu.memory_space<hbm>>
        %dma_wait3A_90 = tpu.memref_squeeze %dma_wait3A_89 : memref<1x1x80xi32, #tpu.memory_space<hbm>> -> memref<80xi32, #tpu.memory_space<hbm>>
        tpu.wait_dma2 semaphore(%run_scoped3A_79 : memref<!tpu.dma_semaphore, #tpu.memory_space<semaphore_mem>>) src(%dma_wait3A_90 : memref<80xi32, #tpu.memory_space<hbm>>) dst(%arg13 : memref<80xi32, #tpu.memory_space<vmem>>)
        tpu.yield
      }) : () -> ()
      %run_scoped3A_58 = arith.constant 1 : i32
      "tpu.region"() ({
        %run_scoped3A_79 = tpu.sem_alloc : memref<!tpu.dma_semaphore, #tpu.memory_space<semaphore_mem>>
        %dma_start3A_80 = arith.constant 0 : i32
        %dma_start3A_81 = tpu.memref_slice %arg5[%arg1, %run_scoped3A_58, %dma_start3A_80] : memref<16x250x80xi32, #tpu.memory_space<hbm>> -> memref<1x1x80xi32, #tpu.memory_space<hbm>>
        %dma_start3A_82 = tpu.memref_squeeze %dma_start3A_81 : memref<1x1x80xi32, #tpu.memory_space<hbm>> -> memref<80xi32, #tpu.memory_space<hbm>>
        %dma_start3A_83 = arith.constant 0 : i32
        %dma_start3A_84 = tpu.memref_slice %arg5[%arg1, %run_scoped3A_58, %dma_start3A_83] : memref<16x250x80xi32, #tpu.memory_space<hbm>> -> memref<1x1x80xi32, #tpu.memory_space<hbm>>
        %dma_start3A_85 = tpu.memref_squeeze %dma_start3A_84 : memref<1x1x80xi32, #tpu.memory_space<hbm>> -> memref<80xi32, #tpu.memory_space<hbm>>
        tpu.enqueue_dma source(%dma_start3A_85 : memref<80xi32, #tpu.memory_space<hbm>>) target(%arg17 : memref<80xi32, #tpu.memory_space<vmem>>) target_semaphore(%run_scoped3A_79 : memref<!tpu.dma_semaphore, #tpu.memory_space<semaphore_mem>>)
        %dma_wait3A = arith.constant 0 : i32
        %dma_wait3A_86 = tpu.memref_slice %arg5[%arg1, %run_scoped3A_58, %dma_wait3A] : memref<16x250x80xi32, #tpu.memory_space<hbm>> -> memref<1x1x80xi32, #tpu.memory_space<hbm>>
        %dma_wait3A_87 = tpu.memref_squeeze %dma_wait3A_86 : memref<1x1x80xi32, #tpu.memory_space<hbm>> -> memref<80xi32, #tpu.memory_space<hbm>>
        %dma_wait3A_88 = arith.constant 0 : i32
        %dma_wait3A_89 = tpu.memref_slice %arg5[%arg1, %run_scoped3A_58, %dma_wait3A_88] : memref<16x250x80xi32, #tpu.memory_space<hbm>> -> memref<1x1x80xi32, #tpu.memory_space<hbm>>
        %dma_wait3A_90 = tpu.memref_squeeze %dma_wait3A_89 : memref<1x1x80xi32, #tpu.memory_space<hbm>> -> memref<80xi32, #tpu.memory_space<hbm>>
        tpu.wait_dma2 semaphore(%run_scoped3A_79 : memref<!tpu.dma_semaphore, #tpu.memory_space<semaphore_mem>>) src(%dma_wait3A_90 : memref<80xi32, #tpu.memory_space<hbm>>) dst(%arg17 : memref<80xi32, #tpu.memory_space<vmem>>)
        tpu.yield
      }) : () -> ()
      %dma_start3A_59 = arith.constant 0 : i32
      %dma_start3A_60 = arith.constant 0 : i32
      %dma_start3A_61 = tpu.memref_slice %arg2[%dma_start3A_59, %dma_start3A_60] : memref<10240x128xf32, #tpu.memory_space<hbm>> -> memref<10240x128xf32, #tpu.memory_space<hbm>>
      tpu.enqueue_indirect_dma source(%dma_start3A_61 : memref<10240x128xf32, #tpu.memory_space<hbm>>) target(%arg21 : memref<80x128xf32, #tpu.memory_space<vmem>>) offsets(%arg13 : memref<80xi32, #tpu.memory_space<vmem>>) semaphore(%arg29 : memref<!tpu.dma_semaphore, #tpu.memory_space<semaphore_mem>>)
      %run_scoped3A_62 = arith.constant 2 : i32
      "tpu.region"() ({
        %run_scoped3A_79 = tpu.sem_alloc : memref<!tpu.dma_semaphore, #tpu.memory_space<semaphore_mem>>
        %dma_start3A_80 = arith.constant 0 : i32
        %dma_start3A_81 = tpu.memref_slice %arg4[%arg1, %run_scoped3A_62, %dma_start3A_80] : memref<16x250x80xi32, #tpu.memory_space<hbm>> -> memref<1x1x80xi32, #tpu.memory_space<hbm>>
        %dma_start3A_82 = tpu.memref_squeeze %dma_start3A_81 : memref<1x1x80xi32, #tpu.memory_space<hbm>> -> memref<80xi32, #tpu.memory_space<hbm>>
        %dma_start3A_83 = arith.constant 0 : i32
        %dma_start3A_84 = tpu.memref_slice %arg4[%arg1, %run_scoped3A_62, %dma_start3A_83] : memref<16x250x80xi32, #tpu.memory_space<hbm>> -> memref<1x1x80xi32, #tpu.memory_space<hbm>>
        %dma_start3A_85 = tpu.memref_squeeze %dma_start3A_84 : memref<1x1x80xi32, #tpu.memory_space<hbm>> -> memref<80xi32, #tpu.memory_space<hbm>>
        tpu.enqueue_dma source(%dma_start3A_85 : memref<80xi32, #tpu.memory_space<hbm>>) target(%arg14 : memref<80xi32, #tpu.memory_space<vmem>>) target_semaphore(%run_scoped3A_79 : memref<!tpu.dma_semaphore, #tpu.memory_space<semaphore_mem>>)
        %dma_wait3A = arith.constant 0 : i32
        %dma_wait3A_86 = tpu.memref_slice %arg4[%arg1, %run_scoped3A_62, %dma_wait3A] : memref<16x250x80xi32, #tpu.memory_space<hbm>> -> memref<1x1x80xi32, #tpu.memory_space<hbm>>
        %dma_wait3A_87 = tpu.memref_squeeze %dma_wait3A_86 : memref<1x1x80xi32, #tpu.memory_space<hbm>> -> memref<80xi32, #tpu.memory_space<hbm>>
        %dma_wait3A_88 = arith.constant 0 : i32
        %dma_wait3A_89 = tpu.memref_slice %arg4[%arg1, %run_scoped3A_62, %dma_wait3A_88] : memref<16x250x80xi32, #tpu.memory_space<hbm>> -> memref<1x1x80xi32, #tpu.memory_space<hbm>>
        %dma_wait3A_90 = tpu.memref_squeeze %dma_wait3A_89 : memref<1x1x80xi32, #tpu.memory_space<hbm>> -> memref<80xi32, #tpu.memory_space<hbm>>
        tpu.wait_dma2 semaphore(%run_scoped3A_79 : memref<!tpu.dma_semaphore, #tpu.memory_space<semaphore_mem>>) src(%dma_wait3A_90 : memref<80xi32, #tpu.memory_space<hbm>>) dst(%arg14 : memref<80xi32, #tpu.memory_space<vmem>>)
        tpu.yield
      }) : () -> ()
      %run_scoped3A_63 = arith.constant 2 : i32
      "tpu.region"() ({
        %run_scoped3A_79 = tpu.sem_alloc : memref<!tpu.dma_semaphore, #tpu.memory_space<semaphore_mem>>
        %dma_start3A_80 = arith.constant 0 : i32
        %dma_start3A_81 = tpu.memref_slice %arg5[%arg1, %run_scoped3A_63, %dma_start3A_80] : memref<16x250x80xi32, #tpu.memory_space<hbm>> -> memref<1x1x80xi32, #tpu.memory_space<hbm>>
        %dma_start3A_82 = tpu.memref_squeeze %dma_start3A_81 : memref<1x1x80xi32, #tpu.memory_space<hbm>> -> memref<80xi32, #tpu.memory_space<hbm>>
        %dma_start3A_83 = arith.constant 0 : i32
        %dma_start3A_84 = tpu.memref_slice %arg5[%arg1, %run_scoped3A_63, %dma_start3A_83] : memref<16x250x80xi32, #tpu.memory_space<hbm>> -> memref<1x1x80xi32, #tpu.memory_space<hbm>>
        %dma_start3A_85 = tpu.memref_squeeze %dma_start3A_84 : memref<1x1x80xi32, #tpu.memory_space<hbm>> -> memref<80xi32, #tpu.memory_space<hbm>>
        tpu.enqueue_dma source(%dma_start3A_85 : memref<80xi32, #tpu.memory_space<hbm>>) target(%arg18 : memref<80xi32, #tpu.memory_space<vmem>>) target_semaphore(%run_scoped3A_79 : memref<!tpu.dma_semaphore, #tpu.memory_space<semaphore_mem>>)
        %dma_wait3A = arith.constant 0 : i32
        %dma_wait3A_86 = tpu.memref_slice %arg5[%arg1, %run_scoped3A_63, %dma_wait3A] : memref<16x250x80xi32, #tpu.memory_space<hbm>> -> memref<1x1x80xi32, #tpu.memory_space<hbm>>
        %dma_wait3A_87 = tpu.memref_squeeze %dma_wait3A_86 : memref<1x1x80xi32, #tpu.memory_space<hbm>> -> memref<80xi32, #tpu.memory_space<hbm>>
        %dma_wait3A_88 = arith.constant 0 : i32
        %dma_wait3A_89 = tpu.memref_slice %arg5[%arg1, %run_scoped3A_63, %dma_wait3A_88] : memref<16x250x80xi32, #tpu.memory_space<hbm>> -> memref<1x1x80xi32, #tpu.memory_space<hbm>>
        %dma_wait3A_90 = tpu.memref_squeeze %dma_wait3A_89 : memref<1x1x80xi32, #tpu.memory_space<hbm>> -> memref<80xi32, #tpu.memory_space<hbm>>
        tpu.wait_dma2 semaphore(%run_scoped3A_79 : memref<!tpu.dma_semaphore, #tpu.memory_space<semaphore_mem>>) src(%dma_wait3A_90 : memref<80xi32, #tpu.memory_space<hbm>>) dst(%arg18 : memref<80xi32, #tpu.memory_space<vmem>>)
        tpu.yield
      }) : () -> ()
      %dma_start3A_64 = arith.constant 0 : i32
      %dma_start3A_65 = arith.constant 0 : i32
      %dma_start3A_66 = tpu.memref_slice %arg2[%dma_start3A_64, %dma_start3A_65] : memref<10240x128xf32, #tpu.memory_space<hbm>> -> memref<10240x128xf32, #tpu.memory_space<hbm>>
      tpu.enqueue_indirect_dma source(%dma_start3A_66 : memref<10240x128xf32, #tpu.memory_space<hbm>>) target(%arg22 : memref<80x128xf32, #tpu.memory_space<vmem>>) offsets(%arg14 : memref<80xi32, #tpu.memory_space<vmem>>) semaphore(%arg30 : memref<!tpu.dma_semaphore, #tpu.memory_space<semaphore_mem>>)
      %run_scoped3A_67 = arith.constant 3 : i32
      "tpu.region"() ({
        %run_scoped3A_79 = tpu.sem_alloc : memref<!tpu.dma_semaphore, #tpu.memory_space<semaphore_mem>>
        %dma_start3A_80 = arith.constant 0 : i32
        %dma_start3A_81 = tpu.memref_slice %arg4[%arg1, %run_scoped3A_67, %dma_start3A_80] : memref<16x250x80xi32, #tpu.memory_space<hbm>> -> memref<1x1x80xi32, #tpu.memory_space<hbm>>
        %dma_start3A_82 = tpu.memref_squeeze %dma_start3A_81 : memref<1x1x80xi32, #tpu.memory_space<hbm>> -> memref<80xi32, #tpu.memory_space<hbm>>
        %dma_start3A_83 = arith.constant 0 : i32
        %dma_start3A_84 = tpu.memref_slice %arg4[%arg1, %run_scoped3A_67, %dma_start3A_83] : memref<16x250x80xi32, #tpu.memory_space<hbm>> -> memref<1x1x80xi32, #tpu.memory_space<hbm>>
        %dma_start3A_85 = tpu.memref_squeeze %dma_start3A_84 : memref<1x1x80xi32, #tpu.memory_space<hbm>> -> memref<80xi32, #tpu.memory_space<hbm>>
        tpu.enqueue_dma source(%dma_start3A_85 : memref<80xi32, #tpu.memory_space<hbm>>) target(%arg15 : memref<80xi32, #tpu.memory_space<vmem>>) target_semaphore(%run_scoped3A_79 : memref<!tpu.dma_semaphore, #tpu.memory_space<semaphore_mem>>)
        %dma_wait3A = arith.constant 0 : i32
        %dma_wait3A_86 = tpu.memref_slice %arg4[%arg1, %run_scoped3A_67, %dma_wait3A] : memref<16x250x80xi32, #tpu.memory_space<hbm>> -> memref<1x1x80xi32, #tpu.memory_space<hbm>>
        %dma_wait3A_87 = tpu.memref_squeeze %dma_wait3A_86 : memref<1x1x80xi32, #tpu.memory_space<hbm>> -> memref<80xi32, #tpu.memory_space<hbm>>
        %dma_wait3A_88 = arith.constant 0 : i32
        %dma_wait3A_89 = tpu.memref_slice %arg4[%arg1, %run_scoped3A_67, %dma_wait3A_88] : memref<16x250x80xi32, #tpu.memory_space<hbm>> -> memref<1x1x80xi32, #tpu.memory_space<hbm>>
        %dma_wait3A_90 = tpu.memref_squeeze %dma_wait3A_89 : memref<1x1x80xi32, #tpu.memory_space<hbm>> -> memref<80xi32, #tpu.memory_space<hbm>>
        tpu.wait_dma2 semaphore(%run_scoped3A_79 : memref<!tpu.dma_semaphore, #tpu.memory_space<semaphore_mem>>) src(%dma_wait3A_90 : memref<80xi32, #tpu.memory_space<hbm>>) dst(%arg15 : memref<80xi32, #tpu.memory_space<vmem>>)
        tpu.yield
      }) : () -> ()
      %run_scoped3A_68 = arith.constant 3 : i32
      "tpu.region"() ({
        %run_scoped3A_79 = tpu.sem_alloc : memref<!tpu.dma_semaphore, #tpu.memory_space<semaphore_mem>>
        %dma_start3A_80 = arith.constant 0 : i32
        %dma_start3A_81 = tpu.memref_slice %arg5[%arg1, %run_scoped3A_68, %dma_start3A_80] : memref<16x250x80xi32, #tpu.memory_space<hbm>> -> memref<1x1x80xi32, #tpu.memory_space<hbm>>
        %dma_start3A_82 = tpu.memref_squeeze %dma_start3A_81 : memref<1x1x80xi32, #tpu.memory_space<hbm>> -> memref<80xi32, #tpu.memory_space<hbm>>
        %dma_start3A_83 = arith.constant 0 : i32
        %dma_start3A_84 = tpu.memref_slice %arg5[%arg1, %run_scoped3A_68, %dma_start3A_83] : memref<16x250x80xi32, #tpu.memory_space<hbm>> -> memref<1x1x80xi32, #tpu.memory_space<hbm>>
        %dma_start3A_85 = tpu.memref_squeeze %dma_start3A_84 : memref<1x1x80xi32, #tpu.memory_space<hbm>> -> memref<80xi32, #tpu.memory_space<hbm>>
        tpu.enqueue_dma source(%dma_start3A_85 : memref<80xi32, #tpu.memory_space<hbm>>) target(%arg19 : memref<80xi32, #tpu.memory_space<vmem>>) target_semaphore(%run_scoped3A_79 : memref<!tpu.dma_semaphore, #tpu.memory_space<semaphore_mem>>)
        %dma_wait3A = arith.constant 0 : i32
        %dma_wait3A_86 = tpu.memref_slice %arg5[%arg1, %run_scoped3A_68, %dma_wait3A] : memref<16x250x80xi32, #tpu.memory_space<hbm>> -> memref<1x1x80xi32, #tpu.memory_space<hbm>>
        %dma_wait3A_87 = tpu.memref_squeeze %dma_wait3A_86 : memref<1x1x80xi32, #tpu.memory_space<hbm>> -> memref<80xi32, #tpu.memory_space<hbm>>
        %dma_wait3A_88 = arith.constant 0 : i32
        %dma_wait3A_89 = tpu.memref_slice %arg5[%arg1, %run_scoped3A_68, %dma_wait3A_88] : memref<16x250x80xi32, #tpu.memory_space<hbm>> -> memref<1x1x80xi32, #tpu.memory_space<hbm>>
        %dma_wait3A_90 = tpu.memref_squeeze %dma_wait3A_89 : memref<1x1x80xi32, #tpu.memory_space<hbm>> -> memref<80xi32, #tpu.memory_space<hbm>>
        tpu.wait_dma2 semaphore(%run_scoped3A_79 : memref<!tpu.dma_semaphore, #tpu.memory_space<semaphore_mem>>) src(%dma_wait3A_90 : memref<80xi32, #tpu.memory_space<hbm>>) dst(%arg19 : memref<80xi32, #tpu.memory_space<vmem>>)
        tpu.yield
      }) : () -> ()
      %dma_start3A_69 = arith.constant 0 : i32
      %dma_start3A_70 = arith.constant 0 : i32
      %dma_start3A_71 = tpu.memref_slice %arg2[%dma_start3A_69, %dma_start3A_70] : memref<10240x128xf32, #tpu.memory_space<hbm>> -> memref<10240x128xf32, #tpu.memory_space<hbm>>
      tpu.enqueue_indirect_dma source(%dma_start3A_71 : memref<10240x128xf32, #tpu.memory_space<hbm>>) target(%arg23 : memref<80x128xf32, #tpu.memory_space<vmem>>) offsets(%arg15 : memref<80xi32, #tpu.memory_space<vmem>>) semaphore(%arg31 : memref<!tpu.dma_semaphore, #tpu.memory_space<semaphore_mem>>)
      %scan3A_72 = arith.constant 0 : i32
      %scan3A_73 = arith.constant 0 : i32
      %scan3A_74 = arith.constant 63 : i32
      %scan3A_75 = arith.addi %scan3A_73, %scan3A_74 : i32
      %scan3A_76 = arith.constant 1 : i32
      %scan3A_77 = scf.for %scan3A_79 = %scan3A_73 to %scan3A_75 step %scan3A_76 iter_args(%scan3A_80 = %scan3A_72) -> (i32)  : i32 {
        %mul3A_81 = arith.constant 4 : i32
        %mul3A_82 = arith.muli %scan3A_79, %mul3A_81 : i32
        %add3A_83 = arith.constant 0 : i32
        %add3A_84 = arith.addi %mul3A_82, %add3A_83 : i32
        %lt3A = arith.constant 250 : i32
        %lt3A_85 = arith.cmpi slt, %add3A_84, %lt3A : i32
        %convert_element_type3A_86 = arith.extui %lt3A_85 : i1 to i32
        %cond3A_87 = arith.constant 0 : i32
        %cond3A_88 = arith.cmpi ne, %convert_element_type3A_86, %cond3A_87 : i32
        scf.if %cond3A_88 {
          %dma_wait3A = arith.constant 0 : i32
          %dma_wait3A_147 = arith.constant 0 : i32
          %dma_wait3A_148 = tpu.memref_slice %arg2[%dma_wait3A, %dma_wait3A_147] : memref<10240x128xf32, #tpu.memory_space<hbm>> -> memref<10240x128xf32, #tpu.memory_space<hbm>>
          tpu.wait_indirect_dma semaphore(%arg28 : memref<!tpu.dma_semaphore, #tpu.memory_space<semaphore_mem>>) src(%dma_wait3A_148 : memref<10240x128xf32, #tpu.memory_space<hbm>>) dst(%arg20 : memref<80x128xf32, #tpu.memory_space<vmem>>)
          %dma_start3A_149 = arith.constant 0 : i32
          %dma_start3A_150 = arith.constant 0 : i32
          %dma_start3A_151 = tpu.memref_slice %arg26[%dma_start3A_149, %dma_start3A_150] : memref<10240x128xf32, #tpu.memory_space<vmem_shared>> -> memref<10240x128xf32, #tpu.memory_space<vmem_shared>>
          tpu.enqueue_indirect_dma source(%arg20 : memref<80x128xf32, #tpu.memory_space<vmem>>) target(%dma_start3A_151 : memref<10240x128xf32, #tpu.memory_space<vmem_shared>>) offsets(%arg16 : memref<80xi32, #tpu.memory_space<vmem>>) semaphore(%arg32 : memref<!tpu.dma_semaphore, #tpu.memory_space<semaphore_mem>>) {add = true}
          %dma_start3A_152 = arith.constant 0 : i32
          %dma_start3A_153 = tpu.memref_slice %arg25[%dma_start3A_152] : memref<96xf32, #tpu.memory_space<vmem>> -> memref<80xf32, #tpu.memory_space<vmem>>
          %dma_start3A_154 = arith.constant 0 : i32
          %dma_start3A_155 = tpu.memref_slice %arg27[%dma_start3A_154] : memref<10240xf32, #tpu.memory_space<vmem_shared>> -> memref<10240xf32, #tpu.memory_space<vmem_shared>>
          tpu.enqueue_indirect_dma source(%dma_start3A_153 : memref<80xf32, #tpu.memory_space<vmem>>) target(%dma_start3A_155 : memref<10240xf32, #tpu.memory_space<vmem_shared>>) offsets(%arg16 : memref<80xi32, #tpu.memory_space<vmem>>) semaphore(%arg36 : memref<!tpu.dma_semaphore, #tpu.memory_space<semaphore_mem>>) {add = true}
        } else {
        }
        %ge3A = arith.constant 1 : i32
        %ge3A_89 = arith.cmpi sge, %add3A_84, %ge3A : i32
        %lt3A_90 = arith.constant 251 : i32
        %lt3A_91 = arith.cmpi slt, %add3A_84, %lt3A_90 : i32
        %and3A = arith.andi %ge3A_89, %lt3A_91 : i1
        %convert_element_type3A_92 = arith.extui %and3A : i1 to i32
        %cond3A_93 = arith.constant 0 : i32
        %cond3A_94 = arith.cmpi ne, %convert_element_type3A_92, %cond3A_93 : i32
        scf.if %cond3A_94 {
          %dma_wait3A = arith.constant 0 : i32
          %dma_wait3A_147 = arith.constant 0 : i32
          %dma_wait3A_148 = tpu.memref_slice %arg26[%dma_wait3A, %dma_wait3A_147] : memref<10240x128xf32, #tpu.memory_space<vmem_shared>> -> memref<10240x128xf32, #tpu.memory_space<vmem_shared>>
          tpu.wait_indirect_dma semaphore(%arg35 : memref<!tpu.dma_semaphore, #tpu.memory_space<semaphore_mem>>) src(%arg23 : memref<80x128xf32, #tpu.memory_space<vmem>>) dst(%dma_wait3A_148 : memref<10240x128xf32, #tpu.memory_space<vmem_shared>>)
          %dma_wait3A_149 = arith.constant 0 : i32
          %dma_wait3A_150 = tpu.memref_slice %arg25[%dma_wait3A_149] : memref<96xf32, #tpu.memory_space<vmem>> -> memref<80xf32, #tpu.memory_space<vmem>>
          %dma_wait3A_151 = arith.constant 0 : i32
          %dma_wait3A_152 = tpu.memref_slice %arg27[%dma_wait3A_151] : memref<10240xf32, #tpu.memory_space<vmem_shared>> -> memref<10240xf32, #tpu.memory_space<vmem_shared>>
          tpu.wait_indirect_dma semaphore(%arg39 : memref<!tpu.dma_semaphore, #tpu.memory_space<semaphore_mem>>) src(%dma_wait3A_150 : memref<80xf32, #tpu.memory_space<vmem>>) dst(%dma_wait3A_152 : memref<10240xf32, #tpu.memory_space<vmem_shared>>)
          %sub3A = arith.constant 1 : i32
          %sub3A_153 = arith.subi %add3A_84, %sub3A : i32
          %add3A_154 = arith.constant 4 : i32
          %add3A_155 = arith.addi %sub3A_153, %add3A_154 : i32
          %lt3A_156 = arith.constant 250 : i32
          %lt3A_157 = arith.cmpi slt, %add3A_155, %lt3A_156 : i32
          %convert_element_type3A_158 = arith.extui %lt3A_157 : i1 to i32
          %cond3A_159 = arith.constant 0 : i32
          %cond3A_160 = arith.cmpi ne, %convert_element_type3A_158, %cond3A_159 : i32
          scf.if %cond3A_160 {
            "tpu.region"() ({
              %run_scoped3A_164 = tpu.sem_alloc : memref<!tpu.dma_semaphore, #tpu.memory_space<semaphore_mem>>
              %dma_start3A_165 = arith.constant 0 : i32
              %dma_start3A_166 = tpu.memref_slice %arg4[%arg1, %add3A_155, %dma_start3A_165] : memref<16x250x80xi32, #tpu.memory_space<hbm>> -> memref<1x1x80xi32, #tpu.memory_space<hbm>>
              %dma_start3A_167 = tpu.memref_squeeze %dma_start3A_166 : memref<1x1x80xi32, #tpu.memory_space<hbm>> -> memref<80xi32, #tpu.memory_space<hbm>>
              %dma_start3A_168 = arith.constant 0 : i32
              %dma_start3A_169 = tpu.memref_slice %arg4[%arg1, %add3A_155, %dma_start3A_168] : memref<16x250x80xi32, #tpu.memory_space<hbm>> -> memref<1x1x80xi32, #tpu.memory_space<hbm>>
              %dma_start3A_170 = tpu.memref_squeeze %dma_start3A_169 : memref<1x1x80xi32, #tpu.memory_space<hbm>> -> memref<80xi32, #tpu.memory_space<hbm>>
              tpu.enqueue_dma source(%dma_start3A_170 : memref<80xi32, #tpu.memory_space<hbm>>) target(%arg15 : memref<80xi32, #tpu.memory_space<vmem>>) target_semaphore(%run_scoped3A_164 : memref<!tpu.dma_semaphore, #tpu.memory_space<semaphore_mem>>)
              %dma_wait3A_171 = arith.constant 0 : i32
              %dma_wait3A_172 = tpu.memref_slice %arg4[%arg1, %add3A_155, %dma_wait3A_171] : memref<16x250x80xi32, #tpu.memory_space<hbm>> -> memref<1x1x80xi32, #tpu.memory_space<hbm>>
              %dma_wait3A_173 = tpu.memref_squeeze %dma_wait3A_172 : memref<1x1x80xi32, #tpu.memory_space<hbm>> -> memref<80xi32, #tpu.memory_space<hbm>>
              %dma_wait3A_174 = arith.constant 0 : i32
              %dma_wait3A_175 = tpu.memref_slice %arg4[%arg1, %add3A_155, %dma_wait3A_174] : memref<16x250x80xi32, #tpu.memory_space<hbm>> -> memref<1x1x80xi32, #tpu.memory_space<hbm>>
              %dma_wait3A_176 = tpu.memref_squeeze %dma_wait3A_175 : memref<1x1x80xi32, #tpu.memory_space<hbm>> -> memref<80xi32, #tpu.memory_space<hbm>>
              tpu.wait_dma2 semaphore(%run_scoped3A_164 : memref<!tpu.dma_semaphore, #tpu.memory_space<semaphore_mem>>) src(%dma_wait3A_176 : memref<80xi32, #tpu.memory_space<hbm>>) dst(%arg15 : memref<80xi32, #tpu.memory_space<vmem>>)
              tpu.yield
            }) : () -> ()
            "tpu.region"() ({
              %run_scoped3A_164 = tpu.sem_alloc : memref<!tpu.dma_semaphore, #tpu.memory_space<semaphore_mem>>
              %dma_start3A_165 = arith.constant 0 : i32
              %dma_start3A_166 = tpu.memref_slice %arg5[%arg1, %add3A_155, %dma_start3A_165] : memref<16x250x80xi32, #tpu.memory_space<hbm>> -> memref<1x1x80xi32, #tpu.memory_space<hbm>>
              %dma_start3A_167 = tpu.memref_squeeze %dma_start3A_166 : memref<1x1x80xi32, #tpu.memory_space<hbm>> -> memref<80xi32, #tpu.memory_space<hbm>>
              %dma_start3A_168 = arith.constant 0 : i32
              %dma_start3A_169 = tpu.memref_slice %arg5[%arg1, %add3A_155, %dma_start3A_168] : memref<16x250x80xi32, #tpu.memory_space<hbm>> -> memref<1x1x80xi32, #tpu.memory_space<hbm>>
              %dma_start3A_170 = tpu.memref_squeeze %dma_start3A_169 : memref<1x1x80xi32, #tpu.memory_space<hbm>> -> memref<80xi32, #tpu.memory_space<hbm>>
              tpu.enqueue_dma source(%dma_start3A_170 : memref<80xi32, #tpu.memory_space<hbm>>) target(%arg19 : memref<80xi32, #tpu.memory_space<vmem>>) target_semaphore(%run_scoped3A_164 : memref<!tpu.dma_semaphore, #tpu.memory_space<semaphore_mem>>)
              %dma_wait3A_171 = arith.constant 0 : i32
              %dma_wait3A_172 = tpu.memref_slice %arg5[%arg1, %add3A_155, %dma_wait3A_171] : memref<16x250x80xi32, #tpu.memory_space<hbm>> -> memref<1x1x80xi32, #tpu.memory_space<hbm>>
              %dma_wait3A_173 = tpu.memref_squeeze %dma_wait3A_172 : memref<1x1x80xi32, #tpu.memory_space<hbm>> -> memref<80xi32, #tpu.memory_space<hbm>>
              %dma_wait3A_174 = arith.constant 0 : i32
              %dma_wait3A_175 = tpu.memref_slice %arg5[%arg1, %add3A_155, %dma_wait3A_174] : memref<16x250x80xi32, #tpu.memory_space<hbm>> -> memref<1x1x80xi32, #tpu.memory_space<hbm>>
              %dma_wait3A_176 = tpu.memref_squeeze %dma_wait3A_175 : memref<1x1x80xi32, #tpu.memory_space<hbm>> -> memref<80xi32, #tpu.memory_space<hbm>>
              tpu.wait_dma2 semaphore(%run_scoped3A_164 : memref<!tpu.dma_semaphore, #tpu.memory_space<semaphore_mem>>) src(%dma_wait3A_176 : memref<80xi32, #tpu.memory_space<hbm>>) dst(%arg19 : memref<80xi32, #tpu.memory_space<vmem>>)
              tpu.yield
            }) : () -> ()
            %dma_start3A_161 = arith.constant 0 : i32
            %dma_start3A_162 = arith.constant 0 : i32
            %dma_start3A_163 = tpu.memref_slice %arg2[%dma_start3A_161, %dma_start3A_162] : memref<10240x128xf32, #tpu.memory_space<hbm>> -> memref<10240x128xf32, #tpu.memory_space<hbm>>
            tpu.enqueue_indirect_dma source(%dma_start3A_163 : memref<10240x128xf32, #tpu.memory_space<hbm>>) target(%arg23 : memref<80x128xf32, #tpu.memory_space<vmem>>) offsets(%arg15 : memref<80xi32, #tpu.memory_space<vmem>>) semaphore(%arg31 : memref<!tpu.dma_semaphore, #tpu.memory_space<semaphore_mem>>)
          } else {
          }
        } else {
        }
        %mul3A_95 = arith.constant 4 : i32
        %mul3A_96 = arith.muli %scan3A_79, %mul3A_95 : i32
        %add3A_97 = arith.constant 1 : i32
        %add3A_98 = arith.addi %mul3A_96, %add3A_97 : i32
        %lt3A_99 = arith.constant 250 : i32
        %lt3A_100 = arith.cmpi slt, %add3A_98, %lt3A_99 : i32
        %convert_element_type3A_101 = arith.extui %lt3A_100 : i1 to i32
        %cond3A_102 = arith.constant 0 : i32
        %cond3A_103 = arith.cmpi ne, %convert_element_type3A_101, %cond3A_102 : i32
        scf.if %cond3A_103 {
          %dma_wait3A = arith.constant 0 : i32
          %dma_wait3A_147 = arith.constant 0 : i32
          %dma_wait3A_148 = tpu.memref_slice %arg2[%dma_wait3A, %dma_wait3A_147] : memref<10240x128xf32, #tpu.memory_space<hbm>> -> memref<10240x128xf32, #tpu.memory_space<hbm>>
          tpu.wait_indirect_dma semaphore(%arg29 : memref<!tpu.dma_semaphore, #tpu.memory_space<semaphore_mem>>) src(%dma_wait3A_148 : memref<10240x128xf32, #tpu.memory_space<hbm>>) dst(%arg21 : memref<80x128xf32, #tpu.memory_space<vmem>>)
          %dma_start3A_149 = arith.constant 0 : i32
          %dma_start3A_150 = arith.constant 0 : i32
          %dma_start3A_151 = tpu.memref_slice %arg26[%dma_start3A_149, %dma_start3A_150] : memref<10240x128xf32, #tpu.memory_space<vmem_shared>> -> memref<10240x128xf32, #tpu.memory_space<vmem_shared>>
          tpu.enqueue_indirect_dma source(%arg21 : memref<80x128xf32, #tpu.memory_space<vmem>>) target(%dma_start3A_151 : memref<10240x128xf32, #tpu.memory_space<vmem_shared>>) offsets(%arg17 : memref<80xi32, #tpu.memory_space<vmem>>) semaphore(%arg33 : memref<!tpu.dma_semaphore, #tpu.memory_space<semaphore_mem>>) {add = true}
          %dma_start3A_152 = arith.constant 0 : i32
          %dma_start3A_153 = tpu.memref_slice %arg25[%dma_start3A_152] : memref<96xf32, #tpu.memory_space<vmem>> -> memref<80xf32, #tpu.memory_space<vmem>>
          %dma_start3A_154 = arith.constant 0 : i32
          %dma_start3A_155 = tpu.memref_slice %arg27[%dma_start3A_154] : memref<10240xf32, #tpu.memory_space<vmem_shared>> -> memref<10240xf32, #tpu.memory_space<vmem_shared>>
          tpu.enqueue_indirect_dma source(%dma_start3A_153 : memref<80xf32, #tpu.memory_space<vmem>>) target(%dma_start3A_155 : memref<10240xf32, #tpu.memory_space<vmem_shared>>) offsets(%arg17 : memref<80xi32, #tpu.memory_space<vmem>>) semaphore(%arg37 : memref<!tpu.dma_semaphore, #tpu.memory_space<semaphore_mem>>) {add = true}
        } else {
        }
        %ge3A_104 = arith.constant 1 : i32
        %ge3A_105 = arith.cmpi sge, %add3A_98, %ge3A_104 : i32
        %lt3A_106 = arith.constant 251 : i32
        %lt3A_107 = arith.cmpi slt, %add3A_98, %lt3A_106 : i32
        %and3A_108 = arith.andi %ge3A_105, %lt3A_107 : i1
        %convert_element_type3A_109 = arith.extui %and3A_108 : i1 to i32
        %cond3A_110 = arith.constant 0 : i32
        %cond3A_111 = arith.cmpi ne, %convert_element_type3A_109, %cond3A_110 : i32
        scf.if %cond3A_111 {
          %dma_wait3A = arith.constant 0 : i32
          %dma_wait3A_147 = arith.constant 0 : i32
          %dma_wait3A_148 = tpu.memref_slice %arg26[%dma_wait3A, %dma_wait3A_147] : memref<10240x128xf32, #tpu.memory_space<vmem_shared>> -> memref<10240x128xf32, #tpu.memory_space<vmem_shared>>
          tpu.wait_indirect_dma semaphore(%arg32 : memref<!tpu.dma_semaphore, #tpu.memory_space<semaphore_mem>>) src(%arg20 : memref<80x128xf32, #tpu.memory_space<vmem>>) dst(%dma_wait3A_148 : memref<10240x128xf32, #tpu.memory_space<vmem_shared>>)
          %dma_wait3A_149 = arith.constant 0 : i32
          %dma_wait3A_150 = tpu.memref_slice %arg25[%dma_wait3A_149] : memref<96xf32, #tpu.memory_space<vmem>> -> memref<80xf32, #tpu.memory_space<vmem>>
          %dma_wait3A_151 = arith.constant 0 : i32
          %dma_wait3A_152 = tpu.memref_slice %arg27[%dma_wait3A_151] : memref<10240xf32, #tpu.memory_space<vmem_shared>> -> memref<10240xf32, #tpu.memory_space<vmem_shared>>
          tpu.wait_indirect_dma semaphore(%arg36 : memref<!tpu.dma_semaphore, #tpu.memory_space<semaphore_mem>>) src(%dma_wait3A_150 : memref<80xf32, #tpu.memory_space<vmem>>) dst(%dma_wait3A_152 : memref<10240xf32, #tpu.memory_space<vmem_shared>>)
          %sub3A = arith.constant 1 : i32
          %sub3A_153 = arith.subi %add3A_98, %sub3A : i32
          %add3A_154 = arith.constant 4 : i32
          %add3A_155 = arith.addi %sub3A_153, %add3A_154 : i32
          %lt3A_156 = arith.constant 250 : i32
          %lt3A_157 = arith.cmpi slt, %add3A_155, %lt3A_156 : i32
          %convert_element_type3A_158 = arith.extui %lt3A_157 : i1 to i32
          %cond3A_159 = arith.constant 0 : i32
          %cond3A_160 = arith.cmpi ne, %convert_element_type3A_158, %cond3A_159 : i32
          scf.if %cond3A_160 {
            "tpu.region"() ({
              %run_scoped3A_164 = tpu.sem_alloc : memref<!tpu.dma_semaphore, #tpu.memory_space<semaphore_mem>>
              %dma_start3A_165 = arith.constant 0 : i32
              %dma_start3A_166 = tpu.memref_slice %arg4[%arg1, %add3A_155, %dma_start3A_165] : memref<16x250x80xi32, #tpu.memory_space<hbm>> -> memref<1x1x80xi32, #tpu.memory_space<hbm>>
              %dma_start3A_167 = tpu.memref_squeeze %dma_start3A_166 : memref<1x1x80xi32, #tpu.memory_space<hbm>> -> memref<80xi32, #tpu.memory_space<hbm>>
              %dma_start3A_168 = arith.constant 0 : i32
              %dma_start3A_169 = tpu.memref_slice %arg4[%arg1, %add3A_155, %dma_start3A_168] : memref<16x250x80xi32, #tpu.memory_space<hbm>> -> memref<1x1x80xi32, #tpu.memory_space<hbm>>
              %dma_start3A_170 = tpu.memref_squeeze %dma_start3A_169 : memref<1x1x80xi32, #tpu.memory_space<hbm>> -> memref<80xi32, #tpu.memory_space<hbm>>
              tpu.enqueue_dma source(%dma_start3A_170 : memref<80xi32, #tpu.memory_space<hbm>>) target(%arg12 : memref<80xi32, #tpu.memory_space<vmem>>) target_semaphore(%run_scoped3A_164 : memref<!tpu.dma_semaphore, #tpu.memory_space<semaphore_mem>>)
              %dma_wait3A_171 = arith.constant 0 : i32
              %dma_wait3A_172 = tpu.memref_slice %arg4[%arg1, %add3A_155, %dma_wait3A_171] : memref<16x250x80xi32, #tpu.memory_space<hbm>> -> memref<1x1x80xi32, #tpu.memory_space<hbm>>
              %dma_wait3A_173 = tpu.memref_squeeze %dma_wait3A_172 : memref<1x1x80xi32, #tpu.memory_space<hbm>> -> memref<80xi32, #tpu.memory_space<hbm>>
              %dma_wait3A_174 = arith.constant 0 : i32
              %dma_wait3A_175 = tpu.memref_slice %arg4[%arg1, %add3A_155, %dma_wait3A_174] : memref<16x250x80xi32, #tpu.memory_space<hbm>> -> memref<1x1x80xi32, #tpu.memory_space<hbm>>
              %dma_wait3A_176 = tpu.memref_squeeze %dma_wait3A_175 : memref<1x1x80xi32, #tpu.memory_space<hbm>> -> memref<80xi32, #tpu.memory_space<hbm>>
              tpu.wait_dma2 semaphore(%run_scoped3A_164 : memref<!tpu.dma_semaphore, #tpu.memory_space<semaphore_mem>>) src(%dma_wait3A_176 : memref<80xi32, #tpu.memory_space<hbm>>) dst(%arg12 : memref<80xi32, #tpu.memory_space<vmem>>)
              tpu.yield
            }) : () -> ()
            "tpu.region"() ({
              %run_scoped3A_164 = tpu.sem_alloc : memref<!tpu.dma_semaphore, #tpu.memory_space<semaphore_mem>>
              %dma_start3A_165 = arith.constant 0 : i32
              %dma_start3A_166 = tpu.memref_slice %arg5[%arg1, %add3A_155, %dma_start3A_165] : memref<16x250x80xi32, #tpu.memory_space<hbm>> -> memref<1x1x80xi32, #tpu.memory_space<hbm>>
              %dma_start3A_167 = tpu.memref_squeeze %dma_start3A_166 : memref<1x1x80xi32, #tpu.memory_space<hbm>> -> memref<80xi32, #tpu.memory_space<hbm>>
              %dma_start3A_168 = arith.constant 0 : i32
              %dma_start3A_169 = tpu.memref_slice %arg5[%arg1, %add3A_155, %dma_start3A_168] : memref<16x250x80xi32, #tpu.memory_space<hbm>> -> memref<1x1x80xi32, #tpu.memory_space<hbm>>
              %dma_start3A_170 = tpu.memref_squeeze %dma_start3A_169 : memref<1x1x80xi32, #tpu.memory_space<hbm>> -> memref<80xi32, #tpu.memory_space<hbm>>
              tpu.enqueue_dma source(%dma_start3A_170 : memref<80xi32, #tpu.memory_space<hbm>>) target(%arg16 : memref<80xi32, #tpu.memory_space<vmem>>) target_semaphore(%run_scoped3A_164 : memref<!tpu.dma_semaphore, #tpu.memory_space<semaphore_mem>>)
              %dma_wait3A_171 = arith.constant 0 : i32
              %dma_wait3A_172 = tpu.memref_slice %arg5[%arg1, %add3A_155, %dma_wait3A_171] : memref<16x250x80xi32, #tpu.memory_space<hbm>> -> memref<1x1x80xi32, #tpu.memory_space<hbm>>
              %dma_wait3A_173 = tpu.memref_squeeze %dma_wait3A_172 : memref<1x1x80xi32, #tpu.memory_space<hbm>> -> memref<80xi32, #tpu.memory_space<hbm>>
              %dma_wait3A_174 = arith.constant 0 : i32
              %dma_wait3A_175 = tpu.memref_slice %arg5[%arg1, %add3A_155, %dma_wait3A_174] : memref<16x250x80xi32, #tpu.memory_space<hbm>> -> memref<1x1x80xi32, #tpu.memory_space<hbm>>
              %dma_wait3A_176 = tpu.memref_squeeze %dma_wait3A_175 : memref<1x1x80xi32, #tpu.memory_space<hbm>> -> memref<80xi32, #tpu.memory_space<hbm>>
              tpu.wait_dma2 semaphore(%run_scoped3A_164 : memref<!tpu.dma_semaphore, #tpu.memory_space<semaphore_mem>>) src(%dma_wait3A_176 : memref<80xi32, #tpu.memory_space<hbm>>) dst(%arg16 : memref<80xi32, #tpu.memory_space<vmem>>)
              tpu.yield
            }) : () -> ()
            %dma_start3A_161 = arith.constant 0 : i32
            %dma_start3A_162 = arith.constant 0 : i32
            %dma_start3A_163 = tpu.memref_slice %arg2[%dma_start3A_161, %dma_start3A_162] : memref<10240x128xf32, #tpu.memory_space<hbm>> -> memref<10240x128xf32, #tpu.memory_space<hbm>>
            tpu.enqueue_indirect_dma source(%dma_start3A_163 : memref<10240x128xf32, #tpu.memory_space<hbm>>) target(%arg20 : memref<80x128xf32, #tpu.memory_space<vmem>>) offsets(%arg12 : memref<80xi32, #tpu.memory_space<vmem>>) semaphore(%arg28 : memref<!tpu.dma_semaphore, #tpu.memory_space<semaphore_mem>>)
          } else {
          }
        } else {
        }
        %mul3A_112 = arith.constant 4 : i32
        %mul3A_113 = arith.muli %scan3A_79, %mul3A_112 : i32
        %add3A_114 = arith.constant 2 : i32
        %add3A_115 = arith.addi %mul3A_113, %add3A_114 : i32
        %lt3A_116 = arith.constant 250 : i32
        %lt3A_117 = arith.cmpi slt, %add3A_115, %lt3A_116 : i32
        %convert_element_type3A_118 = arith.extui %lt3A_117 : i1 to i32
        %cond3A_119 = arith.constant 0 : i32
        %cond3A_120 = arith.cmpi ne, %convert_element_type3A_118, %cond3A_119 : i32
        scf.if %cond3A_120 {
          %dma_wait3A = arith.constant 0 : i32
          %dma_wait3A_147 = arith.constant 0 : i32
          %dma_wait3A_148 = tpu.memref_slice %arg2[%dma_wait3A, %dma_wait3A_147] : memref<10240x128xf32, #tpu.memory_space<hbm>> -> memref<10240x128xf32, #tpu.memory_space<hbm>>
          tpu.wait_indirect_dma semaphore(%arg30 : memref<!tpu.dma_semaphore, #tpu.memory_space<semaphore_mem>>) src(%dma_wait3A_148 : memref<10240x128xf32, #tpu.memory_space<hbm>>) dst(%arg22 : memref<80x128xf32, #tpu.memory_space<vmem>>)
          %dma_start3A_149 = arith.constant 0 : i32
          %dma_start3A_150 = arith.constant 0 : i32
          %dma_start3A_151 = tpu.memref_slice %arg26[%dma_start3A_149, %dma_start3A_150] : memref<10240x128xf32, #tpu.memory_space<vmem_shared>> -> memref<10240x128xf32, #tpu.memory_space<vmem_shared>>
          tpu.enqueue_indirect_dma source(%arg22 : memref<80x128xf32, #tpu.memory_space<vmem>>) target(%dma_start3A_151 : memref<10240x128xf32, #tpu.memory_space<vmem_shared>>) offsets(%arg18 : memref<80xi32, #tpu.memory_space<vmem>>) semaphore(%arg34 : memref<!tpu.dma_semaphore, #tpu.memory_space<semaphore_mem>>) {add = true}
          %dma_start3A_152 = arith.constant 0 : i32
          %dma_start3A_153 = tpu.memref_slice %arg25[%dma_start3A_152] : memref<96xf32, #tpu.memory_space<vmem>> -> memref<80xf32, #tpu.memory_space<vmem>>
          %dma_start3A_154 = arith.constant 0 : i32
          %dma_start3A_155 = tpu.memref_slice %arg27[%dma_start3A_154] : memref<10240xf32, #tpu.memory_space<vmem_shared>> -> memref<10240xf32, #tpu.memory_space<vmem_shared>>
          tpu.enqueue_indirect_dma source(%dma_start3A_153 : memref<80xf32, #tpu.memory_space<vmem>>) target(%dma_start3A_155 : memref<10240xf32, #tpu.memory_space<vmem_shared>>) offsets(%arg18 : memref<80xi32, #tpu.memory_space<vmem>>) semaphore(%arg38 : memref<!tpu.dma_semaphore, #tpu.memory_space<semaphore_mem>>) {add = true}
        } else {
        }
        %ge3A_121 = arith.constant 1 : i32
        %ge3A_122 = arith.cmpi sge, %add3A_115, %ge3A_121 : i32
        %lt3A_123 = arith.constant 251 : i32
        %lt3A_124 = arith.cmpi slt, %add3A_115, %lt3A_123 : i32
        %and3A_125 = arith.andi %ge3A_122, %lt3A_124 : i1
        %convert_element_type3A_126 = arith.extui %and3A_125 : i1 to i32
        %cond3A_127 = arith.constant 0 : i32
        %cond3A_128 = arith.cmpi ne, %convert_element_type3A_126, %cond3A_127 : i32
        scf.if %cond3A_128 {
          %dma_wait3A = arith.constant 0 : i32
          %dma_wait3A_147 = arith.constant 0 : i32
          %dma_wait3A_148 = tpu.memref_slice %arg26[%dma_wait3A, %dma_wait3A_147] : memref<10240x128xf32, #tpu.memory_space<vmem_shared>> -> memref<10240x128xf32, #tpu.memory_space<vmem_shared>>
          tpu.wait_indirect_dma semaphore(%arg33 : memref<!tpu.dma_semaphore, #tpu.memory_space<semaphore_mem>>) src(%arg21 : memref<80x128xf32, #tpu.memory_space<vmem>>) dst(%dma_wait3A_148 : memref<10240x128xf32, #tpu.memory_space<vmem_shared>>)
          %dma_wait3A_149 = arith.constant 0 : i32
          %dma_wait3A_150 = tpu.memref_slice %arg25[%dma_wait3A_149] : memref<96xf32, #tpu.memory_space<vmem>> -> memref<80xf32, #tpu.memory_space<vmem>>
          %dma_wait3A_151 = arith.constant 0 : i32
          %dma_wait3A_152 = tpu.memref_slice %arg27[%dma_wait3A_151] : memref<10240xf32, #tpu.memory_space<vmem_shared>> -> memref<10240xf32, #tpu.memory_space<vmem_shared>>
          tpu.wait_indirect_dma semaphore(%arg37 : memref<!tpu.dma_semaphore, #tpu.memory_space<semaphore_mem>>) src(%dma_wait3A_150 : memref<80xf32, #tpu.memory_space<vmem>>) dst(%dma_wait3A_152 : memref<10240xf32, #tpu.memory_space<vmem_shared>>)
          %sub3A = arith.constant 1 : i32
          %sub3A_153 = arith.subi %add3A_115, %sub3A : i32
          %add3A_154 = arith.constant 4 : i32
          %add3A_155 = arith.addi %sub3A_153, %add3A_154 : i32
          %lt3A_156 = arith.constant 250 : i32
          %lt3A_157 = arith.cmpi slt, %add3A_155, %lt3A_156 : i32
          %convert_element_type3A_158 = arith.extui %lt3A_157 : i1 to i32
          %cond3A_159 = arith.constant 0 : i32
          %cond3A_160 = arith.cmpi ne, %convert_element_type3A_158, %cond3A_159 : i32
          scf.if %cond3A_160 {
            "tpu.region"() ({
              %run_scoped3A_164 = tpu.sem_alloc : memref<!tpu.dma_semaphore, #tpu.memory_space<semaphore_mem>>
              %dma_start3A_165 = arith.constant 0 : i32
              %dma_start3A_166 = tpu.memref_slice %arg4[%arg1, %add3A_155, %dma_start3A_165] : memref<16x250x80xi32, #tpu.memory_space<hbm>> -> memref<1x1x80xi32, #tpu.memory_space<hbm>>
              %dma_start3A_167 = tpu.memref_squeeze %dma_start3A_166 : memref<1x1x80xi32, #tpu.memory_space<hbm>> -> memref<80xi32, #tpu.memory_space<hbm>>
              %dma_start3A_168 = arith.constant 0 : i32
              %dma_start3A_169 = tpu.memref_slice %arg4[%arg1, %add3A_155, %dma_start3A_168] : memref<16x250x80xi32, #tpu.memory_space<hbm>> -> memref<1x1x80xi32, #tpu.memory_space<hbm>>
              %dma_start3A_170 = tpu.memref_squeeze %dma_start3A_169 : memref<1x1x80xi32, #tpu.memory_space<hbm>> -> memref<80xi32, #tpu.memory_space<hbm>>
              tpu.enqueue_dma source(%dma_start3A_170 : memref<80xi32, #tpu.memory_space<hbm>>) target(%arg13 : memref<80xi32, #tpu.memory_space<vmem>>) target_semaphore(%run_scoped3A_164 : memref<!tpu.dma_semaphore, #tpu.memory_space<semaphore_mem>>)
              %dma_wait3A_171 = arith.constant 0 : i32
              %dma_wait3A_172 = tpu.memref_slice %arg4[%arg1, %add3A_155, %dma_wait3A_171] : memref<16x250x80xi32, #tpu.memory_space<hbm>> -> memref<1x1x80xi32, #tpu.memory_space<hbm>>
              %dma_wait3A_173 = tpu.memref_squeeze %dma_wait3A_172 : memref<1x1x80xi32, #tpu.memory_space<hbm>> -> memref<80xi32, #tpu.memory_space<hbm>>
              %dma_wait3A_174 = arith.constant 0 : i32
              %dma_wait3A_175 = tpu.memref_slice %arg4[%arg1, %add3A_155, %dma_wait3A_174] : memref<16x250x80xi32, #tpu.memory_space<hbm>> -> memref<1x1x80xi32, #tpu.memory_space<hbm>>
              %dma_wait3A_176 = tpu.memref_squeeze %dma_wait3A_175 : memref<1x1x80xi32, #tpu.memory_space<hbm>> -> memref<80xi32, #tpu.memory_space<hbm>>
              tpu.wait_dma2 semaphore(%run_scoped3A_164 : memref<!tpu.dma_semaphore, #tpu.memory_space<semaphore_mem>>) src(%dma_wait3A_176 : memref<80xi32, #tpu.memory_space<hbm>>) dst(%arg13 : memref<80xi32, #tpu.memory_space<vmem>>)
              tpu.yield
            }) : () -> ()
            "tpu.region"() ({
              %run_scoped3A_164 = tpu.sem_alloc : memref<!tpu.dma_semaphore, #tpu.memory_space<semaphore_mem>>
              %dma_start3A_165 = arith.constant 0 : i32
              %dma_start3A_166 = tpu.memref_slice %arg5[%arg1, %add3A_155, %dma_start3A_165] : memref<16x250x80xi32, #tpu.memory_space<hbm>> -> memref<1x1x80xi32, #tpu.memory_space<hbm>>
              %dma_start3A_167 = tpu.memref_squeeze %dma_start3A_166 : memref<1x1x80xi32, #tpu.memory_space<hbm>> -> memref<80xi32, #tpu.memory_space<hbm>>
              %dma_start3A_168 = arith.constant 0 : i32
              %dma_start3A_169 = tpu.memref_slice %arg5[%arg1, %add3A_155, %dma_start3A_168] : memref<16x250x80xi32, #tpu.memory_space<hbm>> -> memref<1x1x80xi32, #tpu.memory_space<hbm>>
              %dma_start3A_170 = tpu.memref_squeeze %dma_start3A_169 : memref<1x1x80xi32, #tpu.memory_space<hbm>> -> memref<80xi32, #tpu.memory_space<hbm>>
              tpu.enqueue_dma source(%dma_start3A_170 : memref<80xi32, #tpu.memory_space<hbm>>) target(%arg17 : memref<80xi32, #tpu.memory_space<vmem>>) target_semaphore(%run_scoped3A_164 : memref<!tpu.dma_semaphore, #tpu.memory_space<semaphore_mem>>)
              %dma_wait3A_171 = arith.constant 0 : i32
              %dma_wait3A_172 = tpu.memref_slice %arg5[%arg1, %add3A_155, %dma_wait3A_171] : memref<16x250x80xi32, #tpu.memory_space<hbm>> -> memref<1x1x80xi32, #tpu.memory_space<hbm>>
              %dma_wait3A_173 = tpu.memref_squeeze %dma_wait3A_172 : memref<1x1x80xi32, #tpu.memory_space<hbm>> -> memref<80xi32, #tpu.memory_space<hbm>>
              %dma_wait3A_174 = arith.constant 0 : i32
              %dma_wait3A_175 = tpu.memref_slice %arg5[%arg1, %add3A_155, %dma_wait3A_174] : memref<16x250x80xi32, #tpu.memory_space<hbm>> -> memref<1x1x80xi32, #tpu.memory_space<hbm>>
              %dma_wait3A_176 = tpu.memref_squeeze %dma_wait3A_175 : memref<1x1x80xi32, #tpu.memory_space<hbm>> -> memref<80xi32, #tpu.memory_space<hbm>>
              tpu.wait_dma2 semaphore(%run_scoped3A_164 : memref<!tpu.dma_semaphore, #tpu.memory_space<semaphore_mem>>) src(%dma_wait3A_176 : memref<80xi32, #tpu.memory_space<hbm>>) dst(%arg17 : memref<80xi32, #tpu.memory_space<vmem>>)
              tpu.yield
            }) : () -> ()
            %dma_start3A_161 = arith.constant 0 : i32
            %dma_start3A_162 = arith.constant 0 : i32
            %dma_start3A_163 = tpu.memref_slice %arg2[%dma_start3A_161, %dma_start3A_162] : memref<10240x128xf32, #tpu.memory_space<hbm>> -> memref<10240x128xf32, #tpu.memory_space<hbm>>
            tpu.enqueue_indirect_dma source(%dma_start3A_163 : memref<10240x128xf32, #tpu.memory_space<hbm>>) target(%arg21 : memref<80x128xf32, #tpu.memory_space<vmem>>) offsets(%arg13 : memref<80xi32, #tpu.memory_space<vmem>>) semaphore(%arg29 : memref<!tpu.dma_semaphore, #tpu.memory_space<semaphore_mem>>)
          } else {
          }
        } else {
        }
        %mul3A_129 = arith.constant 4 : i32
        %mul3A_130 = arith.muli %scan3A_79, %mul3A_129 : i32
        %add3A_131 = arith.constant 3 : i32
        %add3A_132 = arith.addi %mul3A_130, %add3A_131 : i32
        %lt3A_133 = arith.constant 250 : i32
        %lt3A_134 = arith.cmpi slt, %add3A_132, %lt3A_133 : i32
        %convert_element_type3A_135 = arith.extui %lt3A_134 : i1 to i32
        %cond3A_136 = arith.constant 0 : i32
        %cond3A_137 = arith.cmpi ne, %convert_element_type3A_135, %cond3A_136 : i32
        scf.if %cond3A_137 {
          %dma_wait3A = arith.constant 0 : i32
          %dma_wait3A_147 = arith.constant 0 : i32
          %dma_wait3A_148 = tpu.memref_slice %arg2[%dma_wait3A, %dma_wait3A_147] : memref<10240x128xf32, #tpu.memory_space<hbm>> -> memref<10240x128xf32, #tpu.memory_space<hbm>>
          tpu.wait_indirect_dma semaphore(%arg31 : memref<!tpu.dma_semaphore, #tpu.memory_space<semaphore_mem>>) src(%dma_wait3A_148 : memref<10240x128xf32, #tpu.memory_space<hbm>>) dst(%arg23 : memref<80x128xf32, #tpu.memory_space<vmem>>)
          %dma_start3A_149 = arith.constant 0 : i32
          %dma_start3A_150 = arith.constant 0 : i32
          %dma_start3A_151 = tpu.memref_slice %arg26[%dma_start3A_149, %dma_start3A_150] : memref<10240x128xf32, #tpu.memory_space<vmem_shared>> -> memref<10240x128xf32, #tpu.memory_space<vmem_shared>>
          tpu.enqueue_indirect_dma source(%arg23 : memref<80x128xf32, #tpu.memory_space<vmem>>) target(%dma_start3A_151 : memref<10240x128xf32, #tpu.memory_space<vmem_shared>>) offsets(%arg19 : memref<80xi32, #tpu.memory_space<vmem>>) semaphore(%arg35 : memref<!tpu.dma_semaphore, #tpu.memory_space<semaphore_mem>>) {add = true}
          %dma_start3A_152 = arith.constant 0 : i32
          %dma_start3A_153 = tpu.memref_slice %arg25[%dma_start3A_152] : memref<96xf32, #tpu.memory_space<vmem>> -> memref<80xf32, #tpu.memory_space<vmem>>
          %dma_start3A_154 = arith.constant 0 : i32
          %dma_start3A_155 = tpu.memref_slice %arg27[%dma_start3A_154] : memref<10240xf32, #tpu.memory_space<vmem_shared>> -> memref<10240xf32, #tpu.memory_space<vmem_shared>>
          tpu.enqueue_indirect_dma source(%dma_start3A_153 : memref<80xf32, #tpu.memory_space<vmem>>) target(%dma_start3A_155 : memref<10240xf32, #tpu.memory_space<vmem_shared>>) offsets(%arg19 : memref<80xi32, #tpu.memory_space<vmem>>) semaphore(%arg39 : memref<!tpu.dma_semaphore, #tpu.memory_space<semaphore_mem>>) {add = true}
        } else {
        }
        %ge3A_138 = arith.constant 1 : i32
        %ge3A_139 = arith.cmpi sge, %add3A_132, %ge3A_138 : i32
        %lt3A_140 = arith.constant 251 : i32
        %lt3A_141 = arith.cmpi slt, %add3A_132, %lt3A_140 : i32
        %and3A_142 = arith.andi %ge3A_139, %lt3A_141 : i1
        %convert_element_type3A_143 = arith.extui %and3A_142 : i1 to i32
        %cond3A_144 = arith.constant 0 : i32
        %cond3A_145 = arith.cmpi ne, %convert_element_type3A_143, %cond3A_144 : i32
        scf.if %cond3A_145 {
          %dma_wait3A = arith.constant 0 : i32
          %dma_wait3A_147 = arith.constant 0 : i32
          %dma_wait3A_148 = tpu.memref_slice %arg26[%dma_wait3A, %dma_wait3A_147] : memref<10240x128xf32, #tpu.memory_space<vmem_shared>> -> memref<10240x128xf32, #tpu.memory_space<vmem_shared>>
          tpu.wait_indirect_dma semaphore(%arg34 : memref<!tpu.dma_semaphore, #tpu.memory_space<semaphore_mem>>) src(%arg22 : memref<80x128xf32, #tpu.memory_space<vmem>>) dst(%dma_wait3A_148 : memref<10240x128xf32, #tpu.memory_space<vmem_shared>>)
          %dma_wait3A_149 = arith.constant 0 : i32
          %dma_wait3A_150 = tpu.memref_slice %arg25[%dma_wait3A_149] : memref<96xf32, #tpu.memory_space<vmem>> -> memref<80xf32, #tpu.memory_space<vmem>>
          %dma_wait3A_151 = arith.constant 0 : i32
          %dma_wait3A_152 = tpu.memref_slice %arg27[%dma_wait3A_151] : memref<10240xf32, #tpu.memory_space<vmem_shared>> -> memref<10240xf32, #tpu.memory_space<vmem_shared>>
          tpu.wait_indirect_dma semaphore(%arg38 : memref<!tpu.dma_semaphore, #tpu.memory_space<semaphore_mem>>) src(%dma_wait3A_150 : memref<80xf32, #tpu.memory_space<vmem>>) dst(%dma_wait3A_152 : memref<10240xf32, #tpu.memory_space<vmem_shared>>)
          %sub3A = arith.constant 1 : i32
          %sub3A_153 = arith.subi %add3A_132, %sub3A : i32
          %add3A_154 = arith.constant 4 : i32
          %add3A_155 = arith.addi %sub3A_153, %add3A_154 : i32
          %lt3A_156 = arith.constant 250 : i32
          %lt3A_157 = arith.cmpi slt, %add3A_155, %lt3A_156 : i32
          %convert_element_type3A_158 = arith.extui %lt3A_157 : i1 to i32
          %cond3A_159 = arith.constant 0 : i32
          %cond3A_160 = arith.cmpi ne, %convert_element_type3A_158, %cond3A_159 : i32
          scf.if %cond3A_160 {
            "tpu.region"() ({
              %run_scoped3A_164 = tpu.sem_alloc : memref<!tpu.dma_semaphore, #tpu.memory_space<semaphore_mem>>
              %dma_start3A_165 = arith.constant 0 : i32
              %dma_start3A_166 = tpu.memref_slice %arg4[%arg1, %add3A_155, %dma_start3A_165] : memref<16x250x80xi32, #tpu.memory_space<hbm>> -> memref<1x1x80xi32, #tpu.memory_space<hbm>>
              %dma_start3A_167 = tpu.memref_squeeze %dma_start3A_166 : memref<1x1x80xi32, #tpu.memory_space<hbm>> -> memref<80xi32, #tpu.memory_space<hbm>>
              %dma_start3A_168 = arith.constant 0 : i32
              %dma_start3A_169 = tpu.memref_slice %arg4[%arg1, %add3A_155, %dma_start3A_168] : memref<16x250x80xi32, #tpu.memory_space<hbm>> -> memref<1x1x80xi32, #tpu.memory_space<hbm>>
              %dma_start3A_170 = tpu.memref_squeeze %dma_start3A_169 : memref<1x1x80xi32, #tpu.memory_space<hbm>> -> memref<80xi32, #tpu.memory_space<hbm>>
              tpu.enqueue_dma source(%dma_start3A_170 : memref<80xi32, #tpu.memory_space<hbm>>) target(%arg14 : memref<80xi32, #tpu.memory_space<vmem>>) target_semaphore(%run_scoped3A_164 : memref<!tpu.dma_semaphore, #tpu.memory_space<semaphore_mem>>)
              %dma_wait3A_171 = arith.constant 0 : i32
              %dma_wait3A_172 = tpu.memref_slice %arg4[%arg1, %add3A_155, %dma_wait3A_171] : memref<16x250x80xi32, #tpu.memory_space<hbm>> -> memref<1x1x80xi32, #tpu.memory_space<hbm>>
              %dma_wait3A_173 = tpu.memref_squeeze %dma_wait3A_172 : memref<1x1x80xi32, #tpu.memory_space<hbm>> -> memref<80xi32, #tpu.memory_space<hbm>>
              %dma_wait3A_174 = arith.constant 0 : i32
              %dma_wait3A_175 = tpu.memref_slice %arg4[%arg1, %add3A_155, %dma_wait3A_174] : memref<16x250x80xi32, #tpu.memory_space<hbm>> -> memref<1x1x80xi32, #tpu.memory_space<hbm>>
              %dma_wait3A_176 = tpu.memref_squeeze %dma_wait3A_175 : memref<1x1x80xi32, #tpu.memory_space<hbm>> -> memref<80xi32, #tpu.memory_space<hbm>>
              tpu.wait_dma2 semaphore(%run_scoped3A_164 : memref<!tpu.dma_semaphore, #tpu.memory_space<semaphore_mem>>) src(%dma_wait3A_176 : memref<80xi32, #tpu.memory_space<hbm>>) dst(%arg14 : memref<80xi32, #tpu.memory_space<vmem>>)
              tpu.yield
            }) : () -> ()
            "tpu.region"() ({
              %run_scoped3A_164 = tpu.sem_alloc : memref<!tpu.dma_semaphore, #tpu.memory_space<semaphore_mem>>
              %dma_start3A_165 = arith.constant 0 : i32
              %dma_start3A_166 = tpu.memref_slice %arg5[%arg1, %add3A_155, %dma_start3A_165] : memref<16x250x80xi32, #tpu.memory_space<hbm>> -> memref<1x1x80xi32, #tpu.memory_space<hbm>>
              %dma_start3A_167 = tpu.memref_squeeze %dma_start3A_166 : memref<1x1x80xi32, #tpu.memory_space<hbm>> -> memref<80xi32, #tpu.memory_space<hbm>>
              %dma_start3A_168 = arith.constant 0 : i32
              %dma_start3A_169 = tpu.memref_slice %arg5[%arg1, %add3A_155, %dma_start3A_168] : memref<16x250x80xi32, #tpu.memory_space<hbm>> -> memref<1x1x80xi32, #tpu.memory_space<hbm>>
              %dma_start3A_170 = tpu.memref_squeeze %dma_start3A_169 : memref<1x1x80xi32, #tpu.memory_space<hbm>> -> memref<80xi32, #tpu.memory_space<hbm>>
              tpu.enqueue_dma source(%dma_start3A_170 : memref<80xi32, #tpu.memory_space<hbm>>) target(%arg18 : memref<80xi32, #tpu.memory_space<vmem>>) target_semaphore(%run_scoped3A_164 : memref<!tpu.dma_semaphore, #tpu.memory_space<semaphore_mem>>)
              %dma_wait3A_171 = arith.constant 0 : i32
              %dma_wait3A_172 = tpu.memref_slice %arg5[%arg1, %add3A_155, %dma_wait3A_171] : memref<16x250x80xi32, #tpu.memory_space<hbm>> -> memref<1x1x80xi32, #tpu.memory_space<hbm>>
              %dma_wait3A_173 = tpu.memref_squeeze %dma_wait3A_172 : memref<1x1x80xi32, #tpu.memory_space<hbm>> -> memref<80xi32, #tpu.memory_space<hbm>>
              %dma_wait3A_174 = arith.constant 0 : i32
              %dma_wait3A_175 = tpu.memref_slice %arg5[%arg1, %add3A_155, %dma_wait3A_174] : memref<16x250x80xi32, #tpu.memory_space<hbm>> -> memref<1x1x80xi32, #tpu.memory_space<hbm>>
              %dma_wait3A_176 = tpu.memref_squeeze %dma_wait3A_175 : memref<1x1x80xi32, #tpu.memory_space<hbm>> -> memref<80xi32, #tpu.memory_space<hbm>>
              tpu.wait_dma2 semaphore(%run_scoped3A_164 : memref<!tpu.dma_semaphore, #tpu.memory_space<semaphore_mem>>) src(%dma_wait3A_176 : memref<80xi32, #tpu.memory_space<hbm>>) dst(%arg18 : memref<80xi32, #tpu.memory_space<vmem>>)
              tpu.yield
            }) : () -> ()
            %dma_start3A_161 = arith.constant 0 : i32
            %dma_start3A_162 = arith.constant 0 : i32
            %dma_start3A_163 = tpu.memref_slice %arg2[%dma_start3A_161, %dma_start3A_162] : memref<10240x128xf32, #tpu.memory_space<hbm>> -> memref<10240x128xf32, #tpu.memory_space<hbm>>
            tpu.enqueue_indirect_dma source(%dma_start3A_163 : memref<10240x128xf32, #tpu.memory_space<hbm>>) target(%arg22 : memref<80x128xf32, #tpu.memory_space<vmem>>) offsets(%arg14 : memref<80xi32, #tpu.memory_space<vmem>>) semaphore(%arg30 : memref<!tpu.dma_semaphore, #tpu.memory_space<semaphore_mem>>)
          } else {
          }
        } else {
        }
        %scan3A_146 = arith.constant 0 : i32
        scf.yield %scan3A_146 : i32
      }
      %scan3A_78 = arith.constant 63 : i32
    } else {
    }
    %eq3A_38 = arith.constant 1 : i32
    %eq3A_39 = arith.cmpi eq, %arg0, %eq3A_38 : i32
    %convert_element_type3A_40 = arith.extui %eq3A_39 : i1 to i32
    %cond3A_41 = arith.constant 0 : i32
    %cond3A_42 = arith.cmpi ne, %convert_element_type3A_40, %cond3A_41 : i32
    scf.if %cond3A_42 {
      %run_scoped3A = arith.constant 0 : i32
      "tpu.region"() ({
        %run_scoped3A_79 = tpu.sem_alloc : memref<!tpu.dma_semaphore, #tpu.memory_space<semaphore_mem>>
        %dma_start3A_80 = arith.constant 0 : i32
        %dma_start3A_81 = tpu.memref_slice %arg6[%arg1, %run_scoped3A, %dma_start3A_80] : memref<16x250x80xi32, #tpu.memory_space<hbm>> -> memref<1x1x80xi32, #tpu.memory_space<hbm>>
        %dma_start3A_82 = tpu.memref_squeeze %dma_start3A_81 : memref<1x1x80xi32, #tpu.memory_space<hbm>> -> memref<80xi32, #tpu.memory_space<hbm>>
        %dma_start3A_83 = arith.constant 0 : i32
        %dma_start3A_84 = tpu.memref_slice %arg6[%arg1, %run_scoped3A, %dma_start3A_83] : memref<16x250x80xi32, #tpu.memory_space<hbm>> -> memref<1x1x80xi32, #tpu.memory_space<hbm>>
        %dma_start3A_85 = tpu.memref_squeeze %dma_start3A_84 : memref<1x1x80xi32, #tpu.memory_space<hbm>> -> memref<80xi32, #tpu.memory_space<hbm>>
        tpu.enqueue_dma source(%dma_start3A_85 : memref<80xi32, #tpu.memory_space<hbm>>) target(%arg12 : memref<80xi32, #tpu.memory_space<vmem>>) target_semaphore(%run_scoped3A_79 : memref<!tpu.dma_semaphore, #tpu.memory_space<semaphore_mem>>)
        %dma_wait3A = arith.constant 0 : i32
        %dma_wait3A_86 = tpu.memref_slice %arg6[%arg1, %run_scoped3A, %dma_wait3A] : memref<16x250x80xi32, #tpu.memory_space<hbm>> -> memref<1x1x80xi32, #tpu.memory_space<hbm>>
        %dma_wait3A_87 = tpu.memref_squeeze %dma_wait3A_86 : memref<1x1x80xi32, #tpu.memory_space<hbm>> -> memref<80xi32, #tpu.memory_space<hbm>>
        %dma_wait3A_88 = arith.constant 0 : i32
        %dma_wait3A_89 = tpu.memref_slice %arg6[%arg1, %run_scoped3A, %dma_wait3A_88] : memref<16x250x80xi32, #tpu.memory_space<hbm>> -> memref<1x1x80xi32, #tpu.memory_space<hbm>>
        %dma_wait3A_90 = tpu.memref_squeeze %dma_wait3A_89 : memref<1x1x80xi32, #tpu.memory_space<hbm>> -> memref<80xi32, #tpu.memory_space<hbm>>
        tpu.wait_dma2 semaphore(%run_scoped3A_79 : memref<!tpu.dma_semaphore, #tpu.memory_space<semaphore_mem>>) src(%dma_wait3A_90 : memref<80xi32, #tpu.memory_space<hbm>>) dst(%arg12 : memref<80xi32, #tpu.memory_space<vmem>>)
        tpu.yield
      }) : () -> ()
      %run_scoped3A_54 = arith.constant 0 : i32
      "tpu.region"() ({
        %run_scoped3A_79 = tpu.sem_alloc : memref<!tpu.dma_semaphore, #tpu.memory_space<semaphore_mem>>
        %dma_start3A_80 = arith.constant 0 : i32
        %dma_start3A_81 = tpu.memref_slice %arg7[%arg1, %run_scoped3A_54, %dma_start3A_80] : memref<16x250x80xi32, #tpu.memory_space<hbm>> -> memref<1x1x80xi32, #tpu.memory_space<hbm>>
        %dma_start3A_82 = tpu.memref_squeeze %dma_start3A_81 : memref<1x1x80xi32, #tpu.memory_space<hbm>> -> memref<80xi32, #tpu.memory_space<hbm>>
        %dma_start3A_83 = arith.constant 0 : i32
        %dma_start3A_84 = tpu.memref_slice %arg7[%arg1, %run_scoped3A_54, %dma_start3A_83] : memref<16x250x80xi32, #tpu.memory_space<hbm>> -> memref<1x1x80xi32, #tpu.memory_space<hbm>>
        %dma_start3A_85 = tpu.memref_squeeze %dma_start3A_84 : memref<1x1x80xi32, #tpu.memory_space<hbm>> -> memref<80xi32, #tpu.memory_space<hbm>>
        tpu.enqueue_dma source(%dma_start3A_85 : memref<80xi32, #tpu.memory_space<hbm>>) target(%arg16 : memref<80xi32, #tpu.memory_space<vmem>>) target_semaphore(%run_scoped3A_79 : memref<!tpu.dma_semaphore, #tpu.memory_space<semaphore_mem>>)
        %dma_wait3A = arith.constant 0 : i32
        %dma_wait3A_86 = tpu.memref_slice %arg7[%arg1, %run_scoped3A_54, %dma_wait3A] : memref<16x250x80xi32, #tpu.memory_space<hbm>> -> memref<1x1x80xi32, #tpu.memory_space<hbm>>
        %dma_wait3A_87 = tpu.memref_squeeze %dma_wait3A_86 : memref<1x1x80xi32, #tpu.memory_space<hbm>> -> memref<80xi32, #tpu.memory_space<hbm>>
        %dma_wait3A_88 = arith.constant 0 : i32
        %dma_wait3A_89 = tpu.memref_slice %arg7[%arg1, %run_scoped3A_54, %dma_wait3A_88] : memref<16x250x80xi32, #tpu.memory_space<hbm>> -> memref<1x1x80xi32, #tpu.memory_space<hbm>>
        %dma_wait3A_90 = tpu.memref_squeeze %dma_wait3A_89 : memref<1x1x80xi32, #tpu.memory_space<hbm>> -> memref<80xi32, #tpu.memory_space<hbm>>
        tpu.wait_dma2 semaphore(%run_scoped3A_79 : memref<!tpu.dma_semaphore, #tpu.memory_space<semaphore_mem>>) src(%dma_wait3A_90 : memref<80xi32, #tpu.memory_space<hbm>>) dst(%arg16 : memref<80xi32, #tpu.memory_space<vmem>>)
        tpu.yield
      }) : () -> ()
      %dma_start3A = arith.constant 0 : i32
      %dma_start3A_55 = arith.constant 0 : i32
      %dma_start3A_56 = tpu.memref_slice %arg3[%dma_start3A, %dma_start3A_55] : memref<10240x128xf32, #tpu.memory_space<hbm>> -> memref<10240x128xf32, #tpu.memory_space<hbm>>
      tpu.enqueue_indirect_dma source(%dma_start3A_56 : memref<10240x128xf32, #tpu.memory_space<hbm>>) target(%arg20 : memref<80x128xf32, #tpu.memory_space<vmem>>) offsets(%arg12 : memref<80xi32, #tpu.memory_space<vmem>>) semaphore(%arg28 : memref<!tpu.dma_semaphore, #tpu.memory_space<semaphore_mem>>)
      %run_scoped3A_57 = arith.constant 1 : i32
      "tpu.region"() ({
        %run_scoped3A_79 = tpu.sem_alloc : memref<!tpu.dma_semaphore, #tpu.memory_space<semaphore_mem>>
        %dma_start3A_80 = arith.constant 0 : i32
        %dma_start3A_81 = tpu.memref_slice %arg6[%arg1, %run_scoped3A_57, %dma_start3A_80] : memref<16x250x80xi32, #tpu.memory_space<hbm>> -> memref<1x1x80xi32, #tpu.memory_space<hbm>>
        %dma_start3A_82 = tpu.memref_squeeze %dma_start3A_81 : memref<1x1x80xi32, #tpu.memory_space<hbm>> -> memref<80xi32, #tpu.memory_space<hbm>>
        %dma_start3A_83 = arith.constant 0 : i32
        %dma_start3A_84 = tpu.memref_slice %arg6[%arg1, %run_scoped3A_57, %dma_start3A_83] : memref<16x250x80xi32, #tpu.memory_space<hbm>> -> memref<1x1x80xi32, #tpu.memory_space<hbm>>
        %dma_start3A_85 = tpu.memref_squeeze %dma_start3A_84 : memref<1x1x80xi32, #tpu.memory_space<hbm>> -> memref<80xi32, #tpu.memory_space<hbm>>
        tpu.enqueue_dma source(%dma_start3A_85 : memref<80xi32, #tpu.memory_space<hbm>>) target(%arg13 : memref<80xi32, #tpu.memory_space<vmem>>) target_semaphore(%run_scoped3A_79 : memref<!tpu.dma_semaphore, #tpu.memory_space<semaphore_mem>>)
        %dma_wait3A = arith.constant 0 : i32
        %dma_wait3A_86 = tpu.memref_slice %arg6[%arg1, %run_scoped3A_57, %dma_wait3A] : memref<16x250x80xi32, #tpu.memory_space<hbm>> -> memref<1x1x80xi32, #tpu.memory_space<hbm>>
        %dma_wait3A_87 = tpu.memref_squeeze %dma_wait3A_86 : memref<1x1x80xi32, #tpu.memory_space<hbm>> -> memref<80xi32, #tpu.memory_space<hbm>>
        %dma_wait3A_88 = arith.constant 0 : i32
        %dma_wait3A_89 = tpu.memref_slice %arg6[%arg1, %run_scoped3A_57, %dma_wait3A_88] : memref<16x250x80xi32, #tpu.memory_space<hbm>> -> memref<1x1x80xi32, #tpu.memory_space<hbm>>
        %dma_wait3A_90 = tpu.memref_squeeze %dma_wait3A_89 : memref<1x1x80xi32, #tpu.memory_space<hbm>> -> memref<80xi32, #tpu.memory_space<hbm>>
        tpu.wait_dma2 semaphore(%run_scoped3A_79 : memref<!tpu.dma_semaphore, #tpu.memory_space<semaphore_mem>>) src(%dma_wait3A_90 : memref<80xi32, #tpu.memory_space<hbm>>) dst(%arg13 : memref<80xi32, #tpu.memory_space<vmem>>)
        tpu.yield
      }) : () -> ()
      %run_scoped3A_58 = arith.constant 1 : i32
      "tpu.region"() ({
        %run_scoped3A_79 = tpu.sem_alloc : memref<!tpu.dma_semaphore, #tpu.memory_space<semaphore_mem>>
        %dma_start3A_80 = arith.constant 0 : i32
        %dma_start3A_81 = tpu.memref_slice %arg7[%arg1, %run_scoped3A_58, %dma_start3A_80] : memref<16x250x80xi32, #tpu.memory_space<hbm>> -> memref<1x1x80xi32, #tpu.memory_space<hbm>>
        %dma_start3A_82 = tpu.memref_squeeze %dma_start3A_81 : memref<1x1x80xi32, #tpu.memory_space<hbm>> -> memref<80xi32, #tpu.memory_space<hbm>>
        %dma_start3A_83 = arith.constant 0 : i32
        %dma_start3A_84 = tpu.memref_slice %arg7[%arg1, %run_scoped3A_58, %dma_start3A_83] : memref<16x250x80xi32, #tpu.memory_space<hbm>> -> memref<1x1x80xi32, #tpu.memory_space<hbm>>
        %dma_start3A_85 = tpu.memref_squeeze %dma_start3A_84 : memref<1x1x80xi32, #tpu.memory_space<hbm>> -> memref<80xi32, #tpu.memory_space<hbm>>
        tpu.enqueue_dma source(%dma_start3A_85 : memref<80xi32, #tpu.memory_space<hbm>>) target(%arg17 : memref<80xi32, #tpu.memory_space<vmem>>) target_semaphore(%run_scoped3A_79 : memref<!tpu.dma_semaphore, #tpu.memory_space<semaphore_mem>>)
        %dma_wait3A = arith.constant 0 : i32
        %dma_wait3A_86 = tpu.memref_slice %arg7[%arg1, %run_scoped3A_58, %dma_wait3A] : memref<16x250x80xi32, #tpu.memory_space<hbm>> -> memref<1x1x80xi32, #tpu.memory_space<hbm>>
        %dma_wait3A_87 = tpu.memref_squeeze %dma_wait3A_86 : memref<1x1x80xi32, #tpu.memory_space<hbm>> -> memref<80xi32, #tpu.memory_space<hbm>>
        %dma_wait3A_88 = arith.constant 0 : i32
        %dma_wait3A_89 = tpu.memref_slice %arg7[%arg1, %run_scoped3A_58, %dma_wait3A_88] : memref<16x250x80xi32, #tpu.memory_space<hbm>> -> memref<1x1x80xi32, #tpu.memory_space<hbm>>
        %dma_wait3A_90 = tpu.memref_squeeze %dma_wait3A_89 : memref<1x1x80xi32, #tpu.memory_space<hbm>> -> memref<80xi32, #tpu.memory_space<hbm>>
        tpu.wait_dma2 semaphore(%run_scoped3A_79 : memref<!tpu.dma_semaphore, #tpu.memory_space<semaphore_mem>>) src(%dma_wait3A_90 : memref<80xi32, #tpu.memory_space<hbm>>) dst(%arg17 : memref<80xi32, #tpu.memory_space<vmem>>)
        tpu.yield
      }) : () -> ()
      %dma_start3A_59 = arith.constant 0 : i32
      %dma_start3A_60 = arith.constant 0 : i32
      %dma_start3A_61 = tpu.memref_slice %arg3[%dma_start3A_59, %dma_start3A_60] : memref<10240x128xf32, #tpu.memory_space<hbm>> -> memref<10240x128xf32, #tpu.memory_space<hbm>>
      tpu.enqueue_indirect_dma source(%dma_start3A_61 : memref<10240x128xf32, #tpu.memory_space<hbm>>) target(%arg21 : memref<80x128xf32, #tpu.memory_space<vmem>>) offsets(%arg13 : memref<80xi32, #tpu.memory_space<vmem>>) semaphore(%arg29 : memref<!tpu.dma_semaphore, #tpu.memory_space<semaphore_mem>>)
      %run_scoped3A_62 = arith.constant 2 : i32
      "tpu.region"() ({
        %run_scoped3A_79 = tpu.sem_alloc : memref<!tpu.dma_semaphore, #tpu.memory_space<semaphore_mem>>
        %dma_start3A_80 = arith.constant 0 : i32
        %dma_start3A_81 = tpu.memref_slice %arg6[%arg1, %run_scoped3A_62, %dma_start3A_80] : memref<16x250x80xi32, #tpu.memory_space<hbm>> -> memref<1x1x80xi32, #tpu.memory_space<hbm>>
        %dma_start3A_82 = tpu.memref_squeeze %dma_start3A_81 : memref<1x1x80xi32, #tpu.memory_space<hbm>> -> memref<80xi32, #tpu.memory_space<hbm>>
        %dma_start3A_83 = arith.constant 0 : i32
        %dma_start3A_84 = tpu.memref_slice %arg6[%arg1, %run_scoped3A_62, %dma_start3A_83] : memref<16x250x80xi32, #tpu.memory_space<hbm>> -> memref<1x1x80xi32, #tpu.memory_space<hbm>>
        %dma_start3A_85 = tpu.memref_squeeze %dma_start3A_84 : memref<1x1x80xi32, #tpu.memory_space<hbm>> -> memref<80xi32, #tpu.memory_space<hbm>>
        tpu.enqueue_dma source(%dma_start3A_85 : memref<80xi32, #tpu.memory_space<hbm>>) target(%arg14 : memref<80xi32, #tpu.memory_space<vmem>>) target_semaphore(%run_scoped3A_79 : memref<!tpu.dma_semaphore, #tpu.memory_space<semaphore_mem>>)
        %dma_wait3A = arith.constant 0 : i32
        %dma_wait3A_86 = tpu.memref_slice %arg6[%arg1, %run_scoped3A_62, %dma_wait3A] : memref<16x250x80xi32, #tpu.memory_space<hbm>> -> memref<1x1x80xi32, #tpu.memory_space<hbm>>
        %dma_wait3A_87 = tpu.memref_squeeze %dma_wait3A_86 : memref<1x1x80xi32, #tpu.memory_space<hbm>> -> memref<80xi32, #tpu.memory_space<hbm>>
        %dma_wait3A_88 = arith.constant 0 : i32
        %dma_wait3A_89 = tpu.memref_slice %arg6[%arg1, %run_scoped3A_62, %dma_wait3A_88] : memref<16x250x80xi32, #tpu.memory_space<hbm>> -> memref<1x1x80xi32, #tpu.memory_space<hbm>>
        %dma_wait3A_90 = tpu.memref_squeeze %dma_wait3A_89 : memref<1x1x80xi32, #tpu.memory_space<hbm>> -> memref<80xi32, #tpu.memory_space<hbm>>
        tpu.wait_dma2 semaphore(%run_scoped3A_79 : memref<!tpu.dma_semaphore, #tpu.memory_space<semaphore_mem>>) src(%dma_wait3A_90 : memref<80xi32, #tpu.memory_space<hbm>>) dst(%arg14 : memref<80xi32, #tpu.memory_space<vmem>>)
        tpu.yield
      }) : () -> ()
      %run_scoped3A_63 = arith.constant 2 : i32
      "tpu.region"() ({
        %run_scoped3A_79 = tpu.sem_alloc : memref<!tpu.dma_semaphore, #tpu.memory_space<semaphore_mem>>
        %dma_start3A_80 = arith.constant 0 : i32
        %dma_start3A_81 = tpu.memref_slice %arg7[%arg1, %run_scoped3A_63, %dma_start3A_80] : memref<16x250x80xi32, #tpu.memory_space<hbm>> -> memref<1x1x80xi32, #tpu.memory_space<hbm>>
        %dma_start3A_82 = tpu.memref_squeeze %dma_start3A_81 : memref<1x1x80xi32, #tpu.memory_space<hbm>> -> memref<80xi32, #tpu.memory_space<hbm>>
        %dma_start3A_83 = arith.constant 0 : i32
        %dma_start3A_84 = tpu.memref_slice %arg7[%arg1, %run_scoped3A_63, %dma_start3A_83] : memref<16x250x80xi32, #tpu.memory_space<hbm>> -> memref<1x1x80xi32, #tpu.memory_space<hbm>>
        %dma_start3A_85 = tpu.memref_squeeze %dma_start3A_84 : memref<1x1x80xi32, #tpu.memory_space<hbm>> -> memref<80xi32, #tpu.memory_space<hbm>>
        tpu.enqueue_dma source(%dma_start3A_85 : memref<80xi32, #tpu.memory_space<hbm>>) target(%arg18 : memref<80xi32, #tpu.memory_space<vmem>>) target_semaphore(%run_scoped3A_79 : memref<!tpu.dma_semaphore, #tpu.memory_space<semaphore_mem>>)
        %dma_wait3A = arith.constant 0 : i32
        %dma_wait3A_86 = tpu.memref_slice %arg7[%arg1, %run_scoped3A_63, %dma_wait3A] : memref<16x250x80xi32, #tpu.memory_space<hbm>> -> memref<1x1x80xi32, #tpu.memory_space<hbm>>
        %dma_wait3A_87 = tpu.memref_squeeze %dma_wait3A_86 : memref<1x1x80xi32, #tpu.memory_space<hbm>> -> memref<80xi32, #tpu.memory_space<hbm>>
        %dma_wait3A_88 = arith.constant 0 : i32
        %dma_wait3A_89 = tpu.memref_slice %arg7[%arg1, %run_scoped3A_63, %dma_wait3A_88] : memref<16x250x80xi32, #tpu.memory_space<hbm>> -> memref<1x1x80xi32, #tpu.memory_space<hbm>>
        %dma_wait3A_90 = tpu.memref_squeeze %dma_wait3A_89 : memref<1x1x80xi32, #tpu.memory_space<hbm>> -> memref<80xi32, #tpu.memory_space<hbm>>
        tpu.wait_dma2 semaphore(%run_scoped3A_79 : memref<!tpu.dma_semaphore, #tpu.memory_space<semaphore_mem>>) src(%dma_wait3A_90 : memref<80xi32, #tpu.memory_space<hbm>>) dst(%arg18 : memref<80xi32, #tpu.memory_space<vmem>>)
        tpu.yield
      }) : () -> ()
      %dma_start3A_64 = arith.constant 0 : i32
      %dma_start3A_65 = arith.constant 0 : i32
      %dma_start3A_66 = tpu.memref_slice %arg3[%dma_start3A_64, %dma_start3A_65] : memref<10240x128xf32, #tpu.memory_space<hbm>> -> memref<10240x128xf32, #tpu.memory_space<hbm>>
      tpu.enqueue_indirect_dma source(%dma_start3A_66 : memref<10240x128xf32, #tpu.memory_space<hbm>>) target(%arg22 : memref<80x128xf32, #tpu.memory_space<vmem>>) offsets(%arg14 : memref<80xi32, #tpu.memory_space<vmem>>) semaphore(%arg30 : memref<!tpu.dma_semaphore, #tpu.memory_space<semaphore_mem>>)
      %run_scoped3A_67 = arith.constant 3 : i32
      "tpu.region"() ({
        %run_scoped3A_79 = tpu.sem_alloc : memref<!tpu.dma_semaphore, #tpu.memory_space<semaphore_mem>>
        %dma_start3A_80 = arith.constant 0 : i32
        %dma_start3A_81 = tpu.memref_slice %arg6[%arg1, %run_scoped3A_67, %dma_start3A_80] : memref<16x250x80xi32, #tpu.memory_space<hbm>> -> memref<1x1x80xi32, #tpu.memory_space<hbm>>
        %dma_start3A_82 = tpu.memref_squeeze %dma_start3A_81 : memref<1x1x80xi32, #tpu.memory_space<hbm>> -> memref<80xi32, #tpu.memory_space<hbm>>
        %dma_start3A_83 = arith.constant 0 : i32
        %dma_start3A_84 = tpu.memref_slice %arg6[%arg1, %run_scoped3A_67, %dma_start3A_83] : memref<16x250x80xi32, #tpu.memory_space<hbm>> -> memref<1x1x80xi32, #tpu.memory_space<hbm>>
        %dma_start3A_85 = tpu.memref_squeeze %dma_start3A_84 : memref<1x1x80xi32, #tpu.memory_space<hbm>> -> memref<80xi32, #tpu.memory_space<hbm>>
        tpu.enqueue_dma source(%dma_start3A_85 : memref<80xi32, #tpu.memory_space<hbm>>) target(%arg15 : memref<80xi32, #tpu.memory_space<vmem>>) target_semaphore(%run_scoped3A_79 : memref<!tpu.dma_semaphore, #tpu.memory_space<semaphore_mem>>)
        %dma_wait3A = arith.constant 0 : i32
        %dma_wait3A_86 = tpu.memref_slice %arg6[%arg1, %run_scoped3A_67, %dma_wait3A] : memref<16x250x80xi32, #tpu.memory_space<hbm>> -> memref<1x1x80xi32, #tpu.memory_space<hbm>>
        %dma_wait3A_87 = tpu.memref_squeeze %dma_wait3A_86 : memref<1x1x80xi32, #tpu.memory_space<hbm>> -> memref<80xi32, #tpu.memory_space<hbm>>
        %dma_wait3A_88 = arith.constant 0 : i32
        %dma_wait3A_89 = tpu.memref_slice %arg6[%arg1, %run_scoped3A_67, %dma_wait3A_88] : memref<16x250x80xi32, #tpu.memory_space<hbm>> -> memref<1x1x80xi32, #tpu.memory_space<hbm>>
        %dma_wait3A_90 = tpu.memref_squeeze %dma_wait3A_89 : memref<1x1x80xi32, #tpu.memory_space<hbm>> -> memref<80xi32, #tpu.memory_space<hbm>>
        tpu.wait_dma2 semaphore(%run_scoped3A_79 : memref<!tpu.dma_semaphore, #tpu.memory_space<semaphore_mem>>) src(%dma_wait3A_90 : memref<80xi32, #tpu.memory_space<hbm>>) dst(%arg15 : memref<80xi32, #tpu.memory_space<vmem>>)
        tpu.yield
      }) : () -> ()
      %run_scoped3A_68 = arith.constant 3 : i32
      "tpu.region"() ({
        %run_scoped3A_79 = tpu.sem_alloc : memref<!tpu.dma_semaphore, #tpu.memory_space<semaphore_mem>>
        %dma_start3A_80 = arith.constant 0 : i32
        %dma_start3A_81 = tpu.memref_slice %arg7[%arg1, %run_scoped3A_68, %dma_start3A_80] : memref<16x250x80xi32, #tpu.memory_space<hbm>> -> memref<1x1x80xi32, #tpu.memory_space<hbm>>
        %dma_start3A_82 = tpu.memref_squeeze %dma_start3A_81 : memref<1x1x80xi32, #tpu.memory_space<hbm>> -> memref<80xi32, #tpu.memory_space<hbm>>
        %dma_start3A_83 = arith.constant 0 : i32
        %dma_start3A_84 = tpu.memref_slice %arg7[%arg1, %run_scoped3A_68, %dma_start3A_83] : memref<16x250x80xi32, #tpu.memory_space<hbm>> -> memref<1x1x80xi32, #tpu.memory_space<hbm>>
        %dma_start3A_85 = tpu.memref_squeeze %dma_start3A_84 : memref<1x1x80xi32, #tpu.memory_space<hbm>> -> memref<80xi32, #tpu.memory_space<hbm>>
        tpu.enqueue_dma source(%dma_start3A_85 : memref<80xi32, #tpu.memory_space<hbm>>) target(%arg19 : memref<80xi32, #tpu.memory_space<vmem>>) target_semaphore(%run_scoped3A_79 : memref<!tpu.dma_semaphore, #tpu.memory_space<semaphore_mem>>)
        %dma_wait3A = arith.constant 0 : i32
        %dma_wait3A_86 = tpu.memref_slice %arg7[%arg1, %run_scoped3A_68, %dma_wait3A] : memref<16x250x80xi32, #tpu.memory_space<hbm>> -> memref<1x1x80xi32, #tpu.memory_space<hbm>>
        %dma_wait3A_87 = tpu.memref_squeeze %dma_wait3A_86 : memref<1x1x80xi32, #tpu.memory_space<hbm>> -> memref<80xi32, #tpu.memory_space<hbm>>
        %dma_wait3A_88 = arith.constant 0 : i32
        %dma_wait3A_89 = tpu.memref_slice %arg7[%arg1, %run_scoped3A_68, %dma_wait3A_88] : memref<16x250x80xi32, #tpu.memory_space<hbm>> -> memref<1x1x80xi32, #tpu.memory_space<hbm>>
        %dma_wait3A_90 = tpu.memref_squeeze %dma_wait3A_89 : memref<1x1x80xi32, #tpu.memory_space<hbm>> -> memref<80xi32, #tpu.memory_space<hbm>>
        tpu.wait_dma2 semaphore(%run_scoped3A_79 : memref<!tpu.dma_semaphore, #tpu.memory_space<semaphore_mem>>) src(%dma_wait3A_90 : memref<80xi32, #tpu.memory_space<hbm>>) dst(%arg19 : memref<80xi32, #tpu.memory_space<vmem>>)
        tpu.yield
      }) : () -> ()
      %dma_start3A_69 = arith.constant 0 : i32
      %dma_start3A_70 = arith.constant 0 : i32
      %dma_start3A_71 = tpu.memref_slice %arg3[%dma_start3A_69, %dma_start3A_70] : memref<10240x128xf32, #tpu.memory_space<hbm>> -> memref<10240x128xf32, #tpu.memory_space<hbm>>
      tpu.enqueue_indirect_dma source(%dma_start3A_71 : memref<10240x128xf32, #tpu.memory_space<hbm>>) target(%arg23 : memref<80x128xf32, #tpu.memory_space<vmem>>) offsets(%arg15 : memref<80xi32, #tpu.memory_space<vmem>>) semaphore(%arg31 : memref<!tpu.dma_semaphore, #tpu.memory_space<semaphore_mem>>)
      %scan3A_72 = arith.constant 0 : i32
      %scan3A_73 = arith.constant 0 : i32
      %scan3A_74 = arith.constant 63 : i32
      %scan3A_75 = arith.addi %scan3A_73, %scan3A_74 : i32
      %scan3A_76 = arith.constant 1 : i32
      %scan3A_77 = scf.for %scan3A_79 = %scan3A_73 to %scan3A_75 step %scan3A_76 iter_args(%scan3A_80 = %scan3A_72) -> (i32)  : i32 {
        %mul3A_81 = arith.constant 4 : i32
        %mul3A_82 = arith.muli %scan3A_79, %mul3A_81 : i32
        %add3A_83 = arith.constant 0 : i32
        %add3A_84 = arith.addi %mul3A_82, %add3A_83 : i32
        %lt3A = arith.constant 250 : i32
        %lt3A_85 = arith.cmpi slt, %add3A_84, %lt3A : i32
        %convert_element_type3A_86 = arith.extui %lt3A_85 : i1 to i32
        %cond3A_87 = arith.constant 0 : i32
        %cond3A_88 = arith.cmpi ne, %convert_element_type3A_86, %cond3A_87 : i32
        scf.if %cond3A_88 {
          %dma_wait3A = arith.constant 0 : i32
          %dma_wait3A_147 = arith.constant 0 : i32
          %dma_wait3A_148 = tpu.memref_slice %arg3[%dma_wait3A, %dma_wait3A_147] : memref<10240x128xf32, #tpu.memory_space<hbm>> -> memref<10240x128xf32, #tpu.memory_space<hbm>>
          tpu.wait_indirect_dma semaphore(%arg28 : memref<!tpu.dma_semaphore, #tpu.memory_space<semaphore_mem>>) src(%dma_wait3A_148 : memref<10240x128xf32, #tpu.memory_space<hbm>>) dst(%arg20 : memref<80x128xf32, #tpu.memory_space<vmem>>)
          %dma_start3A_149 = arith.constant 0 : i32
          %dma_start3A_150 = arith.constant 0 : i32
          %dma_start3A_151 = tpu.memref_slice %arg26[%dma_start3A_149, %dma_start3A_150] : memref<10240x128xf32, #tpu.memory_space<vmem_shared>> -> memref<10240x128xf32, #tpu.memory_space<vmem_shared>>
          tpu.enqueue_indirect_dma source(%arg20 : memref<80x128xf32, #tpu.memory_space<vmem>>) target(%dma_start3A_151 : memref<10240x128xf32, #tpu.memory_space<vmem_shared>>) offsets(%arg16 : memref<80xi32, #tpu.memory_space<vmem>>) semaphore(%arg32 : memref<!tpu.dma_semaphore, #tpu.memory_space<semaphore_mem>>) {add = true}
          %dma_start3A_152 = arith.constant 0 : i32
          %dma_start3A_153 = tpu.memref_slice %arg25[%dma_start3A_152] : memref<96xf32, #tpu.memory_space<vmem>> -> memref<80xf32, #tpu.memory_space<vmem>>
          %dma_start3A_154 = arith.constant 0 : i32
          %dma_start3A_155 = tpu.memref_slice %arg27[%dma_start3A_154] : memref<10240xf32, #tpu.memory_space<vmem_shared>> -> memref<10240xf32, #tpu.memory_space<vmem_shared>>
          tpu.enqueue_indirect_dma source(%dma_start3A_153 : memref<80xf32, #tpu.memory_space<vmem>>) target(%dma_start3A_155 : memref<10240xf32, #tpu.memory_space<vmem_shared>>) offsets(%arg16 : memref<80xi32, #tpu.memory_space<vmem>>) semaphore(%arg36 : memref<!tpu.dma_semaphore, #tpu.memory_space<semaphore_mem>>) {add = true}
        } else {
        }
        %ge3A = arith.constant 1 : i32
        %ge3A_89 = arith.cmpi sge, %add3A_84, %ge3A : i32
        %lt3A_90 = arith.constant 251 : i32
        %lt3A_91 = arith.cmpi slt, %add3A_84, %lt3A_90 : i32
        %and3A = arith.andi %ge3A_89, %lt3A_91 : i1
        %convert_element_type3A_92 = arith.extui %and3A : i1 to i32
        %cond3A_93 = arith.constant 0 : i32
        %cond3A_94 = arith.cmpi ne, %convert_element_type3A_92, %cond3A_93 : i32
        scf.if %cond3A_94 {
          %dma_wait3A = arith.constant 0 : i32
          %dma_wait3A_147 = arith.constant 0 : i32
          %dma_wait3A_148 = tpu.memref_slice %arg26[%dma_wait3A, %dma_wait3A_147] : memref<10240x128xf32, #tpu.memory_space<vmem_shared>> -> memref<10240x128xf32, #tpu.memory_space<vmem_shared>>
          tpu.wait_indirect_dma semaphore(%arg35 : memref<!tpu.dma_semaphore, #tpu.memory_space<semaphore_mem>>) src(%arg23 : memref<80x128xf32, #tpu.memory_space<vmem>>) dst(%dma_wait3A_148 : memref<10240x128xf32, #tpu.memory_space<vmem_shared>>)
          %dma_wait3A_149 = arith.constant 0 : i32
          %dma_wait3A_150 = tpu.memref_slice %arg25[%dma_wait3A_149] : memref<96xf32, #tpu.memory_space<vmem>> -> memref<80xf32, #tpu.memory_space<vmem>>
          %dma_wait3A_151 = arith.constant 0 : i32
          %dma_wait3A_152 = tpu.memref_slice %arg27[%dma_wait3A_151] : memref<10240xf32, #tpu.memory_space<vmem_shared>> -> memref<10240xf32, #tpu.memory_space<vmem_shared>>
          tpu.wait_indirect_dma semaphore(%arg39 : memref<!tpu.dma_semaphore, #tpu.memory_space<semaphore_mem>>) src(%dma_wait3A_150 : memref<80xf32, #tpu.memory_space<vmem>>) dst(%dma_wait3A_152 : memref<10240xf32, #tpu.memory_space<vmem_shared>>)
          %sub3A = arith.constant 1 : i32
          %sub3A_153 = arith.subi %add3A_84, %sub3A : i32
          %add3A_154 = arith.constant 4 : i32
          %add3A_155 = arith.addi %sub3A_153, %add3A_154 : i32
          %lt3A_156 = arith.constant 250 : i32
          %lt3A_157 = arith.cmpi slt, %add3A_155, %lt3A_156 : i32
          %convert_element_type3A_158 = arith.extui %lt3A_157 : i1 to i32
          %cond3A_159 = arith.constant 0 : i32
          %cond3A_160 = arith.cmpi ne, %convert_element_type3A_158, %cond3A_159 : i32
          scf.if %cond3A_160 {
            "tpu.region"() ({
              %run_scoped3A_164 = tpu.sem_alloc : memref<!tpu.dma_semaphore, #tpu.memory_space<semaphore_mem>>
              %dma_start3A_165 = arith.constant 0 : i32
              %dma_start3A_166 = tpu.memref_slice %arg6[%arg1, %add3A_155, %dma_start3A_165] : memref<16x250x80xi32, #tpu.memory_space<hbm>> -> memref<1x1x80xi32, #tpu.memory_space<hbm>>
              %dma_start3A_167 = tpu.memref_squeeze %dma_start3A_166 : memref<1x1x80xi32, #tpu.memory_space<hbm>> -> memref<80xi32, #tpu.memory_space<hbm>>
              %dma_start3A_168 = arith.constant 0 : i32
              %dma_start3A_169 = tpu.memref_slice %arg6[%arg1, %add3A_155, %dma_start3A_168] : memref<16x250x80xi32, #tpu.memory_space<hbm>> -> memref<1x1x80xi32, #tpu.memory_space<hbm>>
              %dma_start3A_170 = tpu.memref_squeeze %dma_start3A_169 : memref<1x1x80xi32, #tpu.memory_space<hbm>> -> memref<80xi32, #tpu.memory_space<hbm>>
              tpu.enqueue_dma source(%dma_start3A_170 : memref<80xi32, #tpu.memory_space<hbm>>) target(%arg15 : memref<80xi32, #tpu.memory_space<vmem>>) target_semaphore(%run_scoped3A_164 : memref<!tpu.dma_semaphore, #tpu.memory_space<semaphore_mem>>)
              %dma_wait3A_171 = arith.constant 0 : i32
              %dma_wait3A_172 = tpu.memref_slice %arg6[%arg1, %add3A_155, %dma_wait3A_171] : memref<16x250x80xi32, #tpu.memory_space<hbm>> -> memref<1x1x80xi32, #tpu.memory_space<hbm>>
              %dma_wait3A_173 = tpu.memref_squeeze %dma_wait3A_172 : memref<1x1x80xi32, #tpu.memory_space<hbm>> -> memref<80xi32, #tpu.memory_space<hbm>>
              %dma_wait3A_174 = arith.constant 0 : i32
              %dma_wait3A_175 = tpu.memref_slice %arg6[%arg1, %add3A_155, %dma_wait3A_174] : memref<16x250x80xi32, #tpu.memory_space<hbm>> -> memref<1x1x80xi32, #tpu.memory_space<hbm>>
              %dma_wait3A_176 = tpu.memref_squeeze %dma_wait3A_175 : memref<1x1x80xi32, #tpu.memory_space<hbm>> -> memref<80xi32, #tpu.memory_space<hbm>>
              tpu.wait_dma2 semaphore(%run_scoped3A_164 : memref<!tpu.dma_semaphore, #tpu.memory_space<semaphore_mem>>) src(%dma_wait3A_176 : memref<80xi32, #tpu.memory_space<hbm>>) dst(%arg15 : memref<80xi32, #tpu.memory_space<vmem>>)
              tpu.yield
            }) : () -> ()
            "tpu.region"() ({
              %run_scoped3A_164 = tpu.sem_alloc : memref<!tpu.dma_semaphore, #tpu.memory_space<semaphore_mem>>
              %dma_start3A_165 = arith.constant 0 : i32
              %dma_start3A_166 = tpu.memref_slice %arg7[%arg1, %add3A_155, %dma_start3A_165] : memref<16x250x80xi32, #tpu.memory_space<hbm>> -> memref<1x1x80xi32, #tpu.memory_space<hbm>>
              %dma_start3A_167 = tpu.memref_squeeze %dma_start3A_166 : memref<1x1x80xi32, #tpu.memory_space<hbm>> -> memref<80xi32, #tpu.memory_space<hbm>>
              %dma_start3A_168 = arith.constant 0 : i32
              %dma_start3A_169 = tpu.memref_slice %arg7[%arg1, %add3A_155, %dma_start3A_168] : memref<16x250x80xi32, #tpu.memory_space<hbm>> -> memref<1x1x80xi32, #tpu.memory_space<hbm>>
              %dma_start3A_170 = tpu.memref_squeeze %dma_start3A_169 : memref<1x1x80xi32, #tpu.memory_space<hbm>> -> memref<80xi32, #tpu.memory_space<hbm>>
              tpu.enqueue_dma source(%dma_start3A_170 : memref<80xi32, #tpu.memory_space<hbm>>) target(%arg19 : memref<80xi32, #tpu.memory_space<vmem>>) target_semaphore(%run_scoped3A_164 : memref<!tpu.dma_semaphore, #tpu.memory_space<semaphore_mem>>)
              %dma_wait3A_171 = arith.constant 0 : i32
              %dma_wait3A_172 = tpu.memref_slice %arg7[%arg1, %add3A_155, %dma_wait3A_171] : memref<16x250x80xi32, #tpu.memory_space<hbm>> -> memref<1x1x80xi32, #tpu.memory_space<hbm>>
              %dma_wait3A_173 = tpu.memref_squeeze %dma_wait3A_172 : memref<1x1x80xi32, #tpu.memory_space<hbm>> -> memref<80xi32, #tpu.memory_space<hbm>>
              %dma_wait3A_174 = arith.constant 0 : i32
              %dma_wait3A_175 = tpu.memref_slice %arg7[%arg1, %add3A_155, %dma_wait3A_174] : memref<16x250x80xi32, #tpu.memory_space<hbm>> -> memref<1x1x80xi32, #tpu.memory_space<hbm>>
              %dma_wait3A_176 = tpu.memref_squeeze %dma_wait3A_175 : memref<1x1x80xi32, #tpu.memory_space<hbm>> -> memref<80xi32, #tpu.memory_space<hbm>>
              tpu.wait_dma2 semaphore(%run_scoped3A_164 : memref<!tpu.dma_semaphore, #tpu.memory_space<semaphore_mem>>) src(%dma_wait3A_176 : memref<80xi32, #tpu.memory_space<hbm>>) dst(%arg19 : memref<80xi32, #tpu.memory_space<vmem>>)
              tpu.yield
            }) : () -> ()
            %dma_start3A_161 = arith.constant 0 : i32
            %dma_start3A_162 = arith.constant 0 : i32
            %dma_start3A_163 = tpu.memref_slice %arg3[%dma_start3A_161, %dma_start3A_162] : memref<10240x128xf32, #tpu.memory_space<hbm>> -> memref<10240x128xf32, #tpu.memory_space<hbm>>
            tpu.enqueue_indirect_dma source(%dma_start3A_163 : memref<10240x128xf32, #tpu.memory_space<hbm>>) target(%arg23 : memref<80x128xf32, #tpu.memory_space<vmem>>) offsets(%arg15 : memref<80xi32, #tpu.memory_space<vmem>>) semaphore(%arg31 : memref<!tpu.dma_semaphore, #tpu.memory_space<semaphore_mem>>)
          } else {
          }
        } else {
        }
        %mul3A_95 = arith.constant 4 : i32
        %mul3A_96 = arith.muli %scan3A_79, %mul3A_95 : i32
        %add3A_97 = arith.constant 1 : i32
        %add3A_98 = arith.addi %mul3A_96, %add3A_97 : i32
        %lt3A_99 = arith.constant 250 : i32
        %lt3A_100 = arith.cmpi slt, %add3A_98, %lt3A_99 : i32
        %convert_element_type3A_101 = arith.extui %lt3A_100 : i1 to i32
        %cond3A_102 = arith.constant 0 : i32
        %cond3A_103 = arith.cmpi ne, %convert_element_type3A_101, %cond3A_102 : i32
        scf.if %cond3A_103 {
          %dma_wait3A = arith.constant 0 : i32
          %dma_wait3A_147 = arith.constant 0 : i32
          %dma_wait3A_148 = tpu.memref_slice %arg3[%dma_wait3A, %dma_wait3A_147] : memref<10240x128xf32, #tpu.memory_space<hbm>> -> memref<10240x128xf32, #tpu.memory_space<hbm>>
          tpu.wait_indirect_dma semaphore(%arg29 : memref<!tpu.dma_semaphore, #tpu.memory_space<semaphore_mem>>) src(%dma_wait3A_148 : memref<10240x128xf32, #tpu.memory_space<hbm>>) dst(%arg21 : memref<80x128xf32, #tpu.memory_space<vmem>>)
          %dma_start3A_149 = arith.constant 0 : i32
          %dma_start3A_150 = arith.constant 0 : i32
          %dma_start3A_151 = tpu.memref_slice %arg26[%dma_start3A_149, %dma_start3A_150] : memref<10240x128xf32, #tpu.memory_space<vmem_shared>> -> memref<10240x128xf32, #tpu.memory_space<vmem_shared>>
          tpu.enqueue_indirect_dma source(%arg21 : memref<80x128xf32, #tpu.memory_space<vmem>>) target(%dma_start3A_151 : memref<10240x128xf32, #tpu.memory_space<vmem_shared>>) offsets(%arg17 : memref<80xi32, #tpu.memory_space<vmem>>) semaphore(%arg33 : memref<!tpu.dma_semaphore, #tpu.memory_space<semaphore_mem>>) {add = true}
          %dma_start3A_152 = arith.constant 0 : i32
          %dma_start3A_153 = tpu.memref_slice %arg25[%dma_start3A_152] : memref<96xf32, #tpu.memory_space<vmem>> -> memref<80xf32, #tpu.memory_space<vmem>>
          %dma_start3A_154 = arith.constant 0 : i32
          %dma_start3A_155 = tpu.memref_slice %arg27[%dma_start3A_154] : memref<10240xf32, #tpu.memory_space<vmem_shared>> -> memref<10240xf32, #tpu.memory_space<vmem_shared>>
          tpu.enqueue_indirect_dma source(%dma_start3A_153 : memref<80xf32, #tpu.memory_space<vmem>>) target(%dma_start3A_155 : memref<10240xf32, #tpu.memory_space<vmem_shared>>) offsets(%arg17 : memref<80xi32, #tpu.memory_space<vmem>>) semaphore(%arg37 : memref<!tpu.dma_semaphore, #tpu.memory_space<semaphore_mem>>) {add = true}
        } else {
        }
        %ge3A_104 = arith.constant 1 : i32
        %ge3A_105 = arith.cmpi sge, %add3A_98, %ge3A_104 : i32
        %lt3A_106 = arith.constant 251 : i32
        %lt3A_107 = arith.cmpi slt, %add3A_98, %lt3A_106 : i32
        %and3A_108 = arith.andi %ge3A_105, %lt3A_107 : i1
        %convert_element_type3A_109 = arith.extui %and3A_108 : i1 to i32
        %cond3A_110 = arith.constant 0 : i32
        %cond3A_111 = arith.cmpi ne, %convert_element_type3A_109, %cond3A_110 : i32
        scf.if %cond3A_111 {
          %dma_wait3A = arith.constant 0 : i32
          %dma_wait3A_147 = arith.constant 0 : i32
          %dma_wait3A_148 = tpu.memref_slice %arg26[%dma_wait3A, %dma_wait3A_147] : memref<10240x128xf32, #tpu.memory_space<vmem_shared>> -> memref<10240x128xf32, #tpu.memory_space<vmem_shared>>
          tpu.wait_indirect_dma semaphore(%arg32 : memref<!tpu.dma_semaphore, #tpu.memory_space<semaphore_mem>>) src(%arg20 : memref<80x128xf32, #tpu.memory_space<vmem>>) dst(%dma_wait3A_148 : memref<10240x128xf32, #tpu.memory_space<vmem_shared>>)
          %dma_wait3A_149 = arith.constant 0 : i32
          %dma_wait3A_150 = tpu.memref_slice %arg25[%dma_wait3A_149] : memref<96xf32, #tpu.memory_space<vmem>> -> memref<80xf32, #tpu.memory_space<vmem>>
          %dma_wait3A_151 = arith.constant 0 : i32
          %dma_wait3A_152 = tpu.memref_slice %arg27[%dma_wait3A_151] : memref<10240xf32, #tpu.memory_space<vmem_shared>> -> memref<10240xf32, #tpu.memory_space<vmem_shared>>
          tpu.wait_indirect_dma semaphore(%arg36 : memref<!tpu.dma_semaphore, #tpu.memory_space<semaphore_mem>>) src(%dma_wait3A_150 : memref<80xf32, #tpu.memory_space<vmem>>) dst(%dma_wait3A_152 : memref<10240xf32, #tpu.memory_space<vmem_shared>>)
          %sub3A = arith.constant 1 : i32
          %sub3A_153 = arith.subi %add3A_98, %sub3A : i32
          %add3A_154 = arith.constant 4 : i32
          %add3A_155 = arith.addi %sub3A_153, %add3A_154 : i32
          %lt3A_156 = arith.constant 250 : i32
          %lt3A_157 = arith.cmpi slt, %add3A_155, %lt3A_156 : i32
          %convert_element_type3A_158 = arith.extui %lt3A_157 : i1 to i32
          %cond3A_159 = arith.constant 0 : i32
          %cond3A_160 = arith.cmpi ne, %convert_element_type3A_158, %cond3A_159 : i32
          scf.if %cond3A_160 {
            "tpu.region"() ({
              %run_scoped3A_164 = tpu.sem_alloc : memref<!tpu.dma_semaphore, #tpu.memory_space<semaphore_mem>>
              %dma_start3A_165 = arith.constant 0 : i32
              %dma_start3A_166 = tpu.memref_slice %arg6[%arg1, %add3A_155, %dma_start3A_165] : memref<16x250x80xi32, #tpu.memory_space<hbm>> -> memref<1x1x80xi32, #tpu.memory_space<hbm>>
              %dma_start3A_167 = tpu.memref_squeeze %dma_start3A_166 : memref<1x1x80xi32, #tpu.memory_space<hbm>> -> memref<80xi32, #tpu.memory_space<hbm>>
              %dma_start3A_168 = arith.constant 0 : i32
              %dma_start3A_169 = tpu.memref_slice %arg6[%arg1, %add3A_155, %dma_start3A_168] : memref<16x250x80xi32, #tpu.memory_space<hbm>> -> memref<1x1x80xi32, #tpu.memory_space<hbm>>
              %dma_start3A_170 = tpu.memref_squeeze %dma_start3A_169 : memref<1x1x80xi32, #tpu.memory_space<hbm>> -> memref<80xi32, #tpu.memory_space<hbm>>
              tpu.enqueue_dma source(%dma_start3A_170 : memref<80xi32, #tpu.memory_space<hbm>>) target(%arg12 : memref<80xi32, #tpu.memory_space<vmem>>) target_semaphore(%run_scoped3A_164 : memref<!tpu.dma_semaphore, #tpu.memory_space<semaphore_mem>>)
              %dma_wait3A_171 = arith.constant 0 : i32
              %dma_wait3A_172 = tpu.memref_slice %arg6[%arg1, %add3A_155, %dma_wait3A_171] : memref<16x250x80xi32, #tpu.memory_space<hbm>> -> memref<1x1x80xi32, #tpu.memory_space<hbm>>
              %dma_wait3A_173 = tpu.memref_squeeze %dma_wait3A_172 : memref<1x1x80xi32, #tpu.memory_space<hbm>> -> memref<80xi32, #tpu.memory_space<hbm>>
              %dma_wait3A_174 = arith.constant 0 : i32
              %dma_wait3A_175 = tpu.memref_slice %arg6[%arg1, %add3A_155, %dma_wait3A_174] : memref<16x250x80xi32, #tpu.memory_space<hbm>> -> memref<1x1x80xi32, #tpu.memory_space<hbm>>
              %dma_wait3A_176 = tpu.memref_squeeze %dma_wait3A_175 : memref<1x1x80xi32, #tpu.memory_space<hbm>> -> memref<80xi32, #tpu.memory_space<hbm>>
              tpu.wait_dma2 semaphore(%run_scoped3A_164 : memref<!tpu.dma_semaphore, #tpu.memory_space<semaphore_mem>>) src(%dma_wait3A_176 : memref<80xi32, #tpu.memory_space<hbm>>) dst(%arg12 : memref<80xi32, #tpu.memory_space<vmem>>)
              tpu.yield
            }) : () -> ()
            "tpu.region"() ({
              %run_scoped3A_164 = tpu.sem_alloc : memref<!tpu.dma_semaphore, #tpu.memory_space<semaphore_mem>>
              %dma_start3A_165 = arith.constant 0 : i32
              %dma_start3A_166 = tpu.memref_slice %arg7[%arg1, %add3A_155, %dma_start3A_165] : memref<16x250x80xi32, #tpu.memory_space<hbm>> -> memref<1x1x80xi32, #tpu.memory_space<hbm>>
              %dma_start3A_167 = tpu.memref_squeeze %dma_start3A_166 : memref<1x1x80xi32, #tpu.memory_space<hbm>> -> memref<80xi32, #tpu.memory_space<hbm>>
              %dma_start3A_168 = arith.constant 0 : i32
              %dma_start3A_169 = tpu.memref_slice %arg7[%arg1, %add3A_155, %dma_start3A_168] : memref<16x250x80xi32, #tpu.memory_space<hbm>> -> memref<1x1x80xi32, #tpu.memory_space<hbm>>
              %dma_start3A_170 = tpu.memref_squeeze %dma_start3A_169 : memref<1x1x80xi32, #tpu.memory_space<hbm>> -> memref<80xi32, #tpu.memory_space<hbm>>
              tpu.enqueue_dma source(%dma_start3A_170 : memref<80xi32, #tpu.memory_space<hbm>>) target(%arg16 : memref<80xi32, #tpu.memory_space<vmem>>) target_semaphore(%run_scoped3A_164 : memref<!tpu.dma_semaphore, #tpu.memory_space<semaphore_mem>>)
              %dma_wait3A_171 = arith.constant 0 : i32
              %dma_wait3A_172 = tpu.memref_slice %arg7[%arg1, %add3A_155, %dma_wait3A_171] : memref<16x250x80xi32, #tpu.memory_space<hbm>> -> memref<1x1x80xi32, #tpu.memory_space<hbm>>
              %dma_wait3A_173 = tpu.memref_squeeze %dma_wait3A_172 : memref<1x1x80xi32, #tpu.memory_space<hbm>> -> memref<80xi32, #tpu.memory_space<hbm>>
              %dma_wait3A_174 = arith.constant 0 : i32
              %dma_wait3A_175 = tpu.memref_slice %arg7[%arg1, %add3A_155, %dma_wait3A_174] : memref<16x250x80xi32, #tpu.memory_space<hbm>> -> memref<1x1x80xi32, #tpu.memory_space<hbm>>
              %dma_wait3A_176 = tpu.memref_squeeze %dma_wait3A_175 : memref<1x1x80xi32, #tpu.memory_space<hbm>> -> memref<80xi32, #tpu.memory_space<hbm>>
              tpu.wait_dma2 semaphore(%run_scoped3A_164 : memref<!tpu.dma_semaphore, #tpu.memory_space<semaphore_mem>>) src(%dma_wait3A_176 : memref<80xi32, #tpu.memory_space<hbm>>) dst(%arg16 : memref<80xi32, #tpu.memory_space<vmem>>)
              tpu.yield
            }) : () -> ()
            %dma_start3A_161 = arith.constant 0 : i32
            %dma_start3A_162 = arith.constant 0 : i32
            %dma_start3A_163 = tpu.memref_slice %arg3[%dma_start3A_161, %dma_start3A_162] : memref<10240x128xf32, #tpu.memory_space<hbm>> -> memref<10240x128xf32, #tpu.memory_space<hbm>>
            tpu.enqueue_indirect_dma source(%dma_start3A_163 : memref<10240x128xf32, #tpu.memory_space<hbm>>) target(%arg20 : memref<80x128xf32, #tpu.memory_space<vmem>>) offsets(%arg12 : memref<80xi32, #tpu.memory_space<vmem>>) semaphore(%arg28 : memref<!tpu.dma_semaphore, #tpu.memory_space<semaphore_mem>>)
          } else {
          }
        } else {
        }
        %mul3A_112 = arith.constant 4 : i32
        %mul3A_113 = arith.muli %scan3A_79, %mul3A_112 : i32
        %add3A_114 = arith.constant 2 : i32
        %add3A_115 = arith.addi %mul3A_113, %add3A_114 : i32
        %lt3A_116 = arith.constant 250 : i32
        %lt3A_117 = arith.cmpi slt, %add3A_115, %lt3A_116 : i32
        %convert_element_type3A_118 = arith.extui %lt3A_117 : i1 to i32
        %cond3A_119 = arith.constant 0 : i32
        %cond3A_120 = arith.cmpi ne, %convert_element_type3A_118, %cond3A_119 : i32
        scf.if %cond3A_120 {
          %dma_wait3A = arith.constant 0 : i32
          %dma_wait3A_147 = arith.constant 0 : i32
          %dma_wait3A_148 = tpu.memref_slice %arg3[%dma_wait3A, %dma_wait3A_147] : memref<10240x128xf32, #tpu.memory_space<hbm>> -> memref<10240x128xf32, #tpu.memory_space<hbm>>
          tpu.wait_indirect_dma semaphore(%arg30 : memref<!tpu.dma_semaphore, #tpu.memory_space<semaphore_mem>>) src(%dma_wait3A_148 : memref<10240x128xf32, #tpu.memory_space<hbm>>) dst(%arg22 : memref<80x128xf32, #tpu.memory_space<vmem>>)
          %dma_start3A_149 = arith.constant 0 : i32
          %dma_start3A_150 = arith.constant 0 : i32
          %dma_start3A_151 = tpu.memref_slice %arg26[%dma_start3A_149, %dma_start3A_150] : memref<10240x128xf32, #tpu.memory_space<vmem_shared>> -> memref<10240x128xf32, #tpu.memory_space<vmem_shared>>
          tpu.enqueue_indirect_dma source(%arg22 : memref<80x128xf32, #tpu.memory_space<vmem>>) target(%dma_start3A_151 : memref<10240x128xf32, #tpu.memory_space<vmem_shared>>) offsets(%arg18 : memref<80xi32, #tpu.memory_space<vmem>>) semaphore(%arg34 : memref<!tpu.dma_semaphore, #tpu.memory_space<semaphore_mem>>) {add = true}
          %dma_start3A_152 = arith.constant 0 : i32
          %dma_start3A_153 = tpu.memref_slice %arg25[%dma_start3A_152] : memref<96xf32, #tpu.memory_space<vmem>> -> memref<80xf32, #tpu.memory_space<vmem>>
          %dma_start3A_154 = arith.constant 0 : i32
          %dma_start3A_155 = tpu.memref_slice %arg27[%dma_start3A_154] : memref<10240xf32, #tpu.memory_space<vmem_shared>> -> memref<10240xf32, #tpu.memory_space<vmem_shared>>
          tpu.enqueue_indirect_dma source(%dma_start3A_153 : memref<80xf32, #tpu.memory_space<vmem>>) target(%dma_start3A_155 : memref<10240xf32, #tpu.memory_space<vmem_shared>>) offsets(%arg18 : memref<80xi32, #tpu.memory_space<vmem>>) semaphore(%arg38 : memref<!tpu.dma_semaphore, #tpu.memory_space<semaphore_mem>>) {add = true}
        } else {
        }
        %ge3A_121 = arith.constant 1 : i32
        %ge3A_122 = arith.cmpi sge, %add3A_115, %ge3A_121 : i32
        %lt3A_123 = arith.constant 251 : i32
        %lt3A_124 = arith.cmpi slt, %add3A_115, %lt3A_123 : i32
        %and3A_125 = arith.andi %ge3A_122, %lt3A_124 : i1
        %convert_element_type3A_126 = arith.extui %and3A_125 : i1 to i32
        %cond3A_127 = arith.constant 0 : i32
        %cond3A_128 = arith.cmpi ne, %convert_element_type3A_126, %cond3A_127 : i32
        scf.if %cond3A_128 {
          %dma_wait3A = arith.constant 0 : i32
          %dma_wait3A_147 = arith.constant 0 : i32
          %dma_wait3A_148 = tpu.memref_slice %arg26[%dma_wait3A, %dma_wait3A_147] : memref<10240x128xf32, #tpu.memory_space<vmem_shared>> -> memref<10240x128xf32, #tpu.memory_space<vmem_shared>>
          tpu.wait_indirect_dma semaphore(%arg33 : memref<!tpu.dma_semaphore, #tpu.memory_space<semaphore_mem>>) src(%arg21 : memref<80x128xf32, #tpu.memory_space<vmem>>) dst(%dma_wait3A_148 : memref<10240x128xf32, #tpu.memory_space<vmem_shared>>)
          %dma_wait3A_149 = arith.constant 0 : i32
          %dma_wait3A_150 = tpu.memref_slice %arg25[%dma_wait3A_149] : memref<96xf32, #tpu.memory_space<vmem>> -> memref<80xf32, #tpu.memory_space<vmem>>
          %dma_wait3A_151 = arith.constant 0 : i32
          %dma_wait3A_152 = tpu.memref_slice %arg27[%dma_wait3A_151] : memref<10240xf32, #tpu.memory_space<vmem_shared>> -> memref<10240xf32, #tpu.memory_space<vmem_shared>>
          tpu.wait_indirect_dma semaphore(%arg37 : memref<!tpu.dma_semaphore, #tpu.memory_space<semaphore_mem>>) src(%dma_wait3A_150 : memref<80xf32, #tpu.memory_space<vmem>>) dst(%dma_wait3A_152 : memref<10240xf32, #tpu.memory_space<vmem_shared>>)
          %sub3A = arith.constant 1 : i32
          %sub3A_153 = arith.subi %add3A_115, %sub3A : i32
          %add3A_154 = arith.constant 4 : i32
          %add3A_155 = arith.addi %sub3A_153, %add3A_154 : i32
          %lt3A_156 = arith.constant 250 : i32
          %lt3A_157 = arith.cmpi slt, %add3A_155, %lt3A_156 : i32
          %convert_element_type3A_158 = arith.extui %lt3A_157 : i1 to i32
          %cond3A_159 = arith.constant 0 : i32
          %cond3A_160 = arith.cmpi ne, %convert_element_type3A_158, %cond3A_159 : i32
          scf.if %cond3A_160 {
            "tpu.region"() ({
              %run_scoped3A_164 = tpu.sem_alloc : memref<!tpu.dma_semaphore, #tpu.memory_space<semaphore_mem>>
              %dma_start3A_165 = arith.constant 0 : i32
              %dma_start3A_166 = tpu.memref_slice %arg6[%arg1, %add3A_155, %dma_start3A_165] : memref<16x250x80xi32, #tpu.memory_space<hbm>> -> memref<1x1x80xi32, #tpu.memory_space<hbm>>
              %dma_start3A_167 = tpu.memref_squeeze %dma_start3A_166 : memref<1x1x80xi32, #tpu.memory_space<hbm>> -> memref<80xi32, #tpu.memory_space<hbm>>
              %dma_start3A_168 = arith.constant 0 : i32
              %dma_start3A_169 = tpu.memref_slice %arg6[%arg1, %add3A_155, %dma_start3A_168] : memref<16x250x80xi32, #tpu.memory_space<hbm>> -> memref<1x1x80xi32, #tpu.memory_space<hbm>>
              %dma_start3A_170 = tpu.memref_squeeze %dma_start3A_169 : memref<1x1x80xi32, #tpu.memory_space<hbm>> -> memref<80xi32, #tpu.memory_space<hbm>>
              tpu.enqueue_dma source(%dma_start3A_170 : memref<80xi32, #tpu.memory_space<hbm>>) target(%arg13 : memref<80xi32, #tpu.memory_space<vmem>>) target_semaphore(%run_scoped3A_164 : memref<!tpu.dma_semaphore, #tpu.memory_space<semaphore_mem>>)
              %dma_wait3A_171 = arith.constant 0 : i32
              %dma_wait3A_172 = tpu.memref_slice %arg6[%arg1, %add3A_155, %dma_wait3A_171] : memref<16x250x80xi32, #tpu.memory_space<hbm>> -> memref<1x1x80xi32, #tpu.memory_space<hbm>>
              %dma_wait3A_173 = tpu.memref_squeeze %dma_wait3A_172 : memref<1x1x80xi32, #tpu.memory_space<hbm>> -> memref<80xi32, #tpu.memory_space<hbm>>
              %dma_wait3A_174 = arith.constant 0 : i32
              %dma_wait3A_175 = tpu.memref_slice %arg6[%arg1, %add3A_155, %dma_wait3A_174] : memref<16x250x80xi32, #tpu.memory_space<hbm>> -> memref<1x1x80xi32, #tpu.memory_space<hbm>>
              %dma_wait3A_176 = tpu.memref_squeeze %dma_wait3A_175 : memref<1x1x80xi32, #tpu.memory_space<hbm>> -> memref<80xi32, #tpu.memory_space<hbm>>
              tpu.wait_dma2 semaphore(%run_scoped3A_164 : memref<!tpu.dma_semaphore, #tpu.memory_space<semaphore_mem>>) src(%dma_wait3A_176 : memref<80xi32, #tpu.memory_space<hbm>>) dst(%arg13 : memref<80xi32, #tpu.memory_space<vmem>>)
              tpu.yield
            }) : () -> ()
            "tpu.region"() ({
              %run_scoped3A_164 = tpu.sem_alloc : memref<!tpu.dma_semaphore, #tpu.memory_space<semaphore_mem>>
              %dma_start3A_165 = arith.constant 0 : i32
              %dma_start3A_166 = tpu.memref_slice %arg7[%arg1, %add3A_155, %dma_start3A_165] : memref<16x250x80xi32, #tpu.memory_space<hbm>> -> memref<1x1x80xi32, #tpu.memory_space<hbm>>
              %dma_start3A_167 = tpu.memref_squeeze %dma_start3A_166 : memref<1x1x80xi32, #tpu.memory_space<hbm>> -> memref<80xi32, #tpu.memory_space<hbm>>
              %dma_start3A_168 = arith.constant 0 : i32
              %dma_start3A_169 = tpu.memref_slice %arg7[%arg1, %add3A_155, %dma_start3A_168] : memref<16x250x80xi32, #tpu.memory_space<hbm>> -> memref<1x1x80xi32, #tpu.memory_space<hbm>>
              %dma_start3A_170 = tpu.memref_squeeze %dma_start3A_169 : memref<1x1x80xi32, #tpu.memory_space<hbm>> -> memref<80xi32, #tpu.memory_space<hbm>>
              tpu.enqueue_dma source(%dma_start3A_170 : memref<80xi32, #tpu.memory_space<hbm>>) target(%arg17 : memref<80xi32, #tpu.memory_space<vmem>>) target_semaphore(%run_scoped3A_164 : memref<!tpu.dma_semaphore, #tpu.memory_space<semaphore_mem>>)
              %dma_wait3A_171 = arith.constant 0 : i32
              %dma_wait3A_172 = tpu.memref_slice %arg7[%arg1, %add3A_155, %dma_wait3A_171] : memref<16x250x80xi32, #tpu.memory_space<hbm>> -> memref<1x1x80xi32, #tpu.memory_space<hbm>>
              %dma_wait3A_173 = tpu.memref_squeeze %dma_wait3A_172 : memref<1x1x80xi32, #tpu.memory_space<hbm>> -> memref<80xi32, #tpu.memory_space<hbm>>
              %dma_wait3A_174 = arith.constant 0 : i32
              %dma_wait3A_175 = tpu.memref_slice %arg7[%arg1, %add3A_155, %dma_wait3A_174] : memref<16x250x80xi32, #tpu.memory_space<hbm>> -> memref<1x1x80xi32, #tpu.memory_space<hbm>>
              %dma_wait3A_176 = tpu.memref_squeeze %dma_wait3A_175 : memref<1x1x80xi32, #tpu.memory_space<hbm>> -> memref<80xi32, #tpu.memory_space<hbm>>
              tpu.wait_dma2 semaphore(%run_scoped3A_164 : memref<!tpu.dma_semaphore, #tpu.memory_space<semaphore_mem>>) src(%dma_wait3A_176 : memref<80xi32, #tpu.memory_space<hbm>>) dst(%arg17 : memref<80xi32, #tpu.memory_space<vmem>>)
              tpu.yield
            }) : () -> ()
            %dma_start3A_161 = arith.constant 0 : i32
            %dma_start3A_162 = arith.constant 0 : i32
            %dma_start3A_163 = tpu.memref_slice %arg3[%dma_start3A_161, %dma_start3A_162] : memref<10240x128xf32, #tpu.memory_space<hbm>> -> memref<10240x128xf32, #tpu.memory_space<hbm>>
            tpu.enqueue_indirect_dma source(%dma_start3A_163 : memref<10240x128xf32, #tpu.memory_space<hbm>>) target(%arg21 : memref<80x128xf32, #tpu.memory_space<vmem>>) offsets(%arg13 : memref<80xi32, #tpu.memory_space<vmem>>) semaphore(%arg29 : memref<!tpu.dma_semaphore, #tpu.memory_space<semaphore_mem>>)
          } else {
          }
        } else {
        }
        %mul3A_129 = arith.constant 4 : i32
        %mul3A_130 = arith.muli %scan3A_79, %mul3A_129 : i32
        %add3A_131 = arith.constant 3 : i32
        %add3A_132 = arith.addi %mul3A_130, %add3A_131 : i32
        %lt3A_133 = arith.constant 250 : i32
        %lt3A_134 = arith.cmpi slt, %add3A_132, %lt3A_133 : i32
        %convert_element_type3A_135 = arith.extui %lt3A_134 : i1 to i32
        %cond3A_136 = arith.constant 0 : i32
        %cond3A_137 = arith.cmpi ne, %convert_element_type3A_135, %cond3A_136 : i32
        scf.if %cond3A_137 {
          %dma_wait3A = arith.constant 0 : i32
          %dma_wait3A_147 = arith.constant 0 : i32
          %dma_wait3A_148 = tpu.memref_slice %arg3[%dma_wait3A, %dma_wait3A_147] : memref<10240x128xf32, #tpu.memory_space<hbm>> -> memref<10240x128xf32, #tpu.memory_space<hbm>>
          tpu.wait_indirect_dma semaphore(%arg31 : memref<!tpu.dma_semaphore, #tpu.memory_space<semaphore_mem>>) src(%dma_wait3A_148 : memref<10240x128xf32, #tpu.memory_space<hbm>>) dst(%arg23 : memref<80x128xf32, #tpu.memory_space<vmem>>)
          %dma_start3A_149 = arith.constant 0 : i32
          %dma_start3A_150 = arith.constant 0 : i32
          %dma_start3A_151 = tpu.memref_slice %arg26[%dma_start3A_149, %dma_start3A_150] : memref<10240x128xf32, #tpu.memory_space<vmem_shared>> -> memref<10240x128xf32, #tpu.memory_space<vmem_shared>>
          tpu.enqueue_indirect_dma source(%arg23 : memref<80x128xf32, #tpu.memory_space<vmem>>) target(%dma_start3A_151 : memref<10240x128xf32, #tpu.memory_space<vmem_shared>>) offsets(%arg19 : memref<80xi32, #tpu.memory_space<vmem>>) semaphore(%arg35 : memref<!tpu.dma_semaphore, #tpu.memory_space<semaphore_mem>>) {add = true}
          %dma_start3A_152 = arith.constant 0 : i32
          %dma_start3A_153 = tpu.memref_slice %arg25[%dma_start3A_152] : memref<96xf32, #tpu.memory_space<vmem>> -> memref<80xf32, #tpu.memory_space<vmem>>
          %dma_start3A_154 = arith.constant 0 : i32
          %dma_start3A_155 = tpu.memref_slice %arg27[%dma_start3A_154] : memref<10240xf32, #tpu.memory_space<vmem_shared>> -> memref<10240xf32, #tpu.memory_space<vmem_shared>>
          tpu.enqueue_indirect_dma source(%dma_start3A_153 : memref<80xf32, #tpu.memory_space<vmem>>) target(%dma_start3A_155 : memref<10240xf32, #tpu.memory_space<vmem_shared>>) offsets(%arg19 : memref<80xi32, #tpu.memory_space<vmem>>) semaphore(%arg39 : memref<!tpu.dma_semaphore, #tpu.memory_space<semaphore_mem>>) {add = true}
        } else {
        }
        %ge3A_138 = arith.constant 1 : i32
        %ge3A_139 = arith.cmpi sge, %add3A_132, %ge3A_138 : i32
        %lt3A_140 = arith.constant 251 : i32
        %lt3A_141 = arith.cmpi slt, %add3A_132, %lt3A_140 : i32
        %and3A_142 = arith.andi %ge3A_139, %lt3A_141 : i1
        %convert_element_type3A_143 = arith.extui %and3A_142 : i1 to i32
        %cond3A_144 = arith.constant 0 : i32
        %cond3A_145 = arith.cmpi ne, %convert_element_type3A_143, %cond3A_144 : i32
        scf.if %cond3A_145 {
          %dma_wait3A = arith.constant 0 : i32
          %dma_wait3A_147 = arith.constant 0 : i32
          %dma_wait3A_148 = tpu.memref_slice %arg26[%dma_wait3A, %dma_wait3A_147] : memref<10240x128xf32, #tpu.memory_space<vmem_shared>> -> memref<10240x128xf32, #tpu.memory_space<vmem_shared>>
          tpu.wait_indirect_dma semaphore(%arg34 : memref<!tpu.dma_semaphore, #tpu.memory_space<semaphore_mem>>) src(%arg22 : memref<80x128xf32, #tpu.memory_space<vmem>>) dst(%dma_wait3A_148 : memref<10240x128xf32, #tpu.memory_space<vmem_shared>>)
          %dma_wait3A_149 = arith.constant 0 : i32
          %dma_wait3A_150 = tpu.memref_slice %arg25[%dma_wait3A_149] : memref<96xf32, #tpu.memory_space<vmem>> -> memref<80xf32, #tpu.memory_space<vmem>>
          %dma_wait3A_151 = arith.constant 0 : i32
          %dma_wait3A_152 = tpu.memref_slice %arg27[%dma_wait3A_151] : memref<10240xf32, #tpu.memory_space<vmem_shared>> -> memref<10240xf32, #tpu.memory_space<vmem_shared>>
          tpu.wait_indirect_dma semaphore(%arg38 : memref<!tpu.dma_semaphore, #tpu.memory_space<semaphore_mem>>) src(%dma_wait3A_150 : memref<80xf32, #tpu.memory_space<vmem>>) dst(%dma_wait3A_152 : memref<10240xf32, #tpu.memory_space<vmem_shared>>)
          %sub3A = arith.constant 1 : i32
          %sub3A_153 = arith.subi %add3A_132, %sub3A : i32
          %add3A_154 = arith.constant 4 : i32
          %add3A_155 = arith.addi %sub3A_153, %add3A_154 : i32
          %lt3A_156 = arith.constant 250 : i32
          %lt3A_157 = arith.cmpi slt, %add3A_155, %lt3A_156 : i32
          %convert_element_type3A_158 = arith.extui %lt3A_157 : i1 to i32
          %cond3A_159 = arith.constant 0 : i32
          %cond3A_160 = arith.cmpi ne, %convert_element_type3A_158, %cond3A_159 : i32
          scf.if %cond3A_160 {
            "tpu.region"() ({
              %run_scoped3A_164 = tpu.sem_alloc : memref<!tpu.dma_semaphore, #tpu.memory_space<semaphore_mem>>
              %dma_start3A_165 = arith.constant 0 : i32
              %dma_start3A_166 = tpu.memref_slice %arg6[%arg1, %add3A_155, %dma_start3A_165] : memref<16x250x80xi32, #tpu.memory_space<hbm>> -> memref<1x1x80xi32, #tpu.memory_space<hbm>>
              %dma_start3A_167 = tpu.memref_squeeze %dma_start3A_166 : memref<1x1x80xi32, #tpu.memory_space<hbm>> -> memref<80xi32, #tpu.memory_space<hbm>>
              %dma_start3A_168 = arith.constant 0 : i32
              %dma_start3A_169 = tpu.memref_slice %arg6[%arg1, %add3A_155, %dma_start3A_168] : memref<16x250x80xi32, #tpu.memory_space<hbm>> -> memref<1x1x80xi32, #tpu.memory_space<hbm>>
              %dma_start3A_170 = tpu.memref_squeeze %dma_start3A_169 : memref<1x1x80xi32, #tpu.memory_space<hbm>> -> memref<80xi32, #tpu.memory_space<hbm>>
              tpu.enqueue_dma source(%dma_start3A_170 : memref<80xi32, #tpu.memory_space<hbm>>) target(%arg14 : memref<80xi32, #tpu.memory_space<vmem>>) target_semaphore(%run_scoped3A_164 : memref<!tpu.dma_semaphore, #tpu.memory_space<semaphore_mem>>)
              %dma_wait3A_171 = arith.constant 0 : i32
              %dma_wait3A_172 = tpu.memref_slice %arg6[%arg1, %add3A_155, %dma_wait3A_171] : memref<16x250x80xi32, #tpu.memory_space<hbm>> -> memref<1x1x80xi32, #tpu.memory_space<hbm>>
              %dma_wait3A_173 = tpu.memref_squeeze %dma_wait3A_172 : memref<1x1x80xi32, #tpu.memory_space<hbm>> -> memref<80xi32, #tpu.memory_space<hbm>>
              %dma_wait3A_174 = arith.constant 0 : i32
              %dma_wait3A_175 = tpu.memref_slice %arg6[%arg1, %add3A_155, %dma_wait3A_174] : memref<16x250x80xi32, #tpu.memory_space<hbm>> -> memref<1x1x80xi32, #tpu.memory_space<hbm>>
              %dma_wait3A_176 = tpu.memref_squeeze %dma_wait3A_175 : memref<1x1x80xi32, #tpu.memory_space<hbm>> -> memref<80xi32, #tpu.memory_space<hbm>>
              tpu.wait_dma2 semaphore(%run_scoped3A_164 : memref<!tpu.dma_semaphore, #tpu.memory_space<semaphore_mem>>) src(%dma_wait3A_176 : memref<80xi32, #tpu.memory_space<hbm>>) dst(%arg14 : memref<80xi32, #tpu.memory_space<vmem>>)
              tpu.yield
            }) : () -> ()
            "tpu.region"() ({
              %run_scoped3A_164 = tpu.sem_alloc : memref<!tpu.dma_semaphore, #tpu.memory_space<semaphore_mem>>
              %dma_start3A_165 = arith.constant 0 : i32
              %dma_start3A_166 = tpu.memref_slice %arg7[%arg1, %add3A_155, %dma_start3A_165] : memref<16x250x80xi32, #tpu.memory_space<hbm>> -> memref<1x1x80xi32, #tpu.memory_space<hbm>>
              %dma_start3A_167 = tpu.memref_squeeze %dma_start3A_166 : memref<1x1x80xi32, #tpu.memory_space<hbm>> -> memref<80xi32, #tpu.memory_space<hbm>>
              %dma_start3A_168 = arith.constant 0 : i32
              %dma_start3A_169 = tpu.memref_slice %arg7[%arg1, %add3A_155, %dma_start3A_168] : memref<16x250x80xi32, #tpu.memory_space<hbm>> -> memref<1x1x80xi32, #tpu.memory_space<hbm>>
              %dma_start3A_170 = tpu.memref_squeeze %dma_start3A_169 : memref<1x1x80xi32, #tpu.memory_space<hbm>> -> memref<80xi32, #tpu.memory_space<hbm>>
              tpu.enqueue_dma source(%dma_start3A_170 : memref<80xi32, #tpu.memory_space<hbm>>) target(%arg18 : memref<80xi32, #tpu.memory_space<vmem>>) target_semaphore(%run_scoped3A_164 : memref<!tpu.dma_semaphore, #tpu.memory_space<semaphore_mem>>)
              %dma_wait3A_171 = arith.constant 0 : i32
              %dma_wait3A_172 = tpu.memref_slice %arg7[%arg1, %add3A_155, %dma_wait3A_171] : memref<16x250x80xi32, #tpu.memory_space<hbm>> -> memref<1x1x80xi32, #tpu.memory_space<hbm>>
              %dma_wait3A_173 = tpu.memref_squeeze %dma_wait3A_172 : memref<1x1x80xi32, #tpu.memory_space<hbm>> -> memref<80xi32, #tpu.memory_space<hbm>>
              %dma_wait3A_174 = arith.constant 0 : i32
              %dma_wait3A_175 = tpu.memref_slice %arg7[%arg1, %add3A_155, %dma_wait3A_174] : memref<16x250x80xi32, #tpu.memory_space<hbm>> -> memref<1x1x80xi32, #tpu.memory_space<hbm>>
              %dma_wait3A_176 = tpu.memref_squeeze %dma_wait3A_175 : memref<1x1x80xi32, #tpu.memory_space<hbm>> -> memref<80xi32, #tpu.memory_space<hbm>>
              tpu.wait_dma2 semaphore(%run_scoped3A_164 : memref<!tpu.dma_semaphore, #tpu.memory_space<semaphore_mem>>) src(%dma_wait3A_176 : memref<80xi32, #tpu.memory_space<hbm>>) dst(%arg18 : memref<80xi32, #tpu.memory_space<vmem>>)
              tpu.yield
            }) : () -> ()
            %dma_start3A_161 = arith.constant 0 : i32
            %dma_start3A_162 = arith.constant 0 : i32
            %dma_start3A_163 = tpu.memref_slice %arg3[%dma_start3A_161, %dma_start3A_162] : memref<10240x128xf32, #tpu.memory_space<hbm>> -> memref<10240x128xf32, #tpu.memory_space<hbm>>
            tpu.enqueue_indirect_dma source(%dma_start3A_163 : memref<10240x128xf32, #tpu.memory_space<hbm>>) target(%arg22 : memref<80x128xf32, #tpu.memory_space<vmem>>) offsets(%arg14 : memref<80xi32, #tpu.memory_space<vmem>>) semaphore(%arg30 : memref<!tpu.dma_semaphore, #tpu.memory_space<semaphore_mem>>)
          } else {
          }
        } else {
        }
        %scan3A_146 = arith.constant 0 : i32
        scf.yield %scan3A_146 : i32
      }
      %scan3A_78 = arith.constant 63 : i32
    } else {
    }
    %barrier3A_43 = arith.constant 0 : index
    tpu.barrier barrier_id(%barrier3A_43)
    %eq3A_44 = arith.constant 0 : i32
    %eq3A_45 = arith.cmpi eq, %arg0, %eq3A_44 : i32
    %convert_element_type3A_46 = arith.extui %eq3A_45 : i1 to i32
    %cond3A_47 = arith.constant 0 : i32
    %cond3A_48 = arith.cmpi ne, %convert_element_type3A_46, %cond3A_47 : i32
    scf.if %cond3A_48 {
      %add3A_54 = arith.constant 0 : i32
      %add3A_55 = arith.addi %mul3A_0, %add3A_54 : i32
      %add3A_56 = arith.constant 0 : i32
      %add3A_57 = arith.addi %mul3A_0, %add3A_56 : i32
      %dma_start3A = arith.constant 0 : i32
      %dma_start3A_58 = tpu.memref_slice %arg8[%add3A_57, %dma_start3A] : memref<10240x128xf32, #tpu.memory_space<hbm>> -> memref<80x128xf32, #tpu.memory_space<hbm>>
      %dma_start3A_59 = arith.constant 0 : i32
      %dma_start3A_60 = tpu.memref_slice %arg26[%add3A_55, %dma_start3A_59] : memref<10240x128xf32, #tpu.memory_space<vmem_shared>> -> memref<80x128xf32, #tpu.memory_space<vmem_shared>>
      tpu.enqueue_dma source(%dma_start3A_60 : memref<80x128xf32, #tpu.memory_space<vmem_shared>>) target(%dma_start3A_58 : memref<80x128xf32, #tpu.memory_space<hbm>>) target_semaphore(%arg28 : memref<!tpu.dma_semaphore, #tpu.memory_space<semaphore_mem>>)
      %add3A_61 = arith.constant 80 : i32
      %add3A_62 = arith.addi %mul3A_0, %add3A_61 : i32
      %add3A_63 = arith.constant 80 : i32
      %add3A_64 = arith.addi %mul3A_0, %add3A_63 : i32
      %dma_start3A_65 = arith.constant 0 : i32
      %dma_start3A_66 = tpu.memref_slice %arg8[%add3A_64, %dma_start3A_65] : memref<10240x128xf32, #tpu.memory_space<hbm>> -> memref<80x128xf32, #tpu.memory_space<hbm>>
      %dma_start3A_67 = arith.constant 0 : i32
      %dma_start3A_68 = tpu.memref_slice %arg26[%add3A_62, %dma_start3A_67] : memref<10240x128xf32, #tpu.memory_space<vmem_shared>> -> memref<80x128xf32, #tpu.memory_space<vmem_shared>>
      tpu.enqueue_dma source(%dma_start3A_68 : memref<80x128xf32, #tpu.memory_space<vmem_shared>>) target(%dma_start3A_66 : memref<80x128xf32, #tpu.memory_space<hbm>>) target_semaphore(%arg29 : memref<!tpu.dma_semaphore, #tpu.memory_space<semaphore_mem>>)
      %add3A_69 = arith.constant 160 : i32
      %add3A_70 = arith.addi %mul3A_0, %add3A_69 : i32
      %add3A_71 = arith.constant 160 : i32
      %add3A_72 = arith.addi %mul3A_0, %add3A_71 : i32
      %dma_start3A_73 = arith.constant 0 : i32
      %dma_start3A_74 = tpu.memref_slice %arg8[%add3A_72, %dma_start3A_73] : memref<10240x128xf32, #tpu.memory_space<hbm>> -> memref<80x128xf32, #tpu.memory_space<hbm>>
      %dma_start3A_75 = arith.constant 0 : i32
      %dma_start3A_76 = tpu.memref_slice %arg26[%add3A_70, %dma_start3A_75] : memref<10240x128xf32, #tpu.memory_space<vmem_shared>> -> memref<80x128xf32, #tpu.memory_space<vmem_shared>>
      tpu.enqueue_dma source(%dma_start3A_76 : memref<80x128xf32, #tpu.memory_space<vmem_shared>>) target(%dma_start3A_74 : memref<80x128xf32, #tpu.memory_space<hbm>>) target_semaphore(%arg30 : memref<!tpu.dma_semaphore, #tpu.memory_space<semaphore_mem>>)
      %add3A_77 = arith.constant 240 : i32
      %add3A_78 = arith.addi %mul3A_0, %add3A_77 : i32
      %add3A_79 = arith.constant 240 : i32
      %add3A_80 = arith.addi %mul3A_0, %add3A_79 : i32
      %dma_start3A_81 = arith.constant 0 : i32
      %dma_start3A_82 = tpu.memref_slice %arg8[%add3A_80, %dma_start3A_81] : memref<10240x128xf32, #tpu.memory_space<hbm>> -> memref<80x128xf32, #tpu.memory_space<hbm>>
      %dma_start3A_83 = arith.constant 0 : i32
      %dma_start3A_84 = tpu.memref_slice %arg26[%add3A_78, %dma_start3A_83] : memref<10240x128xf32, #tpu.memory_space<vmem_shared>> -> memref<80x128xf32, #tpu.memory_space<vmem_shared>>
      tpu.enqueue_dma source(%dma_start3A_84 : memref<80x128xf32, #tpu.memory_space<vmem_shared>>) target(%dma_start3A_82 : memref<80x128xf32, #tpu.memory_space<hbm>>) target_semaphore(%arg31 : memref<!tpu.dma_semaphore, #tpu.memory_space<semaphore_mem>>)
      %add3A_85 = arith.constant 320 : i32
      %add3A_86 = arith.addi %mul3A_0, %add3A_85 : i32
      %add3A_87 = arith.constant 320 : i32
      %add3A_88 = arith.addi %mul3A_0, %add3A_87 : i32
      %dma_start3A_89 = arith.constant 0 : i32
      %dma_start3A_90 = tpu.memref_slice %arg8[%add3A_88, %dma_start3A_89] : memref<10240x128xf32, #tpu.memory_space<hbm>> -> memref<80x128xf32, #tpu.memory_space<hbm>>
      %dma_start3A_91 = arith.constant 0 : i32
      %dma_start3A_92 = tpu.memref_slice %arg26[%add3A_86, %dma_start3A_91] : memref<10240x128xf32, #tpu.memory_space<vmem_shared>> -> memref<80x128xf32, #tpu.memory_space<vmem_shared>>
      tpu.enqueue_dma source(%dma_start3A_92 : memref<80x128xf32, #tpu.memory_space<vmem_shared>>) target(%dma_start3A_90 : memref<80x128xf32, #tpu.memory_space<hbm>>) target_semaphore(%arg28 : memref<!tpu.dma_semaphore, #tpu.memory_space<semaphore_mem>>)
      %add3A_93 = arith.constant 400 : i32
      %add3A_94 = arith.addi %mul3A_0, %add3A_93 : i32
      %add3A_95 = arith.constant 400 : i32
      %add3A_96 = arith.addi %mul3A_0, %add3A_95 : i32
      %dma_start3A_97 = arith.constant 0 : i32
      %dma_start3A_98 = tpu.memref_slice %arg8[%add3A_96, %dma_start3A_97] : memref<10240x128xf32, #tpu.memory_space<hbm>> -> memref<80x128xf32, #tpu.memory_space<hbm>>
      %dma_start3A_99 = arith.constant 0 : i32
      %dma_start3A_100 = tpu.memref_slice %arg26[%add3A_94, %dma_start3A_99] : memref<10240x128xf32, #tpu.memory_space<vmem_shared>> -> memref<80x128xf32, #tpu.memory_space<vmem_shared>>
      tpu.enqueue_dma source(%dma_start3A_100 : memref<80x128xf32, #tpu.memory_space<vmem_shared>>) target(%dma_start3A_98 : memref<80x128xf32, #tpu.memory_space<hbm>>) target_semaphore(%arg29 : memref<!tpu.dma_semaphore, #tpu.memory_space<semaphore_mem>>)
      %add3A_101 = arith.constant 480 : i32
      %add3A_102 = arith.addi %mul3A_0, %add3A_101 : i32
      %add3A_103 = arith.constant 480 : i32
      %add3A_104 = arith.addi %mul3A_0, %add3A_103 : i32
      %dma_start3A_105 = arith.constant 0 : i32
      %dma_start3A_106 = tpu.memref_slice %arg8[%add3A_104, %dma_start3A_105] : memref<10240x128xf32, #tpu.memory_space<hbm>> -> memref<80x128xf32, #tpu.memory_space<hbm>>
      %dma_start3A_107 = arith.constant 0 : i32
      %dma_start3A_108 = tpu.memref_slice %arg26[%add3A_102, %dma_start3A_107] : memref<10240x128xf32, #tpu.memory_space<vmem_shared>> -> memref<80x128xf32, #tpu.memory_space<vmem_shared>>
      tpu.enqueue_dma source(%dma_start3A_108 : memref<80x128xf32, #tpu.memory_space<vmem_shared>>) target(%dma_start3A_106 : memref<80x128xf32, #tpu.memory_space<hbm>>) target_semaphore(%arg30 : memref<!tpu.dma_semaphore, #tpu.memory_space<semaphore_mem>>)
      %add3A_109 = arith.constant 560 : i32
      %add3A_110 = arith.addi %mul3A_0, %add3A_109 : i32
      %add3A_111 = arith.constant 560 : i32
      %add3A_112 = arith.addi %mul3A_0, %add3A_111 : i32
      %dma_start3A_113 = arith.constant 0 : i32
      %dma_start3A_114 = tpu.memref_slice %arg8[%add3A_112, %dma_start3A_113] : memref<10240x128xf32, #tpu.memory_space<hbm>> -> memref<80x128xf32, #tpu.memory_space<hbm>>
      %dma_start3A_115 = arith.constant 0 : i32
      %dma_start3A_116 = tpu.memref_slice %arg26[%add3A_110, %dma_start3A_115] : memref<10240x128xf32, #tpu.memory_space<vmem_shared>> -> memref<80x128xf32, #tpu.memory_space<vmem_shared>>
      tpu.enqueue_dma source(%dma_start3A_116 : memref<80x128xf32, #tpu.memory_space<vmem_shared>>) target(%dma_start3A_114 : memref<80x128xf32, #tpu.memory_space<hbm>>) target_semaphore(%arg31 : memref<!tpu.dma_semaphore, #tpu.memory_space<semaphore_mem>>)
      %add3A_117 = arith.constant 0 : i32
      %add3A_118 = arith.addi %mul3A_0, %add3A_117 : i32
      %add3A_119 = arith.constant 0 : i32
      %add3A_120 = arith.addi %mul3A_0, %add3A_119 : i32
      %dma_wait3A = arith.constant 0 : i32
      %dma_wait3A_121 = tpu.memref_slice %arg8[%add3A_120, %dma_wait3A] : memref<10240x128xf32, #tpu.memory_space<hbm>> -> memref<80x128xf32, #tpu.memory_space<hbm>>
      %dma_wait3A_122 = arith.constant 0 : i32
      %dma_wait3A_123 = tpu.memref_slice %arg26[%add3A_118, %dma_wait3A_122] : memref<10240x128xf32, #tpu.memory_space<vmem_shared>> -> memref<80x128xf32, #tpu.memory_space<vmem_shared>>
      tpu.wait_dma2 semaphore(%arg28 : memref<!tpu.dma_semaphore, #tpu.memory_space<semaphore_mem>>) src(%dma_wait3A_123 : memref<80x128xf32, #tpu.memory_space<vmem_shared>>) dst(%dma_wait3A_121 : memref<80x128xf32, #tpu.memory_space<hbm>>)
      %add3A_124 = arith.constant 80 : i32
      %add3A_125 = arith.addi %mul3A_0, %add3A_124 : i32
      %add3A_126 = arith.constant 80 : i32
      %add3A_127 = arith.addi %mul3A_0, %add3A_126 : i32
      %dma_wait3A_128 = arith.constant 0 : i32
      %dma_wait3A_129 = tpu.memref_slice %arg8[%add3A_127, %dma_wait3A_128] : memref<10240x128xf32, #tpu.memory_space<hbm>> -> memref<80x128xf32, #tpu.memory_space<hbm>>
      %dma_wait3A_130 = arith.constant 0 : i32
      %dma_wait3A_131 = tpu.memref_slice %arg26[%add3A_125, %dma_wait3A_130] : memref<10240x128xf32, #tpu.memory_space<vmem_shared>> -> memref<80x128xf32, #tpu.memory_space<vmem_shared>>
      tpu.wait_dma2 semaphore(%arg29 : memref<!tpu.dma_semaphore, #tpu.memory_space<semaphore_mem>>) src(%dma_wait3A_131 : memref<80x128xf32, #tpu.memory_space<vmem_shared>>) dst(%dma_wait3A_129 : memref<80x128xf32, #tpu.memory_space<hbm>>)
      %add3A_132 = arith.constant 160 : i32
      %add3A_133 = arith.addi %mul3A_0, %add3A_132 : i32
      %add3A_134 = arith.constant 160 : i32
      %add3A_135 = arith.addi %mul3A_0, %add3A_134 : i32
      %dma_wait3A_136 = arith.constant 0 : i32
      %dma_wait3A_137 = tpu.memref_slice %arg8[%add3A_135, %dma_wait3A_136] : memref<10240x128xf32, #tpu.memory_space<hbm>> -> memref<80x128xf32, #tpu.memory_space<hbm>>
      %dma_wait3A_138 = arith.constant 0 : i32
      %dma_wait3A_139 = tpu.memref_slice %arg26[%add3A_133, %dma_wait3A_138] : memref<10240x128xf32, #tpu.memory_space<vmem_shared>> -> memref<80x128xf32, #tpu.memory_space<vmem_shared>>
      tpu.wait_dma2 semaphore(%arg30 : memref<!tpu.dma_semaphore, #tpu.memory_space<semaphore_mem>>) src(%dma_wait3A_139 : memref<80x128xf32, #tpu.memory_space<vmem_shared>>) dst(%dma_wait3A_137 : memref<80x128xf32, #tpu.memory_space<hbm>>)
      %add3A_140 = arith.constant 240 : i32
      %add3A_141 = arith.addi %mul3A_0, %add3A_140 : i32
      %add3A_142 = arith.constant 240 : i32
      %add3A_143 = arith.addi %mul3A_0, %add3A_142 : i32
      %dma_wait3A_144 = arith.constant 0 : i32
      %dma_wait3A_145 = tpu.memref_slice %arg8[%add3A_143, %dma_wait3A_144] : memref<10240x128xf32, #tpu.memory_space<hbm>> -> memref<80x128xf32, #tpu.memory_space<hbm>>
      %dma_wait3A_146 = arith.constant 0 : i32
      %dma_wait3A_147 = tpu.memref_slice %arg26[%add3A_141, %dma_wait3A_146] : memref<10240x128xf32, #tpu.memory_space<vmem_shared>> -> memref<80x128xf32, #tpu.memory_space<vmem_shared>>
      tpu.wait_dma2 semaphore(%arg31 : memref<!tpu.dma_semaphore, #tpu.memory_space<semaphore_mem>>) src(%dma_wait3A_147 : memref<80x128xf32, #tpu.memory_space<vmem_shared>>) dst(%dma_wait3A_145 : memref<80x128xf32, #tpu.memory_space<hbm>>)
      %add3A_148 = arith.constant 320 : i32
      %add3A_149 = arith.addi %mul3A_0, %add3A_148 : i32
      %add3A_150 = arith.constant 320 : i32
      %add3A_151 = arith.addi %mul3A_0, %add3A_150 : i32
      %dma_wait3A_152 = arith.constant 0 : i32
      %dma_wait3A_153 = tpu.memref_slice %arg8[%add3A_151, %dma_wait3A_152] : memref<10240x128xf32, #tpu.memory_space<hbm>> -> memref<80x128xf32, #tpu.memory_space<hbm>>
      %dma_wait3A_154 = arith.constant 0 : i32
      %dma_wait3A_155 = tpu.memref_slice %arg26[%add3A_149, %dma_wait3A_154] : memref<10240x128xf32, #tpu.memory_space<vmem_shared>> -> memref<80x128xf32, #tpu.memory_space<vmem_shared>>
      tpu.wait_dma2 semaphore(%arg28 : memref<!tpu.dma_semaphore, #tpu.memory_space<semaphore_mem>>) src(%dma_wait3A_155 : memref<80x128xf32, #tpu.memory_space<vmem_shared>>) dst(%dma_wait3A_153 : memref<80x128xf32, #tpu.memory_space<hbm>>)
      %add3A_156 = arith.constant 400 : i32
      %add3A_157 = arith.addi %mul3A_0, %add3A_156 : i32
      %add3A_158 = arith.constant 400 : i32
      %add3A_159 = arith.addi %mul3A_0, %add3A_158 : i32
      %dma_wait3A_160 = arith.constant 0 : i32
      %dma_wait3A_161 = tpu.memref_slice %arg8[%add3A_159, %dma_wait3A_160] : memref<10240x128xf32, #tpu.memory_space<hbm>> -> memref<80x128xf32, #tpu.memory_space<hbm>>
      %dma_wait3A_162 = arith.constant 0 : i32
      %dma_wait3A_163 = tpu.memref_slice %arg26[%add3A_157, %dma_wait3A_162] : memref<10240x128xf32, #tpu.memory_space<vmem_shared>> -> memref<80x128xf32, #tpu.memory_space<vmem_shared>>
      tpu.wait_dma2 semaphore(%arg29 : memref<!tpu.dma_semaphore, #tpu.memory_space<semaphore_mem>>) src(%dma_wait3A_163 : memref<80x128xf32, #tpu.memory_space<vmem_shared>>) dst(%dma_wait3A_161 : memref<80x128xf32, #tpu.memory_space<hbm>>)
      %add3A_164 = arith.constant 480 : i32
      %add3A_165 = arith.addi %mul3A_0, %add3A_164 : i32
      %add3A_166 = arith.constant 480 : i32
      %add3A_167 = arith.addi %mul3A_0, %add3A_166 : i32
      %dma_wait3A_168 = arith.constant 0 : i32
      %dma_wait3A_169 = tpu.memref_slice %arg8[%add3A_167, %dma_wait3A_168] : memref<10240x128xf32, #tpu.memory_space<hbm>> -> memref<80x128xf32, #tpu.memory_space<hbm>>
      %dma_wait3A_170 = arith.constant 0 : i32
      %dma_wait3A_171 = tpu.memref_slice %arg26[%add3A_165, %dma_wait3A_170] : memref<10240x128xf32, #tpu.memory_space<vmem_shared>> -> memref<80x128xf32, #tpu.memory_space<vmem_shared>>
      tpu.wait_dma2 semaphore(%arg30 : memref<!tpu.dma_semaphore, #tpu.memory_space<semaphore_mem>>) src(%dma_wait3A_171 : memref<80x128xf32, #tpu.memory_space<vmem_shared>>) dst(%dma_wait3A_169 : memref<80x128xf32, #tpu.memory_space<hbm>>)
      %add3A_172 = arith.constant 560 : i32
      %add3A_173 = arith.addi %mul3A_0, %add3A_172 : i32
      %add3A_174 = arith.constant 560 : i32
      %add3A_175 = arith.addi %mul3A_0, %add3A_174 : i32
      %dma_wait3A_176 = arith.constant 0 : i32
      %dma_wait3A_177 = tpu.memref_slice %arg8[%add3A_175, %dma_wait3A_176] : memref<10240x128xf32, #tpu.memory_space<hbm>> -> memref<80x128xf32, #tpu.memory_space<hbm>>
      %dma_wait3A_178 = arith.constant 0 : i32
      %dma_wait3A_179 = tpu.memref_slice %arg26[%add3A_173, %dma_wait3A_178] : memref<10240x128xf32, #tpu.memory_space<vmem_shared>> -> memref<80x128xf32, #tpu.memory_space<vmem_shared>>
      tpu.wait_dma2 semaphore(%arg31 : memref<!tpu.dma_semaphore, #tpu.memory_space<semaphore_mem>>) src(%dma_wait3A_179 : memref<80x128xf32, #tpu.memory_space<vmem_shared>>) dst(%dma_wait3A_177 : memref<80x128xf32, #tpu.memory_space<hbm>>)
      "tpu.region"() ({
        %run_scoped3A = tpu.sem_alloc : memref<!tpu.dma_semaphore, #tpu.memory_space<semaphore_mem>>
        %dma_start3A_180 = tpu.memref_slice %arg27[%mul3A_0] : memref<10240xf32, #tpu.memory_space<vmem_shared>> -> memref<640xf32, #tpu.memory_space<vmem_shared>>
        %dma_start3A_181 = tpu.memref_slice %arg27[%mul3A_0] : memref<10240xf32, #tpu.memory_space<vmem_shared>> -> memref<640xf32, #tpu.memory_space<vmem_shared>>
        tpu.enqueue_dma source(%dma_start3A_181 : memref<640xf32, #tpu.memory_space<vmem_shared>>) target(%arg24 : memref<640xf32, #tpu.memory_space<vmem>>) target_semaphore(%run_scoped3A : memref<!tpu.dma_semaphore, #tpu.memory_space<semaphore_mem>>)
        %dma_wait3A_182 = tpu.memref_slice %arg27[%mul3A_0] : memref<10240xf32, #tpu.memory_space<vmem_shared>> -> memref<640xf32, #tpu.memory_space<vmem_shared>>
        %dma_wait3A_183 = tpu.memref_slice %arg27[%mul3A_0] : memref<10240xf32, #tpu.memory_space<vmem_shared>> -> memref<640xf32, #tpu.memory_space<vmem_shared>>
        tpu.wait_dma2 semaphore(%run_scoped3A : memref<!tpu.dma_semaphore, #tpu.memory_space<semaphore_mem>>) src(%dma_wait3A_183 : memref<640xf32, #tpu.memory_space<vmem_shared>>) dst(%arg24 : memref<640xf32, #tpu.memory_space<vmem>>)
        tpu.yield
      }) : () -> ()
      "tpu.region"() ({
        %run_scoped3A = tpu.sem_alloc : memref<!tpu.dma_semaphore, #tpu.memory_space<semaphore_mem>>
        %dma_start3A_180 = tpu.memref_slice %arg10[%mul3A_0] : memref<10240xf32, #tpu.memory_space<hbm>> -> memref<640xf32, #tpu.memory_space<hbm>>
        %dma_start3A_181 = tpu.memref_slice %arg10[%mul3A_0] : memref<10240xf32, #tpu.memory_space<hbm>> -> memref<640xf32, #tpu.memory_space<hbm>>
        tpu.enqueue_dma source(%arg24 : memref<640xf32, #tpu.memory_space<vmem>>) target(%dma_start3A_181 : memref<640xf32, #tpu.memory_space<hbm>>) target_semaphore(%run_scoped3A : memref<!tpu.dma_semaphore, #tpu.memory_space<semaphore_mem>>)
        %dma_wait3A_182 = tpu.memref_slice %arg10[%mul3A_0] : memref<10240xf32, #tpu.memory_space<hbm>> -> memref<640xf32, #tpu.memory_space<hbm>>
        %dma_wait3A_183 = tpu.memref_slice %arg10[%mul3A_0] : memref<10240xf32, #tpu.memory_space<hbm>> -> memref<640xf32, #tpu.memory_space<hbm>>
        tpu.wait_dma2 semaphore(%run_scoped3A : memref<!tpu.dma_semaphore, #tpu.memory_space<semaphore_mem>>) src(%arg24 : memref<640xf32, #tpu.memory_space<vmem>>) dst(%dma_wait3A_183 : memref<640xf32, #tpu.memory_space<hbm>>)
        tpu.yield
      }) : () -> ()
    } else {
    }
    %eq3A_49 = arith.constant 1 : i32
    %eq3A_50 = arith.cmpi eq, %arg0, %eq3A_49 : i32
    %convert_element_type3A_51 = arith.extui %eq3A_50 : i1 to i32
    %cond3A_52 = arith.constant 0 : i32
    %cond3A_53 = arith.cmpi ne, %convert_element_type3A_51, %cond3A_52 : i32
    scf.if %cond3A_53 {
      %add3A_54 = arith.constant 0 : i32
      %add3A_55 = arith.addi %mul3A_0, %add3A_54 : i32
      %add3A_56 = arith.constant 0 : i32
      %add3A_57 = arith.addi %mul3A_0, %add3A_56 : i32
      %dma_start3A = arith.constant 0 : i32
      %dma_start3A_58 = tpu.memref_slice %arg9[%add3A_57, %dma_start3A] : memref<10240x128xf32, #tpu.memory_space<hbm>> -> memref<80x128xf32, #tpu.memory_space<hbm>>
      %dma_start3A_59 = arith.constant 0 : i32
      %dma_start3A_60 = tpu.memref_slice %arg26[%add3A_55, %dma_start3A_59] : memref<10240x128xf32, #tpu.memory_space<vmem_shared>> -> memref<80x128xf32, #tpu.memory_space<vmem_shared>>
      tpu.enqueue_dma source(%dma_start3A_60 : memref<80x128xf32, #tpu.memory_space<vmem_shared>>) target(%dma_start3A_58 : memref<80x128xf32, #tpu.memory_space<hbm>>) target_semaphore(%arg28 : memref<!tpu.dma_semaphore, #tpu.memory_space<semaphore_mem>>)
      %add3A_61 = arith.constant 80 : i32
      %add3A_62 = arith.addi %mul3A_0, %add3A_61 : i32
      %add3A_63 = arith.constant 80 : i32
      %add3A_64 = arith.addi %mul3A_0, %add3A_63 : i32
      %dma_start3A_65 = arith.constant 0 : i32
      %dma_start3A_66 = tpu.memref_slice %arg9[%add3A_64, %dma_start3A_65] : memref<10240x128xf32, #tpu.memory_space<hbm>> -> memref<80x128xf32, #tpu.memory_space<hbm>>
      %dma_start3A_67 = arith.constant 0 : i32
      %dma_start3A_68 = tpu.memref_slice %arg26[%add3A_62, %dma_start3A_67] : memref<10240x128xf32, #tpu.memory_space<vmem_shared>> -> memref<80x128xf32, #tpu.memory_space<vmem_shared>>
      tpu.enqueue_dma source(%dma_start3A_68 : memref<80x128xf32, #tpu.memory_space<vmem_shared>>) target(%dma_start3A_66 : memref<80x128xf32, #tpu.memory_space<hbm>>) target_semaphore(%arg29 : memref<!tpu.dma_semaphore, #tpu.memory_space<semaphore_mem>>)
      %add3A_69 = arith.constant 160 : i32
      %add3A_70 = arith.addi %mul3A_0, %add3A_69 : i32
      %add3A_71 = arith.constant 160 : i32
      %add3A_72 = arith.addi %mul3A_0, %add3A_71 : i32
      %dma_start3A_73 = arith.constant 0 : i32
      %dma_start3A_74 = tpu.memref_slice %arg9[%add3A_72, %dma_start3A_73] : memref<10240x128xf32, #tpu.memory_space<hbm>> -> memref<80x128xf32, #tpu.memory_space<hbm>>
      %dma_start3A_75 = arith.constant 0 : i32
      %dma_start3A_76 = tpu.memref_slice %arg26[%add3A_70, %dma_start3A_75] : memref<10240x128xf32, #tpu.memory_space<vmem_shared>> -> memref<80x128xf32, #tpu.memory_space<vmem_shared>>
      tpu.enqueue_dma source(%dma_start3A_76 : memref<80x128xf32, #tpu.memory_space<vmem_shared>>) target(%dma_start3A_74 : memref<80x128xf32, #tpu.memory_space<hbm>>) target_semaphore(%arg30 : memref<!tpu.dma_semaphore, #tpu.memory_space<semaphore_mem>>)
      %add3A_77 = arith.constant 240 : i32
      %add3A_78 = arith.addi %mul3A_0, %add3A_77 : i32
      %add3A_79 = arith.constant 240 : i32
      %add3A_80 = arith.addi %mul3A_0, %add3A_79 : i32
      %dma_start3A_81 = arith.constant 0 : i32
      %dma_start3A_82 = tpu.memref_slice %arg9[%add3A_80, %dma_start3A_81] : memref<10240x128xf32, #tpu.memory_space<hbm>> -> memref<80x128xf32, #tpu.memory_space<hbm>>
      %dma_start3A_83 = arith.constant 0 : i32
      %dma_start3A_84 = tpu.memref_slice %arg26[%add3A_78, %dma_start3A_83] : memref<10240x128xf32, #tpu.memory_space<vmem_shared>> -> memref<80x128xf32, #tpu.memory_space<vmem_shared>>
      tpu.enqueue_dma source(%dma_start3A_84 : memref<80x128xf32, #tpu.memory_space<vmem_shared>>) target(%dma_start3A_82 : memref<80x128xf32, #tpu.memory_space<hbm>>) target_semaphore(%arg31 : memref<!tpu.dma_semaphore, #tpu.memory_space<semaphore_mem>>)
      %add3A_85 = arith.constant 320 : i32
      %add3A_86 = arith.addi %mul3A_0, %add3A_85 : i32
      %add3A_87 = arith.constant 320 : i32
      %add3A_88 = arith.addi %mul3A_0, %add3A_87 : i32
      %dma_start3A_89 = arith.constant 0 : i32
      %dma_start3A_90 = tpu.memref_slice %arg9[%add3A_88, %dma_start3A_89] : memref<10240x128xf32, #tpu.memory_space<hbm>> -> memref<80x128xf32, #tpu.memory_space<hbm>>
      %dma_start3A_91 = arith.constant 0 : i32
      %dma_start3A_92 = tpu.memref_slice %arg26[%add3A_86, %dma_start3A_91] : memref<10240x128xf32, #tpu.memory_space<vmem_shared>> -> memref<80x128xf32, #tpu.memory_space<vmem_shared>>
      tpu.enqueue_dma source(%dma_start3A_92 : memref<80x128xf32, #tpu.memory_space<vmem_shared>>) target(%dma_start3A_90 : memref<80x128xf32, #tpu.memory_space<hbm>>) target_semaphore(%arg28 : memref<!tpu.dma_semaphore, #tpu.memory_space<semaphore_mem>>)
      %add3A_93 = arith.constant 400 : i32
      %add3A_94 = arith.addi %mul3A_0, %add3A_93 : i32
      %add3A_95 = arith.constant 400 : i32
      %add3A_96 = arith.addi %mul3A_0, %add3A_95 : i32
      %dma_start3A_97 = arith.constant 0 : i32
      %dma_start3A_98 = tpu.memref_slice %arg9[%add3A_96, %dma_start3A_97] : memref<10240x128xf32, #tpu.memory_space<hbm>> -> memref<80x128xf32, #tpu.memory_space<hbm>>
      %dma_start3A_99 = arith.constant 0 : i32
      %dma_start3A_100 = tpu.memref_slice %arg26[%add3A_94, %dma_start3A_99] : memref<10240x128xf32, #tpu.memory_space<vmem_shared>> -> memref<80x128xf32, #tpu.memory_space<vmem_shared>>
      tpu.enqueue_dma source(%dma_start3A_100 : memref<80x128xf32, #tpu.memory_space<vmem_shared>>) target(%dma_start3A_98 : memref<80x128xf32, #tpu.memory_space<hbm>>) target_semaphore(%arg29 : memref<!tpu.dma_semaphore, #tpu.memory_space<semaphore_mem>>)
      %add3A_101 = arith.constant 480 : i32
      %add3A_102 = arith.addi %mul3A_0, %add3A_101 : i32
      %add3A_103 = arith.constant 480 : i32
      %add3A_104 = arith.addi %mul3A_0, %add3A_103 : i32
      %dma_start3A_105 = arith.constant 0 : i32
      %dma_start3A_106 = tpu.memref_slice %arg9[%add3A_104, %dma_start3A_105] : memref<10240x128xf32, #tpu.memory_space<hbm>> -> memref<80x128xf32, #tpu.memory_space<hbm>>
      %dma_start3A_107 = arith.constant 0 : i32
      %dma_start3A_108 = tpu.memref_slice %arg26[%add3A_102, %dma_start3A_107] : memref<10240x128xf32, #tpu.memory_space<vmem_shared>> -> memref<80x128xf32, #tpu.memory_space<vmem_shared>>
      tpu.enqueue_dma source(%dma_start3A_108 : memref<80x128xf32, #tpu.memory_space<vmem_shared>>) target(%dma_start3A_106 : memref<80x128xf32, #tpu.memory_space<hbm>>) target_semaphore(%arg30 : memref<!tpu.dma_semaphore, #tpu.memory_space<semaphore_mem>>)
      %add3A_109 = arith.constant 560 : i32
      %add3A_110 = arith.addi %mul3A_0, %add3A_109 : i32
      %add3A_111 = arith.constant 560 : i32
      %add3A_112 = arith.addi %mul3A_0, %add3A_111 : i32
      %dma_start3A_113 = arith.constant 0 : i32
      %dma_start3A_114 = tpu.memref_slice %arg9[%add3A_112, %dma_start3A_113] : memref<10240x128xf32, #tpu.memory_space<hbm>> -> memref<80x128xf32, #tpu.memory_space<hbm>>
      %dma_start3A_115 = arith.constant 0 : i32
      %dma_start3A_116 = tpu.memref_slice %arg26[%add3A_110, %dma_start3A_115] : memref<10240x128xf32, #tpu.memory_space<vmem_shared>> -> memref<80x128xf32, #tpu.memory_space<vmem_shared>>
      tpu.enqueue_dma source(%dma_start3A_116 : memref<80x128xf32, #tpu.memory_space<vmem_shared>>) target(%dma_start3A_114 : memref<80x128xf32, #tpu.memory_space<hbm>>) target_semaphore(%arg31 : memref<!tpu.dma_semaphore, #tpu.memory_space<semaphore_mem>>)
      %add3A_117 = arith.constant 0 : i32
      %add3A_118 = arith.addi %mul3A_0, %add3A_117 : i32
      %add3A_119 = arith.constant 0 : i32
      %add3A_120 = arith.addi %mul3A_0, %add3A_119 : i32
      %dma_wait3A = arith.constant 0 : i32
      %dma_wait3A_121 = tpu.memref_slice %arg9[%add3A_120, %dma_wait3A] : memref<10240x128xf32, #tpu.memory_space<hbm>> -> memref<80x128xf32, #tpu.memory_space<hbm>>
      %dma_wait3A_122 = arith.constant 0 : i32
      %dma_wait3A_123 = tpu.memref_slice %arg26[%add3A_118, %dma_wait3A_122] : memref<10240x128xf32, #tpu.memory_space<vmem_shared>> -> memref<80x128xf32, #tpu.memory_space<vmem_shared>>
      tpu.wait_dma2 semaphore(%arg28 : memref<!tpu.dma_semaphore, #tpu.memory_space<semaphore_mem>>) src(%dma_wait3A_123 : memref<80x128xf32, #tpu.memory_space<vmem_shared>>) dst(%dma_wait3A_121 : memref<80x128xf32, #tpu.memory_space<hbm>>)
      %add3A_124 = arith.constant 80 : i32
      %add3A_125 = arith.addi %mul3A_0, %add3A_124 : i32
      %add3A_126 = arith.constant 80 : i32
      %add3A_127 = arith.addi %mul3A_0, %add3A_126 : i32
      %dma_wait3A_128 = arith.constant 0 : i32
      %dma_wait3A_129 = tpu.memref_slice %arg9[%add3A_127, %dma_wait3A_128] : memref<10240x128xf32, #tpu.memory_space<hbm>> -> memref<80x128xf32, #tpu.memory_space<hbm>>
      %dma_wait3A_130 = arith.constant 0 : i32
      %dma_wait3A_131 = tpu.memref_slice %arg26[%add3A_125, %dma_wait3A_130] : memref<10240x128xf32, #tpu.memory_space<vmem_shared>> -> memref<80x128xf32, #tpu.memory_space<vmem_shared>>
      tpu.wait_dma2 semaphore(%arg29 : memref<!tpu.dma_semaphore, #tpu.memory_space<semaphore_mem>>) src(%dma_wait3A_131 : memref<80x128xf32, #tpu.memory_space<vmem_shared>>) dst(%dma_wait3A_129 : memref<80x128xf32, #tpu.memory_space<hbm>>)
      %add3A_132 = arith.constant 160 : i32
      %add3A_133 = arith.addi %mul3A_0, %add3A_132 : i32
      %add3A_134 = arith.constant 160 : i32
      %add3A_135 = arith.addi %mul3A_0, %add3A_134 : i32
      %dma_wait3A_136 = arith.constant 0 : i32
      %dma_wait3A_137 = tpu.memref_slice %arg9[%add3A_135, %dma_wait3A_136] : memref<10240x128xf32, #tpu.memory_space<hbm>> -> memref<80x128xf32, #tpu.memory_space<hbm>>
      %dma_wait3A_138 = arith.constant 0 : i32
      %dma_wait3A_139 = tpu.memref_slice %arg26[%add3A_133, %dma_wait3A_138] : memref<10240x128xf32, #tpu.memory_space<vmem_shared>> -> memref<80x128xf32, #tpu.memory_space<vmem_shared>>
      tpu.wait_dma2 semaphore(%arg30 : memref<!tpu.dma_semaphore, #tpu.memory_space<semaphore_mem>>) src(%dma_wait3A_139 : memref<80x128xf32, #tpu.memory_space<vmem_shared>>) dst(%dma_wait3A_137 : memref<80x128xf32, #tpu.memory_space<hbm>>)
      %add3A_140 = arith.constant 240 : i32
      %add3A_141 = arith.addi %mul3A_0, %add3A_140 : i32
      %add3A_142 = arith.constant 240 : i32
      %add3A_143 = arith.addi %mul3A_0, %add3A_142 : i32
      %dma_wait3A_144 = arith.constant 0 : i32
      %dma_wait3A_145 = tpu.memref_slice %arg9[%add3A_143, %dma_wait3A_144] : memref<10240x128xf32, #tpu.memory_space<hbm>> -> memref<80x128xf32, #tpu.memory_space<hbm>>
      %dma_wait3A_146 = arith.constant 0 : i32
      %dma_wait3A_147 = tpu.memref_slice %arg26[%add3A_141, %dma_wait3A_146] : memref<10240x128xf32, #tpu.memory_space<vmem_shared>> -> memref<80x128xf32, #tpu.memory_space<vmem_shared>>
      tpu.wait_dma2 semaphore(%arg31 : memref<!tpu.dma_semaphore, #tpu.memory_space<semaphore_mem>>) src(%dma_wait3A_147 : memref<80x128xf32, #tpu.memory_space<vmem_shared>>) dst(%dma_wait3A_145 : memref<80x128xf32, #tpu.memory_space<hbm>>)
      %add3A_148 = arith.constant 320 : i32
      %add3A_149 = arith.addi %mul3A_0, %add3A_148 : i32
      %add3A_150 = arith.constant 320 : i32
      %add3A_151 = arith.addi %mul3A_0, %add3A_150 : i32
      %dma_wait3A_152 = arith.constant 0 : i32
      %dma_wait3A_153 = tpu.memref_slice %arg9[%add3A_151, %dma_wait3A_152] : memref<10240x128xf32, #tpu.memory_space<hbm>> -> memref<80x128xf32, #tpu.memory_space<hbm>>
      %dma_wait3A_154 = arith.constant 0 : i32
      %dma_wait3A_155 = tpu.memref_slice %arg26[%add3A_149, %dma_wait3A_154] : memref<10240x128xf32, #tpu.memory_space<vmem_shared>> -> memref<80x128xf32, #tpu.memory_space<vmem_shared>>
      tpu.wait_dma2 semaphore(%arg28 : memref<!tpu.dma_semaphore, #tpu.memory_space<semaphore_mem>>) src(%dma_wait3A_155 : memref<80x128xf32, #tpu.memory_space<vmem_shared>>) dst(%dma_wait3A_153 : memref<80x128xf32, #tpu.memory_space<hbm>>)
      %add3A_156 = arith.constant 400 : i32
      %add3A_157 = arith.addi %mul3A_0, %add3A_156 : i32
      %add3A_158 = arith.constant 400 : i32
      %add3A_159 = arith.addi %mul3A_0, %add3A_158 : i32
      %dma_wait3A_160 = arith.constant 0 : i32
      %dma_wait3A_161 = tpu.memref_slice %arg9[%add3A_159, %dma_wait3A_160] : memref<10240x128xf32, #tpu.memory_space<hbm>> -> memref<80x128xf32, #tpu.memory_space<hbm>>
      %dma_wait3A_162 = arith.constant 0 : i32
      %dma_wait3A_163 = tpu.memref_slice %arg26[%add3A_157, %dma_wait3A_162] : memref<10240x128xf32, #tpu.memory_space<vmem_shared>> -> memref<80x128xf32, #tpu.memory_space<vmem_shared>>
      tpu.wait_dma2 semaphore(%arg29 : memref<!tpu.dma_semaphore, #tpu.memory_space<semaphore_mem>>) src(%dma_wait3A_163 : memref<80x128xf32, #tpu.memory_space<vmem_shared>>) dst(%dma_wait3A_161 : memref<80x128xf32, #tpu.memory_space<hbm>>)
      %add3A_164 = arith.constant 480 : i32
      %add3A_165 = arith.addi %mul3A_0, %add3A_164 : i32
      %add3A_166 = arith.constant 480 : i32
      %add3A_167 = arith.addi %mul3A_0, %add3A_166 : i32
      %dma_wait3A_168 = arith.constant 0 : i32
      %dma_wait3A_169 = tpu.memref_slice %arg9[%add3A_167, %dma_wait3A_168] : memref<10240x128xf32, #tpu.memory_space<hbm>> -> memref<80x128xf32, #tpu.memory_space<hbm>>
      %dma_wait3A_170 = arith.constant 0 : i32
      %dma_wait3A_171 = tpu.memref_slice %arg26[%add3A_165, %dma_wait3A_170] : memref<10240x128xf32, #tpu.memory_space<vmem_shared>> -> memref<80x128xf32, #tpu.memory_space<vmem_shared>>
      tpu.wait_dma2 semaphore(%arg30 : memref<!tpu.dma_semaphore, #tpu.memory_space<semaphore_mem>>) src(%dma_wait3A_171 : memref<80x128xf32, #tpu.memory_space<vmem_shared>>) dst(%dma_wait3A_169 : memref<80x128xf32, #tpu.memory_space<hbm>>)
      %add3A_172 = arith.constant 560 : i32
      %add3A_173 = arith.addi %mul3A_0, %add3A_172 : i32
      %add3A_174 = arith.constant 560 : i32
      %add3A_175 = arith.addi %mul3A_0, %add3A_174 : i32
      %dma_wait3A_176 = arith.constant 0 : i32
      %dma_wait3A_177 = tpu.memref_slice %arg9[%add3A_175, %dma_wait3A_176] : memref<10240x128xf32, #tpu.memory_space<hbm>> -> memref<80x128xf32, #tpu.memory_space<hbm>>
      %dma_wait3A_178 = arith.constant 0 : i32
      %dma_wait3A_179 = tpu.memref_slice %arg26[%add3A_173, %dma_wait3A_178] : memref<10240x128xf32, #tpu.memory_space<vmem_shared>> -> memref<80x128xf32, #tpu.memory_space<vmem_shared>>
      tpu.wait_dma2 semaphore(%arg31 : memref<!tpu.dma_semaphore, #tpu.memory_space<semaphore_mem>>) src(%dma_wait3A_179 : memref<80x128xf32, #tpu.memory_space<vmem_shared>>) dst(%dma_wait3A_177 : memref<80x128xf32, #tpu.memory_space<hbm>>)
      "tpu.region"() ({
        %run_scoped3A = tpu.sem_alloc : memref<!tpu.dma_semaphore, #tpu.memory_space<semaphore_mem>>
        %dma_start3A_180 = tpu.memref_slice %arg27[%mul3A_0] : memref<10240xf32, #tpu.memory_space<vmem_shared>> -> memref<640xf32, #tpu.memory_space<vmem_shared>>
        %dma_start3A_181 = tpu.memref_slice %arg27[%mul3A_0] : memref<10240xf32, #tpu.memory_space<vmem_shared>> -> memref<640xf32, #tpu.memory_space<vmem_shared>>
        tpu.enqueue_dma source(%dma_start3A_181 : memref<640xf32, #tpu.memory_space<vmem_shared>>) target(%arg24 : memref<640xf32, #tpu.memory_space<vmem>>) target_semaphore(%run_scoped3A : memref<!tpu.dma_semaphore, #tpu.memory_space<semaphore_mem>>)
        %dma_wait3A_182 = tpu.memref_slice %arg27[%mul3A_0] : memref<10240xf32, #tpu.memory_space<vmem_shared>> -> memref<640xf32, #tpu.memory_space<vmem_shared>>
        %dma_wait3A_183 = tpu.memref_slice %arg27[%mul3A_0] : memref<10240xf32, #tpu.memory_space<vmem_shared>> -> memref<640xf32, #tpu.memory_space<vmem_shared>>
        tpu.wait_dma2 semaphore(%run_scoped3A : memref<!tpu.dma_semaphore, #tpu.memory_space<semaphore_mem>>) src(%dma_wait3A_183 : memref<640xf32, #tpu.memory_space<vmem_shared>>) dst(%arg24 : memref<640xf32, #tpu.memory_space<vmem>>)
        tpu.yield
      }) : () -> ()
      "tpu.region"() ({
        %run_scoped3A = tpu.sem_alloc : memref<!tpu.dma_semaphore, #tpu.memory_space<semaphore_mem>>
        %dma_start3A_180 = tpu.memref_slice %arg11[%mul3A_0] : memref<10240xf32, #tpu.memory_space<hbm>> -> memref<640xf32, #tpu.memory_space<hbm>>
        %dma_start3A_181 = tpu.memref_slice %arg11[%mul3A_0] : memref<10240xf32, #tpu.memory_space<hbm>> -> memref<640xf32, #tpu.memory_space<hbm>>
        tpu.enqueue_dma source(%arg24 : memref<640xf32, #tpu.memory_space<vmem>>) target(%dma_start3A_181 : memref<640xf32, #tpu.memory_space<hbm>>) target_semaphore(%run_scoped3A : memref<!tpu.dma_semaphore, #tpu.memory_space<semaphore_mem>>)
        %dma_wait3A_182 = tpu.memref_slice %arg11[%mul3A_0] : memref<10240xf32, #tpu.memory_space<hbm>> -> memref<640xf32, #tpu.memory_space<hbm>>
        %dma_wait3A_183 = tpu.memref_slice %arg11[%mul3A_0] : memref<10240xf32, #tpu.memory_space<hbm>> -> memref<640xf32, #tpu.memory_space<hbm>>
        tpu.wait_dma2 semaphore(%run_scoped3A : memref<!tpu.dma_semaphore, #tpu.memory_space<semaphore_mem>>) src(%arg24 : memref<640xf32, #tpu.memory_space<vmem>>) dst(%dma_wait3A_183 : memref<640xf32, #tpu.memory_space<hbm>>)
        tpu.yield
      }) : () -> ()
    } else {
    }
    return
  }
}

module attributes {stable_mosaic.version = 14 : i64} {
  func.func @_layer0_body(%arg0: i32, %arg1: memref<1024x128xf32, #tpu.memory_space<vmem>>, %arg2: memref<1024x128xf32, #tpu.memory_space<vmem>>, %arg3: memref<1024x128xf32, #tpu.memory_space<vmem>>, %arg4: memref<1024x1xf32, #tpu.memory_space<vmem>>, %arg5: memref<1024x1xf32, #tpu.memory_space<vmem>>, %arg6: memref<128x128xf32, #tpu.memory_space<vmem>>, %arg7: memref<128x128xf32, #tpu.memory_space<vmem>>, %arg8: memref<1x128xf32, #tpu.memory_space<vmem>>, %arg9: memref<128x128xf32, #tpu.memory_space<vmem>>, %arg10: memref<128x128xf32, #tpu.memory_space<vmem>>, %arg11: memref<1x128xf32, #tpu.memory_space<vmem>>, %arg12: memref<1024x128xf32, #tpu.memory_space<vmem>>, %arg13: memref<1024x128xf32, #tpu.memory_space<vmem>>) attributes {dimension_semantics = [#tpu.dimension_semantics<parallel>], iteration_bounds = array<i64: 10>, scalar_prefetch = 0 : i64, scratch_operands = 0 : i64, tpu.core_type = #tpu.core_type<tc>, window_params = [{transform_indices = @transform_0, window_bounds = array<i64: 1024, 128>}, {transform_indices = @transform_1, window_bounds = array<i64: 1024, 128>}, {transform_indices = @transform_2, window_bounds = array<i64: 1024, 128>}, {transform_indices = @transform_3, window_bounds = array<i64: 1024, 1>}, {transform_indices = @transform_4, window_bounds = array<i64: 1024, 1>}, {pipeline_mode = #tpu.pipeline_mode<synchronous>, transform_indices = @transform_5, window_bounds = array<i64: 128, 128>}, {pipeline_mode = #tpu.pipeline_mode<synchronous>, transform_indices = @transform_6, window_bounds = array<i64: 128, 128>}, {pipeline_mode = #tpu.pipeline_mode<synchronous>, transform_indices = @transform_7, window_bounds = array<i64: 1, 128>}, {pipeline_mode = #tpu.pipeline_mode<synchronous>, transform_indices = @transform_8, window_bounds = array<i64: 128, 128>}, {pipeline_mode = #tpu.pipeline_mode<synchronous>, transform_indices = @transform_9, window_bounds = array<i64: 128, 128>}, {pipeline_mode = #tpu.pipeline_mode<synchronous>, transform_indices = @transform_10, window_bounds = array<i64: 1, 128>}, {transform_indices = @transform_11, window_bounds = array<i64: 1024, 128>}, {transform_indices = @transform_12, window_bounds = array<i64: 1024, 128>}]} {
    %get3A = arith.constant 0 : index
    %get3A_0 = arith.constant 0 : index
    %get3A_1 = vector.load %arg1[%get3A, %get3A_0] : memref<1024x128xf32, #tpu.memory_space<vmem>>, vector<1024x128xf32>
    %get3A_2 = arith.constant 0 : index
    %get3A_3 = arith.constant 0 : index
    %get3A_4 = vector.load %arg2[%get3A_2, %get3A_3] : memref<1024x128xf32, #tpu.memory_space<vmem>>, vector<1024x128xf32>
    %get3A_5 = arith.constant 0 : index
    %get3A_6 = arith.constant 0 : index
    %get3A_7 = vector.load %arg4[%get3A_5, %get3A_6] : memref<1024x1xf32, #tpu.memory_space<vmem>>, vector<1024x1xf32>
    %max3A = arith.constant 1.000000e+00 : f32
    %max3A_8 = vector.broadcast %max3A : f32 to vector<1024x1xf32>
    %max3A_9 = arith.maximumf %get3A_7, %max3A_8 : vector<1024x1xf32>
    %div3A = vector.broadcast %max3A_9 : vector<1024x1xf32> to vector<1024x128xf32>
    %div3A_10 = arith.divf %get3A_4, %div3A : vector<1024x128xf32>
    %get3A_11 = arith.constant 0 : index
    %get3A_12 = arith.constant 0 : index
    %get3A_13 = vector.load %arg3[%get3A_11, %get3A_12] : memref<1024x128xf32, #tpu.memory_space<vmem>>, vector<1024x128xf32>
    %get3A_14 = arith.constant 0 : index
    %get3A_15 = arith.constant 0 : index
    %get3A_16 = vector.load %arg5[%get3A_14, %get3A_15] : memref<1024x1xf32, #tpu.memory_space<vmem>>, vector<1024x1xf32>
    %max3A_17 = arith.constant 1.000000e+00 : f32
    %max3A_18 = vector.broadcast %max3A_17 : f32 to vector<1024x1xf32>
    %max3A_19 = arith.maximumf %get3A_16, %max3A_18 : vector<1024x1xf32>
    %div3A_20 = vector.broadcast %max3A_19 : vector<1024x1xf32> to vector<1024x128xf32>
    %div3A_21 = arith.divf %get3A_13, %div3A_20 : vector<1024x128xf32>
    %get3A_22 = arith.constant 0 : index
    %get3A_23 = arith.constant 0 : index
    %get3A_24 = vector.load %arg6[%get3A_22, %get3A_23] : memref<128x128xf32, #tpu.memory_space<vmem>>, vector<128x128xf32>
    %dot_general3A = arith.constant dense<0.000000e+00> : vector<1024x128xf32>
    %dot_general3A_25 = tpu.matmul %get3A_1, %get3A_24, %dot_general3A {dimension_numbers = #tpu.dot_dimension_numbers<[1], [0], [0], [1], [0, 0, 1, 1], [], []>, transpose_lhs_hint = false} : vector<1024x128xf32>, vector<128x128xf32>, vector<1024x128xf32> -> vector<1024x128xf32>
    %get3A_26 = arith.constant 0 : index
    %get3A_27 = arith.constant 0 : index
    %get3A_28 = vector.load %arg7[%get3A_26, %get3A_27] : memref<128x128xf32, #tpu.memory_space<vmem>>, vector<128x128xf32>
    %dot_general3A_29 = arith.constant dense<0.000000e+00> : vector<1024x128xf32>
    %dot_general3A_30 = tpu.matmul %div3A_10, %get3A_28, %dot_general3A_29 {dimension_numbers = #tpu.dot_dimension_numbers<[1], [0], [0], [1], [0, 0, 1, 1], [], []>, transpose_lhs_hint = false} : vector<1024x128xf32>, vector<128x128xf32>, vector<1024x128xf32> -> vector<1024x128xf32>
    %add3A = arith.addf %dot_general3A_25, %dot_general3A_30 : vector<1024x128xf32>
    %get3A_31 = arith.constant 0 : index
    %get3A_32 = arith.constant 0 : index
    %get3A_33 = vector.load %arg8[%get3A_31, %get3A_32] : memref<1x128xf32, #tpu.memory_space<vmem>>, vector<1x128xf32>
    %add3A_34 = vector.broadcast %get3A_33 : vector<1x128xf32> to vector<1024x128xf32>
    %add3A_35 = arith.addf %add3A, %add3A_34 : vector<1024x128xf32>
    %max3A_36 = arith.constant 0.000000e+00 : f32
    %max3A_37 = vector.broadcast %max3A_36 : f32 to vector<1024x128xf32>
    %max3A_38 = arith.maximumf %add3A_35, %max3A_37 : vector<1024x128xf32>
    %swap3A = arith.constant 0 : index
    %swap3A_39 = arith.constant 0 : index
    %swap3A_40 = vector.load %arg12[%swap3A, %swap3A_39] : memref<1024x128xf32, #tpu.memory_space<vmem>>, vector<1024x128xf32>
    tpu.vector_store %arg12[%swap3A, %swap3A_39], %max3A_38 {strides = array<i32>} : memref<1024x128xf32, #tpu.memory_space<vmem>>, vector<1024x128xf32>,
    %get3A_41 = arith.constant 0 : index
    %get3A_42 = arith.constant 0 : index
    %get3A_43 = vector.load %arg9[%get3A_41, %get3A_42] : memref<128x128xf32, #tpu.memory_space<vmem>>, vector<128x128xf32>
    %dot_general3A_44 = arith.constant dense<0.000000e+00> : vector<1024x128xf32>
    %dot_general3A_45 = tpu.matmul %get3A_1, %get3A_43, %dot_general3A_44 {dimension_numbers = #tpu.dot_dimension_numbers<[1], [0], [0], [1], [0, 0, 1, 1], [], []>, transpose_lhs_hint = false} : vector<1024x128xf32>, vector<128x128xf32>, vector<1024x128xf32> -> vector<1024x128xf32>
    %get3A_46 = arith.constant 0 : index
    %get3A_47 = arith.constant 0 : index
    %get3A_48 = vector.load %arg10[%get3A_46, %get3A_47] : memref<128x128xf32, #tpu.memory_space<vmem>>, vector<128x128xf32>
    %dot_general3A_49 = arith.constant dense<0.000000e+00> : vector<1024x128xf32>
    %dot_general3A_50 = tpu.matmul %div3A_21, %get3A_48, %dot_general3A_49 {dimension_numbers = #tpu.dot_dimension_numbers<[1], [0], [0], [1], [0, 0, 1, 1], [], []>, transpose_lhs_hint = false} : vector<1024x128xf32>, vector<128x128xf32>, vector<1024x128xf32> -> vector<1024x128xf32>
    %add3A_51 = arith.addf %dot_general3A_45, %dot_general3A_50 : vector<1024x128xf32>
    %get3A_52 = arith.constant 0 : index
    %get3A_53 = arith.constant 0 : index
    %get3A_54 = vector.load %arg11[%get3A_52, %get3A_53] : memref<1x128xf32, #tpu.memory_space<vmem>>, vector<1x128xf32>
    %add3A_55 = vector.broadcast %get3A_54 : vector<1x128xf32> to vector<1024x128xf32>
    %add3A_56 = arith.addf %add3A_51, %add3A_55 : vector<1024x128xf32>
    %max3A_57 = arith.constant 0.000000e+00 : f32
    %max3A_58 = vector.broadcast %max3A_57 : f32 to vector<1024x128xf32>
    %max3A_59 = arith.maximumf %add3A_56, %max3A_58 : vector<1024x128xf32>
    %swap3A_60 = arith.constant 0 : index
    %swap3A_61 = arith.constant 0 : index
    %swap3A_62 = vector.load %arg13[%swap3A_60, %swap3A_61] : memref<1024x128xf32, #tpu.memory_space<vmem>>, vector<1024x128xf32>
    tpu.vector_store %arg13[%swap3A_60, %swap3A_61], %max3A_59 {strides = array<i32>} : memref<1024x128xf32, #tpu.memory_space<vmem>>, vector<1024x128xf32>,
    return
  }
  func.func @transform_0(%arg0: i32) -> (i32, i32) {
    %c0_i32 = arith.constant 0 : i32
    %c0_i32_0 = arith.constant 0 : i32
    return %arg0, %c0_i32 : i32, i32
  }
  func.func @transform_1(%arg0: i32) -> (i32, i32) {
    %c0_i32 = arith.constant 0 : i32
    %c0_i32_0 = arith.constant 0 : i32
    return %arg0, %c0_i32 : i32, i32
  }
  func.func @transform_2(%arg0: i32) -> (i32, i32) {
    %c0_i32 = arith.constant 0 : i32
    %c0_i32_0 = arith.constant 0 : i32
    return %arg0, %c0_i32 : i32, i32
  }
  func.func @transform_3(%arg0: i32) -> (i32, i32) {
    %c0_i32 = arith.constant 0 : i32
    %c0_i32_0 = arith.constant 0 : i32
    return %arg0, %c0_i32 : i32, i32
  }
  func.func @transform_4(%arg0: i32) -> (i32, i32) {
    %c0_i32 = arith.constant 0 : i32
    %c0_i32_0 = arith.constant 0 : i32
    return %arg0, %c0_i32 : i32, i32
  }
  func.func @transform_5(%arg0: i32) -> (i32, i32) {
    %c0_i32 = arith.constant 0 : i32
    %c0_i32_0 = arith.constant 0 : i32
    %c0_i32_1 = arith.constant 0 : i32
    return %c0_i32, %c0_i32_0 : i32, i32
  }
  func.func @transform_6(%arg0: i32) -> (i32, i32) {
    %c0_i32 = arith.constant 0 : i32
    %c0_i32_0 = arith.constant 0 : i32
    %c0_i32_1 = arith.constant 0 : i32
    return %c0_i32, %c0_i32_0 : i32, i32
  }
  func.func @transform_7(%arg0: i32) -> (i32, i32) {
    %c0_i32 = arith.constant 0 : i32
    %c0_i32_0 = arith.constant 0 : i32
    %c0_i32_1 = arith.constant 0 : i32
    return %c0_i32, %c0_i32_0 : i32, i32
  }
  func.func @transform_8(%arg0: i32) -> (i32, i32) {
    %c0_i32 = arith.constant 0 : i32
    %c0_i32_0 = arith.constant 0 : i32
    %c0_i32_1 = arith.constant 0 : i32
    return %c0_i32, %c0_i32_0 : i32, i32
  }
  func.func @transform_9(%arg0: i32) -> (i32, i32) {
    %c0_i32 = arith.constant 0 : i32
    %c0_i32_0 = arith.constant 0 : i32
    %c0_i32_1 = arith.constant 0 : i32
    return %c0_i32, %c0_i32_0 : i32, i32
  }
  func.func @transform_10(%arg0: i32) -> (i32, i32) {
    %c0_i32 = arith.constant 0 : i32
    %c0_i32_0 = arith.constant 0 : i32
    %c0_i32_1 = arith.constant 0 : i32
    return %c0_i32, %c0_i32_0 : i32, i32
  }
  func.func @transform_11(%arg0: i32) -> (i32, i32) {
    %c0_i32 = arith.constant 0 : i32
    %c0_i32_0 = arith.constant 0 : i32
    return %arg0, %c0_i32 : i32, i32
  }
  func.func @transform_12(%arg0: i32) -> (i32, i32) {
    %c0_i32 = arith.constant 0 : i32
    %c0_i32_0 = arith.constant 0 : i32
    return %arg0, %c0_i32 : i32, i32
  }
}

module attributes {stable_mosaic.version = 14 : i64} {
  func.func @_layer1_mlp_body(%arg0: i32, %arg1: memref<1024x128xf32, #tpu.memory_space<vmem>>, %arg2: memref<1024x128xf32, #tpu.memory_space<vmem>>, %arg3: memref<1024x128xf32, #tpu.memory_space<vmem>>, %arg4: memref<1024x128xf32, #tpu.memory_space<vmem>>, %arg5: memref<1024x1xf32, #tpu.memory_space<vmem>>, %arg6: memref<1024x1xf32, #tpu.memory_space<vmem>>, %arg7: memref<128x128xf32, #tpu.memory_space<vmem>>, %arg8: memref<128x128xf32, #tpu.memory_space<vmem>>, %arg9: memref<1x128xf32, #tpu.memory_space<vmem>>, %arg10: memref<128x128xf32, #tpu.memory_space<vmem>>, %arg11: memref<128x128xf32, #tpu.memory_space<vmem>>, %arg12: memref<1x128xf32, #tpu.memory_space<vmem>>, %arg13: memref<128x64xf32, #tpu.memory_space<vmem>>, %arg14: memref<128x64xf32, #tpu.memory_space<vmem>>, %arg15: memref<1x64xf32, #tpu.memory_space<vmem>>, %arg16: memref<1x64xf32, #tpu.memory_space<vmem>>, %arg17: memref<1x64xf32, #tpu.memory_space<vmem>>, %arg18: memref<64x40xf32, #tpu.memory_space<vmem>>, %arg19: memref<1x40xf32, #tpu.memory_space<vmem>>, %arg20: memref<1024x40xf32, #tpu.memory_space<vmem>>) attributes {dimension_semantics = [#tpu.dimension_semantics<parallel>], iteration_bounds = array<i64: 10>, scalar_prefetch = 0 : i64, scratch_operands = 0 : i64, tpu.core_type = #tpu.core_type<tc>, window_params = [{transform_indices = @transform_0, window_bounds = array<i64: 1024, 128>}, {transform_indices = @transform_1, window_bounds = array<i64: 1024, 128>}, {transform_indices = @transform_2, window_bounds = array<i64: 1024, 128>}, {transform_indices = @transform_3, window_bounds = array<i64: 1024, 128>}, {transform_indices = @transform_4, window_bounds = array<i64: 1024, 1>}, {transform_indices = @transform_5, window_bounds = array<i64: 1024, 1>}, {pipeline_mode = #tpu.pipeline_mode<synchronous>, transform_indices = @transform_6, window_bounds = array<i64: 128, 128>}, {pipeline_mode = #tpu.pipeline_mode<synchronous>, transform_indices = @transform_7, window_bounds = array<i64: 128, 128>}, {pipeline_mode = #tpu.pipeline_mode<synchronous>, transform_indices = @transform_8, window_bounds = array<i64: 1, 128>}, {pipeline_mode = #tpu.pipeline_mode<synchronous>, transform_indices = @transform_9, window_bounds = array<i64: 128, 128>}, {pipeline_mode = #tpu.pipeline_mode<synchronous>, transform_indices = @transform_10, window_bounds = array<i64: 128, 128>}, {pipeline_mode = #tpu.pipeline_mode<synchronous>, transform_indices = @transform_11, window_bounds = array<i64: 1, 128>}, {pipeline_mode = #tpu.pipeline_mode<synchronous>, transform_indices = @transform_12, window_bounds = array<i64: 128, 64>}, {pipeline_mode = #tpu.pipeline_mode<synchronous>, transform_indices = @transform_13, window_bounds = array<i64: 128, 64>}, {pipeline_mode = #tpu.pipeline_mode<synchronous>, transform_indices = @transform_14, window_bounds = array<i64: 1, 64>}, {pipeline_mode = #tpu.pipeline_mode<synchronous>, transform_indices = @transform_15, window_bounds = array<i64: 1, 64>}, {pipeline_mode = #tpu.pipeline_mode<synchronous>, transform_indices = @transform_16, window_bounds = array<i64: 1, 64>}, {pipeline_mode = #tpu.pipeline_mode<synchronous>, transform_indices = @transform_17, window_bounds = array<i64: 64, 40>}, {pipeline_mode = #tpu.pipeline_mode<synchronous>, transform_indices = @transform_18, window_bounds = array<i64: 1, 40>}, {transform_indices = @transform_19, window_bounds = array<i64: 1024, 40>}]} {
    %get3A = arith.constant 0 : index
    %get3A_0 = arith.constant 0 : index
    %get3A_1 = vector.load %arg2[%get3A, %get3A_0] : memref<1024x128xf32, #tpu.memory_space<vmem>>, vector<1024x128xf32>
    %get3A_2 = arith.constant 0 : index
    %get3A_3 = arith.constant 0 : index
    %get3A_4 = vector.load %arg5[%get3A_2, %get3A_3] : memref<1024x1xf32, #tpu.memory_space<vmem>>, vector<1024x1xf32>
    %max3A = arith.constant 1.000000e+00 : f32
    %max3A_5 = vector.broadcast %max3A : f32 to vector<1024x1xf32>
    %max3A_6 = arith.maximumf %get3A_4, %max3A_5 : vector<1024x1xf32>
    %div3A = vector.broadcast %max3A_6 : vector<1024x1xf32> to vector<1024x128xf32>
    %div3A_7 = arith.divf %get3A_1, %div3A : vector<1024x128xf32>
    %get3A_8 = arith.constant 0 : index
    %get3A_9 = arith.constant 0 : index
    %get3A_10 = vector.load %arg4[%get3A_8, %get3A_9] : memref<1024x128xf32, #tpu.memory_space<vmem>>, vector<1024x128xf32>
    %get3A_11 = arith.constant 0 : index
    %get3A_12 = arith.constant 0 : index
    %get3A_13 = vector.load %arg6[%get3A_11, %get3A_12] : memref<1024x1xf32, #tpu.memory_space<vmem>>, vector<1024x1xf32>
    %max3A_14 = arith.constant 1.000000e+00 : f32
    %max3A_15 = vector.broadcast %max3A_14 : f32 to vector<1024x1xf32>
    %max3A_16 = arith.maximumf %get3A_13, %max3A_15 : vector<1024x1xf32>
    %div3A_17 = vector.broadcast %max3A_16 : vector<1024x1xf32> to vector<1024x128xf32>
    %div3A_18 = arith.divf %get3A_10, %div3A_17 : vector<1024x128xf32>
    %get3A_19 = arith.constant 0 : index
    %get3A_20 = arith.constant 0 : index
    %get3A_21 = vector.load %arg1[%get3A_19, %get3A_20] : memref<1024x128xf32, #tpu.memory_space<vmem>>, vector<1024x128xf32>
    %get3A_22 = arith.constant 0 : index
    %get3A_23 = arith.constant 0 : index
    %get3A_24 = vector.load %arg7[%get3A_22, %get3A_23] : memref<128x128xf32, #tpu.memory_space<vmem>>, vector<128x128xf32>
    %dot_general3A = arith.constant dense<0.000000e+00> : vector<1024x128xf32>
    %dot_general3A_25 = tpu.matmul %get3A_21, %get3A_24, %dot_general3A {dimension_numbers = #tpu.dot_dimension_numbers<[1], [0], [0], [1], [0, 0, 1, 1], [], []>, transpose_lhs_hint = false} : vector<1024x128xf32>, vector<128x128xf32>, vector<1024x128xf32> -> vector<1024x128xf32>
    %get3A_26 = arith.constant 0 : index
    %get3A_27 = arith.constant 0 : index
    %get3A_28 = vector.load %arg8[%get3A_26, %get3A_27] : memref<128x128xf32, #tpu.memory_space<vmem>>, vector<128x128xf32>
    %dot_general3A_29 = arith.constant dense<0.000000e+00> : vector<1024x128xf32>
    %dot_general3A_30 = tpu.matmul %div3A_7, %get3A_28, %dot_general3A_29 {dimension_numbers = #tpu.dot_dimension_numbers<[1], [0], [0], [1], [0, 0, 1, 1], [], []>, transpose_lhs_hint = false} : vector<1024x128xf32>, vector<128x128xf32>, vector<1024x128xf32> -> vector<1024x128xf32>
    %add3A = arith.addf %dot_general3A_25, %dot_general3A_30 : vector<1024x128xf32>
    %get3A_31 = arith.constant 0 : index
    %get3A_32 = arith.constant 0 : index
    %get3A_33 = vector.load %arg9[%get3A_31, %get3A_32] : memref<1x128xf32, #tpu.memory_space<vmem>>, vector<1x128xf32>
    %add3A_34 = vector.broadcast %get3A_33 : vector<1x128xf32> to vector<1024x128xf32>
    %add3A_35 = arith.addf %add3A, %add3A_34 : vector<1024x128xf32>
    %get3A_36 = arith.constant 0 : index
    %get3A_37 = arith.constant 0 : index
    %get3A_38 = vector.load %arg3[%get3A_36, %get3A_37] : memref<1024x128xf32, #tpu.memory_space<vmem>>, vector<1024x128xf32>
    %get3A_39 = arith.constant 0 : index
    %get3A_40 = arith.constant 0 : index
    %get3A_41 = vector.load %arg10[%get3A_39, %get3A_40] : memref<128x128xf32, #tpu.memory_space<vmem>>, vector<128x128xf32>
    %dot_general3A_42 = arith.constant dense<0.000000e+00> : vector<1024x128xf32>
    %dot_general3A_43 = tpu.matmul %get3A_38, %get3A_41, %dot_general3A_42 {dimension_numbers = #tpu.dot_dimension_numbers<[1], [0], [0], [1], [0, 0, 1, 1], [], []>, transpose_lhs_hint = false} : vector<1024x128xf32>, vector<128x128xf32>, vector<1024x128xf32> -> vector<1024x128xf32>
    %get3A_44 = arith.constant 0 : index
    %get3A_45 = arith.constant 0 : index
    %get3A_46 = vector.load %arg11[%get3A_44, %get3A_45] : memref<128x128xf32, #tpu.memory_space<vmem>>, vector<128x128xf32>
    %dot_general3A_47 = arith.constant dense<0.000000e+00> : vector<1024x128xf32>
    %dot_general3A_48 = tpu.matmul %div3A_18, %get3A_46, %dot_general3A_47 {dimension_numbers = #tpu.dot_dimension_numbers<[1], [0], [0], [1], [0, 0, 1, 1], [], []>, transpose_lhs_hint = false} : vector<1024x128xf32>, vector<128x128xf32>, vector<1024x128xf32> -> vector<1024x128xf32>
    %add3A_49 = arith.addf %dot_general3A_43, %dot_general3A_48 : vector<1024x128xf32>
    %get3A_50 = arith.constant 0 : index
    %get3A_51 = arith.constant 0 : index
    %get3A_52 = vector.load %arg12[%get3A_50, %get3A_51] : memref<1x128xf32, #tpu.memory_space<vmem>>, vector<1x128xf32>
    %add3A_53 = vector.broadcast %get3A_52 : vector<1x128xf32> to vector<1024x128xf32>
    %add3A_54 = arith.addf %add3A_49, %add3A_53 : vector<1024x128xf32>
    %get3A_55 = arith.constant 0 : index
    %get3A_56 = arith.constant 0 : index
    %get3A_57 = vector.load %arg13[%get3A_55, %get3A_56] : memref<128x64xf32, #tpu.memory_space<vmem>>, vector<128x64xf32>
    %dot_general3A_58 = arith.constant dense<0.000000e+00> : vector<1024x64xf32>
    %dot_general3A_59 = tpu.matmul %add3A_35, %get3A_57, %dot_general3A_58 {dimension_numbers = #tpu.dot_dimension_numbers<[1], [0], [0], [1], [0, 0, 1, 1], [], []>, transpose_lhs_hint = false} : vector<1024x128xf32>, vector<128x64xf32>, vector<1024x64xf32> -> vector<1024x64xf32>
    %get3A_60 = arith.constant 0 : index
    %get3A_61 = arith.constant 0 : index
    %get3A_62 = vector.load %arg14[%get3A_60, %get3A_61] : memref<128x64xf32, #tpu.memory_space<vmem>>, vector<128x64xf32>
    %dot_general3A_63 = arith.constant dense<0.000000e+00> : vector<1024x64xf32>
    %dot_general3A_64 = tpu.matmul %add3A_54, %get3A_62, %dot_general3A_63 {dimension_numbers = #tpu.dot_dimension_numbers<[1], [0], [0], [1], [0, 0, 1, 1], [], []>, transpose_lhs_hint = false} : vector<1024x128xf32>, vector<128x64xf32>, vector<1024x64xf32> -> vector<1024x64xf32>
    %add3A_65 = arith.addf %dot_general3A_59, %dot_general3A_64 : vector<1024x64xf32>
    %get3A_66 = arith.constant 0 : index
    %get3A_67 = arith.constant 0 : index
    %get3A_68 = vector.load %arg15[%get3A_66, %get3A_67] : memref<1x64xf32, #tpu.memory_space<vmem>>, vector<1x64xf32>
    %add3A_69 = vector.broadcast %get3A_68 : vector<1x64xf32> to vector<1024x64xf32>
    %add3A_70 = arith.addf %add3A_65, %add3A_69 : vector<1024x64xf32>
    %get3A_71 = arith.constant 0 : index
    %get3A_72 = arith.constant 0 : index
    %get3A_73 = vector.load %arg16[%get3A_71, %get3A_72] : memref<1x64xf32, #tpu.memory_space<vmem>>, vector<1x64xf32>
    %mul3A = vector.broadcast %get3A_73 : vector<1x64xf32> to vector<1024x64xf32>
    %mul3A_74 = arith.mulf %add3A_70, %mul3A : vector<1024x64xf32>
    %get3A_75 = arith.constant 0 : index
    %get3A_76 = arith.constant 0 : index
    %get3A_77 = vector.load %arg17[%get3A_75, %get3A_76] : memref<1x64xf32, #tpu.memory_space<vmem>>, vector<1x64xf32>
    %add3A_78 = vector.broadcast %get3A_77 : vector<1x64xf32> to vector<1024x64xf32>
    %add3A_79 = arith.addf %mul3A_74, %add3A_78 : vector<1024x64xf32>
    %max3A_80 = arith.constant 0.000000e+00 : f32
    %max3A_81 = vector.broadcast %max3A_80 : f32 to vector<1024x64xf32>
    %max3A_82 = arith.maximumf %add3A_79, %max3A_81 : vector<1024x64xf32>
    %get3A_83 = arith.constant 0 : index
    %get3A_84 = arith.constant 0 : index
    %get3A_85 = vector.load %arg18[%get3A_83, %get3A_84] : memref<64x40xf32, #tpu.memory_space<vmem>>, vector<64x40xf32>
    %dot_general3A_86 = arith.constant dense<0.000000e+00> : vector<1024x40xf32>
    %dot_general3A_87 = tpu.matmul %max3A_82, %get3A_85, %dot_general3A_86 {dimension_numbers = #tpu.dot_dimension_numbers<[1], [0], [0], [1], [0, 0, 1, 1], [], []>, transpose_lhs_hint = false} : vector<1024x64xf32>, vector<64x40xf32>, vector<1024x40xf32> -> vector<1024x40xf32>
    %get3A_88 = arith.constant 0 : index
    %get3A_89 = arith.constant 0 : index
    %get3A_90 = vector.load %arg19[%get3A_88, %get3A_89] : memref<1x40xf32, #tpu.memory_space<vmem>>, vector<1x40xf32>
    %add3A_91 = vector.broadcast %get3A_90 : vector<1x40xf32> to vector<1024x40xf32>
    %add3A_92 = arith.addf %dot_general3A_87, %add3A_91 : vector<1024x40xf32>
    %swap3A = arith.constant 0 : index
    %swap3A_93 = arith.constant 0 : index
    %swap3A_94 = vector.load %arg20[%swap3A, %swap3A_93] : memref<1024x40xf32, #tpu.memory_space<vmem>>, vector<1024x40xf32>
    tpu.vector_store %arg20[%swap3A, %swap3A_93], %add3A_92 {strides = array<i32>} : memref<1024x40xf32, #tpu.memory_space<vmem>>, vector<1024x40xf32>,
    return
  }
  func.func @transform_0(%arg0: i32) -> (i32, i32) {
    %c0_i32 = arith.constant 0 : i32
    %c0_i32_0 = arith.constant 0 : i32
    return %arg0, %c0_i32 : i32, i32
  }
  func.func @transform_1(%arg0: i32) -> (i32, i32) {
    %c0_i32 = arith.constant 0 : i32
    %c0_i32_0 = arith.constant 0 : i32
    return %arg0, %c0_i32 : i32, i32
  }
  func.func @transform_2(%arg0: i32) -> (i32, i32) {
    %c0_i32 = arith.constant 0 : i32
    %c0_i32_0 = arith.constant 0 : i32
    return %arg0, %c0_i32 : i32, i32
  }
  func.func @transform_3(%arg0: i32) -> (i32, i32) {
    %c0_i32 = arith.constant 0 : i32
    %c0_i32_0 = arith.constant 0 : i32
    return %arg0, %c0_i32 : i32, i32
  }
  func.func @transform_4(%arg0: i32) -> (i32, i32) {
    %c0_i32 = arith.constant 0 : i32
    %c0_i32_0 = arith.constant 0 : i32
    return %arg0, %c0_i32 : i32, i32
  }
  func.func @transform_5(%arg0: i32) -> (i32, i32) {
    %c0_i32 = arith.constant 0 : i32
    %c0_i32_0 = arith.constant 0 : i32
    return %arg0, %c0_i32 : i32, i32
  }
  func.func @transform_6(%arg0: i32) -> (i32, i32) {
    %c0_i32 = arith.constant 0 : i32
    %c0_i32_0 = arith.constant 0 : i32
    %c0_i32_1 = arith.constant 0 : i32
    return %c0_i32, %c0_i32_0 : i32, i32
  }
  func.func @transform_7(%arg0: i32) -> (i32, i32) {
    %c0_i32 = arith.constant 0 : i32
    %c0_i32_0 = arith.constant 0 : i32
    %c0_i32_1 = arith.constant 0 : i32
    return %c0_i32, %c0_i32_0 : i32, i32
  }
  func.func @transform_8(%arg0: i32) -> (i32, i32) {
    %c0_i32 = arith.constant 0 : i32
    %c0_i32_0 = arith.constant 0 : i32
    %c0_i32_1 = arith.constant 0 : i32
    return %c0_i32, %c0_i32_0 : i32, i32
  }
  func.func @transform_9(%arg0: i32) -> (i32, i32) {
    %c0_i32 = arith.constant 0 : i32
    %c0_i32_0 = arith.constant 0 : i32
    %c0_i32_1 = arith.constant 0 : i32
    return %c0_i32, %c0_i32_0 : i32, i32
  }
  func.func @transform_10(%arg0: i32) -> (i32, i32) {
    %c0_i32 = arith.constant 0 : i32
    %c0_i32_0 = arith.constant 0 : i32
    %c0_i32_1 = arith.constant 0 : i32
    return %c0_i32, %c0_i32_0 : i32, i32
  }
  func.func @transform_11(%arg0: i32) -> (i32, i32) {
    %c0_i32 = arith.constant 0 : i32
    %c0_i32_0 = arith.constant 0 : i32
    %c0_i32_1 = arith.constant 0 : i32
    return %c0_i32, %c0_i32_0 : i32, i32
  }
  func.func @transform_12(%arg0: i32) -> (i32, i32) {
    %c0_i32 = arith.constant 0 : i32
    %c0_i32_0 = arith.constant 0 : i32
    %c0_i32_1 = arith.constant 0 : i32
    return %c0_i32, %c0_i32_0 : i32, i32
  }
  func.func @transform_13(%arg0: i32) -> (i32, i32) {
    %c0_i32 = arith.constant 0 : i32
    %c0_i32_0 = arith.constant 0 : i32
    %c0_i32_1 = arith.constant 0 : i32
    return %c0_i32, %c0_i32_0 : i32, i32
  }
  func.func @transform_14(%arg0: i32) -> (i32, i32) {
    %c0_i32 = arith.constant 0 : i32
    %c0_i32_0 = arith.constant 0 : i32
    %c0_i32_1 = arith.constant 0 : i32
    return %c0_i32, %c0_i32_0 : i32, i32
  }
  func.func @transform_15(%arg0: i32) -> (i32, i32) {
    %c0_i32 = arith.constant 0 : i32
    %c0_i32_0 = arith.constant 0 : i32
    %c0_i32_1 = arith.constant 0 : i32
    return %c0_i32, %c0_i32_0 : i32, i32
  }
  func.func @transform_16(%arg0: i32) -> (i32, i32) {
    %c0_i32 = arith.constant 0 : i32
    %c0_i32_0 = arith.constant 0 : i32
    %c0_i32_1 = arith.constant 0 : i32
    return %c0_i32, %c0_i32_0 : i32, i32
  }
  func.func @transform_17(%arg0: i32) -> (i32, i32) {
    %c0_i32 = arith.constant 0 : i32
    %c0_i32_0 = arith.constant 0 : i32
    %c0_i32_1 = arith.constant 0 : i32
    return %c0_i32, %c0_i32_0 : i32, i32
  }
  func.func @transform_18(%arg0: i32) -> (i32, i32) {
    %c0_i32 = arith.constant 0 : i32
    %c0_i32_0 = arith.constant 0 : i32
    %c0_i32_1 = arith.constant 0 : i32
    return %c0_i32, %c0_i32_0 : i32, i32
  }
  func.func @transform_19(%arg0: i32) -> (i32, i32) {
    %c0_i32 = arith.constant 0 : i32
    %c0_i32_0 = arith.constant 0 : i32
    return %arg0, %c0_i32 : i32, i32
  }
}

</mosaic_0001>

<sc_bundles>
// kernel: kernel.6.cloned.1.call-start
scs
__scs_entry_jumppad:
0x0: {  	(pc) =	sbr.rel $0x88, $3  }
0x1: {  	(tag) =	ssettag $0x0;
	lr =	simm.s32 $0x1  }
0x2: {  	[smem:$0x3F8C] =	sst lr;
	_ =	strace $0xD0000000  }
0x3: {  	_ = 	snop  }
0x4: {  	_ = 	snop  }
0x5: {  	_ = 	snop  }
0x6: {  	_ = 	snop  }
0x7: {  	_ = 	snop  }
__scs_overlays_trampoline_lowered:
0x8: {  	[smem:$0x3F9B] =	sst s0  }
0x9: {  	[smem:$0x3F9C] =	sst s1  }
0xa: {  	[smem:$0x3F9D] =	sst s2  }
0xb: {  	[smem:$0x3F9E] =	sst s3  }
0xc: {  	[smem:$0x3F9F] =	sst s4  }
0xd: {  	[smem:$0x3FA0] =	sst s5  }
0xe: {  	[smem:$0x3FA1] =	sst s6  }
0xf: {  	[smem:$0x3FA2] =	sst s7  }
0x10: {  	[smem:$0x3FA3] =	sst s8  }
0x11: {  	[smem:$0x3FA4] =	sst s9;
	s0 =	simm.s32 @!p0 $0x0  }
0x12: {  	s1 =	sld [smem:$0x3F8A];
	s0 =	simm.s32 @p0 $0x1  }
0x13: {  	[smem:$0x3FA5] =	sst s0;
	s0 =	simm.s32 @!p1 $0x0  }
0x14: {  	s2 =	sld [smem:$0x3F89];
	s0 =	simm.s32 @p1 $0x1  }
0x15: {  	[smem:$0x3FA6] =	sst s0;
	s0 =	simm.s32 @!p2 $0x0  }
0x16: {  	s3 =	sld [smem:$0x3FDB];
	s0 =	simm.s32 @p2 $0x1  }
0x17: {  	s4 =	simm.s32 $0x1BF5;
	[smem:$0x3FA8] =	sst s0  }
0x18: {  	s0 =	sld [smem:$0x3F8B];
	_ =	swait.ge [sflag:s4], $0x0  }
0x19: {  	s7 =	sld [smem:$0x3F8C]  }
0x1a: {  	s8 =	sadd.s32 $0xFFFFE003, lr  }
0x1b: {  	s9 =	sadd.s32 $0xFFFFFEF7, lr;
	s5 =	simm.s32 $0xFFFFFFFF;
	p2 =	slt.u32 s8, $0xFFFFF086  }
0x1c: {  	p1 =	slt.u32 s9, $0xF7A;
	s5 =	simm.s32 @!p2 $0x0  }
0x1d: {  	s5 =	simm.s32 @p1 $0x1;
	p0 =	seq.s32 s7, s2  }
0x1e: {  	s7 =	smul.u32 @!p0 $0xF7A, s2;
	p2 =	seq.s32 @!p0 s5, $0x0  }
0x1f: {  	s9 =	smul.u32 $0xF7A, s1;
	s8 =	simm.s32 @!p0 $0x1BF5;
	p2 =	por !p2, p0  }
0x20: {  	[sflag:s8] =	ssyncset.s32 @!p0 $0xFFFFF086;
	s6 =	sadd.s32 @!p0 s3, s7;
	s7 =	simm.s32 @!p0 $0x108  }
0x21: {  	s3 =	sadd.s32 s3, s9;
	s6 =	sadd.s32 @!p0 $0x88, s6;
	s7 =	simm.s32 @p2 $0x1082  }
0x22: {  	[simem:s7], [sflag:s8] =	dma.local @!p0 [hbm:s6], $0xF7A  }
0x23: {  	s9 =	sor.u32 $0xD0000000, s2;
	s6 =	simm.s32 $0x108;
	_ =	swait.ge @!p0 [sflag:s8], $0x0  }
0x24: {  	s3 =	sadd.s32 $0x88, s3;
	s6 =	simm.s32 @!p1 $0x1082;
	[sflag:s4] =	ssyncset.s32 $0xFFFFF086  }
0x25: {  	[simem:s6], [sflag:s4] =	dma.local [hbm:s3], $0xF7A  }
0x26: {  	[smem:$0x3F8C] =	sst s1;
	(tag) =	ssettag s2;
	_ =	strace s9  }
0x27: {  	s1 =	sld [smem:$0x3F9C]  }
0x28: {  	s2 =	sld [smem:$0x3F9D]  }
0x29: {  	s4 =	sld [smem:$0x3F9F]  }
0x2a: {  	p0 =	seq.s32 s5, $0x0;
	s5 =	sld [smem:$0x3FA0]  }
0x2b: {  	s6 =	sld [smem:$0x3FA1]  }
0x2c: {  	s7 =	sld [smem:$0x3FA2]  }
0x2d: {  	s3 =	simm.s32 $0x108;
	s8 =	sld [smem:$0x3FA3]  }
0x2e: {  	s3 =	simm.s32 @!p0 $0x1082;
	s9 =	sld [smem:$0x3FA4]  }
0x2f: {  	lr =	sadd.s32 s0, s3;
	s0 =	sld [smem:$0x3F9B]  }
0x30: {  	s3 =	sld [smem:$0x3F9E]  }
0x31: {  	[smem:$0x3FA7] =	sst s10  }
0x32: {  	s10 =	sld [smem:$0x3FA5];
	_ =	sdelay $0x3  }
0x33: {  	p0 =	seq.s32 s10, $0x1;
	s10 =	sld [smem:$0x3FA7];
	_ =	sdelay $0x3  }
0x34: {  	[smem:$0x3FA7] =	sst s10  }
0x35: {  	s10 =	sld [smem:$0x3FA6];
	_ =	sdelay $0x3  }
0x36: {  	p1 =	seq.s32 s10, $0x1;
	s10 =	sld [smem:$0x3FA7];
	_ =	sdelay $0x3  }
0x37: {  	[smem:$0x3FA7] =	sst s10  }
0x38: {  	s10 =	sld [smem:$0x3FA8]  }
0x39: {  	_ = 	snop;
	(pc) =	sbr.ind lr, $3  }
0x3a: {  	_ = 	snop  }
0x3b: {  	_ = 	snop  }
0x3c: {  	p2 =	seq.s32 s10, $0x1;
	s10 =	sld [smem:$0x3FA7]  }
0x3d: {  	_ =	shalt  }
0x3e: {  	_ =	shalt  }
0x3f: {  	_ =	shalt  }
0x40: {  	_ =	shalt  }
0x41: {  	_ =	shalt  }
0x42: {  	_ =	shalt  }
0x43: {  	_ =	shalt  }
0x44: {  	_ =	shalt  }
0x45: {  	_ =	shalt  }
0x46: {  	_ =	shalt  }
0x47: {  	_ =	shalt  }
0x48: {  	_ =	shalt  }
0x49: {  	_ =	shalt  }
0x4a: {  	_ =	shalt  }
0x4b: {  	_ =	shalt  }
0x4c: {  	_ =	shalt  }
0x4d: {  	_ =	shalt  }
0x4e: {  	_ =	shalt  }
0x4f: {  	_ =	shalt  }
0x50: {  	_ =	shalt  }
0x51: {  	_ =	shalt  }
0x52: {  	_ =	shalt  }
0x53: {  	_ =	shalt  }
0x54: {  	_ =	shalt  }
0x55: {  	_ =	shalt  }
0x56: {  	_ =	shalt  }
0x57: {  	_ =	shalt  }
0x58: {  	_ =	shalt  }
0x59: {  	_ =	shalt  }
0x5a: {  	_ =	shalt  }
0x5b: {  	_ =	shalt  }
0x5c: {  	_ =	shalt  }
0x5d: {  	_ =	shalt  }
0x5e: {  	_ =	shalt  }
0x5f: {  	_ =	shalt  }
0x60: {  	_ =	shalt  }
0x61: {  	_ =	shalt  }
0x62: {  	_ =	shalt  }
0x63: {  	_ =	shalt  }
0x64: {  	_ =	shalt  }
0x65: {  	_ =	shalt  }
0x66: {  	_ =	shalt  }
0x67: {  	_ =	shalt  }
0x68: {  	_ =	shalt  }
0x69: {  	_ =	shalt  }
0x6a: {  	_ =	shalt  }
0x6b: {  	_ =	shalt  }
0x6c: {  	_ =	shalt  }
0x6d: {  	_ =	shalt  }
0x6e: {  	_ =	shalt  }
0x6f: {  	_ =	shalt  }
0x70: {  	_ =	shalt  }
0x71: {  	_ =	shalt  }
0x72: {  	_ =	shalt  }
0x73: {  	_ =	shalt  }
0x74: {  	_ =	shalt  }
0x75: {  	_ =	shalt  }
0x76: {  	_ =	shalt  }
0x77: {  	_ =	shalt  }
0x78: {  	_ =	shalt  }
0x79: {  	_ =	shalt  }
0x7a: {  	_ =	shalt  }
0x7b: {  	_ =	shalt  }
0x7c: {  	_ =	shalt  }
0x7d: {  	_ =	shalt  }
0x7e: {  	_ =	shalt  }
0x7f: {  	_ =	shalt  }
0x80: {  	_ =	shalt  }
0x81: {  	_ =	shalt  }
0x82: {  	_ =	shalt  }
0x83: {  	_ =	shalt  }
0x84: {  	_ =	shalt  }
0x85: {  	_ =	shalt  }
0x86: {  	_ =	shalt  }
0x87: {  	_ =	shalt  }
.Lfunc_end0:
.L_simem_size_0:
called_computation_lowered:
.L_overlay_start_0:
0x88: {  	s2 =	sld [smem:$0x3FD9]  }
0x89: {  	s3 =	sld [smem:$0x3FFE];
	_ =	sdelay $0x1  }
0x8a: {  	s1 =	srdreg.scid  }
0x8b: {  	s0 =	sand.u32 $0x1, s1  }
0x8c: {  	s17 =	sshll.u32 s0, $0xA;
	s2 =	sadd.s32 s3, s2  }
0x8d: {  	s2 =	sadd.s32 s2, s17  }
0x8e: {  	[smem:$0x3FB3] =	sst s2  }
0x8f: {  	_ = 	snop  }
0x90: {  	s2 =	sld [smem:$0x3FD0];
	(tm) =	ssettm $0x1  }
0x91: {  	s18 =	sld [smem:$0x3FFB];
	_ =	sdelay $0x3  }
0x92: {  	_ =	strace s18  }
0x93: {  	s3 =	sld [smem:$0x3FFC];
	_ =	sdelay $0x3  }
0x94: {  	_ =	strace s3  }
0x95: {  	s3 =	sld [smem:$0x3FFD];
	_ =	sdelay $0x3  }
0x96: {  	_ =	strace s3  }
0x97: {  	_ =	strace $0x8FFFFFFF  }
0x98: {  	s19 =	sld [smem:$0x3FDB];
	_ =	sdelay $0x1  }
0x99: {  	s4 =	simm.s32 $_scs_section_size  }
0x9a: {  	s5 =	simm.s32 $_size__tile_overlayer_lowered;
	s6 =	simm.s32 $_tile_overlayer_lowered  }
0x9b: {  	s22 =	simm.s32 $0x1BFF;
	s21 =	sshll.u32 s6, $0x1;
	s3 =	sadd.s32 s4, s19  }
0x9c: {  	s7 =	simm.s32 $0x0;
	s20 =	sshll.u32 s5, $0x1;
	s5 =	sadd.s32 s21, s3  }
0x9d: {  	[timem:s7], [sflag:s22] =	dma.local [hbm:s5], s20  }
0x9e: {  	_ =	swait.ge [sflag:s22], s20  }
0x9f: {  	s4 =	ssub.s32 $0x0, s20;
	[sflag:s22] =	ssyncset.done $0x0  }
0xa0: {  	[sflag:s22] =	ssyncadd.s32 s4;
	_ =	sdelay $0x1  }
0xa1: {  	s23 =	simm.s32 $0x1B8B  }
0xa2: {  	_ =	swait.ge [sflag:s23], $0x1  }
0xa3: {  	[sflag:s23] =	ssyncset.done $0x0  }
0xa4: {  	s25 =	simm.s32 $0x1B8E;
	s24 =	sld [smem:$0x3FFE];
	[sflag:s23] =	ssyncadd.s32 $0xFFFFFFFF  }
0xa5: {  	s26 =	simm.s32 $execute0_lowered;
	[smem:$0x3FD2] =	sst s25  }
0xa6: {  	s5 =	sshll.u32 s26, $0x1;
	_ =	strace $0x80000046;
	[dreg:$0x1] =	wrdreg $0xFFFFFFFF  }
0xa7: {  	s28 =	simm.s32 $_size_execute0_lowered;
	s3 =	sadd.s32 s3, s5;
	[dreg:$0x0] =	wrdreg $0x0  }
0xa8: {  	s5 =	sshll.u32 s28, $0x1;
	[dreg:$0x2] =	wrdreg s3  }
0xa9: {  	[dreg:$0x3] =	wrdreg s5  }
0xaa: {  	[dreg:$0x4] =	wrdreg $0xC0  }
0xab: {  	_ =	task [dreg:s7], $0x5FFFF  }
0xac: {  	[dreg:$0x1] =	wrdreg $0xFFFFFFFF  }
0xad: {  	[dreg:$0x0] =	wrdreg $0x60  }
0xae: {  	[dreg:$0x2] =	wrdreg s24  }
0xaf: {  	[dreg:$0x3] =	wrdreg s2  }
0xb0: {  	[dreg:$0x4] =	wrdreg $0xA7000  }
0xb1: {  	[dreg:$0x5] =	wrdreg $0x1E7000  }
0xb2: {  	[dreg:$0x6] =	wrdreg $0x9  }
0xb3: {  	_ =	task.clear_ibuf [dreg:s7], $0x7FFFF;
	_ =	strace $0x90000046  }
0xb4: {  	s29 =	simm.s32 $0x9;
	_ =	strace $0x80000048  }
0xb5: {  	_ =	swait.ge [sflag:s29], $0x1  }
0xb6: {  	[sflag:s29] =	ssyncadd.s32 $0xFFFFFFFF  }
0xb7: {  	_ =	strace $0x90000048  }
0xb8: {  	_ =	sfence  }
0xb9: {  	s30 =	sld [smem:$0x0];
	_ =	sdelay $0x2  }
0xba: {  	s31 =	sshll.u32 s1, $0xD;
	s1 =	sshrl.u32 s1, $0x2  }
0xbb: {  	s3 =	sand.u32 $0x4000, s31;
	s1 =	sadd.s32 s1, s30  }
0xbc: {  	s0 =	sor.u32 s3, s0;
	s1 =	sshll.u32 s1, $0x11  }
0xbd: {  	s0 =	sor.u32 s1, s0  }
0xbe: {  	s0 =	sadd.s32 $0x8F2B, s0  }
0xbf: {  	[sflag:s0] =	ssyncadd.remote.s32 $0x1  }
0xc0: {  	_ =	sfence.sel $0xFFFF  }
0xc1: {  	[dreg:$0x0] =	wrdreg $0xFFFFFFFF;
	(pc) =	sbr.abs _section_cstart, $3  }
0xc2: {  	[dreg:$0x1] =	wrdreg $0xFFFFFFFF  }
0xc3: {  	_ =	task.clear_ibuf [dreg:s7], $0x2FFFF;
	_ =	strace $0x9FFFFFFF  }
0xc4: {  	(tm) =	ssettm $0x7FFFFFFF  }
0xc5: {  	_ =	shalt  }
tec
execute0_lowered:
.L_overlay_start_1:
0x0: {  	(tag) =	ssettag $0x1  }
0x1: {  	s0 =	rddreg [dreg:$0x0]  }
0x2: {  	s2 =	rddreg [dreg:$0x2]  }
0x3: {  	s3 =	rddreg [dreg:$0x3];
	s4 =	simm.s32 $0x0;
	s19 =	stileid.u32  }
0x4: {  	s1 =	srdreg.scid;
	[smem:$0x7FF] =	sst s4  }
0x5: {  	s6 =	sadd.s32 $0x44A00, s0;
	s7 =	sadd.s32 $0x4A00, s0;
	s8 =	sadd.s32 $0x14A00, s0  }
0x6: {  	s9 =	sadd.s32 $0x24A00, s0;
	s10 =	sadd.s32 $0x34A00, s0;
	s5 =	smul.u32 $0x280, s19  }
0x7: {  	s11 =	sadd.s32 $0x6D000, s0;
	s1 =	sand.u32 $0x1, s1;
	s16 =	smul.u32 $0x50000, s19  }
0x8: {  	s12 =	sadd.s32 $0x95000, s0;
	_ =	strace $0x80000047;
	[dreg:$0x5] =	wrdreg s11  }
0x9: {  	s0 =	sadd.s32 $0x6CA00, s0;
	[dreg:$0x6] =	wrdreg s12;
	s17 =	ssub.s32 $0x2, s1  }
0xa: {  	[dreg:$0x7] =	wrdreg s0;
	p0 =	sne.s32 s1, $0x0;
	s18 =	sshrl.u32 s17, $0x1  }
0xb: {  	s11 =	sshrl.u32 s16, $0x2;
	s13 =	sor.u32 $0x50, s5;
	s21 =	sadd.s32 $0xA0, s5  }
0xc: {  	s22 =	sadd.s32 $0xF0, s5;
	s25 =	sadd.s32 $0x190, s5;
	s11 =	sadd.s32 s11, s2  }
0xd: {  	s20 =	sshll.u32 s13, $0x7;
	s13 =	sshll.u32 s13, $0x4;
	[dreg:$0x8] =	wrdreg s11  }
0xe: {  	s16 =	sadd.s32 $0x140, s5;
	s1 =	sshll.u32 s25, $0x4;
	[dreg:$0x10] =	wrdreg s13  }
0xf: {  	s14 =	sshll.u32 s21, $0x7;
	s11 =	sadd.s32 s20, s2;
	[dreg:$0x14] =	wrdreg s1  }
0x10: {  	s15 =	sshll.u32 s22, $0x7;
	s14 =	sadd.s32 s14, s2;
	[dreg:$0x9] =	wrdreg s11  }
0x11: {  	s29 =	sadd.s32 $0x1E0, s5;
	s23 =	sadd.s32 s15, s2;
	[dreg:$0xa] =	wrdreg s14  }
0x12: {  	s0 =	ssub.s32 s17, s18;
	s13 =	sshll.u32 s22, $0x4;
	[dreg:$0xb] =	wrdreg s23  }
0x13: {  	s24 =	sshll.u32 s16, $0x7;
	s20 =	sshrl.u32 s5, $0x3;
	[dreg:$0x12] =	wrdreg s13  }
0x14: {  	s17 =	sadd.s32 $0x230, s5;
	s0 =	smax.u32 s0, $0x1;
	[dreg:$0x18] =	wrdreg s20  }
0x15: {  	s30 =	sshll.u32 s29, $0x7;
	s14 =	sadd.s32 s24, s2;
	[smem:$0x7FC] =	sst s0  }
0x16: {  	s18 =	sshll.u32 s17, $0x7;
	s11 =	sshll.u32 s21, $0x4;
	[dreg:$0xc] =	wrdreg s14  }
0x17: {  	s26 =	sadd.s32 s18, s2;
	s18 =	sshll.u32 s17, $0x4;
	[dreg:$0x11] =	wrdreg s11  }
0x18: {  	s24 =	sadd.s32 s30, s2;
	[dreg:$0x16] =	wrdreg s18  }
0x19: {  	[dreg:$0xe] =	wrdreg s24  }
0x1a: {  	s28 =	sshll.u32 s25, $0x7;
	s17 =	sadd.s32 s5, s3;
	[dreg:$0xf] =	wrdreg s26  }
0x1b: {  	s21 =	sshll.u32 s19, $0xC;
	s14 =	sadd.s32 s28, s2;
	[dreg:$0x17] =	wrdreg s17  }
0x1c: {  	s22 =	sadd.s32 s9, s21;
	[dreg:$0xd] =	wrdreg s14  }
0x1d: {  	s23 =	sadd.s32 s10, s21;
	[dreg:$0x19] =	wrdreg s22  }
0x1e: {  	s30 =	sadd.s32 s7, s21;
	[dreg:$0x1a] =	wrdreg s23  }
0x1f: {  	s1 =	sadd.s32 s8, s21;
	[dreg:$0x1b] =	wrdreg s30  }
0x20: {  	s14 =	sshll.u32 s16, $0x4;
	[dreg:$0x1c] =	wrdreg s1  }
0x21: {  	s25 =	sor.u32 $0x10, s21;
	s16 =	sshll.u32 s29, $0x4;
	[dreg:$0x13] =	wrdreg s14  }
0x22: {  	s31 =	simm.s32 $0xA680;
	s13 =	sadd.s32 s9, s25;
	[dreg:$0x15] =	wrdreg s16  }
0x23: {  	s28 =	sor.u32 $0x20, s21;
	s15 =	sadd.s32 s7, s25;
	[dreg:$0x1d] =	wrdreg s13  }
0x24: {  	s12 =	simm.s32 $0x1;
	s18 =	sadd.s32 s9, s28;
	[dreg:$0x1f] =	wrdreg s15  }
0x25: {  	s5 =	simm.s32 $0xA400;
	s20 =	sadd.s32 s10, s28;
	[smem:$0x7F4] =	sst s18  }
0x26: {  	s29 =	sor.u32 $0x30, s21;
	s21 =	sadd.s32 s7, s28;
	[smem:$0x7F5] =	sst s20  }
0x27: {  	s0 =	simm.s32 $0xD;
	s22 =	sadd.s32 s8, s28;
	[smem:$0x7F6] =	sst s21  }
0x28: {  	s11 =	sshll.u32 s19, $0xF;
	s14 =	sadd.s32 s10, s25;
	[smem:$0x7F7] =	sst s22  }
0x29: {  	s30 =	smul.u32 $0x2800, s19;
	s16 =	sadd.s32 s8, s25;
	[dreg:$0x1e] =	wrdreg s14  }
0x2a: {  	s19 =	simm.s32 $0xA;
	s23 =	sadd.s32 s9, s29;
	[smem:$0x7F3] =	sst s16  }
0x2b: {  	s25 =	sadd.s32 s10, s29;
	s28 =	sadd.s32 s7, s29;
	[smem:$0x7F8] =	sst s23  }
.Ltmp0:
0x2c: {  	s29 =	sadd.s32 s8, s29;
	[smem:$0x7F9] =	sst s25;
	(pc) =	sbr.rel .LBB2_1-.Ltmp0, $4  }
0x2d: {  	s22 =	simm.s32 $0x200;
	s13 =	simm.s32 $0x2;
	[smem:$0x7FA] =	sst s28  }
0x2e: {  	s15 =	simm.s32 $0x9;
	s18 =	simm.s32 $0x6;
	[smem:$0x7FB] =	sst s29  }
0x2f: {  	s20 =	simm.s32 $0x4;
	s21 =	simm.s32 $0x0;
	[smem:$0x7FD] =	sst s30  }
0x30: {  	v0 =	vimm.f32 $0.0e+00;
	v1 =	vimm.f32 $1.000000000e+00;
	s23 =	simm.s32 $0x50;
	s14 =	simm.s32 $0x5;
	s16 =	simm.s32 $0x3  }
.LBB2_10:
0x31: {  	s29 =	rddreg [dreg:$0x6]  }
0x32: {  	s22 =	rddreg [dreg:$0x7]  }
0x33: {  	s21 =	sld [smem:$0x7F2]  }
.LBB2_11:
0x34: {  	_ =	swait.ge [sflag:s18], $0x2800  }
0x35: {  	[sflag:s18] =	ssyncset.done $0x0  }
0x36: {  	[sflag:s18] =	ssyncadd.s32 $0xFFFFD800  }
0x37: {  	_ =	swait.ge [sflag:s19], $0x50  }
0x38: {  	[sflag:s19] =	ssyncset.done $0x0  }
0x39: {  	s1 =	sld [smem:$0x7FD];
	[sflag:s19] =	ssyncadd.s32 $0xFFFFFFB0  }
0x3a: {  	s5 =	stileid.u32;
	[bflag:$0x0] =	sbarrier.arrive $0xFFFF  }
0x3b: {  	s5 =	sshll.u32 s5, $0x6;
	s24 =	rddreg [dreg:$0x8]  }
0x3c: {  	s17 =	sor.u32 $0x1C01, s5;
	s1 =	sadd.s32 s29, s1;
	s24 =	sshrl.u32 s24, $0x3  }
0x3d: {  	[hbm:s1], [sflag:s17] =	dma.local [spmem:s24], $0x500  }
0x3e: {  	s1 =	rddreg [dreg:$0x10]  }
0x3f: {  	s26 =	rddreg [dreg:$0x9]  }
0x40: {  	s25 =	sor.u32 $0x1C02, s5;
	s1 =	sadd.s32 s29, s1;
	s26 =	sshrl.u32 s26, $0x3  }
0x41: {  	[hbm:s1], [sflag:s25] =	dma.local [spmem:s26], $0x500  }
0x42: {  	s1 =	rddreg [dreg:$0x11]  }
0x43: {  	s28 =	rddreg [dreg:$0xa]  }
0x44: {  	s30 =	sor.u32 $0x1C03, s5;
	s1 =	sadd.s32 s29, s1;
	s28 =	sshrl.u32 s28, $0x3  }
0x45: {  	[hbm:s1], [sflag:s30] =	dma.local [spmem:s28], $0x500  }
0x46: {  	s1 =	rddreg [dreg:$0x12]  }
0x47: {  	s28 =	rddreg [dreg:$0xb]  }
0x48: {  	s5 =	sor.u32 $0x1C04, s5;
	s1 =	sadd.s32 s29, s1;
	s28 =	sshrl.u32 s28, $0x3  }
0x49: {  	[hbm:s1], [sflag:s5] =	dma.local [spmem:s28], $0x500  }
0x4a: {  	s1 =	rddreg [dreg:$0x13]  }
0x4b: {  	s28 =	rddreg [dreg:$0xc]  }
0x4c: {  	s1 =	sadd.s32 s29, s1;
	s28 =	sshrl.u32 s28, $0x3  }
0x4d: {  	[hbm:s1], [sflag:s17] =	dma.local [spmem:s28], $0x500  }
0x4e: {  	s1 =	rddreg [dreg:$0x14]  }
0x4f: {  	s17 =	rddreg [dreg:$0xd]  }
0x50: {  	s1 =	sadd.s32 s29, s1;
	s17 =	sshrl.u32 s17, $0x3  }
0x51: {  	[hbm:s1], [sflag:s25] =	dma.local [spmem:s17], $0x500  }
0x52: {  	s1 =	rddreg [dreg:$0x15]  }
0x53: {  	s24 =	rddreg [dreg:$0xe]  }
0x54: {  	s1 =	sadd.s32 s29, s1;
	s25 =	sshrl.u32 s24, $0x3  }
0x55: {  	[hbm:s1], [sflag:s30] =	dma.local [spmem:s25], $0x500  }
0x56: {  	s1 =	rddreg [dreg:$0x16]  }
0x57: {  	s26 =	rddreg [dreg:$0xf]  }
0x58: {  	s1 =	sadd.s32 s29, s1;
	s28 =	sshrl.u32 s26, $0x3  }
0x59: {  	[hbm:s1], [sflag:s5] =	dma.local [spmem:s28], $0x500  }
0x5a: {  	_ =	swait.ge [sflag:s12], $0x500  }
0x5b: {  	[sflag:s12] =	ssyncset.done $0x0  }
0x5c: {  	[sflag:s12] =	ssyncadd.s32 $0xFFFFFB00  }
0x5d: {  	_ =	swait.ge [sflag:s13], $0x500  }
0x5e: {  	[sflag:s13] =	ssyncset.done $0x0  }
0x5f: {  	[sflag:s13] =	ssyncadd.s32 $0xFFFFFB00  }
0x60: {  	_ =	swait.ge [sflag:s16], $0x500  }
0x61: {  	[sflag:s16] =	ssyncset.done $0x0  }
0x62: {  	[sflag:s16] =	ssyncadd.s32 $0xFFFFFB00  }
0x63: {  	_ =	swait.ge [sflag:s20], $0x500  }
0x64: {  	[sflag:s20] =	ssyncset.done $0x0  }
0x65: {  	[sflag:s20] =	ssyncadd.s32 $0xFFFFFB00  }
0x66: {  	_ =	swait.ge [sflag:s12], $0x500  }
0x67: {  	[sflag:s12] =	ssyncset.done $0x0  }
0x68: {  	[sflag:s12] =	ssyncadd.s32 $0xFFFFFB00  }
0x69: {  	_ =	swait.ge [sflag:s13], $0x500  }
0x6a: {  	[sflag:s13] =	ssyncset.done $0x0  }
0x6b: {  	[sflag:s13] =	ssyncadd.s32 $0xFFFFFB00  }
0x6c: {  	_ =	swait.ge [sflag:s16], $0x500  }
0x6d: {  	[sflag:s16] =	ssyncset.done $0x0  }
0x6e: {  	[sflag:s16] =	ssyncadd.s32 $0xFFFFFB00  }
0x6f: {  	_ =	swait.ge [sflag:s20], $0x500  }
0x70: {  	[sflag:s20] =	ssyncset.done $0x0  }
0x71: {  	s5 =	simm.s32 $0xA400;
	s17 =	rddreg [dreg:$0x17];
	[sflag:s20] =	ssyncadd.s32 $0xFFFFFB00  }
0x72: {  	[tilespmem:s5], [sflag:$0xD] =	stream.linear.gather [spmem:s17], $0x280, $0x38;
	[tilespmem:$0x1E980] =	vst v63  }
0x73: {  	_ =	swait.ge [sflag:s0], $0x280  }
0x74: {  	[sflag:s0] =	ssyncset.done $0x0;
	s29 =	rddreg [dreg:$0x18]  }
0x75: {  	s1 =	sadd.s32 s22, s29;
	[sflag:s0] =	ssyncadd.s32 $0xFFFFFD80  }
0x76: {  	[hbm4b:s1+s4] =	stream.linear.scatter [tilespmem:s5], [sflag:$0xD], $0x280, $0x38;
	[tilespmem:$0x1E980] =	vst v63  }
0x77: {  	_ =	swait.ge [sflag:s0], $0x280  }
0x78: {  	s30 =	sld [smem:$0x7FC];
	_ =	sdelay $0x1  }
0x79: {  	s21 =	sadd.s32 $0x1, s21  }
0x7a: {  	p1 =	sne.s32 s21, s30  }
.Ltmp1:
0x7b: {  	_ = 	snop;
	(pc) =	sbr.rel @!p1 .LBB2_12-.Ltmp1, $3  }
0x7c: {  	_ =	sdelay $0x1  }
0x7d: {  	[sflag:s0] =	ssyncset.done $0x0  }
0x7e: {  	s22 =	simm.s32 $0x200;
	[sflag:s0] =	ssyncadd.s32 $0xFFFFFD80  }
.LBB2_1:
0x7f: {  	s28 =	simm.s32 $0x70;
	s29 =	simm.s32 $0x3C0  }
.LBB2_2:
0x80: {  	p1 =	sne.s32 s29, $0x9FC0;
	[tilespmem:s28+$0x400] =	vst v0  }
0x81: {  	[tilespmem:s28+$0x390] =	vst v0  }
0x82: {  	[tilespmem:s28+$0x3A0] =	vst v0  }
.Ltmp2:
0x83: {  	[tilespmem:s28+$0x3B0] =	vst v0;
	(pc) =	sbr.rel @p1 .LBB2_2-.Ltmp2, $4  }
0x84: {  	[tilespmem:s28+$0x3C0] =	vst v0  }
0x85: {  	[tilespmem:s28+$0x3D0] =	vst v0  }
0x86: {  	[tilespmem:s28+$0x3E0] =	vst v0  }
0x87: {  	[tilespmem:s28+$0x3F0] =	vst v0;
	s28 =	sshra.s32 s29, $0x2;
	s29 =	sadd.s32 $0x200, s29  }
0x88: {  	[tilespmem:s28+$0x400] =	vst v0  }
0x89: {  	[tilespmem:s28+$0x390] =	vst v0  }
0x8a: {  	[tilespmem:s28+$0x3A0] =	vst v0  }
0x8b: {  	[tilespmem:s28+$0x3B0] =	vst v0  }
0x8c: {  	[tilespmem:s28+$0x3C0] =	vst v0  }
0x8d: {  	[tilespmem:s28+$0x3D0] =	vst v0  }
0x8e: {  	[tilespmem:s28+$0x3E0] =	vst v0  }
0x8f: {  	[tilespmem:s28+$0x3F0] =	vst v0  }
0x90: {  	[tilespmem:$0xA400] =	vst v0  }
0x91: {  	[tilespmem:$0xA410] =	vst v0  }
0x92: {  	[tilespmem:$0xA420] =	vst v0  }
0x93: {  	[tilespmem:$0xA430] =	vst v0  }
0x94: {  	[tilespmem:$0xA440] =	vst v0  }
0x95: {  	[tilespmem:$0xA450] =	vst v0  }
0x96: {  	[tilespmem:$0xA460] =	vst v0  }
0x97: {  	[tilespmem:$0xA470] =	vst v0  }
0x98: {  	[tilespmem:$0xA480] =	vst v0  }
0x99: {  	[tilespmem:$0xA490] =	vst v0  }
0x9a: {  	[tilespmem:$0xA4A0] =	vst v0  }
0x9b: {  	[tilespmem:$0xA4B0] =	vst v0  }
0x9c: {  	[tilespmem:$0xA4C0] =	vst v0  }
0x9d: {  	[tilespmem:$0xA4D0] =	vst v0  }
0x9e: {  	[tilespmem:$0xA4E0] =	vst v0  }
0x9f: {  	[tilespmem:$0xA4F0] =	vst v0  }
0xa0: {  	[tilespmem:$0xA500] =	vst v0  }
0xa1: {  	[tilespmem:$0xA510] =	vst v0  }
0xa2: {  	[tilespmem:$0xA520] =	vst v0  }
0xa3: {  	[tilespmem:$0xA530] =	vst v0  }
0xa4: {  	[tilespmem:$0xA540] =	vst v0  }
0xa5: {  	[tilespmem:$0xA550] =	vst v0  }
0xa6: {  	[tilespmem:$0xA560] =	vst v0  }
0xa7: {  	[tilespmem:$0xA570] =	vst v0  }
0xa8: {  	[tilespmem:$0xA580] =	vst v0  }
0xa9: {  	[tilespmem:$0xA590] =	vst v0  }
0xaa: {  	[tilespmem:$0xA5A0] =	vst v0  }
0xab: {  	[tilespmem:$0xA5B0] =	vst v0  }
0xac: {  	[tilespmem:$0xA5C0] =	vst v0  }
0xad: {  	[tilespmem:$0xA5D0] =	vst v0  }
0xae: {  	[tilespmem:$0xA5E0] =	vst v0  }
0xaf: {  	[tilespmem:$0xA5F0] =	vst v0  }
0xb0: {  	[tilespmem:$0xA600] =	vst v0  }
0xb1: {  	[tilespmem:$0xA610] =	vst v0  }
0xb2: {  	[tilespmem:$0xA620] =	vst v0  }
0xb3: {  	[tilespmem:$0xA630] =	vst v0  }
0xb4: {  	[tilespmem:$0xA640] =	vst v0  }
0xb5: {  	[tilespmem:$0xA650] =	vst v0  }
0xb6: {  	[tilespmem:$0xA660] =	vst v0  }
0xb7: {  	[tilespmem:$0xA670] =	vst v0  }
0xb8: {  	[tilespmem:$0xA680] =	vst v1  }
0xb9: {  	[tilespmem:$0xA690] =	vst v1  }
0xba: {  	[tilespmem:$0xA6A0] =	vst v1  }
0xbb: {  	[tilespmem:$0xA6B0] =	vst v1  }
0xbc: {  	[tilespmem:$0xA6C0] =	vst v1  }
0xbd: {  	[smem:$0x7F2] =	sst s21;
	[tilespmem:$0xA6D0] =	vst v1  }
0xbe: {  	[spmem:s17] =	stream.linear.scatter [tilespmem:s5], [sflag:$0xD], $0x280, $0x38;
	[tilespmem:$0x1E980] =	vst v63  }
0xbf: {  	_ =	swait.ge [sflag:s0], $0x280  }
0xc0: {  	[sflag:s0] =	ssyncset.done $0x0  }
0xc1: {  	s5 =	simm.s32 $0x400;
	s1 =	rddreg [dreg:$0x8];
	[sflag:s0] =	ssyncadd.s32 $0xFFFFFD80  }
0xc2: {  	[spmem:s1] =	stream.linear.scatter [tilespmem:s5], [sflag:$0xD], $0x2800, $0x38;
	[tilespmem:$0x1E980] =	vst v63  }
0xc3: {  	_ =	swait.ge [sflag:s0], $0x2800  }
0xc4: {  	[sflag:s0] =	ssyncset.done $0x0  }
0xc5: {  	s21 =	rddreg [dreg:$0x9];
	[sflag:s0] =	ssyncadd.s32 $0xFFFFD800  }
0xc6: {  	[spmem:s21] =	stream.linear.scatter [tilespmem:s5], [sflag:$0xD], $0x2800, $0x38;
	[tilespmem:$0x1E980] =	vst v63  }
0xc7: {  	_ =	swait.ge [sflag:s0], $0x2800  }
0xc8: {  	[sflag:s0] =	ssyncset.done $0x0  }
0xc9: {  	s25 =	rddreg [dreg:$0xa];
	[sflag:s0] =	ssyncadd.s32 $0xFFFFD800  }
0xca: {  	[spmem:s25] =	stream.linear.scatter [tilespmem:s5], [sflag:$0xD], $0x2800, $0x38;
	[tilespmem:$0x1E980] =	vst v63  }
0xcb: {  	_ =	swait.ge [sflag:s0], $0x2800  }
0xcc: {  	[sflag:s0] =	ssyncset.done $0x0  }
0xcd: {  	s28 =	rddreg [dreg:$0xb];
	[sflag:s0] =	ssyncadd.s32 $0xFFFFD800  }
0xce: {  	[spmem:s28] =	stream.linear.scatter [tilespmem:s5], [sflag:$0xD], $0x2800, $0x38;
	[tilespmem:$0x1E980] =	vst v63  }
0xcf: {  	_ =	swait.ge [sflag:s0], $0x2800  }
0xd0: {  	[sflag:s0] =	ssyncset.done $0x0  }
0xd1: {  	s29 =	rddreg [dreg:$0xc];
	[sflag:s0] =	ssyncadd.s32 $0xFFFFD800  }
0xd2: {  	[spmem:s29] =	stream.linear.scatter [tilespmem:s5], [sflag:$0xD], $0x2800, $0x38;
	[tilespmem:$0x1E980] =	vst v63  }
0xd3: {  	_ =	swait.ge [sflag:s0], $0x2800  }
0xd4: {  	[sflag:s0] =	ssyncset.done $0x0  }
0xd5: {  	s30 =	rddreg [dreg:$0xd];
	[sflag:s0] =	ssyncadd.s32 $0xFFFFD800  }
0xd6: {  	[spmem:s30] =	stream.linear.scatter [tilespmem:s5], [sflag:$0xD], $0x2800, $0x38;
	[tilespmem:$0x1E980] =	vst v63  }
0xd7: {  	_ =	swait.ge [sflag:s0], $0x2800  }
0xd8: {  	[sflag:s0] =	ssyncset.done $0x0  }
0xd9: {  	[sflag:s0] =	ssyncadd.s32 $0xFFFFD800  }
0xda: {  	[spmem:s24] =	stream.linear.scatter [tilespmem:s5], [sflag:$0xD], $0x2800, $0x38;
	[tilespmem:$0x1E980] =	vst v63  }
0xdb: {  	_ =	swait.ge [sflag:s0], $0x2800  }
0xdc: {  	[sflag:s0] =	ssyncset.done $0x0  }
0xdd: {  	[sflag:s0] =	ssyncadd.s32 $0xFFFFD800  }
0xde: {  	[spmem:s26] =	stream.linear.scatter [tilespmem:s5], [sflag:$0xD], $0x2800, $0x38;
	[tilespmem:$0x1E980] =	vst v63  }
.Ltmp3:
0xdf: {  	_ =	swait.ge [sflag:s0], $0x2800;
	(pc) =	sbr.rel @p0 .LBB2_8-.Ltmp3, $3  }
0xe0: {  	[sflag:s0] =	ssyncset.done $0x0  }
0xe1: {  	[sflag:s0] =	ssyncadd.s32 $0xFFFFD800  }
0xe2: {  	[bflag:$0x0] =	sbarrier.arrive $0xFFFF;
	_ =	sdelay $0x1  }
0xe3: {  	s1 =	rddreg [dreg:$0x1b]  }
0xe4: {  	[tilespmem:s4], [sflag:$0xD] =	stream.linear.gather [hbm4b:s1+s4], $0x80, $0x38;
	[tilespmem:$0x1E980] =	vst v63  }
0xe5: {  	_ =	swait.ge [sflag:s0], $0x80  }
0xe6: {  	[sflag:s0] =	ssyncset.done $0x0  }
0xe7: {  	s24 =	rddreg [dreg:$0x1c];
	[sflag:s0] =	ssyncadd.s32 $0xFFFFFF80  }
0xe8: {  	[tilespmem:s22], [sflag:$0xD] =	stream.linear.gather [hbm4b:s24+s4], $0x80, $0x38;
	[tilespmem:$0x1E980] =	vst v63  }
0xe9: {  	_ =	swait.ge [sflag:s0], $0x80  }
0xea: {  	[sflag:s0] =	ssyncset.done $0x0  }
0xeb: {  	[sflag:s0] =	ssyncadd.s32 $0xFFFFFF80  }
0xec: {  	[tilespmem:s5], [sflag:$0x1] =	stream.indirect.gather [hbm4b:s6+s23], $0x80, s4, s23, $0xb8;
	[tilespmem:$0x1E980] =	vst v63  }
0xed: {  	s17 =	simm.s32 $0x80;
	s25 =	rddreg [dreg:$0x1f]  }
0xee: {  	[tilespmem:s17], [sflag:$0xD] =	stream.linear.gather [hbm4b:s25+s4], $0x80, $0x38;
	[tilespmem:$0x1E980] =	vst v63  }
0xef: {  	_ =	swait.ge [sflag:s0], $0x80  }
0xf0: {  	s26 =	sld [smem:$0x7F3]  }
0xf1: {  	[sflag:s0] =	ssyncset.done $0x0  }
0xf2: {  	s21 =	simm.s32 $0x280;
	[sflag:s0] =	ssyncadd.s32 $0xFFFFFF80  }
0xf3: {  	[tilespmem:s21], [sflag:$0xD] =	stream.linear.gather [hbm4b:s26+s4], $0x80, $0x38;
	[tilespmem:$0x1E980] =	vst v63  }
0xf4: {  	_ =	swait.ge [sflag:s0], $0x80  }
0xf5: {  	[sflag:s0] =	ssyncset.done $0x0  }
0xf6: {  	s30 =	simm.s32 $0x2C00;
	[sflag:s0] =	ssyncadd.s32 $0xFFFFFF80  }
0xf7: {  	[tilespmem:s30], [sflag:$0x2] =	stream.indirect.gather [hbm4b:s6+s23], $0x80, s17, s23, $0xb8;
	[tilespmem:$0x1E980] =	vst v63  }
0xf8: {  	s17 =	sld [smem:$0x7F6];
	_ =	sdelay $0x1  }
0xf9: {  	s24 =	simm.s32 $0x100  }
0xfa: {  	[tilespmem:s24], [sflag:$0xD] =	stream.linear.gather [hbm4b:s17+s4], $0x80, $0x38;
	[tilespmem:$0x1E980] =	vst v63  }
0xfb: {  	_ =	swait.ge [sflag:s0], $0x80  }
0xfc: {  	s25 =	sld [smem:$0x7F7]  }
0xfd: {  	[sflag:s0] =	ssyncset.done $0x0  }
0xfe: {  	s29 =	simm.s32 $0x300;
	[sflag:s0] =	ssyncadd.s32 $0xFFFFFF80  }
0xff: {  	[tilespmem:s29], [sflag:$0xD] =	stream.linear.gather [hbm4b:s25+s4], $0x80, $0x38;
	[tilespmem:$0x1E980] =	vst v63  }
0x100: {  	_ =	swait.ge [sflag:s0], $0x80  }
0x101: {  	[sflag:s0] =	ssyncset.done $0x0  }
0x102: {  	s26 =	simm.s32 $0x5400;
	[sflag:s0] =	ssyncadd.s32 $0xFFFFFF80  }
0x103: {  	[tilespmem:s26], [sflag:$0x3] =	stream.indirect.gather [hbm4b:s6+s23], $0x80, s24, s23, $0xb8;
	[tilespmem:$0x1E980] =	vst v63  }
0x104: {  	s24 =	sld [smem:$0x7FA];
	_ =	sdelay $0x1  }
0x105: {  	s17 =	simm.s32 $0x180  }
0x106: {  	[tilespmem:s17], [sflag:$0xD] =	stream.linear.gather [hbm4b:s24+s4], $0x80, $0x38;
	[tilespmem:$0x1E980] =	vst v63  }
0x107: {  	_ =	swait.ge [sflag:s0], $0x80  }
0x108: {  	s25 =	sld [smem:$0x7FB]  }
0x109: {  	[sflag:s0] =	ssyncset.done $0x0  }
0x10a: {  	s24 =	simm.s32 $0x380;
	[sflag:s0] =	ssyncadd.s32 $0xFFFFFF80  }
0x10b: {  	[tilespmem:s24], [sflag:$0xD] =	stream.linear.gather [hbm4b:s25+s4], $0x80, $0x38;
	[tilespmem:$0x1E980] =	vst v63  }
0x10c: {  	_ =	swait.ge [sflag:s0], $0x80  }
0x10d: {  	[sflag:s0] =	ssyncset.done $0x0  }
0x10e: {  	s28 =	simm.s32 $0x3;
	s26 =	simm.s32 $0x7C00;
	[sflag:s0] =	ssyncadd.s32 $0xFFFFFF80  }
0x10f: {  	[tilespmem:s26], [sflag:$0x4] =	stream.indirect.gather [hbm4b:s6+s23], $0x80, s17, s23, $0xb8;
	[tilespmem:$0x1E980] =	vst v63  }
.LBB2_5:
0x110: {  	_ =	swait.ge [sflag:s12], $0x2800  }
0x111: {  	s17 =	sadd.s32 $0xFFFFFFFB, s28;
	[sflag:s12] =	ssyncset.done $0x0  }
0x112: {  	p2 =	sgt.u32 s17, $0xF9;
	[sflag:s12] =	ssyncadd.s32 $0xFFFFD800  }
0x113: {  	[spmem:s2] =	stream.indirect.scatter.add.f32 [tilespmem:s5], [sflag:$0x5], $0x80, s22, s23, $0xb8;
	[tilespmem:$0x1E980] =	vst v63  }
0x114: {  	s17 =	simm.s32 @!p2 $0x8  }
0x115: {  	[spmem:s3] =	stream.indirect.scatter.add.f32 [tilespmem:s31], [sflag:$0x9], $0x1, s22, s23, $0xb8;
	[tilespmem:$0x1E980] =	vst v63  }
0x116: {  	p1 =	sgt.u32 @!p2 s28, $0xF9;
	_ =	swait.ge @!p2 [sflag:s17], $0x2800  }
0x117: {  	p1 =	por p1, p2;
	[sflag:s17] =	ssyncset.done @!p2 $0x0  }
0x118: {  	s1 =	sadd.s32 @!p1 $0xFFFFFD00, s29;
	[sflag:s17] =	ssyncadd.s32 @!p2 $0xFFFFD800;
	s17 =	sadd.s32 @!p1 $0xFFFFFE80, s29  }
0x119: {  	s1 =	sand.u32 @!p1 $0x7C00, s1;
	s17 =	sand.u32 @!p1 $0x380, s17  }
0x11a: {  	s24 =	simm.s32 @!p2 $0xC;
	s1 =	sor.u32 @!p1 s17, s1  }
0x11b: {  	_ =	swait.ge @!p2 [sflag:s24], $0x50;
	s1 =	sor.u32 @!p1 s11, s1  }
0x11c: {  	s26 =	simm.s32 @!p1 $0x180;
	[sflag:s24] =	ssyncset.done @!p2 $0x0;
	s1 =	sshrl.u32 @!p1 s1, $0x3  }
0x11d: {  	[sflag:s24] =	ssyncadd.s32 @!p2 $0xFFFFFFB0;
	s24 =	simm.s32 @!p1 $0x0;
	s17 =	sadd.s32 @!p1 s7, s1  }
0x11e: {  	[tilespmem:s26], [sflag:$0xD] =	stream.linear.gather @!p1 [hbm4b:s17+s24], $0x80, $0x38;
	[tilespmem:$0x1E980] =	vst v63  }
0x11f: {  	s17 =	simm.s32 @!p1 $0xD  }
0x120: {  	_ =	swait.ge @!p1 [sflag:s17], $0x80  }
0x121: {  	[sflag:s17] =	ssyncset.done @!p1 $0x0  }
0x122: {  	s5 =	simm.s32 @!p1 $0x380;
	s1 =	sadd.s32 @!p1 s8, s1;
	[sflag:s17] =	ssyncadd.s32 @!p1 $0xFFFFFF80  }
0x123: {  	[tilespmem:s5], [sflag:$0xD] =	stream.linear.gather @!p1 [hbm4b:s1+s24], $0x80, $0x38;
	[tilespmem:$0x1E980] =	vst v63  }
0x124: {  	_ =	swait.ge @!p1 [sflag:s17], $0x80  }
0x125: {  	[sflag:s17] =	ssyncset.done @!p1 $0x0  }
0x126: {  	s1 =	simm.s32 @!p1 $0x50;
	s5 =	simm.s32 @!p1 $0x7C00;
	[sflag:s17] =	ssyncadd.s32 @!p1 $0xFFFFFF80  }
0x127: {  	[tilespmem:s5], [sflag:$0x4] =	stream.indirect.gather @!p1 [hbm4b:s6+s1], $0x80, s26, s1, $0xb8;
	[tilespmem:$0x1E980] =	vst v63  }
0x128: {  	_ =	swait.ge [sflag:s13], $0x2800  }
0x129: {  	[sflag:s13] =	ssyncset.done $0x0  }
0x12a: {  	[sflag:s13] =	ssyncadd.s32 $0xFFFFD800  }
0x12b: {  	[spmem:s2] =	stream.indirect.scatter.add.f32 [tilespmem:s30], [sflag:$0x6], $0x80, s21, s23, $0xb8;
	[tilespmem:$0x1E980] =	vst v63  }
0x12c: {  	_ = 	snop  }
0x12d: {  	[spmem:s3] =	stream.indirect.scatter.add.f32 [tilespmem:s31], [sflag:$0xA], $0x1, s21, s23, $0xb8;
	[tilespmem:$0x1E980] =	vst v63  }
0x12e: {  	p1 =	seq.s32 s29, $0x7F00;
	_ =	swait.ge [sflag:s14], $0x2800  }
.Ltmp4:
0x12f: {  	[sflag:s14] =	ssyncset.done $0x0;
	(pc) =	sbr.rel @p1 .LBB2_6-.Ltmp4, $4  }
0x130: {  	[sflag:s14] =	ssyncadd.s32 $0xFFFFD800  }
0x131: {  	_ =	swait.ge [sflag:s15], $0x50  }
0x132: {  	s25 =	simm.s32 $0x200;
	s22 =	simm.s32 $0x400;
	[sflag:s15] =	ssyncset.done $0x0  }
0x133: {  	s24 =	simm.s32 $0x2C00;
	s21 =	simm.s32 $0x280;
	[sflag:s15] =	ssyncadd.s32 $0xFFFFFFB0  }
0x134: {  	s1 =	sadd.s32 $0xFFFFFF00, s29  }
0x135: {  	s5 =	sand.u32 $0xFC00, s1  }
0x136: {  	s1 =	sand.u32 $0x200, s1;
	s5 =	sadd.s32 s11, s5  }
0x137: {  	s1 =	sor.u32 s1, s5  }
0x138: {  	s1 =	sshrl.u32 s1, $0x3  }
0x139: {  	s26 =	sadd.s32 s7, s1  }
0x13a: {  	[tilespmem:s4], [sflag:$0xD] =	stream.linear.gather [hbm4b:s26+s4], $0x80, $0x38;
	[tilespmem:$0x1E980] =	vst v63  }
0x13b: {  	_ =	swait.ge [sflag:s0], $0x80  }
0x13c: {  	[sflag:s0] =	ssyncset.done $0x0  }
0x13d: {  	s1 =	sadd.s32 s8, s1;
	[sflag:s0] =	ssyncadd.s32 $0xFFFFFF80  }
0x13e: {  	[tilespmem:s25], [sflag:$0xD] =	stream.linear.gather [hbm4b:s1+s4], $0x80, $0x38;
	[tilespmem:$0x1E980] =	vst v63  }
0x13f: {  	_ =	swait.ge [sflag:s0], $0x80  }
0x140: {  	[sflag:s0] =	ssyncset.done $0x0  }
0x141: {  	[sflag:s0] =	ssyncadd.s32 $0xFFFFFF80  }
0x142: {  	[tilespmem:s22], [sflag:$0x1] =	stream.indirect.gather [hbm4b:s6+s23], $0x80, s4, s23, $0xb8;
	[tilespmem:$0x1E980] =	vst v63  }
0x143: {  	_ =	swait.ge [sflag:s16], $0x2800  }
0x144: {  	[sflag:s16] =	ssyncset.done $0x0  }
0x145: {  	s17 =	simm.s32 $0x300;
	s5 =	simm.s32 $0x5400;
	[sflag:s16] =	ssyncadd.s32 $0xFFFFD800  }
0x146: {  	[spmem:s2] =	stream.indirect.scatter.add.f32 [tilespmem:s5], [sflag:$0x7], $0x80, s17, s23, $0xb8;
	[tilespmem:$0x1E980] =	vst v63  }
0x147: {  	_ = 	snop  }
0x148: {  	[spmem:s3] =	stream.indirect.scatter.add.f32 [tilespmem:s31], [sflag:$0xB], $0x1, s17, s23, $0xb8;
	[tilespmem:$0x1E980] =	vst v63  }
0x149: {  	s22 =	sadd.s32 $0xFFFFFF80, s29;
	_ =	swait.ge [sflag:s18], $0x2800  }
0x14a: {  	s25 =	sand.u32 $0xFC00, s22;
	[sflag:s18] =	ssyncset.done $0x0  }
0x14b: {  	s1 =	sand.u32 $0x280, s22;
	s5 =	sadd.s32 s11, s25;
	[sflag:s18] =	ssyncadd.s32 $0xFFFFD800  }
0x14c: {  	s1 =	sor.u32 s1, s5;
	_ =	swait.ge [sflag:s19], $0x50  }
0x14d: {  	s1 =	sshrl.u32 s1, $0x3;
	[sflag:s19] =	ssyncset.done $0x0  }
0x14e: {  	s17 =	simm.s32 $0x80;
	s26 =	sadd.s32 s7, s1;
	[sflag:s19] =	ssyncadd.s32 $0xFFFFFFB0  }
0x14f: {  	[tilespmem:s17], [sflag:$0xD] =	stream.linear.gather [hbm4b:s26+s4], $0x80, $0x38;
	[tilespmem:$0x1E980] =	vst v63  }
0x150: {  	_ =	swait.ge [sflag:s0], $0x80  }
0x151: {  	[sflag:s0] =	ssyncset.done $0x0  }
0x152: {  	s1 =	sadd.s32 s8, s1;
	[sflag:s0] =	ssyncadd.s32 $0xFFFFFF80  }
0x153: {  	[tilespmem:s21], [sflag:$0xD] =	stream.linear.gather [hbm4b:s1+s4], $0x80, $0x38;
	[tilespmem:$0x1E980] =	vst v63  }
0x154: {  	_ =	swait.ge [sflag:s0], $0x80  }
0x155: {  	[sflag:s0] =	ssyncset.done $0x0  }
0x156: {  	[sflag:s0] =	ssyncadd.s32 $0xFFFFFF80  }
0x157: {  	[tilespmem:s24], [sflag:$0x2] =	stream.indirect.gather [hbm4b:s6+s23], $0x80, s17, s23, $0xb8;
	[tilespmem:$0x1E980] =	vst v63  }
0x158: {  	_ =	swait.ge [sflag:s20], $0x2800  }
0x159: {  	[sflag:s20] =	ssyncset.done $0x0  }
0x15a: {  	s22 =	simm.s32 $0x380;
	s24 =	simm.s32 $0x7C00;
	[sflag:s20] =	ssyncadd.s32 $0xFFFFD800  }
0x15b: {  	[spmem:s2] =	stream.indirect.scatter.add.f32 [tilespmem:s24], [sflag:$0x8], $0x80, s22, s23, $0xb8;
	[tilespmem:$0x1E980] =	vst v63  }
0x15c: {  	p1 =	seq.s32 s29, $0x7D00;
	s25 =	simm.s32 $0x7  }
0x15d: {  	[spmem:s3] =	stream.indirect.scatter.add.f32 [tilespmem:s31], [sflag:$0xC], $0x1, s22, s23, $0xb8;
	[tilespmem:$0x1E980] =	vst v63  }
0x15e: {  	s1 =	sand.u32 @!p1 $0xFC00, s29;
	_ =	swait.ge [sflag:s25], $0x2800  }
0x15f: {  	s5 =	sand.u32 @!p1 $0x300, s29;
	s1 =	sadd.s32 @!p1 s11, s1;
	[sflag:s25] =	ssyncset.done $0x0  }
0x160: {  	s26 =	simm.s32 $0xB;
	s1 =	sor.u32 @!p1 s5, s1;
	[sflag:s25] =	ssyncadd.s32 $0xFFFFD800  }
0x161: {  	s1 =	sshrl.u32 @!p1 s1, $0x3;
	_ =	swait.ge [sflag:s26], $0x50  }
0x162: {  	s5 =	sadd.s32 @!p1 s7, s1;
	[sflag:s26] =	ssyncset.done $0x0  }
0x163: {  	s17 =	simm.s32 @!p1 $0x0;
	s24 =	simm.s32 @!p1 $0x100;
	[sflag:s26] =	ssyncadd.s32 $0xFFFFFFB0  }
0x164: {  	[tilespmem:s24], [sflag:$0xD] =	stream.linear.gather @!p1 [hbm4b:s5+s17], $0x80, $0x38;
	[tilespmem:$0x1E980] =	vst v63  }
0x165: {  	s5 =	simm.s32 @!p1 $0xD  }
0x166: {  	_ =	swait.ge @!p1 [sflag:s5], $0x80  }
0x167: {  	[sflag:s5] =	ssyncset.done @!p1 $0x0  }
0x168: {  	s1 =	sadd.s32 @!p1 s8, s1;
	s26 =	simm.s32 @!p1 $0x300;
	[sflag:s5] =	ssyncadd.s32 @!p1 $0xFFFFFF80  }
0x169: {  	[tilespmem:s26], [sflag:$0xD] =	stream.linear.gather @!p1 [hbm4b:s1+s17], $0x80, $0x38;
	[tilespmem:$0x1E980] =	vst v63  }
.Ltmp5:
0x16a: {  	s30 =	simm.s32 $0x2C00;
	_ =	swait.ge @!p1 [sflag:s5], $0x80;
	(pc) =	sbr.rel .LBB2_5-.Ltmp5, $4  }
0x16b: {  	s28 =	sadd.s32 $0x4, s28;
	s21 =	simm.s32 $0x280;
	[sflag:s5] =	ssyncset.done @!p1 $0x0  }
0x16c: {  	s1 =	simm.s32 @!p1 $0x50;
	[sflag:s5] =	ssyncadd.s32 @!p1 $0xFFFFFF80;
	s5 =	simm.s32 @!p1 $0x5400  }
0x16d: {  	[tilespmem:s5], [sflag:$0x3] =	stream.indirect.gather @!p1 [hbm4b:s6+s1], $0x80, s24, s1, $0xb8;
	[tilespmem:$0x1E980] =	vst v63  }
0x16e: {  	s29 =	sadd.s32 $0x200, s29;
	s22 =	simm.s32 $0x200;
	s5 =	simm.s32 $0x400  }
.LBB2_8:
0x16f: {  	s1 =	rddreg [dreg:$0x19]  }
0x170: {  	[tilespmem:s4], [sflag:$0xD] =	stream.linear.gather [hbm4b:s1+s4], $0x80, $0x38;
	[tilespmem:$0x1E980] =	vst v63  }
0x171: {  	_ =	swait.ge [sflag:s0], $0x80  }
0x172: {  	[sflag:s0] =	ssyncset.done $0x0  }
0x173: {  	s24 =	rddreg [dreg:$0x1a];
	[sflag:s0] =	ssyncadd.s32 $0xFFFFFF80  }
0x174: {  	[tilespmem:s22], [sflag:$0xD] =	stream.linear.gather [hbm4b:s24+s4], $0x80, $0x38;
	[tilespmem:$0x1E980] =	vst v63  }
0x175: {  	_ =	swait.ge [sflag:s0], $0x80  }
0x176: {  	[sflag:s0] =	ssyncset.done $0x0  }
0x177: {  	[sflag:s0] =	ssyncadd.s32 $0xFFFFFF80  }
0x178: {  	[tilespmem:s5], [sflag:$0x1] =	stream.indirect.gather [hbm4b:s6+s23], $0x80, s4, s23, $0xb8;
	[tilespmem:$0x1E980] =	vst v63  }
0x179: {  	s17 =	simm.s32 $0x80;
	s25 =	rddreg [dreg:$0x1d]  }
0x17a: {  	[tilespmem:s17], [sflag:$0xD] =	stream.linear.gather [hbm4b:s25+s4], $0x80, $0x38;
	[tilespmem:$0x1E980] =	vst v63  }
0x17b: {  	_ =	swait.ge [sflag:s0], $0x80  }
0x17c: {  	[sflag:s0] =	ssyncset.done $0x0  }
0x17d: {  	s21 =	simm.s32 $0x280;
	s26 =	rddreg [dreg:$0x1e];
	[sflag:s0] =	ssyncadd.s32 $0xFFFFFF80  }
0x17e: {  	[tilespmem:s21], [sflag:$0xD] =	stream.linear.gather [hbm4b:s26+s4], $0x80, $0x38;
	[tilespmem:$0x1E980] =	vst v63  }
0x17f: {  	_ =	swait.ge [sflag:s0], $0x80  }
0x180: {  	[sflag:s0] =	ssyncset.done $0x0  }
0x181: {  	s30 =	simm.s32 $0x2C00;
	[sflag:s0] =	ssyncadd.s32 $0xFFFFFF80  }
0x182: {  	[tilespmem:s30], [sflag:$0x2] =	stream.indirect.gather [hbm4b:s6+s23], $0x80, s17, s23, $0xb8;
	[tilespmem:$0x1E980] =	vst v63  }
0x183: {  	s17 =	sld [smem:$0x7F4];
	_ =	sdelay $0x1  }
0x184: {  	s24 =	simm.s32 $0x100  }
0x185: {  	[tilespmem:s24], [sflag:$0xD] =	stream.linear.gather [hbm4b:s17+s4], $0x80, $0x38;
	[tilespmem:$0x1E980] =	vst v63  }
0x186: {  	_ =	swait.ge [sflag:s0], $0x80  }
0x187: {  	s25 =	sld [smem:$0x7F5]  }
0x188: {  	[sflag:s0] =	ssyncset.done $0x0  }
0x189: {  	s29 =	simm.s32 $0x300;
	[sflag:s0] =	ssyncadd.s32 $0xFFFFFF80  }
0x18a: {  	[tilespmem:s29], [sflag:$0xD] =	stream.linear.gather [hbm4b:s25+s4], $0x80, $0x38;
	[tilespmem:$0x1E980] =	vst v63  }
0x18b: {  	_ =	swait.ge [sflag:s0], $0x80  }
0x18c: {  	[sflag:s0] =	ssyncset.done $0x0  }
0x18d: {  	s26 =	simm.s32 $0x5400;
	[sflag:s0] =	ssyncadd.s32 $0xFFFFFF80  }
0x18e: {  	[tilespmem:s26], [sflag:$0x3] =	stream.indirect.gather [hbm4b:s6+s23], $0x80, s24, s23, $0xb8;
	[tilespmem:$0x1E980] =	vst v63  }
0x18f: {  	s24 =	sld [smem:$0x7F8];
	_ =	sdelay $0x1  }
0x190: {  	s17 =	simm.s32 $0x180  }
0x191: {  	[tilespmem:s17], [sflag:$0xD] =	stream.linear.gather [hbm4b:s24+s4], $0x80, $0x38;
	[tilespmem:$0x1E980] =	vst v63  }
0x192: {  	_ =	swait.ge [sflag:s0], $0x80  }
0x193: {  	s25 =	sld [smem:$0x7F9]  }
0x194: {  	[sflag:s0] =	ssyncset.done $0x0  }
0x195: {  	s24 =	simm.s32 $0x380;
	[sflag:s0] =	ssyncadd.s32 $0xFFFFFF80  }
0x196: {  	[tilespmem:s24], [sflag:$0xD] =	stream.linear.gather [hbm4b:s25+s4], $0x80, $0x38;
	[tilespmem:$0x1E980] =	vst v63  }
0x197: {  	_ =	swait.ge [sflag:s0], $0x80  }
0x198: {  	[sflag:s0] =	ssyncset.done $0x0  }
0x199: {  	s28 =	simm.s32 $0x3;
	s26 =	simm.s32 $0x7C00;
	[sflag:s0] =	ssyncadd.s32 $0xFFFFFF80  }
0x19a: {  	[tilespmem:s26], [sflag:$0x4] =	stream.indirect.gather [hbm4b:s6+s23], $0x80, s17, s23, $0xb8;
	[tilespmem:$0x1E980] =	vst v63  }
.LBB2_9:
0x19b: {  	_ =	swait.ge [sflag:s12], $0x2800  }
0x19c: {  	s1 =	sadd.s32 $0xFFFFFFFB, s28;
	[sflag:s12] =	ssyncset.done $0x0  }
0x19d: {  	p2 =	sgt.u32 s1, $0xF9;
	[sflag:s12] =	ssyncadd.s32 $0xFFFFD800  }
0x19e: {  	[spmem:s2] =	stream.indirect.scatter.add.f32 [tilespmem:s5], [sflag:$0x5], $0x80, s22, s23, $0xb8;
	[tilespmem:$0x1E980] =	vst v63  }
0x19f: {  	s1 =	simm.s32 @!p2 $0x8  }
0x1a0: {  	[spmem:s3] =	stream.indirect.scatter.add.f32 [tilespmem:s31], [sflag:$0x9], $0x1, s22, s23, $0xb8;
	[tilespmem:$0x1E980] =	vst v63  }
0x1a1: {  	p1 =	sgt.u32 @!p2 s28, $0xF9;
	_ =	swait.ge @!p2 [sflag:s1], $0x2800  }
0x1a2: {  	p1 =	por p1, p2;
	[sflag:s1] =	ssyncset.done @!p2 $0x0  }
0x1a3: {  	s5 =	sadd.s32 @!p1 $0xFFFFFD00, s29;
	[sflag:s1] =	ssyncadd.s32 @!p2 $0xFFFFD800;
	s1 =	sadd.s32 @!p1 $0xFFFFFE80, s29  }
0x1a4: {  	s5 =	sand.u32 @!p1 $0x7C00, s5;
	s1 =	sand.u32 @!p1 $0x380, s1  }
0x1a5: {  	s17 =	simm.s32 @!p2 $0xC;
	s1 =	sor.u32 @!p1 s1, s5  }
0x1a6: {  	_ =	swait.ge @!p2 [sflag:s17], $0x50;
	s1 =	sor.u32 @!p1 s11, s1  }
0x1a7: {  	s24 =	simm.s32 @!p1 $0x180;
	[sflag:s17] =	ssyncset.done @!p2 $0x0;
	s1 =	sshrl.u32 @!p1 s1, $0x3  }
0x1a8: {  	[sflag:s17] =	ssyncadd.s32 @!p2 $0xFFFFFFB0;
	s17 =	simm.s32 @!p1 $0x0;
	s5 =	sadd.s32 @!p1 s9, s1  }
0x1a9: {  	[tilespmem:s24], [sflag:$0xD] =	stream.linear.gather @!p1 [hbm4b:s5+s17], $0x80, $0x38;
	[tilespmem:$0x1E980] =	vst v63  }
0x1aa: {  	s5 =	simm.s32 @!p1 $0xD  }
0x1ab: {  	_ =	swait.ge @!p1 [sflag:s5], $0x80  }
0x1ac: {  	[sflag:s5] =	ssyncset.done @!p1 $0x0  }
0x1ad: {  	s26 =	simm.s32 @!p1 $0x380;
	s1 =	sadd.s32 @!p1 s10, s1;
	[sflag:s5] =	ssyncadd.s32 @!p1 $0xFFFFFF80  }
0x1ae: {  	[tilespmem:s26], [sflag:$0xD] =	stream.linear.gather @!p1 [hbm4b:s1+s17], $0x80, $0x38;
	[tilespmem:$0x1E980] =	vst v63  }
0x1af: {  	_ =	swait.ge @!p1 [sflag:s5], $0x80  }
0x1b0: {  	[sflag:s5] =	ssyncset.done @!p1 $0x0  }
0x1b1: {  	s1 =	simm.s32 @!p1 $0x50;
	[sflag:s5] =	ssyncadd.s32 @!p1 $0xFFFFFF80;
	s5 =	simm.s32 @!p1 $0x7C00  }
0x1b2: {  	[tilespmem:s5], [sflag:$0x4] =	stream.indirect.gather @!p1 [hbm4b:s6+s1], $0x80, s24, s1, $0xb8;
	[tilespmem:$0x1E980] =	vst v63  }
0x1b3: {  	_ =	swait.ge [sflag:s13], $0x2800  }
0x1b4: {  	[sflag:s13] =	ssyncset.done $0x0  }
0x1b5: {  	[sflag:s13] =	ssyncadd.s32 $0xFFFFD800  }
0x1b6: {  	[spmem:s2] =	stream.indirect.scatter.add.f32 [tilespmem:s30], [sflag:$0x6], $0x80, s21, s23, $0xb8;
	[tilespmem:$0x1E980] =	vst v63  }
0x1b7: {  	_ = 	snop  }
0x1b8: {  	[spmem:s3] =	stream.indirect.scatter.add.f32 [tilespmem:s31], [sflag:$0xA], $0x1, s21, s23, $0xb8;
	[tilespmem:$0x1E980] =	vst v63  }
0x1b9: {  	p1 =	seq.s32 s29, $0x7F00;
	_ =	swait.ge [sflag:s14], $0x2800  }
.Ltmp6:
0x1ba: {  	[sflag:s14] =	ssyncset.done $0x0;
	(pc) =	sbr.rel @p1 .LBB2_10-.Ltmp6, $4  }
0x1bb: {  	[sflag:s14] =	ssyncadd.s32 $0xFFFFD800  }
0x1bc: {  	_ =	swait.ge [sflag:s15], $0x50  }
0x1bd: {  	s25 =	simm.s32 $0x200;
	s22 =	simm.s32 $0x400;
	[sflag:s15] =	ssyncset.done $0x0  }
0x1be: {  	s24 =	simm.s32 $0x2C00;
	s21 =	simm.s32 $0x280;
	[sflag:s15] =	ssyncadd.s32 $0xFFFFFFB0  }
0x1bf: {  	s1 =	sadd.s32 $0xFFFFFF00, s29  }
0x1c0: {  	s5 =	sand.u32 $0xFC00, s1  }
0x1c1: {  	s1 =	sand.u32 $0x200, s1;
	s5 =	sadd.s32 s11, s5  }
0x1c2: {  	s1 =	sor.u32 s1, s5  }
0x1c3: {  	s1 =	sshrl.u32 s1, $0x3  }
0x1c4: {  	s26 =	sadd.s32 s9, s1  }
0x1c5: {  	[tilespmem:s4], [sflag:$0xD] =	stream.linear.gather [hbm4b:s26+s4], $0x80, $0x38;
	[tilespmem:$0x1E980] =	vst v63  }
0x1c6: {  	_ =	swait.ge [sflag:s0], $0x80  }
0x1c7: {  	[sflag:s0] =	ssyncset.done $0x0  }
0x1c8: {  	s1 =	sadd.s32 s10, s1;
	[sflag:s0] =	ssyncadd.s32 $0xFFFFFF80  }
0x1c9: {  	[tilespmem:s25], [sflag:$0xD] =	stream.linear.gather [hbm4b:s1+s4], $0x80, $0x38;
	[tilespmem:$0x1E980] =	vst v63  }
0x1ca: {  	_ =	swait.ge [sflag:s0], $0x80  }
0x1cb: {  	[sflag:s0] =	ssyncset.done $0x0  }
0x1cc: {  	[sflag:s0] =	ssyncadd.s32 $0xFFFFFF80  }
0x1cd: {  	[tilespmem:s22], [sflag:$0x1] =	stream.indirect.gather [hbm4b:s6+s23], $0x80, s4, s23, $0xb8;
	[tilespmem:$0x1E980] =	vst v63  }
0x1ce: {  	_ =	swait.ge [sflag:s16], $0x2800  }
0x1cf: {  	[sflag:s16] =	ssyncset.done $0x0  }
0x1d0: {  	s17 =	simm.s32 $0x300;
	s5 =	simm.s32 $0x5400;
	[sflag:s16] =	ssyncadd.s32 $0xFFFFD800  }
0x1d1: {  	[spmem:s2] =	stream.indirect.scatter.add.f32 [tilespmem:s5], [sflag:$0x7], $0x80, s17, s23, $0xb8;
	[tilespmem:$0x1E980] =	vst v63  }
0x1d2: {  	_ = 	snop  }
0x1d3: {  	[spmem:s3] =	stream.indirect.scatter.add.f32 [tilespmem:s31], [sflag:$0xB], $0x1, s17, s23, $0xb8;
	[tilespmem:$0x1E980] =	vst v63  }
0x1d4: {  	s22 =	sadd.s32 $0xFFFFFF80, s29;
	_ =	swait.ge [sflag:s18], $0x2800  }
0x1d5: {  	s25 =	sand.u32 $0xFC00, s22;
	[sflag:s18] =	ssyncset.done $0x0  }
0x1d6: {  	s1 =	sand.u32 $0x280, s22;
	s5 =	sadd.s32 s11, s25;
	[sflag:s18] =	ssyncadd.s32 $0xFFFFD800  }
0x1d7: {  	s1 =	sor.u32 s1, s5;
	_ =	swait.ge [sflag:s19], $0x50  }
0x1d8: {  	s1 =	sshrl.u32 s1, $0x3;
	[sflag:s19] =	ssyncset.done $0x0  }
0x1d9: {  	s17 =	simm.s32 $0x80;
	s26 =	sadd.s32 s9, s1;
	[sflag:s19] =	ssyncadd.s32 $0xFFFFFFB0  }
0x1da: {  	[tilespmem:s17], [sflag:$0xD] =	stream.linear.gather [hbm4b:s26+s4], $0x80, $0x38;
	[tilespmem:$0x1E980] =	vst v63  }
0x1db: {  	_ =	swait.ge [sflag:s0], $0x80  }
0x1dc: {  	[sflag:s0] =	ssyncset.done $0x0  }
0x1dd: {  	s1 =	sadd.s32 s10, s1;
	[sflag:s0] =	ssyncadd.s32 $0xFFFFFF80  }
0x1de: {  	[tilespmem:s21], [sflag:$0xD] =	stream.linear.gather [hbm4b:s1+s4], $0x80, $0x38;
	[tilespmem:$0x1E980] =	vst v63  }
0x1df: {  	_ =	swait.ge [sflag:s0], $0x80  }
0x1e0: {  	[sflag:s0] =	ssyncset.done $0x0  }
0x1e1: {  	[sflag:s0] =	ssyncadd.s32 $0xFFFFFF80  }
0x1e2: {  	[tilespmem:s24], [sflag:$0x2] =	stream.indirect.gather [hbm4b:s6+s23], $0x80, s17, s23, $0xb8;
	[tilespmem:$0x1E980] =	vst v63  }
0x1e3: {  	_ =	swait.ge [sflag:s20], $0x2800  }
0x1e4: {  	[sflag:s20] =	ssyncset.done $0x0  }
0x1e5: {  	s22 =	simm.s32 $0x380;
	s24 =	simm.s32 $0x7C00;
	[sflag:s20] =	ssyncadd.s32 $0xFFFFD800  }
0x1e6: {  	[spmem:s2] =	stream.indirect.scatter.add.f32 [tilespmem:s24], [sflag:$0x8], $0x80, s22, s23, $0xb8;
	[tilespmem:$0x1E980] =	vst v63  }
0x1e7: {  	p1 =	seq.s32 s29, $0x7D00;
	s25 =	simm.s32 $0x7  }
0x1e8: {  	[spmem:s3] =	stream.indirect.scatter.add.f32 [tilespmem:s31], [sflag:$0xC], $0x1, s22, s23, $0xb8;
	[tilespmem:$0x1E980] =	vst v63  }
0x1e9: {  	s1 =	sand.u32 @!p1 $0xFC00, s29;
	_ =	swait.ge [sflag:s25], $0x2800  }
0x1ea: {  	s5 =	sand.u32 @!p1 $0x300, s29;
	s1 =	sadd.s32 @!p1 s11, s1;
	[sflag:s25] =	ssyncset.done $0x0  }
0x1eb: {  	s26 =	simm.s32 $0xB;
	s1 =	sor.u32 @!p1 s5, s1;
	[sflag:s25] =	ssyncadd.s32 $0xFFFFD800  }
0x1ec: {  	s1 =	sshrl.u32 @!p1 s1, $0x3;
	_ =	swait.ge [sflag:s26], $0x50  }
0x1ed: {  	s5 =	sadd.s32 @!p1 s9, s1;
	[sflag:s26] =	ssyncset.done $0x0  }
0x1ee: {  	s17 =	simm.s32 @!p1 $0x0;
	s24 =	simm.s32 @!p1 $0x100;
	[sflag:s26] =	ssyncadd.s32 $0xFFFFFFB0  }
0x1ef: {  	[tilespmem:s24], [sflag:$0xD] =	stream.linear.gather @!p1 [hbm4b:s5+s17], $0x80, $0x38;
	[tilespmem:$0x1E980] =	vst v63  }
0x1f0: {  	s5 =	simm.s32 @!p1 $0xD  }
0x1f1: {  	_ =	swait.ge @!p1 [sflag:s5], $0x80  }
0x1f2: {  	[sflag:s5] =	ssyncset.done @!p1 $0x0  }
0x1f3: {  	s1 =	sadd.s32 @!p1 s10, s1;
	s26 =	simm.s32 @!p1 $0x300;
	[sflag:s5] =	ssyncadd.s32 @!p1 $0xFFFFFF80  }
0x1f4: {  	[tilespmem:s26], [sflag:$0xD] =	stream.linear.gather @!p1 [hbm4b:s1+s17], $0x80, $0x38;
	[tilespmem:$0x1E980] =	vst v63  }
.Ltmp7:
0x1f5: {  	s30 =	simm.s32 $0x2C00;
	_ =	swait.ge @!p1 [sflag:s5], $0x80;
	(pc) =	sbr.rel .LBB2_9-.Ltmp7, $4  }
0x1f6: {  	s28 =	sadd.s32 $0x4, s28;
	s21 =	simm.s32 $0x280;
	[sflag:s5] =	ssyncset.done @!p1 $0x0  }
0x1f7: {  	s1 =	simm.s32 @!p1 $0x50;
	[sflag:s5] =	ssyncadd.s32 @!p1 $0xFFFFFF80;
	s5 =	simm.s32 @!p1 $0x5400  }
0x1f8: {  	[tilespmem:s5], [sflag:$0x3] =	stream.indirect.gather @!p1 [hbm4b:s6+s1], $0x80, s24, s1, $0xb8;
	[tilespmem:$0x1E980] =	vst v63  }
0x1f9: {  	s29 =	sadd.s32 $0x200, s29;
	s22 =	simm.s32 $0x200;
	s5 =	simm.s32 $0x400  }
.LBB2_6:
.Ltmp8:
0x1fa: {  	(pc) =	sbr.rel .LBB2_11-.Ltmp8, $4  }
0x1fb: {  	_ = 	snop  }
0x1fc: {  	s29 =	rddreg [dreg:$0x5]  }
0x1fd: {  	s22 =	rddreg [dreg:$0x1]  }
0x1fe: {  	s21 =	sld [smem:$0x7F2]  }
.LBB2_12:
0x1ff: {  	_ =	sfence.sel $0x180000  }
0x200: {  	[bflag:$0x0] =	sbarrier.arrive $0xFFFF  }
0x201: {  	_ =	strace $0x90000047  }
0x202: {  	s0 =	stileid.u32;
	[bflag:$0x2] =	sbarrier.arrive $0xFFFF  }
0x203: {  	p0 =	sne.s32 s0, $0x0;
	s0 =	rddreg [dreg:$0x4]  }
0x204: {  	s0 =	sadd.s32 @!p0 $0x100000, s0  }
0x205: {  	[sflag:s0] =	ssyncadd.tile.s32 @!p0 $0x1;
	_ =	shalt  }
.Lfunc_end2:
_tile_overlayer_lowered:
.L_overlay_start_2:
0x206: {  	(tag) =	ssettag $0x2  }
0x207: {  	s0 =	rddreg [dreg:$0x0];
	s2 =	stileid.u32  }
0x208: {  	s1 =	rddreg [dreg:$0x1];
	p0 =	sne.s32 s2, $0x0  }
0x209: {  	s3 =	rddreg [dreg:$0x2];
	[bflag:$0x3] =	sbarrier.arrive $0xFFFF;
	s2 =	simm.s32 @!p0 $0x1C0D  }
0x20a: {  	[timem:s3], [sflag:s2] =	dma.local @!p0 [hbm:s0], s1  }
0x20b: {  	s0 =	simm.s32 @!p0 $0xD  }
0x20c: {  	_ =	swait.ge @!p0 [sflag:s0], s1  }
0x20d: {  	s1 =	ssub.s32 @!p0 $0x0, s1;
	[sflag:s0] =	ssyncset.done @!p0 $0x0  }
0x20e: {  	[sflag:s0] =	ssyncadd.s32 @!p0 s1  }
0x20f: {  	[bflag:$0x3] =	sbarrier.arrive $0xFFFF  }
0x210: {  	_ =	shalt  }

// kernel: kernel.9.cloned.1.call-start
scs
__scs_entry_jumppad:
0x0: {  	(pc) =	sbr.rel $0x88, $3  }
0x1: {  	(tag) =	ssettag $0x0;
	lr =	simm.s32 $0x1  }
0x2: {  	[smem:$0x3F8C] =	sst lr;
	_ =	strace $0xD0000000  }
0x3: {  	_ = 	snop  }
0x4: {  	_ = 	snop  }
0x5: {  	_ = 	snop  }
0x6: {  	_ = 	snop  }
0x7: {  	_ = 	snop  }
__scs_overlays_trampoline_lowered:
0x8: {  	[smem:$0x3F9B] =	sst s0  }
0x9: {  	[smem:$0x3F9C] =	sst s1  }
0xa: {  	[smem:$0x3F9D] =	sst s2  }
0xb: {  	[smem:$0x3F9E] =	sst s3  }
0xc: {  	[smem:$0x3F9F] =	sst s4  }
0xd: {  	[smem:$0x3FA0] =	sst s5  }
0xe: {  	[smem:$0x3FA1] =	sst s6  }
0xf: {  	[smem:$0x3FA2] =	sst s7  }
0x10: {  	[smem:$0x3FA3] =	sst s8  }
0x11: {  	[smem:$0x3FA4] =	sst s9;
	s0 =	simm.s32 @!p0 $0x0  }
0x12: {  	s1 =	sld [smem:$0x3F8A];
	s0 =	simm.s32 @p0 $0x1  }
0x13: {  	[smem:$0x3FA5] =	sst s0;
	s0 =	simm.s32 @!p1 $0x0  }
0x14: {  	s2 =	sld [smem:$0x3F89];
	s0 =	simm.s32 @p1 $0x1  }
0x15: {  	[smem:$0x3FA6] =	sst s0;
	s0 =	simm.s32 @!p2 $0x0  }
0x16: {  	s3 =	sld [smem:$0x3FDB];
	s0 =	simm.s32 @p2 $0x1  }
0x17: {  	s4 =	simm.s32 $0x1BF5;
	[smem:$0x3FA8] =	sst s0  }
0x18: {  	s0 =	sld [smem:$0x3F8B];
	_ =	swait.ge [sflag:s4], $0x0  }
0x19: {  	s7 =	sld [smem:$0x3F8C]  }
0x1a: {  	s8 =	sadd.s32 $0xFFFFE003, lr  }
0x1b: {  	s9 =	sadd.s32 $0xFFFFFEF7, lr;
	s5 =	simm.s32 $0xFFFFFFFF;
	p2 =	slt.u32 s8, $0xFFFFF086  }
0x1c: {  	p1 =	slt.u32 s9, $0xF7A;
	s5 =	simm.s32 @!p2 $0x0  }
0x1d: {  	s5 =	simm.s32 @p1 $0x1;
	p0 =	seq.s32 s7, s2  }
0x1e: {  	s7 =	smul.u32 @!p0 $0xF7A, s2;
	p2 =	seq.s32 @!p0 s5, $0x0  }
0x1f: {  	s9 =	smul.u32 $0xF7A, s1;
	s8 =	simm.s32 @!p0 $0x1BF5;
	p2 =	por !p2, p0  }
0x20: {  	[sflag:s8] =	ssyncset.s32 @!p0 $0xFFFFF086;
	s6 =	sadd.s32 @!p0 s3, s7;
	s7 =	simm.s32 @!p0 $0x108  }
0x21: {  	s3 =	sadd.s32 s3, s9;
	s6 =	sadd.s32 @!p0 $0x88, s6;
	s7 =	simm.s32 @p2 $0x1082  }
0x22: {  	[simem:s7], [sflag:s8] =	dma.local @!p0 [hbm:s6], $0xF7A  }
0x23: {  	s9 =	sor.u32 $0xD0000000, s2;
	s6 =	simm.s32 $0x108;
	_ =	swait.ge @!p0 [sflag:s8], $0x0  }
0x24: {  	s3 =	sadd.s32 $0x88, s3;
	s6 =	simm.s32 @!p1 $0x1082;
	[sflag:s4] =	ssyncset.s32 $0xFFFFF086  }
0x25: {  	[simem:s6], [sflag:s4] =	dma.local [hbm:s3], $0xF7A  }
0x26: {  	[smem:$0x3F8C] =	sst s1;
	(tag) =	ssettag s2;
	_ =	strace s9  }
0x27: {  	s1 =	sld [smem:$0x3F9C]  }
0x28: {  	s2 =	sld [smem:$0x3F9D]  }
0x29: {  	s4 =	sld [smem:$0x3F9F]  }
0x2a: {  	p0 =	seq.s32 s5, $0x0;
	s5 =	sld [smem:$0x3FA0]  }
0x2b: {  	s6 =	sld [smem:$0x3FA1]  }
0x2c: {  	s7 =	sld [smem:$0x3FA2]  }
0x2d: {  	s3 =	simm.s32 $0x108;
	s8 =	sld [smem:$0x3FA3]  }
0x2e: {  	s3 =	simm.s32 @!p0 $0x1082;
	s9 =	sld [smem:$0x3FA4]  }
0x2f: {  	lr =	sadd.s32 s0, s3;
	s0 =	sld [smem:$0x3F9B]  }
0x30: {  	s3 =	sld [smem:$0x3F9E]  }
0x31: {  	[smem:$0x3FA7] =	sst s10  }
0x32: {  	s10 =	sld [smem:$0x3FA5];
	_ =	sdelay $0x3  }
0x33: {  	p0 =	seq.s32 s10, $0x1;
	s10 =	sld [smem:$0x3FA7];
	_ =	sdelay $0x3  }
0x34: {  	[smem:$0x3FA7] =	sst s10  }
0x35: {  	s10 =	sld [smem:$0x3FA6];
	_ =	sdelay $0x3  }
0x36: {  	p1 =	seq.s32 s10, $0x1;
	s10 =	sld [smem:$0x3FA7];
	_ =	sdelay $0x3  }
0x37: {  	[smem:$0x3FA7] =	sst s10  }
0x38: {  	s10 =	sld [smem:$0x3FA8]  }
0x39: {  	_ = 	snop;
	(pc) =	sbr.ind lr, $3  }
0x3a: {  	_ = 	snop  }
0x3b: {  	_ = 	snop  }
0x3c: {  	p2 =	seq.s32 s10, $0x1;
	s10 =	sld [smem:$0x3FA7]  }
0x3d: {  	_ =	shalt  }
0x3e: {  	_ =	shalt  }
0x3f: {  	_ =	shalt  }
0x40: {  	_ =	shalt  }
0x41: {  	_ =	shalt  }
0x42: {  	_ =	shalt  }
0x43: {  	_ =	shalt  }
0x44: {  	_ =	shalt  }
0x45: {  	_ =	shalt  }
0x46: {  	_ =	shalt  }
0x47: {  	_ =	shalt  }
0x48: {  	_ =	shalt  }
0x49: {  	_ =	shalt  }
0x4a: {  	_ =	shalt  }
0x4b: {  	_ =	shalt  }
0x4c: {  	_ =	shalt  }
0x4d: {  	_ =	shalt  }
0x4e: {  	_ =	shalt  }
0x4f: {  	_ =	shalt  }
0x50: {  	_ =	shalt  }
0x51: {  	_ =	shalt  }
0x52: {  	_ =	shalt  }
0x53: {  	_ =	shalt  }
0x54: {  	_ =	shalt  }
0x55: {  	_ =	shalt  }
0x56: {  	_ =	shalt  }
0x57: {  	_ =	shalt  }
0x58: {  	_ =	shalt  }
0x59: {  	_ =	shalt  }
0x5a: {  	_ =	shalt  }
0x5b: {  	_ =	shalt  }
0x5c: {  	_ =	shalt  }
0x5d: {  	_ =	shalt  }
0x5e: {  	_ =	shalt  }
0x5f: {  	_ =	shalt  }
0x60: {  	_ =	shalt  }
0x61: {  	_ =	shalt  }
0x62: {  	_ =	shalt  }
0x63: {  	_ =	shalt  }
0x64: {  	_ =	shalt  }
0x65: {  	_ =	shalt  }
0x66: {  	_ =	shalt  }
0x67: {  	_ =	shalt  }
0x68: {  	_ =	shalt  }
0x69: {  	_ =	shalt  }
0x6a: {  	_ =	shalt  }
0x6b: {  	_ =	shalt  }
0x6c: {  	_ =	shalt  }
0x6d: {  	_ =	shalt  }
0x6e: {  	_ =	shalt  }
0x6f: {  	_ =	shalt  }
0x70: {  	_ =	shalt  }
0x71: {  	_ =	shalt  }
0x72: {  	_ =	shalt  }
0x73: {  	_ =	shalt  }
0x74: {  	_ =	shalt  }
0x75: {  	_ =	shalt  }
0x76: {  	_ =	shalt  }
0x77: {  	_ =	shalt  }
0x78: {  	_ =	shalt  }
0x79: {  	_ =	shalt  }
0x7a: {  	_ =	shalt  }
0x7b: {  	_ =	shalt  }
0x7c: {  	_ =	shalt  }
0x7d: {  	_ =	shalt  }
0x7e: {  	_ =	shalt  }
0x7f: {  	_ =	shalt  }
0x80: {  	_ =	shalt  }
0x81: {  	_ =	shalt  }
0x82: {  	_ =	shalt  }
0x83: {  	_ =	shalt  }
0x84: {  	_ =	shalt  }
0x85: {  	_ =	shalt  }
0x86: {  	_ =	shalt  }
0x87: {  	_ =	shalt  }
.Lfunc_end0:
.L_simem_size_0:
called_computation.1_lowered:
.L_overlay_start_0:
0x88: {  	s2 =	sld [smem:$0x3FD9]  }
0x89: {  	s3 =	sld [smem:$0x3FFE];
	_ =	sdelay $0x1  }
0x8a: {  	s1 =	srdreg.scid  }
0x8b: {  	s0 =	sand.u32 $0x1, s1  }
0x8c: {  	s16 =	sshll.u32 s0, $0xA;
	s2 =	sadd.s32 s3, s2  }
0x8d: {  	s2 =	sadd.s32 s2, s16  }
0x8e: {  	[smem:$0x3FB3] =	sst s2  }
0x8f: {  	_ = 	snop  }
0x90: {  	(tm) =	ssettm $0x1  }
0x91: {  	s17 =	sld [smem:$0x3FFB];
	_ =	sdelay $0x3  }
0x92: {  	_ =	strace s17  }
0x93: {  	s2 =	sld [smem:$0x3FFC];
	_ =	sdelay $0x3  }
0x94: {  	_ =	strace s2  }
0x95: {  	s2 =	sld [smem:$0x3FFD];
	_ =	sdelay $0x3  }
0x96: {  	_ =	strace s2  }
0x97: {  	_ =	strace $0x8FFFFFFF  }
0x98: {  	s18 =	sld [smem:$0x3FDB];
	_ =	sdelay $0x1  }
0x99: {  	s19 =	simm.s32 $_scs_section_size  }
0x9a: {  	s4 =	simm.s32 $_size__tile_overlayer_lowered;
	s5 =	simm.s32 $_tile_overlayer_lowered  }
0x9b: {  	s22 =	simm.s32 $0x1BFF;
	s21 =	sshll.u32 s5, $0x1;
	s2 =	sadd.s32 s19, s18  }
0x9c: {  	s6 =	simm.s32 $0x0;
	s20 =	sshll.u32 s4, $0x1;
	s4 =	sadd.s32 s21, s2  }
0x9d: {  	[timem:s6], [sflag:s22] =	dma.local [hbm:s4], s20  }
0x9e: {  	_ =	swait.ge [sflag:s22], s20  }
0x9f: {  	s3 =	ssub.s32 $0x0, s20;
	[sflag:s22] =	ssyncset.done $0x0  }
0xa0: {  	[sflag:s22] =	ssyncadd.s32 s3;
	_ =	sdelay $0x1  }
0xa1: {  	s23 =	simm.s32 $0x1B8B  }
0xa2: {  	_ =	swait.ge [sflag:s23], $0x1  }
0xa3: {  	[sflag:s23] =	ssyncset.done $0x0  }
0xa4: {  	s25 =	simm.s32 $0x1B8E;
	s24 =	sld [smem:$0x3FFE];
	[sflag:s23] =	ssyncadd.s32 $0xFFFFFFFF  }
0xa5: {  	s26 =	simm.s32 $execute0_lowered;
	[smem:$0x3FD2] =	sst s25  }
0xa6: {  	s4 =	sshll.u32 s26, $0x1;
	_ =	strace $0x80000049;
	[dreg:$0x1] =	wrdreg $0xFFFFFFFF  }
0xa7: {  	s28 =	simm.s32 $_size_execute0_lowered;
	s2 =	sadd.s32 s2, s4;
	[dreg:$0x0] =	wrdreg $0x0  }
0xa8: {  	s4 =	sshll.u32 s28, $0x1;
	[dreg:$0x2] =	wrdreg s2  }
0xa9: {  	[dreg:$0x3] =	wrdreg s4  }
0xaa: {  	[dreg:$0x4] =	wrdreg $0xC0  }
0xab: {  	_ =	task [dreg:s6], $0x5FFFF  }
0xac: {  	[dreg:$0x1] =	wrdreg $0xFFFFFFFF  }
0xad: {  	[dreg:$0x0] =	wrdreg $0x60  }
0xae: {  	[dreg:$0x2] =	wrdreg s24  }
0xaf: {  	[dreg:$0x3] =	wrdreg $0xA4000  }
0xb0: {  	[dreg:$0x4] =	wrdreg $0x9  }
0xb1: {  	_ =	task.clear_ibuf [dreg:s6], $0x5FFFF;
	_ =	strace $0x90000049  }
0xb2: {  	s29 =	simm.s32 $0x9;
	_ =	strace $0x8000004B  }
0xb3: {  	_ =	swait.ge [sflag:s29], $0x1  }
0xb4: {  	[sflag:s29] =	ssyncadd.s32 $0xFFFFFFFF  }
0xb5: {  	_ =	strace $0x9000004B  }
0xb6: {  	_ =	sfence  }
0xb7: {  	s30 =	sld [smem:$0x0];
	_ =	sdelay $0x2  }
0xb8: {  	s31 =	sshll.u32 s1, $0xD;
	s1 =	sshrl.u32 s1, $0x2  }
0xb9: {  	s3 =	sand.u32 $0x4000, s31;
	s1 =	sadd.s32 s1, s30  }
0xba: {  	s0 =	sor.u32 s3, s0;
	s1 =	sshll.u32 s1, $0x11  }
0xbb: {  	s0 =	sor.u32 s1, s0  }
0xbc: {  	s0 =	sadd.s32 $0x8F2B, s0  }
0xbd: {  	[sflag:s0] =	ssyncadd.remote.s32 $0x1  }
0xbe: {  	_ =	sfence.sel $0xFFFF  }
0xbf: {  	[dreg:$0x0] =	wrdreg $0xFFFFFFFF;
	(pc) =	sbr.abs _section_cstart, $3  }
0xc0: {  	[dreg:$0x1] =	wrdreg $0xFFFFFFFF  }
0xc1: {  	_ =	task.clear_ibuf [dreg:s6], $0x2FFFF;
	_ =	strace $0x9FFFFFFF  }
0xc2: {  	(tm) =	ssettm $0x7FFFFFFF  }
0xc3: {  	_ =	shalt  }
tec
execute0_lowered:
.L_overlay_start_1:
0x0: {  	(tag) =	ssettag $0x1  }
0x1: {  	s0 =	rddreg [dreg:$0x0]  }
0x2: {  	s1 =	rddreg [dreg:$0x1];
	s2 =	simm.s32 $0x0  }
0x3: {  	s5 =	srdreg.scid;
	s19 =	stileid.u32;
	s28 =	simm.s32 $0x200  }
0x4: {  	[smem:$0x7FF] =	sst s2;
	s3 =	sadd.s32 $0x44A00, s0;
	s4 =	sadd.s32 $0x6CA00, s0  }
0x5: {  	s6 =	sadd.s32 $0x4A00, s0;
	s7 =	sadd.s32 $0x14A00, s0;
	s8 =	sadd.s32 $0x24A00, s0  }
0x6: {  	s9 =	sadd.s32 $0x34A00, s0;
	s5 =	sand.u32 $0x1, s5;
	s10 =	smul.u32 $0x280, s19  }
0x7: {  	s11 =	sadd.s32 $0x94A00, s0;
	s12 =	smul.u32 $0x50000, s19;
	s0 =	sadd.s32 $0x10D000, s0  }
0x8: {  	_ =	strace $0x8000004A;
	[dreg:$0x3] =	wrdreg s11;
	s21 =	ssub.s32 $0x2, s5  }
0x9: {  	[dreg:$0x4] =	wrdreg s0;
	s13 =	sor.u32 $0x50, s10;
	s23 =	sshrl.u32 s12, $0x2  }
0xa: {  	s26 =	sadd.s32 $0xA0, s10;
	s24 =	sshll.u32 s13, $0x7;
	s11 =	sadd.s32 s23, s1  }
0xb: {  	s16 =	sshll.u32 s26, $0x7;
	s26 =	sshll.u32 s26, $0x4;
	[dreg:$0x5] =	wrdreg s11  }
0xc: {  	s22 =	sshrl.u32 s21, $0x1;
	s25 =	sadd.s32 s24, s1;
	[dreg:$0xe] =	wrdreg s26  }
0xd: {  	s14 =	sadd.s32 $0xF0, s10;
	s12 =	sadd.s32 s16, s1;
	[dreg:$0x6] =	wrdreg s25  }
0xe: {  	s15 =	sadd.s32 $0x140, s10;
	s24 =	sshll.u32 s13, $0x4;
	[dreg:$0x7] =	wrdreg s12  }
0xf: {  	s20 =	sadd.s32 $0x190, s10;
	s11 =	sshll.u32 s14, $0x4;
	[dreg:$0xd] =	wrdreg s24  }
0x10: {  	s0 =	ssub.s32 s21, s22;
	s13 =	sshll.u32 s15, $0x4;
	[dreg:$0xf] =	wrdreg s11  }
0x11: {  	s17 =	sshll.u32 s14, $0x7;
	s14 =	sshll.u32 s20, $0x4;
	[dreg:$0x10] =	wrdreg s13  }
0x12: {  	s21 =	sadd.s32 $0x1E0, s10;
	s0 =	smax.u32 s0, $0x1;
	[dreg:$0x11] =	wrdreg s14  }
0x13: {  	s16 =	sshll.u32 s15, $0x7;
	s12 =	sadd.s32 s17, s1;
	[smem:$0x7FC] =	sst s0  }
0x14: {  	s22 =	sshll.u32 s20, $0x7;
	s18 =	sadd.s32 s16, s1;
	[dreg:$0x8] =	wrdreg s12  }
0x15: {  	s15 =	sshll.u32 s19, $0xC;
	s16 =	sshll.u32 s21, $0x4;
	[dreg:$0x9] =	wrdreg s18  }
0x16: {  	s25 =	sadd.s32 s22, s1;
	s22 =	sadd.s32 s6, s15;
	[dreg:$0x12] =	wrdreg s16  }
0x17: {  	p0 =	sne.s32 s5, $0x0;
	s5 =	sadd.s32 s7, s15;
	[dreg:$0x16] =	wrdreg s22  }
0x18: {  	s29 =	simm.s32 $0x50;
	s17 =	sshll.u32 s21, $0x7;
	[dreg:$0x17] =	wrdreg s5  }
0x19: {  	s10 =	sadd.s32 $0x230, s10;
	s23 =	sadd.s32 s17, s1;
	[dreg:$0xa] =	wrdreg s25  }
0x1a: {  	s18 =	sshll.u32 s10, $0x7;
	s10 =	sshll.u32 s10, $0x4;
	[dreg:$0xb] =	wrdreg s23  }
0x1b: {  	s20 =	sor.u32 $0x10, s15;
	s17 =	sadd.s32 s8, s15;
	[dreg:$0x13] =	wrdreg s10  }
0x1c: {  	s30 =	simm.s32 $0x1;
	s24 =	sadd.s32 s8, s20;
	[dreg:$0x14] =	wrdreg s17  }
0x1d: {  	s31 =	sshll.u32 s19, $0xF;
	s26 =	sadd.s32 s9, s20;
	[dreg:$0x18] =	wrdreg s24  }
0x1e: {  	s21 =	sor.u32 $0x20, s15;
	s13 =	sadd.s32 s6, s20;
	[dreg:$0x19] =	wrdreg s26  }
0x1f: {  	s11 =	simm.s32 $0x9;
	s14 =	sadd.s32 s7, s20;
	[dreg:$0x1a] =	wrdreg s13  }
0x20: {  	s0 =	simm.s32 $0x2;
	s16 =	sadd.s32 s9, s21;
	[dreg:$0x1b] =	wrdreg s14  }
0x21: {  	s23 =	sadd.s32 s18, s1;
	s18 =	sadd.s32 s9, s15;
	[dreg:$0x1d] =	wrdreg s16  }
0x22: {  	s12 =	sor.u32 $0x30, s15;
	s15 =	sadd.s32 s8, s21;
	[dreg:$0x15] =	wrdreg s18  }
0x23: {  	s5 =	simm.s32 $0x80;
	s17 =	sadd.s32 s6, s21;
	[dreg:$0x1c] =	wrdreg s15  }
0x24: {  	s20 =	sadd.s32 s8, s12;
	s22 =	sadd.s32 s6, s12;
	[dreg:$0x1e] =	wrdreg s17  }
0x25: {  	s24 =	sadd.s32 s7, s12;
	s26 =	smul.u32 $0x2800, s19;
	[smem:$0x7F8] =	sst s20  }
0x26: {  	s10 =	simm.s32 $0x400;
	s13 =	simm.s32 $0x6;
	[smem:$0x7FA] =	sst s22  }
.Ltmp0:
0x27: {  	s14 =	simm.s32 $0x4;
	[smem:$0x7FB] =	sst s24;
	(pc) =	sbr.rel .LBB2_1-.Ltmp0, $4  }
0x28: {  	s18 =	sadd.s32 s7, s21;
	s21 =	sadd.s32 s9, s12;
	[dreg:$0xc] =	wrdreg s23  }
0x29: {  	s20 =	simm.s32 $0x280;
	s22 =	simm.s32 $0x5;
	[dreg:$0x1f] =	wrdreg s18  }
0x2a: {  	s24 =	simm.s32 $0x3;
	s15 =	simm.s32 $0x7;
	[smem:$0x7F9] =	sst s21  }
0x2b: {  	v0 =	vimm.f32 $0.0e+00;
	[smem:$0x7FD] =	sst s26;
	s21 =	simm.s32 $0x2C00;
	s26 =	simm.s32 $0x0  }
.LBB2_10:
0x2c: {  	s17 =	rddreg [dreg:$0x4]  }
0x2d: {  	s26 =	sld [smem:$0x7F7]  }
.LBB2_11:
0x2e: {  	_ =	swait.ge [sflag:s13], $0x2800  }
0x2f: {  	[sflag:s13] =	ssyncset.done $0x0  }
0x30: {  	s12 =	sld [smem:$0x7FD];
	[sflag:s13] =	ssyncadd.s32 $0xFFFFD800  }
0x31: {  	s16 =	stileid.u32;
	[bflag:$0x0] =	sbarrier.arrive $0xFFFF  }
0x32: {  	s16 =	sshll.u32 s16, $0x6;
	s19 =	rddreg [dreg:$0x5]  }
0x33: {  	s18 =	sor.u32 $0x1C01, s16;
	s12 =	sadd.s32 s17, s12;
	s19 =	sshrl.u32 s19, $0x3  }
0x34: {  	[hbm:s12], [sflag:s18] =	dma.local [spmem:s19], $0x500  }
0x35: {  	s12 =	rddreg [dreg:$0xd]  }
0x36: {  	s23 =	rddreg [dreg:$0x6]  }
0x37: {  	s19 =	sor.u32 $0x1C02, s16;
	s12 =	sadd.s32 s17, s12;
	s23 =	sshrl.u32 s23, $0x3  }
0x38: {  	[hbm:s12], [sflag:s19] =	dma.local [spmem:s23], $0x500  }
0x39: {  	s12 =	rddreg [dreg:$0xe]  }
0x3a: {  	s25 =	rddreg [dreg:$0x7]  }
0x3b: {  	s23 =	sor.u32 $0x1C03, s16;
	s12 =	sadd.s32 s17, s12;
	s25 =	sshrl.u32 s25, $0x3  }
0x3c: {  	[hbm:s12], [sflag:s23] =	dma.local [spmem:s25], $0x500  }
0x3d: {  	s12 =	rddreg [dreg:$0xf]  }
0x3e: {  	s25 =	rddreg [dreg:$0x8]  }
0x3f: {  	s16 =	sor.u32 $0x1C04, s16;
	s12 =	sadd.s32 s17, s12;
	s25 =	sshrl.u32 s25, $0x3  }
0x40: {  	[hbm:s12], [sflag:s16] =	dma.local [spmem:s25], $0x500  }
0x41: {  	s12 =	rddreg [dreg:$0x10]  }
0x42: {  	s25 =	rddreg [dreg:$0x9]  }
0x43: {  	s12 =	sadd.s32 s17, s12;
	s25 =	sshrl.u32 s25, $0x3  }
0x44: {  	[hbm:s12], [sflag:s18] =	dma.local [spmem:s25], $0x500  }
0x45: {  	s12 =	rddreg [dreg:$0x11]  }
0x46: {  	s25 =	rddreg [dreg:$0xa]  }
0x47: {  	s12 =	sadd.s32 s17, s12;
	s18 =	sshrl.u32 s25, $0x3  }
0x48: {  	[hbm:s12], [sflag:s19] =	dma.local [spmem:s18], $0x500  }
0x49: {  	s12 =	rddreg [dreg:$0x12]  }
0x4a: {  	s18 =	rddreg [dreg:$0xb]  }
0x4b: {  	s12 =	sadd.s32 s17, s12;
	s18 =	sshrl.u32 s18, $0x3  }
0x4c: {  	[hbm:s12], [sflag:s23] =	dma.local [spmem:s18], $0x500  }
0x4d: {  	s12 =	rddreg [dreg:$0x13]  }
0x4e: {  	s23 =	rddreg [dreg:$0xc]  }
0x4f: {  	s12 =	sadd.s32 s17, s12;
	s18 =	sshrl.u32 s23, $0x3  }
0x50: {  	[hbm:s12], [sflag:s16] =	dma.local [spmem:s18], $0x500  }
0x51: {  	_ =	swait.ge [sflag:s30], $0x500  }
0x52: {  	[sflag:s30] =	ssyncset.done $0x0  }
0x53: {  	[sflag:s30] =	ssyncadd.s32 $0xFFFFFB00  }
0x54: {  	_ =	swait.ge [sflag:s0], $0x500  }
0x55: {  	[sflag:s0] =	ssyncset.done $0x0  }
0x56: {  	[sflag:s0] =	ssyncadd.s32 $0xFFFFFB00  }
0x57: {  	_ =	swait.ge [sflag:s24], $0x500  }
0x58: {  	[sflag:s24] =	ssyncset.done $0x0  }
0x59: {  	[sflag:s24] =	ssyncadd.s32 $0xFFFFFB00  }
0x5a: {  	_ =	swait.ge [sflag:s14], $0x500  }
0x5b: {  	[sflag:s14] =	ssyncset.done $0x0  }
0x5c: {  	[sflag:s14] =	ssyncadd.s32 $0xFFFFFB00  }
0x5d: {  	_ =	swait.ge [sflag:s30], $0x500  }
0x5e: {  	[sflag:s30] =	ssyncset.done $0x0  }
0x5f: {  	[sflag:s30] =	ssyncadd.s32 $0xFFFFFB00  }
0x60: {  	_ =	swait.ge [sflag:s0], $0x500  }
0x61: {  	[sflag:s0] =	ssyncset.done $0x0  }
0x62: {  	[sflag:s0] =	ssyncadd.s32 $0xFFFFFB00  }
0x63: {  	_ =	swait.ge [sflag:s24], $0x500  }
0x64: {  	[sflag:s24] =	ssyncset.done $0x0  }
0x65: {  	[sflag:s24] =	ssyncadd.s32 $0xFFFFFB00  }
0x66: {  	_ =	swait.ge [sflag:s14], $0x500  }
0x67: {  	s19 =	sld [smem:$0x7FC];
	_ =	sdelay $0x1  }
0x68: {  	s26 =	sadd.s32 $0x1, s26  }
0x69: {  	p1 =	sne.s32 s26, s19  }
.Ltmp1:
0x6a: {  	_ = 	snop;
	(pc) =	sbr.rel @!p1 .LBB2_12-.Ltmp1, $3  }
0x6b: {  	_ =	sdelay $0x1  }
0x6c: {  	[sflag:s14] =	ssyncset.done $0x0  }
0x6d: {  	[sflag:s14] =	ssyncadd.s32 $0xFFFFFB00  }
.LBB2_1:
0x6e: {  	s17 =	simm.s32 $0x70;
	s18 =	simm.s32 $0x3C0  }
.LBB2_2:
0x6f: {  	p1 =	sne.s32 s18, $0x9FC0;
	[tilespmem:s17+$0x400] =	vst v0  }
0x70: {  	[tilespmem:s17+$0x390] =	vst v0  }
0x71: {  	[tilespmem:s17+$0x3A0] =	vst v0  }
.Ltmp2:
0x72: {  	[tilespmem:s17+$0x3B0] =	vst v0;
	(pc) =	sbr.rel @p1 .LBB2_2-.Ltmp2, $4  }
0x73: {  	[tilespmem:s17+$0x3C0] =	vst v0  }
0x74: {  	[tilespmem:s17+$0x3D0] =	vst v0  }
0x75: {  	[tilespmem:s17+$0x3E0] =	vst v0  }
0x76: {  	[tilespmem:s17+$0x3F0] =	vst v0;
	s17 =	sshra.s32 s18, $0x2;
	s18 =	sadd.s32 $0x200, s18  }
0x77: {  	[tilespmem:s17+$0x400] =	vst v0  }
0x78: {  	[tilespmem:s17+$0x390] =	vst v0  }
0x79: {  	[tilespmem:s17+$0x3A0] =	vst v0  }
0x7a: {  	[tilespmem:s17+$0x3B0] =	vst v0  }
0x7b: {  	[tilespmem:s17+$0x3C0] =	vst v0  }
0x7c: {  	[tilespmem:s17+$0x3D0] =	vst v0  }
0x7d: {  	[smem:$0x7F7] =	sst s26;
	[tilespmem:s17+$0x3E0] =	vst v0  }
0x7e: {  	[tilespmem:s17+$0x3F0] =	vst v0;
	s12 =	rddreg [dreg:$0x5]  }
0x7f: {  	[spmem:s12] =	stream.linear.scatter [tilespmem:s10], [sflag:$0x9], $0x2800, $0x38;
	[tilespmem:$0x1E400] =	vst v63  }
0x80: {  	_ =	swait.ge [sflag:s11], $0x2800  }
0x81: {  	[sflag:s11] =	ssyncset.done $0x0  }
0x82: {  	s16 =	rddreg [dreg:$0x6];
	[sflag:s11] =	ssyncadd.s32 $0xFFFFD800  }
0x83: {  	[spmem:s16] =	stream.linear.scatter [tilespmem:s10], [sflag:$0x9], $0x2800, $0x38;
	[tilespmem:$0x1E400] =	vst v63  }
0x84: {  	_ =	swait.ge [sflag:s11], $0x2800  }
0x85: {  	[sflag:s11] =	ssyncset.done $0x0  }
0x86: {  	s17 =	rddreg [dreg:$0x7];
	[sflag:s11] =	ssyncadd.s32 $0xFFFFD800  }
0x87: {  	[spmem:s17] =	stream.linear.scatter [tilespmem:s10], [sflag:$0x9], $0x2800, $0x38;
	[tilespmem:$0x1E400] =	vst v63  }
0x88: {  	_ =	swait.ge [sflag:s11], $0x2800  }
0x89: {  	[sflag:s11] =	ssyncset.done $0x0  }
0x8a: {  	s18 =	rddreg [dreg:$0x8];
	[sflag:s11] =	ssyncadd.s32 $0xFFFFD800  }
0x8b: {  	[spmem:s18] =	stream.linear.scatter [tilespmem:s10], [sflag:$0x9], $0x2800, $0x38;
	[tilespmem:$0x1E400] =	vst v63  }
0x8c: {  	_ =	swait.ge [sflag:s11], $0x2800  }
0x8d: {  	[sflag:s11] =	ssyncset.done $0x0  }
0x8e: {  	s19 =	rddreg [dreg:$0x9];
	[sflag:s11] =	ssyncadd.s32 $0xFFFFD800  }
0x8f: {  	[spmem:s19] =	stream.linear.scatter [tilespmem:s10], [sflag:$0x9], $0x2800, $0x38;
	[tilespmem:$0x1E400] =	vst v63  }
0x90: {  	_ =	swait.ge [sflag:s11], $0x2800  }
0x91: {  	[sflag:s11] =	ssyncset.done $0x0  }
0x92: {  	[sflag:s11] =	ssyncadd.s32 $0xFFFFD800  }
0x93: {  	[spmem:s25] =	stream.linear.scatter [tilespmem:s10], [sflag:$0x9], $0x2800, $0x38;
	[tilespmem:$0x1E400] =	vst v63  }
0x94: {  	_ =	swait.ge [sflag:s11], $0x2800  }
0x95: {  	[sflag:s11] =	ssyncset.done $0x0  }
0x96: {  	s26 =	rddreg [dreg:$0xb];
	[sflag:s11] =	ssyncadd.s32 $0xFFFFD800  }
0x97: {  	[spmem:s26] =	stream.linear.scatter [tilespmem:s10], [sflag:$0x9], $0x2800, $0x38;
	[tilespmem:$0x1E400] =	vst v63  }
0x98: {  	_ =	swait.ge [sflag:s11], $0x2800  }
0x99: {  	[sflag:s11] =	ssyncset.done $0x0  }
0x9a: {  	[sflag:s11] =	ssyncadd.s32 $0xFFFFD800  }
0x9b: {  	[spmem:s23] =	stream.linear.scatter [tilespmem:s10], [sflag:$0x9], $0x2800, $0x38;
	[tilespmem:$0x1E400] =	vst v63  }
.Ltmp3:
0x9c: {  	_ =	swait.ge [sflag:s11], $0x2800;
	(pc) =	sbr.rel @p0 .LBB2_8-.Ltmp3, $3  }
0x9d: {  	[sflag:s11] =	ssyncset.done $0x0  }
0x9e: {  	[sflag:s11] =	ssyncadd.s32 $0xFFFFD800  }
0x9f: {  	[bflag:$0x0] =	sbarrier.arrive $0xFFFF;
	_ =	sdelay $0x1  }
0xa0: {  	s12 =	rddreg [dreg:$0x16]  }
0xa1: {  	[tilespmem:s2], [sflag:$0x9] =	stream.linear.gather [hbm4b:s12+s2], $0x80, $0x38;
	[tilespmem:$0x1E400] =	vst v63  }
0xa2: {  	_ =	swait.ge [sflag:s11], $0x80  }
0xa3: {  	[sflag:s11] =	ssyncset.done $0x0  }
0xa4: {  	s25 =	rddreg [dreg:$0x17];
	[sflag:s11] =	ssyncadd.s32 $0xFFFFFF80  }
0xa5: {  	[tilespmem:s28], [sflag:$0x9] =	stream.linear.gather [hbm4b:s25+s2], $0x80, $0x38;
	[tilespmem:$0x1E400] =	vst v63  }
0xa6: {  	_ =	swait.ge [sflag:s11], $0x80  }
0xa7: {  	[sflag:s11] =	ssyncset.done $0x0  }
0xa8: {  	[sflag:s11] =	ssyncadd.s32 $0xFFFFFF80  }
0xa9: {  	[tilespmem:s10], [sflag:$0x1] =	stream.indirect.gather [hbm4b:s3+s29], $0x80, s2, s29, $0xb8;
	[tilespmem:$0x1E400] =	vst v63  }
0xaa: {  	s26 =	rddreg [dreg:$0x1a]  }
0xab: {  	[tilespmem:s5], [sflag:$0x9] =	stream.linear.gather [hbm4b:s26+s2], $0x80, $0x38;
	[tilespmem:$0x1E400] =	vst v63  }
0xac: {  	_ =	swait.ge [sflag:s11], $0x80  }
0xad: {  	[sflag:s11] =	ssyncset.done $0x0  }
0xae: {  	s16 =	rddreg [dreg:$0x1b];
	[sflag:s11] =	ssyncadd.s32 $0xFFFFFF80  }
0xaf: {  	[tilespmem:s20], [sflag:$0x9] =	stream.linear.gather [hbm4b:s16+s2], $0x80, $0x38;
	[tilespmem:$0x1E400] =	vst v63  }
0xb0: {  	_ =	swait.ge [sflag:s11], $0x80  }
0xb1: {  	[sflag:s11] =	ssyncset.done $0x0  }
0xb2: {  	[sflag:s11] =	ssyncadd.s32 $0xFFFFFF80  }
0xb3: {  	[tilespmem:s21], [sflag:$0x2] =	stream.indirect.gather [hbm4b:s3+s29], $0x80, s5, s29, $0xb8;
	[tilespmem:$0x1E400] =	vst v63  }
0xb4: {  	s16 =	simm.s32 $0x100;
	s17 =	rddreg [dreg:$0x1e]  }
0xb5: {  	[tilespmem:s16], [sflag:$0x9] =	stream.linear.gather [hbm4b:s17+s2], $0x80, $0x38;
	[tilespmem:$0x1E400] =	vst v63  }
0xb6: {  	_ =	swait.ge [sflag:s11], $0x80  }
0xb7: {  	[sflag:s11] =	ssyncset.done $0x0  }
0xb8: {  	s17 =	simm.s32 $0x300;
	s18 =	rddreg [dreg:$0x1f];
	[sflag:s11] =	ssyncadd.s32 $0xFFFFFF80  }
0xb9: {  	[tilespmem:s17], [sflag:$0x9] =	stream.linear.gather [hbm4b:s18+s2], $0x80, $0x38;
	[tilespmem:$0x1E400] =	vst v63  }
0xba: {  	_ =	swait.ge [sflag:s11], $0x80  }
0xbb: {  	[sflag:s11] =	ssyncset.done $0x0  }
0xbc: {  	s19 =	simm.s32 $0x5400;
	s23 =	sld [smem:$0x7FA];
	[sflag:s11] =	ssyncadd.s32 $0xFFFFFF80  }
0xbd: {  	[tilespmem:s19], [sflag:$0x3] =	stream.indirect.gather [hbm4b:s3+s29], $0x80, s16, s29, $0xb8;
	[tilespmem:$0x1E400] =	vst v63  }
0xbe: {  	s25 =	simm.s32 $0x180  }
0xbf: {  	[tilespmem:s25], [sflag:$0x9] =	stream.linear.gather [hbm4b:s23+s2], $0x80, $0x38;
	[tilespmem:$0x1E400] =	vst v63  }
0xc0: {  	_ =	swait.ge [sflag:s11], $0x80  }
0xc1: {  	s26 =	sld [smem:$0x7FB]  }
0xc2: {  	[sflag:s11] =	ssyncset.done $0x0  }
0xc3: {  	s18 =	simm.s32 $0x380;
	[sflag:s11] =	ssyncadd.s32 $0xFFFFFF80  }
0xc4: {  	[tilespmem:s18], [sflag:$0x9] =	stream.linear.gather [hbm4b:s26+s2], $0x80, $0x38;
	[tilespmem:$0x1E400] =	vst v63  }
0xc5: {  	_ =	swait.ge [sflag:s11], $0x80  }
0xc6: {  	[sflag:s11] =	ssyncset.done $0x0  }
0xc7: {  	s26 =	simm.s32 $0x7C00;
	s18 =	simm.s32 $0x3;
	[sflag:s11] =	ssyncadd.s32 $0xFFFFFF80  }
0xc8: {  	[tilespmem:s26], [sflag:$0x4] =	stream.indirect.gather [hbm4b:s3+s29], $0x80, s25, s29, $0xb8;
	[tilespmem:$0x1E400] =	vst v63  }
.LBB2_5:
0xc9: {  	_ =	swait.ge [sflag:s30], $0x2800;
	s19 =	sadd.s32 $0xFFFFFFFB, s18  }
0xca: {  	[sflag:s30] =	ssyncset.done $0x0;
	p2 =	sgt.u32 s19, $0xF9  }
0xcb: {  	[sflag:s30] =	ssyncadd.s32 $0xFFFFD800;
	p1 =	sgt.u32 @!p2 s18, $0xF9  }
0xcc: {  	[spmem:s1] =	stream.indirect.scatter.add.f32 [tilespmem:s10], [sflag:$0x5], $0x80, s28, s29, $0xb8;
	[tilespmem:$0x1E400] =	vst v63  }
0xcd: {  	p1 =	por p1, p2  }
0xce: {  	s19 =	sadd.s32 @!p1 $0xFFFFFE80, s17;
	s16 =	sadd.s32 @!p1 $0xFFFFFD00, s17  }
0xcf: {  	s12 =	simm.s32 @!p2 $0x8;
	s19 =	sand.u32 @!p1 $0x380, s19;
	s16 =	sand.u32 @!p1 $0x7C00, s16  }
0xd0: {  	_ =	swait.ge @!p2 [sflag:s12], $0x2800;
	s16 =	sor.u32 @!p1 s19, s16  }
0xd1: {  	[sflag:s12] =	ssyncset.done @!p2 $0x0;
	s16 =	sor.u32 @!p1 s31, s16  }
0xd2: {  	[sflag:s12] =	ssyncadd.s32 @!p2 $0xFFFFD800;
	s12 =	sshrl.u32 @!p1 s16, $0x3  }
0xd3: {  	s23 =	simm.s32 @!p1 $0x180;
	s19 =	simm.s32 @!p1 $0x0;
	s16 =	sadd.s32 @!p1 s6, s12  }
0xd4: {  	[tilespmem:s23], [sflag:$0x9] =	stream.linear.gather @!p1 [hbm4b:s16+s19], $0x80, $0x38;
	[tilespmem:$0x1E400] =	vst v63  }
0xd5: {  	s16 =	simm.s32 @!p1 $0x9  }
0xd6: {  	_ =	swait.ge @!p1 [sflag:s16], $0x80  }
0xd7: {  	[sflag:s16] =	ssyncset.done @!p1 $0x0  }
0xd8: {  	s25 =	simm.s32 @!p1 $0x380;
	s12 =	sadd.s32 @!p1 s7, s12;
	[sflag:s16] =	ssyncadd.s32 @!p1 $0xFFFFFF80  }
0xd9: {  	[tilespmem:s25], [sflag:$0x9] =	stream.linear.gather @!p1 [hbm4b:s12+s19], $0x80, $0x38;
	[tilespmem:$0x1E400] =	vst v63  }
0xda: {  	_ =	swait.ge @!p1 [sflag:s16], $0x80  }
0xdb: {  	[sflag:s16] =	ssyncset.done @!p1 $0x0  }
0xdc: {  	s12 =	simm.s32 @!p1 $0x50;
	[sflag:s16] =	ssyncadd.s32 @!p1 $0xFFFFFF80;
	s16 =	simm.s32 @!p1 $0x7C00  }
0xdd: {  	[tilespmem:s16], [sflag:$0x4] =	stream.indirect.gather @!p1 [hbm4b:s3+s12], $0x80, s23, s12, $0xb8;
	[tilespmem:$0x1E400] =	vst v63  }
0xde: {  	_ =	swait.ge [sflag:s0], $0x2800  }
0xdf: {  	p1 =	seq.s32 s17, $0x7F00;
	[sflag:s0] =	ssyncset.done $0x0  }
.Ltmp4:
0xe0: {  	[sflag:s0] =	ssyncadd.s32 $0xFFFFD800;
	(pc) =	sbr.rel @p1 .LBB2_6-.Ltmp4, $4  }
0xe1: {  	[spmem:s1] =	stream.indirect.scatter.add.f32 [tilespmem:s21], [sflag:$0x6], $0x80, s20, s29, $0xb8;
	[tilespmem:$0x1E400] =	vst v63  }
0xe2: {  	_ =	swait.ge [sflag:s22], $0x2800  }
0xe3: {  	[sflag:s22] =	ssyncset.done $0x0  }
0xe4: {  	[sflag:s22] =	ssyncadd.s32 $0xFFFFD800  }
0xe5: {  	s12 =	sadd.s32 $0xFFFFFF00, s17  }
0xe6: {  	s16 =	sand.u32 $0xFC00, s12  }
0xe7: {  	s12 =	sand.u32 $0x200, s12;
	s16 =	sadd.s32 s31, s16  }
0xe8: {  	s12 =	sor.u32 s12, s16  }
0xe9: {  	s12 =	sshrl.u32 s12, $0x3  }
0xea: {  	s25 =	sadd.s32 s6, s12  }
0xeb: {  	[tilespmem:s2], [sflag:$0x9] =	stream.linear.gather [hbm4b:s25+s2], $0x80, $0x38;
	[tilespmem:$0x1E400] =	vst v63  }
0xec: {  	_ =	swait.ge [sflag:s11], $0x80  }
0xed: {  	[sflag:s11] =	ssyncset.done $0x0  }
0xee: {  	s12 =	sadd.s32 s7, s12;
	[sflag:s11] =	ssyncadd.s32 $0xFFFFFF80  }
0xef: {  	[tilespmem:s28], [sflag:$0x9] =	stream.linear.gather [hbm4b:s12+s2], $0x80, $0x38;
	[tilespmem:$0x1E400] =	vst v63  }
0xf0: {  	_ =	swait.ge [sflag:s11], $0x80  }
0xf1: {  	[sflag:s11] =	ssyncset.done $0x0  }
0xf2: {  	[sflag:s11] =	ssyncadd.s32 $0xFFFFFF80  }
0xf3: {  	[tilespmem:s10], [sflag:$0x1] =	stream.indirect.gather [hbm4b:s3+s29], $0x80, s2, s29, $0xb8;
	[tilespmem:$0x1E400] =	vst v63  }
0xf4: {  	_ =	swait.ge [sflag:s24], $0x2800  }
0xf5: {  	s19 =	simm.s32 $0x5400;
	[sflag:s24] =	ssyncset.done $0x0  }
0xf6: {  	s23 =	simm.s32 $0x300;
	s25 =	sadd.s32 $0xFFFFFF80, s17;
	[sflag:s24] =	ssyncadd.s32 $0xFFFFD800  }
0xf7: {  	[spmem:s1] =	stream.indirect.scatter.add.f32 [tilespmem:s19], [sflag:$0x7], $0x80, s23, s29, $0xb8;
	[tilespmem:$0x1E400] =	vst v63  }
0xf8: {  	s19 =	sand.u32 $0xFC00, s25  }
0xf9: {  	s12 =	sand.u32 $0x280, s25;
	s16 =	sadd.s32 s31, s19  }
0xfa: {  	_ =	swait.ge [sflag:s13], $0x2800;
	s12 =	sor.u32 s12, s16  }
0xfb: {  	[sflag:s13] =	ssyncset.done $0x0;
	s12 =	sshrl.u32 s12, $0x3  }
0xfc: {  	[sflag:s13] =	ssyncadd.s32 $0xFFFFD800;
	s23 =	sadd.s32 s6, s12  }
0xfd: {  	[tilespmem:s5], [sflag:$0x9] =	stream.linear.gather [hbm4b:s23+s2], $0x80, $0x38;
	[tilespmem:$0x1E400] =	vst v63  }
0xfe: {  	_ =	swait.ge [sflag:s11], $0x80  }
0xff: {  	[sflag:s11] =	ssyncset.done $0x0  }
0x100: {  	s12 =	sadd.s32 s7, s12;
	[sflag:s11] =	ssyncadd.s32 $0xFFFFFF80  }
0x101: {  	[tilespmem:s20], [sflag:$0x9] =	stream.linear.gather [hbm4b:s12+s2], $0x80, $0x38;
	[tilespmem:$0x1E400] =	vst v63  }
0x102: {  	_ =	swait.ge [sflag:s11], $0x80  }
0x103: {  	[sflag:s11] =	ssyncset.done $0x0  }
0x104: {  	[sflag:s11] =	ssyncadd.s32 $0xFFFFFF80  }
0x105: {  	[tilespmem:s21], [sflag:$0x2] =	stream.indirect.gather [hbm4b:s3+s29], $0x80, s5, s29, $0xb8;
	[tilespmem:$0x1E400] =	vst v63  }
0x106: {  	p1 =	seq.s32 s17, $0x7D00;
	_ =	swait.ge [sflag:s14], $0x2800  }
0x107: {  	s25 =	simm.s32 $0x380;
	s12 =	sand.u32 @!p1 $0xFC00, s17;
	[sflag:s14] =	ssyncset.done $0x0  }
0x108: {  	s16 =	sand.u32 @!p1 $0x300, s17;
	s12 =	sadd.s32 @!p1 s31, s12;
	[sflag:s14] =	ssyncadd.s32 $0xFFFFD800  }
0x109: {  	[spmem:s1] =	stream.indirect.scatter.add.f32 [tilespmem:s26], [sflag:$0x8], $0x80, s25, s29, $0xb8;
	[tilespmem:$0x1E400] =	vst v63  }
0x10a: {  	s12 =	sor.u32 @!p1 s16, s12;
	_ =	swait.ge [sflag:s15], $0x2800  }
0x10b: {  	s19 =	simm.s32 @!p1 $0x0;
	s12 =	sshrl.u32 @!p1 s12, $0x3;
	[sflag:s15] =	ssyncset.done $0x0  }
0x10c: {  	s23 =	simm.s32 @!p1 $0x100;
	s16 =	sadd.s32 @!p1 s6, s12;
	[sflag:s15] =	ssyncadd.s32 $0xFFFFD800  }
0x10d: {  	[tilespmem:s23], [sflag:$0x9] =	stream.linear.gather @!p1 [hbm4b:s16+s19], $0x80, $0x38;
	[tilespmem:$0x1E400] =	vst v63  }
0x10e: {  	s16 =	simm.s32 @!p1 $0x9  }
0x10f: {  	_ =	swait.ge @!p1 [sflag:s16], $0x80  }
0x110: {  	[sflag:s16] =	ssyncset.done @!p1 $0x0  }
0x111: {  	s12 =	sadd.s32 @!p1 s7, s12;
	s25 =	simm.s32 @!p1 $0x300;
	[sflag:s16] =	ssyncadd.s32 @!p1 $0xFFFFFF80  }
0x112: {  	[tilespmem:s25], [sflag:$0x9] =	stream.linear.gather @!p1 [hbm4b:s12+s19], $0x80, $0x38;
	[tilespmem:$0x1E400] =	vst v63  }
.Ltmp5:
0x113: {  	_ = 	snop;
	(pc) =	sbr.rel .LBB2_5-.Ltmp5, $4  }
0x114: {  	_ =	swait.ge @!p1 [sflag:s16], $0x80  }
0x115: {  	s18 =	sadd.s32 $0x4, s18;
	s17 =	sadd.s32 $0x200, s17;
	[sflag:s16] =	ssyncset.done @!p1 $0x0  }
0x116: {  	s12 =	simm.s32 @!p1 $0x50;
	[sflag:s16] =	ssyncadd.s32 @!p1 $0xFFFFFF80;
	s16 =	simm.s32 @!p1 $0x5400  }
0x117: {  	[tilespmem:s16], [sflag:$0x3] =	stream.indirect.gather @!p1 [hbm4b:s3+s12], $0x80, s23, s12, $0xb8;
	[tilespmem:$0x1E400] =	vst v63  }
.LBB2_8:
0x118: {  	s12 =	rddreg [dreg:$0x14]  }
0x119: {  	[tilespmem:s2], [sflag:$0x9] =	stream.linear.gather [hbm4b:s12+s2], $0x80, $0x38;
	[tilespmem:$0x1E400] =	vst v63  }
0x11a: {  	_ =	swait.ge [sflag:s11], $0x80  }
0x11b: {  	[sflag:s11] =	ssyncset.done $0x0  }
0x11c: {  	s25 =	rddreg [dreg:$0x15];
	[sflag:s11] =	ssyncadd.s32 $0xFFFFFF80  }
0x11d: {  	[tilespmem:s28], [sflag:$0x9] =	stream.linear.gather [hbm4b:s25+s2], $0x80, $0x38;
	[tilespmem:$0x1E400] =	vst v63  }
0x11e: {  	_ =	swait.ge [sflag:s11], $0x80  }
0x11f: {  	[sflag:s11] =	ssyncset.done $0x0  }
0x120: {  	[sflag:s11] =	ssyncadd.s32 $0xFFFFFF80  }
0x121: {  	[tilespmem:s10], [sflag:$0x1] =	stream.indirect.gather [hbm4b:s4+s29], $0x80, s2, s29, $0xb8;
	[tilespmem:$0x1E400] =	vst v63  }
0x122: {  	s26 =	rddreg [dreg:$0x18]  }
0x123: {  	[tilespmem:s5], [sflag:$0x9] =	stream.linear.gather [hbm4b:s26+s2], $0x80, $0x38;
	[tilespmem:$0x1E400] =	vst v63  }
0x124: {  	_ =	swait.ge [sflag:s11], $0x80  }
0x125: {  	[sflag:s11] =	ssyncset.done $0x0  }
0x126: {  	s16 =	rddreg [dreg:$0x19];
	[sflag:s11] =	ssyncadd.s32 $0xFFFFFF80  }
0x127: {  	[tilespmem:s20], [sflag:$0x9] =	stream.linear.gather [hbm4b:s16+s2], $0x80, $0x38;
	[tilespmem:$0x1E400] =	vst v63  }
0x128: {  	_ =	swait.ge [sflag:s11], $0x80  }
0x129: {  	[sflag:s11] =	ssyncset.done $0x0  }
0x12a: {  	[sflag:s11] =	ssyncadd.s32 $0xFFFFFF80  }
0x12b: {  	[tilespmem:s21], [sflag:$0x2] =	stream.indirect.gather [hbm4b:s4+s29], $0x80, s5, s29, $0xb8;
	[tilespmem:$0x1E400] =	vst v63  }
0x12c: {  	s16 =	simm.s32 $0x100;
	s17 =	rddreg [dreg:$0x1c]  }
0x12d: {  	[tilespmem:s16], [sflag:$0x9] =	stream.linear.gather [hbm4b:s17+s2], $0x80, $0x38;
	[tilespmem:$0x1E400] =	vst v63  }
0x12e: {  	_ =	swait.ge [sflag:s11], $0x80  }
0x12f: {  	[sflag:s11] =	ssyncset.done $0x0  }
0x130: {  	s17 =	simm.s32 $0x300;
	s18 =	rddreg [dreg:$0x1d];
	[sflag:s11] =	ssyncadd.s32 $0xFFFFFF80  }
0x131: {  	[tilespmem:s17], [sflag:$0x9] =	stream.linear.gather [hbm4b:s18+s2], $0x80, $0x38;
	[tilespmem:$0x1E400] =	vst v63  }
0x132: {  	_ =	swait.ge [sflag:s11], $0x80  }
0x133: {  	[sflag:s11] =	ssyncset.done $0x0  }
0x134: {  	s19 =	simm.s32 $0x5400;
	s23 =	sld [smem:$0x7F8];
	[sflag:s11] =	ssyncadd.s32 $0xFFFFFF80  }
0x135: {  	[tilespmem:s19], [sflag:$0x3] =	stream.indirect.gather [hbm4b:s4+s29], $0x80, s16, s29, $0xb8;
	[tilespmem:$0x1E400] =	vst v63  }
0x136: {  	s25 =	simm.s32 $0x180  }
0x137: {  	[tilespmem:s25], [sflag:$0x9] =	stream.linear.gather [hbm4b:s23+s2], $0x80, $0x38;
	[tilespmem:$0x1E400] =	vst v63  }
0x138: {  	_ =	swait.ge [sflag:s11], $0x80  }
0x139: {  	s26 =	sld [smem:$0x7F9]  }
0x13a: {  	[sflag:s11] =	ssyncset.done $0x0  }
0x13b: {  	s18 =	simm.s32 $0x380;
	[sflag:s11] =	ssyncadd.s32 $0xFFFFFF80  }
0x13c: {  	[tilespmem:s18], [sflag:$0x9] =	stream.linear.gather [hbm4b:s26+s2], $0x80, $0x38;
	[tilespmem:$0x1E400] =	vst v63  }
0x13d: {  	_ =	swait.ge [sflag:s11], $0x80  }
0x13e: {  	[sflag:s11] =	ssyncset.done $0x0  }
0x13f: {  	s26 =	simm.s32 $0x7C00;
	s18 =	simm.s32 $0x3;
	[sflag:s11] =	ssyncadd.s32 $0xFFFFFF80  }
0x140: {  	[tilespmem:s26], [sflag:$0x4] =	stream.indirect.gather [hbm4b:s4+s29], $0x80, s25, s29, $0xb8;
	[tilespmem:$0x1E400] =	vst v63  }
.LBB2_9:
0x141: {  	_ =	swait.ge [sflag:s30], $0x2800;
	s12 =	sadd.s32 $0xFFFFFFFB, s18  }
0x142: {  	[sflag:s30] =	ssyncset.done $0x0;
	p2 =	sgt.u32 s12, $0xF9  }
0x143: {  	[sflag:s30] =	ssyncadd.s32 $0xFFFFD800;
	p1 =	sgt.u32 @!p2 s18, $0xF9  }
0x144: {  	[spmem:s1] =	stream.indirect.scatter.add.f32 [tilespmem:s10], [sflag:$0x5], $0x80, s28, s29, $0xb8;
	[tilespmem:$0x1E400] =	vst v63  }
0x145: {  	p1 =	por p1, p2  }
0x146: {  	s12 =	sadd.s32 @!p1 $0xFFFFFE80, s17;
	s16 =	sadd.s32 @!p1 $0xFFFFFD00, s17  }
0x147: {  	s12 =	sand.u32 @!p1 $0x380, s12;
	s16 =	sand.u32 @!p1 $0x7C00, s16  }
0x148: {  	s19 =	simm.s32 @!p2 $0x8;
	s12 =	sor.u32 @!p1 s12, s16  }
0x149: {  	_ =	swait.ge @!p2 [sflag:s19], $0x2800;
	s12 =	sor.u32 @!p1 s31, s12  }
0x14a: {  	s23 =	simm.s32 @!p1 $0x180;
	[sflag:s19] =	ssyncset.done @!p2 $0x0;
	s12 =	sshrl.u32 @!p1 s12, $0x3  }
0x14b: {  	[sflag:s19] =	ssyncadd.s32 @!p2 $0xFFFFD800;
	s19 =	simm.s32 @!p1 $0x0;
	s16 =	sadd.s32 @!p1 s8, s12  }
0x14c: {  	[tilespmem:s23], [sflag:$0x9] =	stream.linear.gather @!p1 [hbm4b:s16+s19], $0x80, $0x38;
	[tilespmem:$0x1E400] =	vst v63  }
0x14d: {  	s16 =	simm.s32 @!p1 $0x9  }
0x14e: {  	_ =	swait.ge @!p1 [sflag:s16], $0x80  }
0x14f: {  	[sflag:s16] =	ssyncset.done @!p1 $0x0  }
0x150: {  	s25 =	simm.s32 @!p1 $0x380;
	s12 =	sadd.s32 @!p1 s9, s12;
	[sflag:s16] =	ssyncadd.s32 @!p1 $0xFFFFFF80  }
0x151: {  	[tilespmem:s25], [sflag:$0x9] =	stream.linear.gather @!p1 [hbm4b:s12+s19], $0x80, $0x38;
	[tilespmem:$0x1E400] =	vst v63  }
0x152: {  	_ =	swait.ge @!p1 [sflag:s16], $0x80  }
0x153: {  	[sflag:s16] =	ssyncset.done @!p1 $0x0  }
0x154: {  	s12 =	simm.s32 @!p1 $0x50;
	[sflag:s16] =	ssyncadd.s32 @!p1 $0xFFFFFF80;
	s16 =	simm.s32 @!p1 $0x7C00  }
0x155: {  	[tilespmem:s16], [sflag:$0x4] =	stream.indirect.gather @!p1 [hbm4b:s4+s12], $0x80, s23, s12, $0xb8;
	[tilespmem:$0x1E400] =	vst v63  }
0x156: {  	_ =	swait.ge [sflag:s0], $0x2800  }
0x157: {  	p1 =	seq.s32 s17, $0x7F00;
	[sflag:s0] =	ssyncset.done $0x0  }
.Ltmp6:
0x158: {  	[sflag:s0] =	ssyncadd.s32 $0xFFFFD800;
	(pc) =	sbr.rel @p1 .LBB2_10-.Ltmp6, $4  }
0x159: {  	[spmem:s1] =	stream.indirect.scatter.add.f32 [tilespmem:s21], [sflag:$0x6], $0x80, s20, s29, $0xb8;
	[tilespmem:$0x1E400] =	vst v63  }
0x15a: {  	_ =	swait.ge [sflag:s22], $0x2800  }
0x15b: {  	[sflag:s22] =	ssyncset.done $0x0  }
0x15c: {  	[sflag:s22] =	ssyncadd.s32 $0xFFFFD800  }
0x15d: {  	s12 =	sadd.s32 $0xFFFFFF00, s17  }
0x15e: {  	s16 =	sand.u32 $0xFC00, s12  }
0x15f: {  	s12 =	sand.u32 $0x200, s12;
	s16 =	sadd.s32 s31, s16  }
0x160: {  	s12 =	sor.u32 s12, s16  }
0x161: {  	s12 =	sshrl.u32 s12, $0x3  }
0x162: {  	s25 =	sadd.s32 s8, s12  }
0x163: {  	[tilespmem:s2], [sflag:$0x9] =	stream.linear.gather [hbm4b:s25+s2], $0x80, $0x38;
	[tilespmem:$0x1E400] =	vst v63  }
0x164: {  	_ =	swait.ge [sflag:s11], $0x80  }
0x165: {  	[sflag:s11] =	ssyncset.done $0x0  }
0x166: {  	s12 =	sadd.s32 s9, s12;
	[sflag:s11] =	ssyncadd.s32 $0xFFFFFF80  }
0x167: {  	[tilespmem:s28], [sflag:$0x9] =	stream.linear.gather [hbm4b:s12+s2], $0x80, $0x38;
	[tilespmem:$0x1E400] =	vst v63  }
0x168: {  	_ =	swait.ge [sflag:s11], $0x80  }
0x169: {  	[sflag:s11] =	ssyncset.done $0x0  }
0x16a: {  	[sflag:s11] =	ssyncadd.s32 $0xFFFFFF80  }
0x16b: {  	[tilespmem:s10], [sflag:$0x1] =	stream.indirect.gather [hbm4b:s4+s29], $0x80, s2, s29, $0xb8;
	[tilespmem:$0x1E400] =	vst v63  }
0x16c: {  	_ =	swait.ge [sflag:s24], $0x2800  }
0x16d: {  	s19 =	simm.s32 $0x5400;
	[sflag:s24] =	ssyncset.done $0x0  }
0x16e: {  	s23 =	simm.s32 $0x300;
	s25 =	sadd.s32 $0xFFFFFF80, s17;
	[sflag:s24] =	ssyncadd.s32 $0xFFFFD800  }
0x16f: {  	[spmem:s1] =	stream.indirect.scatter.add.f32 [tilespmem:s19], [sflag:$0x7], $0x80, s23, s29, $0xb8;
	[tilespmem:$0x1E400] =	vst v63  }
0x170: {  	s19 =	sand.u32 $0xFC00, s25  }
0x171: {  	s12 =	sand.u32 $0x280, s25;
	s16 =	sadd.s32 s31, s19  }
0x172: {  	_ =	swait.ge [sflag:s13], $0x2800;
	s12 =	sor.u32 s12, s16  }
0x173: {  	[sflag:s13] =	ssyncset.done $0x0;
	s12 =	sshrl.u32 s12, $0x3  }
0x174: {  	[sflag:s13] =	ssyncadd.s32 $0xFFFFD800;
	s23 =	sadd.s32 s8, s12  }
0x175: {  	[tilespmem:s5], [sflag:$0x9] =	stream.linear.gather [hbm4b:s23+s2], $0x80, $0x38;
	[tilespmem:$0x1E400] =	vst v63  }
0x176: {  	_ =	swait.ge [sflag:s11], $0x80  }
0x177: {  	[sflag:s11] =	ssyncset.done $0x0  }
0x178: {  	s12 =	sadd.s32 s9, s12;
	[sflag:s11] =	ssyncadd.s32 $0xFFFFFF80  }
0x179: {  	[tilespmem:s20], [sflag:$0x9] =	stream.linear.gather [hbm4b:s12+s2], $0x80, $0x38;
	[tilespmem:$0x1E400] =	vst v63  }
0x17a: {  	_ =	swait.ge [sflag:s11], $0x80  }
0x17b: {  	[sflag:s11] =	ssyncset.done $0x0  }
0x17c: {  	[sflag:s11] =	ssyncadd.s32 $0xFFFFFF80  }
0x17d: {  	[tilespmem:s21], [sflag:$0x2] =	stream.indirect.gather [hbm4b:s4+s29], $0x80, s5, s29, $0xb8;
	[tilespmem:$0x1E400] =	vst v63  }
0x17e: {  	p1 =	seq.s32 s17, $0x7D00;
	_ =	swait.ge [sflag:s14], $0x2800  }
0x17f: {  	s25 =	simm.s32 $0x380;
	s12 =	sand.u32 @!p1 $0xFC00, s17;
	[sflag:s14] =	ssyncset.done $0x0  }
0x180: {  	s16 =	sand.u32 @!p1 $0x300, s17;
	s12 =	sadd.s32 @!p1 s31, s12;
	[sflag:s14] =	ssyncadd.s32 $0xFFFFD800  }
0x181: {  	[spmem:s1] =	stream.indirect.scatter.add.f32 [tilespmem:s26], [sflag:$0x8], $0x80, s25, s29, $0xb8;
	[tilespmem:$0x1E400] =	vst v63  }
0x182: {  	s12 =	sor.u32 @!p1 s16, s12;
	_ =	swait.ge [sflag:s15], $0x2800  }
0x183: {  	s19 =	simm.s32 @!p1 $0x0;
	s12 =	sshrl.u32 @!p1 s12, $0x3;
	[sflag:s15] =	ssyncset.done $0x0  }
0x184: {  	s23 =	simm.s32 @!p1 $0x100;
	s16 =	sadd.s32 @!p1 s8, s12;
	[sflag:s15] =	ssyncadd.s32 $0xFFFFD800  }
0x185: {  	[tilespmem:s23], [sflag:$0x9] =	stream.linear.gather @!p1 [hbm4b:s16+s19], $0x80, $0x38;
	[tilespmem:$0x1E400] =	vst v63  }
0x186: {  	s16 =	simm.s32 @!p1 $0x9  }
0x187: {  	_ =	swait.ge @!p1 [sflag:s16], $0x80  }
0x188: {  	[sflag:s16] =	ssyncset.done @!p1 $0x0  }
0x189: {  	s12 =	sadd.s32 @!p1 s9, s12;
	s25 =	simm.s32 @!p1 $0x300;
	[sflag:s16] =	ssyncadd.s32 @!p1 $0xFFFFFF80  }
0x18a: {  	[tilespmem:s25], [sflag:$0x9] =	stream.linear.gather @!p1 [hbm4b:s12+s19], $0x80, $0x38;
	[tilespmem:$0x1E400] =	vst v63  }
.Ltmp7:
0x18b: {  	_ = 	snop;
	(pc) =	sbr.rel .LBB2_9-.Ltmp7, $4  }
0x18c: {  	_ =	swait.ge @!p1 [sflag:s16], $0x80  }
0x18d: {  	s18 =	sadd.s32 $0x4, s18;
	s17 =	sadd.s32 $0x200, s17;
	[sflag:s16] =	ssyncset.done @!p1 $0x0  }
0x18e: {  	s12 =	simm.s32 @!p1 $0x50;
	[sflag:s16] =	ssyncadd.s32 @!p1 $0xFFFFFF80;
	s16 =	simm.s32 @!p1 $0x5400  }
0x18f: {  	[tilespmem:s16], [sflag:$0x3] =	stream.indirect.gather @!p1 [hbm4b:s4+s12], $0x80, s23, s12, $0xb8;
	[tilespmem:$0x1E400] =	vst v63  }
.LBB2_6:
.Ltmp8:
0x190: {  	(pc) =	sbr.rel .LBB2_11-.Ltmp8, $3  }
0x191: {  	_ =	sdelay $0x1  }
0x192: {  	s17 =	rddreg [dreg:$0x3]  }
0x193: {  	s26 =	sld [smem:$0x7F7]  }
.LBB2_12:
0x194: {  	_ =	sfence.sel $0x180000  }
0x195: {  	[bflag:$0x0] =	sbarrier.arrive $0xFFFF  }
0x196: {  	_ =	strace $0x9000004A  }
0x197: {  	s0 =	stileid.u32;
	[bflag:$0x2] =	sbarrier.arrive $0xFFFF  }
0x198: {  	p0 =	sne.s32 s0, $0x0;
	s0 =	rddreg [dreg:$0x2]  }
0x199: {  	s0 =	sadd.s32 @!p0 $0x100000, s0  }
0x19a: {  	[sflag:s0] =	ssyncadd.tile.s32 @!p0 $0x1;
	_ =	shalt  }
.Lfunc_end2:
_tile_overlayer_lowered:
.L_overlay_start_2:
0x19b: {  	(tag) =	ssettag $0x2  }
0x19c: {  	s0 =	rddreg [dreg:$0x0];
	s2 =	stileid.u32  }
0x19d: {  	s1 =	rddreg [dreg:$0x1];
	p0 =	sne.s32 s2, $0x0  }
0x19e: {  	s3 =	rddreg [dreg:$0x2];
	[bflag:$0x3] =	sbarrier.arrive $0xFFFF;
	s2 =	simm.s32 @!p0 $0x1C09  }
0x19f: {  	[timem:s3], [sflag:s2] =	dma.local @!p0 [hbm:s0], s1  }
0x1a0: {  	s0 =	simm.s32 @!p0 $0x9  }
0x1a1: {  	_ =	swait.ge @!p0 [sflag:s0], s1  }
0x1a2: {  	s1 =	ssub.s32 @!p0 $0x0, s1;
	[sflag:s0] =	ssyncset.done @!p0 $0x0  }
0x1a3: {  	[sflag:s0] =	ssyncadd.s32 @!p0 s1  }
0x1a4: {  	[bflag:$0x3] =	sbarrier.arrive $0xFFFF  }
0x1a5: {  	_ =	shalt  }

</sc_bundles>
